<compile_context>
chip_gen: v7x
topology: tpu7x:2x2x1
jax: 0.10.2.dev20260603
libtpu: 0.0.44.dev20260713+nightly
codegen_flags: <defaults>
</compile_context>

<pallas_src>
import jax
import jax.numpy as jnp
from jax import lax
from jax.experimental import pallas as pl
from jax.experimental.pallas import tpu as pltpu
from jax.experimental.pallas import tpu_sc as plsc

VOCAB = 49408
NUM_POS = 77
POS_PAD = 80
EMBED_DIM = 768
BATCH = 1024
HALF = BATCH // 2

_INFO = plsc.get_sparse_core_info()
_NC = _INFO.num_cores
_NS = _INFO.num_subcores
_NW = _NC * _NS
_BPW = HALF // _NW


def _gather_body(tok_hbm, table_hbm, out_hbm, idx_v, spmem, sem_i, sem_o, sem_d):
    c = lax.axis_index("c")
    s = lax.axis_index("s")
    wid = s * _NC + c
    b0 = wid * _BPW

    pltpu.async_copy(
        tok_hbm.at[pl.ds(wid * _BPW * POS_PAD, _BPW * POS_PAD)], idx_v, sem_i
    ).wait()

    slot0 = s * (2 * POS_PAD)

    def batch(j, carry):
        base = slot0 + lax.rem(j, 2) * POS_PAD

        @pl.when(j >= 2)
        def _():
            pltpu.make_async_copy(
                spmem.at[pl.ds(slot0, POS_PAD), :],
                out_hbm.at[b0],
                sem_o,
            ).wait()

        for k in range(POS_PAD // 16):
            vec = idx_v[pl.ds(j * POS_PAD + k * 16, 16)]
            for l in range(16):
                p = k * 16 + l
                pltpu.async_copy(
                    table_hbm.at[pl.ds(vec[l], 1), :],
                    spmem.at[pl.ds(base + p, 1), :],
                    sem_d,
                )

        def drain_row(i, c2):
            pltpu.make_async_copy(
                table_hbm.at[pl.ds(0, 1), :],
                spmem.at[pl.ds(slot0, 1), :],
                sem_d,
            ).wait()
            return c2

        lax.fori_loop(0, POS_PAD, drain_row, 0)

        pltpu.async_copy(
            spmem.at[pl.ds(base, POS_PAD), :], out_hbm.at[b0 + j], sem_o
        )
        return carry

    lax.fori_loop(0, _BPW, batch, 0)

    def drain_out(i, c2):
        pltpu.make_async_copy(
            spmem.at[pl.ds(slot0, POS_PAD), :], out_hbm.at[b0], sem_o
        ).wait()
        return c2

    lax.fori_loop(0, 2, drain_out, 0)


def _add_body(g_ref, pos_ref, out_ref):
    out_ref[...] = g_ref[:, :NUM_POS, :] + pos_ref[...]


def _add_body2(_, g_ref, pos_ref, out_ref):
    out_ref[...] = g_ref[:, :NUM_POS, :] + pos_ref[...]


def _sc_gather(tok_half, token_table):
    mesh = plsc.VectorSubcoreMesh(core_axis_name="c", subcore_axis_name="s")
    return pl.kernel(
        _gather_body,
        mesh=mesh,
        out_type=jax.ShapeDtypeStruct((HALF, POS_PAD, EMBED_DIM), jnp.float32),
        scratch_types=[
            pltpu.VMEM((_BPW * POS_PAD,), jnp.int32),
            pltpu.VMEM_SHARED((_NS * 2 * POS_PAD, EMBED_DIM), jnp.float32),
            pltpu.SemaphoreType.DMA,
            pltpu.SemaphoreType.DMA,
            pltpu.SemaphoreType.DMA,
        ],
    )(tok_half, token_table)


@jax.jit
def kernel(input_tokens, token_table, pos_table):
    tok = jnp.pad(
        input_tokens.astype(jnp.int32), ((0, 0), (0, POS_PAD - NUM_POS))
    ).reshape(BATCH, POS_PAD)

    g1 = _sc_gather(tok[:HALF].reshape(HALF * POS_PAD), token_table)
    g2 = _sc_gather(tok[HALF:].reshape(HALF * POS_PAD), token_table)

    grid = (HALF // 8,)
    pos = pos_table[None]
    o1 = pl.pallas_call(
        _add_body,
        grid=grid,
        in_specs=[
            pl.BlockSpec((8, POS_PAD, EMBED_DIM), lambda i: (i, 0, 0)),
            pl.BlockSpec((1, NUM_POS, EMBED_DIM), lambda i: (0, 0, 0)),
        ],
        out_specs=pl.BlockSpec((8, NUM_POS, EMBED_DIM), lambda i: (i, 0, 0)),
        out_shape=jax.ShapeDtypeStruct((BATCH, NUM_POS, EMBED_DIM), jnp.float32),
    )(g1, pos)

    return pl.pallas_call(
        _add_body2,
        grid=grid,
        in_specs=[
            pl.BlockSpec((1, NUM_POS, 128), lambda i: (0, 0, 0)),
            pl.BlockSpec((8, POS_PAD, EMBED_DIM), lambda i: (i, 0, 0)),
            pl.BlockSpec((1, NUM_POS, EMBED_DIM), lambda i: (0, 0, 0)),
        ],
        out_specs=pl.BlockSpec(
            (8, NUM_POS, EMBED_DIM), lambda i: (i + HALF // 8, 0, 0)
        ),
        out_shape=jax.ShapeDtypeStruct((BATCH, NUM_POS, EMBED_DIM), jnp.float32),
        input_output_aliases={0: 0},
    )(o1, g2, pos)

# --- scband reference (transcript-rebuilt; emitter-appended) ---
"""Pipeline reference for scband-clipembeddings-27204322853533 (READ-ONLY COPY).

The authoritative reference and input builder live on the scoring server;
editing this copy changes nothing except your own understanding.
"""

import jax, jax.numpy as jnp
import numpy as np

VOCAB = 49408
NUM_POS = 77
EMBED_DIM = 768
BATCH = 1024

def setup_inputs(seed: int = 0) -> dict:
    key = jax.random.key(seed)
    k_tok, k_table, k_pos = jax.random.split(key, 3)
    input_tokens = jax.random.randint(k_tok, (BATCH, NUM_POS), 0, VOCAB, dtype=jnp.int64 if jax.config.jax_enable_x64 else jnp.int32)
    token_table = jax.random.normal(k_table, (VOCAB, EMBED_DIM), dtype=jnp.float32) * 0.02
    pos_table = jax.random.normal(k_pos, (NUM_POS, EMBED_DIM), dtype=jnp.float32) * 0.02
    return {"input_tokens": input_tokens, "token_table": token_table, "pos_table": pos_table}

def reference(input_tokens, token_table, pos_table):
    # token_embedding(input_tokens) -> gather rows from token table
    tok_emb = jnp.take(token_table, input_tokens, axis=0)  # [B, 77, D]
    # + position_embedding.weight broadcast over batch
    return tok_emb + pos_table[None, :, :]

if __name__ == "__main__":
    import jax
    _d = setup_inputs()
    print(jax.jit(kernel)(*tuple(_d.values())))

</pallas_src>

<mosaic_0001>
#map = affine_map<(d0, d1) -> (0)>
#map1 = affine_map<(d0, d1) -> (0, 0)>
#map2 = affine_map<(d0, d1) -> (0, 0, 0)>
module attributes {stable_mosaic.version = 14 : i64} {
  func.func @_gather_body(%arg0: i32, %arg1: i32, %arg2: memref<40960xi32, #tpu.memory_space<hbm>>, %arg3: memref<49408x768xf32, #tpu.memory_space<hbm>>, %arg4: memref<512x80x768xf32, #tpu.memory_space<hbm>>, %arg5: memref<1280xi32, #tpu.memory_space<vmem>>, %arg6: memref<2560x768xf32, #tpu.memory_space<vmem_shared>>, %arg7: memref<!tpu.dma_semaphore, #tpu.memory_space<semaphore_mem>>, %arg8: memref<!tpu.dma_semaphore, #tpu.memory_space<semaphore_mem>>, %arg9: memref<!tpu.dma_semaphore, #tpu.memory_space<semaphore_mem>>) attributes {dimension_semantics = [#tpu.dimension_semantics<core_parallel>, #tpu.dimension_semantics<subcore_parallel>], iteration_bounds = array<i64: 2, 16>, scalar_prefetch = 0 : i64, scratch_operands = 5 : i64, tpu.core_type = #tpu.core_type<sc_vector_subcore>, window_params = [{transform_indices = #map}, {transform_indices = #map1}, {transform_indices = #map2}]} {
    %mul3A = arith.constant 2 : i32
    %mul3A_0 = arith.muli %arg1, %mul3A : i32
    %add3A = arith.addi %mul3A_0, %arg0 : i32
    %mul3A_1 = arith.constant 16 : i32
    %mul3A_2 = arith.muli %add3A, %mul3A_1 : i32
    %mul3A_3 = arith.constant 16 : i32
    %mul3A_4 = arith.muli %add3A, %mul3A_3 : i32
    %mul3A_5 = arith.constant 80 : i32
    %mul3A_6 = arith.muli %mul3A_4, %mul3A_5 : i32
    %dma_start3A = tpu.memref_slice %arg2[%mul3A_6] : memref<40960xi32, #tpu.memory_space<hbm>> -> memref<1280xi32, #tpu.memory_space<hbm>>
    %dma_start3A_7 = tpu.memref_slice %arg2[%mul3A_6] : memref<40960xi32, #tpu.memory_space<hbm>> -> memref<1280xi32, #tpu.memory_space<hbm>>
    tpu.enqueue_dma source(%dma_start3A_7 : memref<1280xi32, #tpu.memory_space<hbm>>) target(%arg5 : memref<1280xi32, #tpu.memory_space<vmem>>) target_semaphore(%arg7 : memref<!tpu.dma_semaphore, #tpu.memory_space<semaphore_mem>>)
    %dma_wait3A = tpu.memref_slice %arg2[%mul3A_6] : memref<40960xi32, #tpu.memory_space<hbm>> -> memref<1280xi32, #tpu.memory_space<hbm>>
    %dma_wait3A_8 = tpu.memref_slice %arg2[%mul3A_6] : memref<40960xi32, #tpu.memory_space<hbm>> -> memref<1280xi32, #tpu.memory_space<hbm>>
    tpu.wait_dma2 semaphore(%arg7 : memref<!tpu.dma_semaphore, #tpu.memory_space<semaphore_mem>>) src(%dma_wait3A_8 : memref<1280xi32, #tpu.memory_space<hbm>>) dst(%arg5 : memref<1280xi32, #tpu.memory_space<vmem>>)
    %mul3A_9 = arith.constant 160 : i32
    %mul3A_10 = arith.muli %arg1, %mul3A_9 : i32
    %scan3A = arith.constant 0 : i32
    %scan3A_11 = arith.constant 0 : i32
    %scan3A_12 = arith.constant 16 : i32
    %scan3A_13 = arith.addi %scan3A_11, %scan3A_12 : i32
    %scan3A_14 = arith.constant 1 : i32
    scf.for %scan3A_22 = %scan3A_11 to %scan3A_13 step %scan3A_14  : i32 {
      %rem3A = arith.constant 2 : i32
      %rem3A_23 = arith.remsi %scan3A_22, %rem3A : i32
      %mul3A_24 = arith.constant 80 : i32
      %mul3A_25 = arith.muli %rem3A_23, %mul3A_24 : i32
      %add3A_26 = arith.addi %mul3A_10, %mul3A_25 : i32
      %ge3A = arith.constant 2 : i32
      %ge3A_27 = arith.cmpi sge, %scan3A_22, %ge3A : i32
      %convert_element_type3A = arith.extui %ge3A_27 : i1 to i32
      %cond3A = arith.constant 0 : i32
      %cond3A_28 = arith.cmpi ne, %convert_element_type3A, %cond3A : i32
      scf.if %cond3A_28 {
        %dma_wait3A_714 = arith.constant 0 : i32
        %dma_wait3A_715 = arith.constant 0 : i32
        %dma_wait3A_716 = tpu.memref_slice %arg4[%mul3A_2, %dma_wait3A_714, %dma_wait3A_715] : memref<512x80x768xf32, #tpu.memory_space<hbm>> -> memref<1x80x768xf32, #tpu.memory_space<hbm>>
        %dma_wait3A_717 = tpu.memref_squeeze %dma_wait3A_716 : memref<1x80x768xf32, #tpu.memory_space<hbm>> -> memref<80x768xf32, #tpu.memory_space<hbm>>
        %dma_wait3A_718 = arith.constant 0 : i32
        %dma_wait3A_719 = tpu.memref_slice %arg6[%mul3A_10, %dma_wait3A_718] : memref<2560x768xf32, #tpu.memory_space<vmem_shared>> -> memref<80x768xf32, #tpu.memory_space<vmem_shared>>
        tpu.wait_dma2 semaphore(%arg8 : memref<!tpu.dma_semaphore, #tpu.memory_space<semaphore_mem>>) src(%dma_wait3A_719 : memref<80x768xf32, #tpu.memory_space<vmem_shared>>) dst(%dma_wait3A_717 : memref<80x768xf32, #tpu.memory_space<hbm>>)
      } else {
      }
      %mul3A_29 = arith.constant 80 : i32
      %mul3A_30 = arith.muli %scan3A_22, %mul3A_29 : i32
      %add3A_31 = arith.constant 0 : i32
      %add3A_32 = arith.addi %mul3A_30, %add3A_31 : i32
      %get3A = arith.index_cast %add3A_32 : i32 to index
      %get3A_33 = tpu.vector_load %arg5[%get3A] {strides = array<i32>} : memref<1280xi32, #tpu.memory_space<vmem>>, vector<16xi32>,
      %get3A_34 = vector.shape_cast %get3A_33 : vector<16xi32> to vector<16xi32>
      %slice3A = vector.extract_strided_slice %get3A_34 {offsets = [0], sizes = [1], strides = [1]} : vector<16xi32> to vector<1xi32>
      %squeeze3A = vector.extract %slice3A[0] : i32 from vector<1xi32>
      %add3A_35 = arith.constant 0 : i32
      %add3A_36 = arith.addi %add3A_26, %add3A_35 : i32
      %dma_start3A_37 = arith.constant 0 : i32
      %dma_start3A_38 = tpu.memref_slice %arg6[%add3A_36, %dma_start3A_37] : memref<2560x768xf32, #tpu.memory_space<vmem_shared>> -> memref<1x768xf32, #tpu.memory_space<vmem_shared>>
      %dma_start3A_39 = arith.constant 0 : i32
      %dma_start3A_40 = tpu.memref_slice %arg3[%squeeze3A, %dma_start3A_39] : memref<49408x768xf32, #tpu.memory_space<hbm>> -> memref<1x768xf32, #tpu.memory_space<hbm>>
      tpu.enqueue_dma source(%dma_start3A_40 : memref<1x768xf32, #tpu.memory_space<hbm>>) target(%dma_start3A_38 : memref<1x768xf32, #tpu.memory_space<vmem_shared>>) target_semaphore(%arg9 : memref<!tpu.dma_semaphore, #tpu.memory_space<semaphore_mem>>)
      %slice3A_41 = vector.extract_strided_slice %get3A_34 {offsets = [1], sizes = [1], strides = [1]} : vector<16xi32> to vector<1xi32>
      %squeeze3A_42 = vector.extract %slice3A_41[0] : i32 from vector<1xi32>
      %add3A_43 = arith.constant 1 : i32
      %add3A_44 = arith.addi %add3A_26, %add3A_43 : i32
      %dma_start3A_45 = arith.constant 0 : i32
      %dma_start3A_46 = tpu.memref_slice %arg6[%add3A_44, %dma_start3A_45] : memref<2560x768xf32, #tpu.memory_space<vmem_shared>> -> memref<1x768xf32, #tpu.memory_space<vmem_shared>>
      %dma_start3A_47 = arith.constant 0 : i32
      %dma_start3A_48 = tpu.memref_slice %arg3[%squeeze3A_42, %dma_start3A_47] : memref<49408x768xf32, #tpu.memory_space<hbm>> -> memref<1x768xf32, #tpu.memory_space<hbm>>
      tpu.enqueue_dma source(%dma_start3A_48 : memref<1x768xf32, #tpu.memory_space<hbm>>) target(%dma_start3A_46 : memref<1x768xf32, #tpu.memory_space<vmem_shared>>) target_semaphore(%arg9 : memref<!tpu.dma_semaphore, #tpu.memory_space<semaphore_mem>>)
      %slice3A_49 = vector.extract_strided_slice %get3A_34 {offsets = [2], sizes = [1], strides = [1]} : vector<16xi32> to vector<1xi32>
      %squeeze3A_50 = vector.extract %slice3A_49[0] : i32 from vector<1xi32>
      %add3A_51 = arith.constant 2 : i32
      %add3A_52 = arith.addi %add3A_26, %add3A_51 : i32
      %dma_start3A_53 = arith.constant 0 : i32
      %dma_start3A_54 = tpu.memref_slice %arg6[%add3A_52, %dma_start3A_53] : memref<2560x768xf32, #tpu.memory_space<vmem_shared>> -> memref<1x768xf32, #tpu.memory_space<vmem_shared>>
      %dma_start3A_55 = arith.constant 0 : i32
      %dma_start3A_56 = tpu.memref_slice %arg3[%squeeze3A_50, %dma_start3A_55] : memref<49408x768xf32, #tpu.memory_space<hbm>> -> memref<1x768xf32, #tpu.memory_space<hbm>>
      tpu.enqueue_dma source(%dma_start3A_56 : memref<1x768xf32, #tpu.memory_space<hbm>>) target(%dma_start3A_54 : memref<1x768xf32, #tpu.memory_space<vmem_shared>>) target_semaphore(%arg9 : memref<!tpu.dma_semaphore, #tpu.memory_space<semaphore_mem>>)
      %slice3A_57 = vector.extract_strided_slice %get3A_34 {offsets = [3], sizes = [1], strides = [1]} : vector<16xi32> to vector<1xi32>
      %squeeze3A_58 = vector.extract %slice3A_57[0] : i32 from vector<1xi32>
      %add3A_59 = arith.constant 3 : i32
      %add3A_60 = arith.addi %add3A_26, %add3A_59 : i32
      %dma_start3A_61 = arith.constant 0 : i32
      %dma_start3A_62 = tpu.memref_slice %arg6[%add3A_60, %dma_start3A_61] : memref<2560x768xf32, #tpu.memory_space<vmem_shared>> -> memref<1x768xf32, #tpu.memory_space<vmem_shared>>
      %dma_start3A_63 = arith.constant 0 : i32
      %dma_start3A_64 = tpu.memref_slice %arg3[%squeeze3A_58, %dma_start3A_63] : memref<49408x768xf32, #tpu.memory_space<hbm>> -> memref<1x768xf32, #tpu.memory_space<hbm>>
      tpu.enqueue_dma source(%dma_start3A_64 : memref<1x768xf32, #tpu.memory_space<hbm>>) target(%dma_start3A_62 : memref<1x768xf32, #tpu.memory_space<vmem_shared>>) target_semaphore(%arg9 : memref<!tpu.dma_semaphore, #tpu.memory_space<semaphore_mem>>)
      %slice3A_65 = vector.extract_strided_slice %get3A_34 {offsets = [4], sizes = [1], strides = [1]} : vector<16xi32> to vector<1xi32>
      %squeeze3A_66 = vector.extract %slice3A_65[0] : i32 from vector<1xi32>
      %add3A_67 = arith.constant 4 : i32
      %add3A_68 = arith.addi %add3A_26, %add3A_67 : i32
      %dma_start3A_69 = arith.constant 0 : i32
      %dma_start3A_70 = tpu.memref_slice %arg6[%add3A_68, %dma_start3A_69] : memref<2560x768xf32, #tpu.memory_space<vmem_shared>> -> memref<1x768xf32, #tpu.memory_space<vmem_shared>>
      %dma_start3A_71 = arith.constant 0 : i32
      %dma_start3A_72 = tpu.memref_slice %arg3[%squeeze3A_66, %dma_start3A_71] : memref<49408x768xf32, #tpu.memory_space<hbm>> -> memref<1x768xf32, #tpu.memory_space<hbm>>
      tpu.enqueue_dma source(%dma_start3A_72 : memref<1x768xf32, #tpu.memory_space<hbm>>) target(%dma_start3A_70 : memref<1x768xf32, #tpu.memory_space<vmem_shared>>) target_semaphore(%arg9 : memref<!tpu.dma_semaphore, #tpu.memory_space<semaphore_mem>>)
      %slice3A_73 = vector.extract_strided_slice %get3A_34 {offsets = [5], sizes = [1], strides = [1]} : vector<16xi32> to vector<1xi32>
      %squeeze3A_74 = vector.extract %slice3A_73[0] : i32 from vector<1xi32>
      %add3A_75 = arith.constant 5 : i32
      %add3A_76 = arith.addi %add3A_26, %add3A_75 : i32
      %dma_start3A_77 = arith.constant 0 : i32
      %dma_start3A_78 = tpu.memref_slice %arg6[%add3A_76, %dma_start3A_77] : memref<2560x768xf32, #tpu.memory_space<vmem_shared>> -> memref<1x768xf32, #tpu.memory_space<vmem_shared>>
      %dma_start3A_79 = arith.constant 0 : i32
      %dma_start3A_80 = tpu.memref_slice %arg3[%squeeze3A_74, %dma_start3A_79] : memref<49408x768xf32, #tpu.memory_space<hbm>> -> memref<1x768xf32, #tpu.memory_space<hbm>>
      tpu.enqueue_dma source(%dma_start3A_80 : memref<1x768xf32, #tpu.memory_space<hbm>>) target(%dma_start3A_78 : memref<1x768xf32, #tpu.memory_space<vmem_shared>>) target_semaphore(%arg9 : memref<!tpu.dma_semaphore, #tpu.memory_space<semaphore_mem>>)
      %slice3A_81 = vector.extract_strided_slice %get3A_34 {offsets = [6], sizes = [1], strides = [1]} : vector<16xi32> to vector<1xi32>
      %squeeze3A_82 = vector.extract %slice3A_81[0] : i32 from vector<1xi32>
      %add3A_83 = arith.constant 6 : i32
      %add3A_84 = arith.addi %add3A_26, %add3A_83 : i32
      %dma_start3A_85 = arith.constant 0 : i32
      %dma_start3A_86 = tpu.memref_slice %arg6[%add3A_84, %dma_start3A_85] : memref<2560x768xf32, #tpu.memory_space<vmem_shared>> -> memref<1x768xf32, #tpu.memory_space<vmem_shared>>
      %dma_start3A_87 = arith.constant 0 : i32
      %dma_start3A_88 = tpu.memref_slice %arg3[%squeeze3A_82, %dma_start3A_87] : memref<49408x768xf32, #tpu.memory_space<hbm>> -> memref<1x768xf32, #tpu.memory_space<hbm>>
      tpu.enqueue_dma source(%dma_start3A_88 : memref<1x768xf32, #tpu.memory_space<hbm>>) target(%dma_start3A_86 : memref<1x768xf32, #tpu.memory_space<vmem_shared>>) target_semaphore(%arg9 : memref<!tpu.dma_semaphore, #tpu.memory_space<semaphore_mem>>)
      %slice3A_89 = vector.extract_strided_slice %get3A_34 {offsets = [7], sizes = [1], strides = [1]} : vector<16xi32> to vector<1xi32>
      %squeeze3A_90 = vector.extract %slice3A_89[0] : i32 from vector<1xi32>
      %add3A_91 = arith.constant 7 : i32
      %add3A_92 = arith.addi %add3A_26, %add3A_91 : i32
      %dma_start3A_93 = arith.constant 0 : i32
      %dma_start3A_94 = tpu.memref_slice %arg6[%add3A_92, %dma_start3A_93] : memref<2560x768xf32, #tpu.memory_space<vmem_shared>> -> memref<1x768xf32, #tpu.memory_space<vmem_shared>>
      %dma_start3A_95 = arith.constant 0 : i32
      %dma_start3A_96 = tpu.memref_slice %arg3[%squeeze3A_90, %dma_start3A_95] : memref<49408x768xf32, #tpu.memory_space<hbm>> -> memref<1x768xf32, #tpu.memory_space<hbm>>
      tpu.enqueue_dma source(%dma_start3A_96 : memref<1x768xf32, #tpu.memory_space<hbm>>) target(%dma_start3A_94 : memref<1x768xf32, #tpu.memory_space<vmem_shared>>) target_semaphore(%arg9 : memref<!tpu.dma_semaphore, #tpu.memory_space<semaphore_mem>>)
      %slice3A_97 = vector.extract_strided_slice %get3A_34 {offsets = [8], sizes = [1], strides = [1]} : vector<16xi32> to vector<1xi32>
      %squeeze3A_98 = vector.extract %slice3A_97[0] : i32 from vector<1xi32>
      %add3A_99 = arith.constant 8 : i32
      %add3A_100 = arith.addi %add3A_26, %add3A_99 : i32
      %dma_start3A_101 = arith.constant 0 : i32
      %dma_start3A_102 = tpu.memref_slice %arg6[%add3A_100, %dma_start3A_101] : memref<2560x768xf32, #tpu.memory_space<vmem_shared>> -> memref<1x768xf32, #tpu.memory_space<vmem_shared>>
      %dma_start3A_103 = arith.constant 0 : i32
      %dma_start3A_104 = tpu.memref_slice %arg3[%squeeze3A_98, %dma_start3A_103] : memref<49408x768xf32, #tpu.memory_space<hbm>> -> memref<1x768xf32, #tpu.memory_space<hbm>>
      tpu.enqueue_dma source(%dma_start3A_104 : memref<1x768xf32, #tpu.memory_space<hbm>>) target(%dma_start3A_102 : memref<1x768xf32, #tpu.memory_space<vmem_shared>>) target_semaphore(%arg9 : memref<!tpu.dma_semaphore, #tpu.memory_space<semaphore_mem>>)
      %slice3A_105 = vector.extract_strided_slice %get3A_34 {offsets = [9], sizes = [1], strides = [1]} : vector<16xi32> to vector<1xi32>
      %squeeze3A_106 = vector.extract %slice3A_105[0] : i32 from vector<1xi32>
      %add3A_107 = arith.constant 9 : i32
      %add3A_108 = arith.addi %add3A_26, %add3A_107 : i32
      %dma_start3A_109 = arith.constant 0 : i32
      %dma_start3A_110 = tpu.memref_slice %arg6[%add3A_108, %dma_start3A_109] : memref<2560x768xf32, #tpu.memory_space<vmem_shared>> -> memref<1x768xf32, #tpu.memory_space<vmem_shared>>
      %dma_start3A_111 = arith.constant 0 : i32
      %dma_start3A_112 = tpu.memref_slice %arg3[%squeeze3A_106, %dma_start3A_111] : memref<49408x768xf32, #tpu.memory_space<hbm>> -> memref<1x768xf32, #tpu.memory_space<hbm>>
      tpu.enqueue_dma source(%dma_start3A_112 : memref<1x768xf32, #tpu.memory_space<hbm>>) target(%dma_start3A_110 : memref<1x768xf32, #tpu.memory_space<vmem_shared>>) target_semaphore(%arg9 : memref<!tpu.dma_semaphore, #tpu.memory_space<semaphore_mem>>)
      %slice3A_113 = vector.extract_strided_slice %get3A_34 {offsets = [10], sizes = [1], strides = [1]} : vector<16xi32> to vector<1xi32>
      %squeeze3A_114 = vector.extract %slice3A_113[0] : i32 from vector<1xi32>
      %add3A_115 = arith.constant 10 : i32
      %add3A_116 = arith.addi %add3A_26, %add3A_115 : i32
      %dma_start3A_117 = arith.constant 0 : i32
      %dma_start3A_118 = tpu.memref_slice %arg6[%add3A_116, %dma_start3A_117] : memref<2560x768xf32, #tpu.memory_space<vmem_shared>> -> memref<1x768xf32, #tpu.memory_space<vmem_shared>>
      %dma_start3A_119 = arith.constant 0 : i32
      %dma_start3A_120 = tpu.memref_slice %arg3[%squeeze3A_114, %dma_start3A_119] : memref<49408x768xf32, #tpu.memory_space<hbm>> -> memref<1x768xf32, #tpu.memory_space<hbm>>
      tpu.enqueue_dma source(%dma_start3A_120 : memref<1x768xf32, #tpu.memory_space<hbm>>) target(%dma_start3A_118 : memref<1x768xf32, #tpu.memory_space<vmem_shared>>) target_semaphore(%arg9 : memref<!tpu.dma_semaphore, #tpu.memory_space<semaphore_mem>>)
      %slice3A_121 = vector.extract_strided_slice %get3A_34 {offsets = [11], sizes = [1], strides = [1]} : vector<16xi32> to vector<1xi32>
      %squeeze3A_122 = vector.extract %slice3A_121[0] : i32 from vector<1xi32>
      %add3A_123 = arith.constant 11 : i32
      %add3A_124 = arith.addi %add3A_26, %add3A_123 : i32
      %dma_start3A_125 = arith.constant 0 : i32
      %dma_start3A_126 = tpu.memref_slice %arg6[%add3A_124, %dma_start3A_125] : memref<2560x768xf32, #tpu.memory_space<vmem_shared>> -> memref<1x768xf32, #tpu.memory_space<vmem_shared>>
      %dma_start3A_127 = arith.constant 0 : i32
      %dma_start3A_128 = tpu.memref_slice %arg3[%squeeze3A_122, %dma_start3A_127] : memref<49408x768xf32, #tpu.memory_space<hbm>> -> memref<1x768xf32, #tpu.memory_space<hbm>>
      tpu.enqueue_dma source(%dma_start3A_128 : memref<1x768xf32, #tpu.memory_space<hbm>>) target(%dma_start3A_126 : memref<1x768xf32, #tpu.memory_space<vmem_shared>>) target_semaphore(%arg9 : memref<!tpu.dma_semaphore, #tpu.memory_space<semaphore_mem>>)
      %slice3A_129 = vector.extract_strided_slice %get3A_34 {offsets = [12], sizes = [1], strides = [1]} : vector<16xi32> to vector<1xi32>
      %squeeze3A_130 = vector.extract %slice3A_129[0] : i32 from vector<1xi32>
      %add3A_131 = arith.constant 12 : i32
      %add3A_132 = arith.addi %add3A_26, %add3A_131 : i32
      %dma_start3A_133 = arith.constant 0 : i32
      %dma_start3A_134 = tpu.memref_slice %arg6[%add3A_132, %dma_start3A_133] : memref<2560x768xf32, #tpu.memory_space<vmem_shared>> -> memref<1x768xf32, #tpu.memory_space<vmem_shared>>
      %dma_start3A_135 = arith.constant 0 : i32
      %dma_start3A_136 = tpu.memref_slice %arg3[%squeeze3A_130, %dma_start3A_135] : memref<49408x768xf32, #tpu.memory_space<hbm>> -> memref<1x768xf32, #tpu.memory_space<hbm>>
      tpu.enqueue_dma source(%dma_start3A_136 : memref<1x768xf32, #tpu.memory_space<hbm>>) target(%dma_start3A_134 : memref<1x768xf32, #tpu.memory_space<vmem_shared>>) target_semaphore(%arg9 : memref<!tpu.dma_semaphore, #tpu.memory_space<semaphore_mem>>)
      %slice3A_137 = vector.extract_strided_slice %get3A_34 {offsets = [13], sizes = [1], strides = [1]} : vector<16xi32> to vector<1xi32>
      %squeeze3A_138 = vector.extract %slice3A_137[0] : i32 from vector<1xi32>
      %add3A_139 = arith.constant 13 : i32
      %add3A_140 = arith.addi %add3A_26, %add3A_139 : i32
      %dma_start3A_141 = arith.constant 0 : i32
      %dma_start3A_142 = tpu.memref_slice %arg6[%add3A_140, %dma_start3A_141] : memref<2560x768xf32, #tpu.memory_space<vmem_shared>> -> memref<1x768xf32, #tpu.memory_space<vmem_shared>>
      %dma_start3A_143 = arith.constant 0 : i32
      %dma_start3A_144 = tpu.memref_slice %arg3[%squeeze3A_138, %dma_start3A_143] : memref<49408x768xf32, #tpu.memory_space<hbm>> -> memref<1x768xf32, #tpu.memory_space<hbm>>
      tpu.enqueue_dma source(%dma_start3A_144 : memref<1x768xf32, #tpu.memory_space<hbm>>) target(%dma_start3A_142 : memref<1x768xf32, #tpu.memory_space<vmem_shared>>) target_semaphore(%arg9 : memref<!tpu.dma_semaphore, #tpu.memory_space<semaphore_mem>>)
      %slice3A_145 = vector.extract_strided_slice %get3A_34 {offsets = [14], sizes = [1], strides = [1]} : vector<16xi32> to vector<1xi32>
      %squeeze3A_146 = vector.extract %slice3A_145[0] : i32 from vector<1xi32>
      %add3A_147 = arith.constant 14 : i32
      %add3A_148 = arith.addi %add3A_26, %add3A_147 : i32
      %dma_start3A_149 = arith.constant 0 : i32
      %dma_start3A_150 = tpu.memref_slice %arg6[%add3A_148, %dma_start3A_149] : memref<2560x768xf32, #tpu.memory_space<vmem_shared>> -> memref<1x768xf32, #tpu.memory_space<vmem_shared>>
      %dma_start3A_151 = arith.constant 0 : i32
      %dma_start3A_152 = tpu.memref_slice %arg3[%squeeze3A_146, %dma_start3A_151] : memref<49408x768xf32, #tpu.memory_space<hbm>> -> memref<1x768xf32, #tpu.memory_space<hbm>>
      tpu.enqueue_dma source(%dma_start3A_152 : memref<1x768xf32, #tpu.memory_space<hbm>>) target(%dma_start3A_150 : memref<1x768xf32, #tpu.memory_space<vmem_shared>>) target_semaphore(%arg9 : memref<!tpu.dma_semaphore, #tpu.memory_space<semaphore_mem>>)
      %slice3A_153 = vector.extract_strided_slice %get3A_34 {offsets = [15], sizes = [1], strides = [1]} : vector<16xi32> to vector<1xi32>
      %squeeze3A_154 = vector.extract %slice3A_153[0] : i32 from vector<1xi32>
      %add3A_155 = arith.constant 15 : i32
      %add3A_156 = arith.addi %add3A_26, %add3A_155 : i32
      %dma_start3A_157 = arith.constant 0 : i32
      %dma_start3A_158 = tpu.memref_slice %arg6[%add3A_156, %dma_start3A_157] : memref<2560x768xf32, #tpu.memory_space<vmem_shared>> -> memref<1x768xf32, #tpu.memory_space<vmem_shared>>
      %dma_start3A_159 = arith.constant 0 : i32
      %dma_start3A_160 = tpu.memref_slice %arg3[%squeeze3A_154, %dma_start3A_159] : memref<49408x768xf32, #tpu.memory_space<hbm>> -> memref<1x768xf32, #tpu.memory_space<hbm>>
      tpu.enqueue_dma source(%dma_start3A_160 : memref<1x768xf32, #tpu.memory_space<hbm>>) target(%dma_start3A_158 : memref<1x768xf32, #tpu.memory_space<vmem_shared>>) target_semaphore(%arg9 : memref<!tpu.dma_semaphore, #tpu.memory_space<semaphore_mem>>)
      %mul3A_161 = arith.constant 80 : i32
      %mul3A_162 = arith.muli %scan3A_22, %mul3A_161 : i32
      %add3A_163 = arith.constant 16 : i32
      %add3A_164 = arith.addi %mul3A_162, %add3A_163 : i32
      %get3A_165 = arith.index_cast %add3A_164 : i32 to index
      %get3A_166 = tpu.vector_load %arg5[%get3A_165] {strides = array<i32>} : memref<1280xi32, #tpu.memory_space<vmem>>, vector<16xi32>,
      %get3A_167 = vector.shape_cast %get3A_166 : vector<16xi32> to vector<16xi32>
      %slice3A_168 = vector.extract_strided_slice %get3A_167 {offsets = [0], sizes = [1], strides = [1]} : vector<16xi32> to vector<1xi32>
      %squeeze3A_169 = vector.extract %slice3A_168[0] : i32 from vector<1xi32>
      %add3A_170 = arith.constant 16 : i32
      %add3A_171 = arith.addi %add3A_26, %add3A_170 : i32
      %dma_start3A_172 = arith.constant 0 : i32
      %dma_start3A_173 = tpu.memref_slice %arg6[%add3A_171, %dma_start3A_172] : memref<2560x768xf32, #tpu.memory_space<vmem_shared>> -> memref<1x768xf32, #tpu.memory_space<vmem_shared>>
      %dma_start3A_174 = arith.constant 0 : i32
      %dma_start3A_175 = tpu.memref_slice %arg3[%squeeze3A_169, %dma_start3A_174] : memref<49408x768xf32, #tpu.memory_space<hbm>> -> memref<1x768xf32, #tpu.memory_space<hbm>>
      tpu.enqueue_dma source(%dma_start3A_175 : memref<1x768xf32, #tpu.memory_space<hbm>>) target(%dma_start3A_173 : memref<1x768xf32, #tpu.memory_space<vmem_shared>>) target_semaphore(%arg9 : memref<!tpu.dma_semaphore, #tpu.memory_space<semaphore_mem>>)
      %slice3A_176 = vector.extract_strided_slice %get3A_167 {offsets = [1], sizes = [1], strides = [1]} : vector<16xi32> to vector<1xi32>
      %squeeze3A_177 = vector.extract %slice3A_176[0] : i32 from vector<1xi32>
      %add3A_178 = arith.constant 17 : i32
      %add3A_179 = arith.addi %add3A_26, %add3A_178 : i32
      %dma_start3A_180 = arith.constant 0 : i32
      %dma_start3A_181 = tpu.memref_slice %arg6[%add3A_179, %dma_start3A_180] : memref<2560x768xf32, #tpu.memory_space<vmem_shared>> -> memref<1x768xf32, #tpu.memory_space<vmem_shared>>
      %dma_start3A_182 = arith.constant 0 : i32
      %dma_start3A_183 = tpu.memref_slice %arg3[%squeeze3A_177, %dma_start3A_182] : memref<49408x768xf32, #tpu.memory_space<hbm>> -> memref<1x768xf32, #tpu.memory_space<hbm>>
      tpu.enqueue_dma source(%dma_start3A_183 : memref<1x768xf32, #tpu.memory_space<hbm>>) target(%dma_start3A_181 : memref<1x768xf32, #tpu.memory_space<vmem_shared>>) target_semaphore(%arg9 : memref<!tpu.dma_semaphore, #tpu.memory_space<semaphore_mem>>)
      %slice3A_184 = vector.extract_strided_slice %get3A_167 {offsets = [2], sizes = [1], strides = [1]} : vector<16xi32> to vector<1xi32>
      %squeeze3A_185 = vector.extract %slice3A_184[0] : i32 from vector<1xi32>
      %add3A_186 = arith.constant 18 : i32
      %add3A_187 = arith.addi %add3A_26, %add3A_186 : i32
      %dma_start3A_188 = arith.constant 0 : i32
      %dma_start3A_189 = tpu.memref_slice %arg6[%add3A_187, %dma_start3A_188] : memref<2560x768xf32, #tpu.memory_space<vmem_shared>> -> memref<1x768xf32, #tpu.memory_space<vmem_shared>>
      %dma_start3A_190 = arith.constant 0 : i32
      %dma_start3A_191 = tpu.memref_slice %arg3[%squeeze3A_185, %dma_start3A_190] : memref<49408x768xf32, #tpu.memory_space<hbm>> -> memref<1x768xf32, #tpu.memory_space<hbm>>
      tpu.enqueue_dma source(%dma_start3A_191 : memref<1x768xf32, #tpu.memory_space<hbm>>) target(%dma_start3A_189 : memref<1x768xf32, #tpu.memory_space<vmem_shared>>) target_semaphore(%arg9 : memref<!tpu.dma_semaphore, #tpu.memory_space<semaphore_mem>>)
      %slice3A_192 = vector.extract_strided_slice %get3A_167 {offsets = [3], sizes = [1], strides = [1]} : vector<16xi32> to vector<1xi32>
      %squeeze3A_193 = vector.extract %slice3A_192[0] : i32 from vector<1xi32>
      %add3A_194 = arith.constant 19 : i32
      %add3A_195 = arith.addi %add3A_26, %add3A_194 : i32
      %dma_start3A_196 = arith.constant 0 : i32
      %dma_start3A_197 = tpu.memref_slice %arg6[%add3A_195, %dma_start3A_196] : memref<2560x768xf32, #tpu.memory_space<vmem_shared>> -> memref<1x768xf32, #tpu.memory_space<vmem_shared>>
      %dma_start3A_198 = arith.constant 0 : i32
      %dma_start3A_199 = tpu.memref_slice %arg3[%squeeze3A_193, %dma_start3A_198] : memref<49408x768xf32, #tpu.memory_space<hbm>> -> memref<1x768xf32, #tpu.memory_space<hbm>>
      tpu.enqueue_dma source(%dma_start3A_199 : memref<1x768xf32, #tpu.memory_space<hbm>>) target(%dma_start3A_197 : memref<1x768xf32, #tpu.memory_space<vmem_shared>>) target_semaphore(%arg9 : memref<!tpu.dma_semaphore, #tpu.memory_space<semaphore_mem>>)
      %slice3A_200 = vector.extract_strided_slice %get3A_167 {offsets = [4], sizes = [1], strides = [1]} : vector<16xi32> to vector<1xi32>
      %squeeze3A_201 = vector.extract %slice3A_200[0] : i32 from vector<1xi32>
      %add3A_202 = arith.constant 20 : i32
      %add3A_203 = arith.addi %add3A_26, %add3A_202 : i32
      %dma_start3A_204 = arith.constant 0 : i32
      %dma_start3A_205 = tpu.memref_slice %arg6[%add3A_203, %dma_start3A_204] : memref<2560x768xf32, #tpu.memory_space<vmem_shared>> -> memref<1x768xf32, #tpu.memory_space<vmem_shared>>
      %dma_start3A_206 = arith.constant 0 : i32
      %dma_start3A_207 = tpu.memref_slice %arg3[%squeeze3A_201, %dma_start3A_206] : memref<49408x768xf32, #tpu.memory_space<hbm>> -> memref<1x768xf32, #tpu.memory_space<hbm>>
      tpu.enqueue_dma source(%dma_start3A_207 : memref<1x768xf32, #tpu.memory_space<hbm>>) target(%dma_start3A_205 : memref<1x768xf32, #tpu.memory_space<vmem_shared>>) target_semaphore(%arg9 : memref<!tpu.dma_semaphore, #tpu.memory_space<semaphore_mem>>)
      %slice3A_208 = vector.extract_strided_slice %get3A_167 {offsets = [5], sizes = [1], strides = [1]} : vector<16xi32> to vector<1xi32>
      %squeeze3A_209 = vector.extract %slice3A_208[0] : i32 from vector<1xi32>
      %add3A_210 = arith.constant 21 : i32
      %add3A_211 = arith.addi %add3A_26, %add3A_210 : i32
      %dma_start3A_212 = arith.constant 0 : i32
      %dma_start3A_213 = tpu.memref_slice %arg6[%add3A_211, %dma_start3A_212] : memref<2560x768xf32, #tpu.memory_space<vmem_shared>> -> memref<1x768xf32, #tpu.memory_space<vmem_shared>>
      %dma_start3A_214 = arith.constant 0 : i32
      %dma_start3A_215 = tpu.memref_slice %arg3[%squeeze3A_209, %dma_start3A_214] : memref<49408x768xf32, #tpu.memory_space<hbm>> -> memref<1x768xf32, #tpu.memory_space<hbm>>
      tpu.enqueue_dma source(%dma_start3A_215 : memref<1x768xf32, #tpu.memory_space<hbm>>) target(%dma_start3A_213 : memref<1x768xf32, #tpu.memory_space<vmem_shared>>) target_semaphore(%arg9 : memref<!tpu.dma_semaphore, #tpu.memory_space<semaphore_mem>>)
      %slice3A_216 = vector.extract_strided_slice %get3A_167 {offsets = [6], sizes = [1], strides = [1]} : vector<16xi32> to vector<1xi32>
      %squeeze3A_217 = vector.extract %slice3A_216[0] : i32 from vector<1xi32>
      %add3A_218 = arith.constant 22 : i32
      %add3A_219 = arith.addi %add3A_26, %add3A_218 : i32
      %dma_start3A_220 = arith.constant 0 : i32
      %dma_start3A_221 = tpu.memref_slice %arg6[%add3A_219, %dma_start3A_220] : memref<2560x768xf32, #tpu.memory_space<vmem_shared>> -> memref<1x768xf32, #tpu.memory_space<vmem_shared>>
      %dma_start3A_222 = arith.constant 0 : i32
      %dma_start3A_223 = tpu.memref_slice %arg3[%squeeze3A_217, %dma_start3A_222] : memref<49408x768xf32, #tpu.memory_space<hbm>> -> memref<1x768xf32, #tpu.memory_space<hbm>>
      tpu.enqueue_dma source(%dma_start3A_223 : memref<1x768xf32, #tpu.memory_space<hbm>>) target(%dma_start3A_221 : memref<1x768xf32, #tpu.memory_space<vmem_shared>>) target_semaphore(%arg9 : memref<!tpu.dma_semaphore, #tpu.memory_space<semaphore_mem>>)
      %slice3A_224 = vector.extract_strided_slice %get3A_167 {offsets = [7], sizes = [1], strides = [1]} : vector<16xi32> to vector<1xi32>
      %squeeze3A_225 = vector.extract %slice3A_224[0] : i32 from vector<1xi32>
      %add3A_226 = arith.constant 23 : i32
      %add3A_227 = arith.addi %add3A_26, %add3A_226 : i32
      %dma_start3A_228 = arith.constant 0 : i32
      %dma_start3A_229 = tpu.memref_slice %arg6[%add3A_227, %dma_start3A_228] : memref<2560x768xf32, #tpu.memory_space<vmem_shared>> -> memref<1x768xf32, #tpu.memory_space<vmem_shared>>
      %dma_start3A_230 = arith.constant 0 : i32
      %dma_start3A_231 = tpu.memref_slice %arg3[%squeeze3A_225, %dma_start3A_230] : memref<49408x768xf32, #tpu.memory_space<hbm>> -> memref<1x768xf32, #tpu.memory_space<hbm>>
      tpu.enqueue_dma source(%dma_start3A_231 : memref<1x768xf32, #tpu.memory_space<hbm>>) target(%dma_start3A_229 : memref<1x768xf32, #tpu.memory_space<vmem_shared>>) target_semaphore(%arg9 : memref<!tpu.dma_semaphore, #tpu.memory_space<semaphore_mem>>)
      %slice3A_232 = vector.extract_strided_slice %get3A_167 {offsets = [8], sizes = [1], strides = [1]} : vector<16xi32> to vector<1xi32>
      %squeeze3A_233 = vector.extract %slice3A_232[0] : i32 from vector<1xi32>
      %add3A_234 = arith.constant 24 : i32
      %add3A_235 = arith.addi %add3A_26, %add3A_234 : i32
      %dma_start3A_236 = arith.constant 0 : i32
      %dma_start3A_237 = tpu.memref_slice %arg6[%add3A_235, %dma_start3A_236] : memref<2560x768xf32, #tpu.memory_space<vmem_shared>> -> memref<1x768xf32, #tpu.memory_space<vmem_shared>>
      %dma_start3A_238 = arith.constant 0 : i32
      %dma_start3A_239 = tpu.memref_slice %arg3[%squeeze3A_233, %dma_start3A_238] : memref<49408x768xf32, #tpu.memory_space<hbm>> -> memref<1x768xf32, #tpu.memory_space<hbm>>
      tpu.enqueue_dma source(%dma_start3A_239 : memref<1x768xf32, #tpu.memory_space<hbm>>) target(%dma_start3A_237 : memref<1x768xf32, #tpu.memory_space<vmem_shared>>) target_semaphore(%arg9 : memref<!tpu.dma_semaphore, #tpu.memory_space<semaphore_mem>>)
      %slice3A_240 = vector.extract_strided_slice %get3A_167 {offsets = [9], sizes = [1], strides = [1]} : vector<16xi32> to vector<1xi32>
      %squeeze3A_241 = vector.extract %slice3A_240[0] : i32 from vector<1xi32>
      %add3A_242 = arith.constant 25 : i32
      %add3A_243 = arith.addi %add3A_26, %add3A_242 : i32
      %dma_start3A_244 = arith.constant 0 : i32
      %dma_start3A_245 = tpu.memref_slice %arg6[%add3A_243, %dma_start3A_244] : memref<2560x768xf32, #tpu.memory_space<vmem_shared>> -> memref<1x768xf32, #tpu.memory_space<vmem_shared>>
      %dma_start3A_246 = arith.constant 0 : i32
      %dma_start3A_247 = tpu.memref_slice %arg3[%squeeze3A_241, %dma_start3A_246] : memref<49408x768xf32, #tpu.memory_space<hbm>> -> memref<1x768xf32, #tpu.memory_space<hbm>>
      tpu.enqueue_dma source(%dma_start3A_247 : memref<1x768xf32, #tpu.memory_space<hbm>>) target(%dma_start3A_245 : memref<1x768xf32, #tpu.memory_space<vmem_shared>>) target_semaphore(%arg9 : memref<!tpu.dma_semaphore, #tpu.memory_space<semaphore_mem>>)
      %slice3A_248 = vector.extract_strided_slice %get3A_167 {offsets = [10], sizes = [1], strides = [1]} : vector<16xi32> to vector<1xi32>
      %squeeze3A_249 = vector.extract %slice3A_248[0] : i32 from vector<1xi32>
      %add3A_250 = arith.constant 26 : i32
      %add3A_251 = arith.addi %add3A_26, %add3A_250 : i32
      %dma_start3A_252 = arith.constant 0 : i32
      %dma_start3A_253 = tpu.memref_slice %arg6[%add3A_251, %dma_start3A_252] : memref<2560x768xf32, #tpu.memory_space<vmem_shared>> -> memref<1x768xf32, #tpu.memory_space<vmem_shared>>
      %dma_start3A_254 = arith.constant 0 : i32
      %dma_start3A_255 = tpu.memref_slice %arg3[%squeeze3A_249, %dma_start3A_254] : memref<49408x768xf32, #tpu.memory_space<hbm>> -> memref<1x768xf32, #tpu.memory_space<hbm>>
      tpu.enqueue_dma source(%dma_start3A_255 : memref<1x768xf32, #tpu.memory_space<hbm>>) target(%dma_start3A_253 : memref<1x768xf32, #tpu.memory_space<vmem_shared>>) target_semaphore(%arg9 : memref<!tpu.dma_semaphore, #tpu.memory_space<semaphore_mem>>)
      %slice3A_256 = vector.extract_strided_slice %get3A_167 {offsets = [11], sizes = [1], strides = [1]} : vector<16xi32> to vector<1xi32>
      %squeeze3A_257 = vector.extract %slice3A_256[0] : i32 from vector<1xi32>
      %add3A_258 = arith.constant 27 : i32
      %add3A_259 = arith.addi %add3A_26, %add3A_258 : i32
      %dma_start3A_260 = arith.constant 0 : i32
      %dma_start3A_261 = tpu.memref_slice %arg6[%add3A_259, %dma_start3A_260] : memref<2560x768xf32, #tpu.memory_space<vmem_shared>> -> memref<1x768xf32, #tpu.memory_space<vmem_shared>>
      %dma_start3A_262 = arith.constant 0 : i32
      %dma_start3A_263 = tpu.memref_slice %arg3[%squeeze3A_257, %dma_start3A_262] : memref<49408x768xf32, #tpu.memory_space<hbm>> -> memref<1x768xf32, #tpu.memory_space<hbm>>
      tpu.enqueue_dma source(%dma_start3A_263 : memref<1x768xf32, #tpu.memory_space<hbm>>) target(%dma_start3A_261 : memref<1x768xf32, #tpu.memory_space<vmem_shared>>) target_semaphore(%arg9 : memref<!tpu.dma_semaphore, #tpu.memory_space<semaphore_mem>>)
      %slice3A_264 = vector.extract_strided_slice %get3A_167 {offsets = [12], sizes = [1], strides = [1]} : vector<16xi32> to vector<1xi32>
      %squeeze3A_265 = vector.extract %slice3A_264[0] : i32 from vector<1xi32>
      %add3A_266 = arith.constant 28 : i32
      %add3A_267 = arith.addi %add3A_26, %add3A_266 : i32
      %dma_start3A_268 = arith.constant 0 : i32
      %dma_start3A_269 = tpu.memref_slice %arg6[%add3A_267, %dma_start3A_268] : memref<2560x768xf32, #tpu.memory_space<vmem_shared>> -> memref<1x768xf32, #tpu.memory_space<vmem_shared>>
      %dma_start3A_270 = arith.constant 0 : i32
      %dma_start3A_271 = tpu.memref_slice %arg3[%squeeze3A_265, %dma_start3A_270] : memref<49408x768xf32, #tpu.memory_space<hbm>> -> memref<1x768xf32, #tpu.memory_space<hbm>>
      tpu.enqueue_dma source(%dma_start3A_271 : memref<1x768xf32, #tpu.memory_space<hbm>>) target(%dma_start3A_269 : memref<1x768xf32, #tpu.memory_space<vmem_shared>>) target_semaphore(%arg9 : memref<!tpu.dma_semaphore, #tpu.memory_space<semaphore_mem>>)
      %slice3A_272 = vector.extract_strided_slice %get3A_167 {offsets = [13], sizes = [1], strides = [1]} : vector<16xi32> to vector<1xi32>
      %squeeze3A_273 = vector.extract %slice3A_272[0] : i32 from vector<1xi32>
      %add3A_274 = arith.constant 29 : i32
      %add3A_275 = arith.addi %add3A_26, %add3A_274 : i32
      %dma_start3A_276 = arith.constant 0 : i32
      %dma_start3A_277 = tpu.memref_slice %arg6[%add3A_275, %dma_start3A_276] : memref<2560x768xf32, #tpu.memory_space<vmem_shared>> -> memref<1x768xf32, #tpu.memory_space<vmem_shared>>
      %dma_start3A_278 = arith.constant 0 : i32
      %dma_start3A_279 = tpu.memref_slice %arg3[%squeeze3A_273, %dma_start3A_278] : memref<49408x768xf32, #tpu.memory_space<hbm>> -> memref<1x768xf32, #tpu.memory_space<hbm>>
      tpu.enqueue_dma source(%dma_start3A_279 : memref<1x768xf32, #tpu.memory_space<hbm>>) target(%dma_start3A_277 : memref<1x768xf32, #tpu.memory_space<vmem_shared>>) target_semaphore(%arg9 : memref<!tpu.dma_semaphore, #tpu.memory_space<semaphore_mem>>)
      %slice3A_280 = vector.extract_strided_slice %get3A_167 {offsets = [14], sizes = [1], strides = [1]} : vector<16xi32> to vector<1xi32>
      %squeeze3A_281 = vector.extract %slice3A_280[0] : i32 from vector<1xi32>
      %add3A_282 = arith.constant 30 : i32
      %add3A_283 = arith.addi %add3A_26, %add3A_282 : i32
      %dma_start3A_284 = arith.constant 0 : i32
      %dma_start3A_285 = tpu.memref_slice %arg6[%add3A_283, %dma_start3A_284] : memref<2560x768xf32, #tpu.memory_space<vmem_shared>> -> memref<1x768xf32, #tpu.memory_space<vmem_shared>>
      %dma_start3A_286 = arith.constant 0 : i32
      %dma_start3A_287 = tpu.memref_slice %arg3[%squeeze3A_281, %dma_start3A_286] : memref<49408x768xf32, #tpu.memory_space<hbm>> -> memref<1x768xf32, #tpu.memory_space<hbm>>
      tpu.enqueue_dma source(%dma_start3A_287 : memref<1x768xf32, #tpu.memory_space<hbm>>) target(%dma_start3A_285 : memref<1x768xf32, #tpu.memory_space<vmem_shared>>) target_semaphore(%arg9 : memref<!tpu.dma_semaphore, #tpu.memory_space<semaphore_mem>>)
      %slice3A_288 = vector.extract_strided_slice %get3A_167 {offsets = [15], sizes = [1], strides = [1]} : vector<16xi32> to vector<1xi32>
      %squeeze3A_289 = vector.extract %slice3A_288[0] : i32 from vector<1xi32>
      %add3A_290 = arith.constant 31 : i32
      %add3A_291 = arith.addi %add3A_26, %add3A_290 : i32
      %dma_start3A_292 = arith.constant 0 : i32
      %dma_start3A_293 = tpu.memref_slice %arg6[%add3A_291, %dma_start3A_292] : memref<2560x768xf32, #tpu.memory_space<vmem_shared>> -> memref<1x768xf32, #tpu.memory_space<vmem_shared>>
      %dma_start3A_294 = arith.constant 0 : i32
      %dma_start3A_295 = tpu.memref_slice %arg3[%squeeze3A_289, %dma_start3A_294] : memref<49408x768xf32, #tpu.memory_space<hbm>> -> memref<1x768xf32, #tpu.memory_space<hbm>>
      tpu.enqueue_dma source(%dma_start3A_295 : memref<1x768xf32, #tpu.memory_space<hbm>>) target(%dma_start3A_293 : memref<1x768xf32, #tpu.memory_space<vmem_shared>>) target_semaphore(%arg9 : memref<!tpu.dma_semaphore, #tpu.memory_space<semaphore_mem>>)
      %mul3A_296 = arith.constant 80 : i32
      %mul3A_297 = arith.muli %scan3A_22, %mul3A_296 : i32
      %add3A_298 = arith.constant 32 : i32
      %add3A_299 = arith.addi %mul3A_297, %add3A_298 : i32
      %get3A_300 = arith.index_cast %add3A_299 : i32 to index
      %get3A_301 = tpu.vector_load %arg5[%get3A_300] {strides = array<i32>} : memref<1280xi32, #tpu.memory_space<vmem>>, vector<16xi32>,
      %get3A_302 = vector.shape_cast %get3A_301 : vector<16xi32> to vector<16xi32>
      %slice3A_303 = vector.extract_strided_slice %get3A_302 {offsets = [0], sizes = [1], strides = [1]} : vector<16xi32> to vector<1xi32>
      %squeeze3A_304 = vector.extract %slice3A_303[0] : i32 from vector<1xi32>
      %add3A_305 = arith.constant 32 : i32
      %add3A_306 = arith.addi %add3A_26, %add3A_305 : i32
      %dma_start3A_307 = arith.constant 0 : i32
      %dma_start3A_308 = tpu.memref_slice %arg6[%add3A_306, %dma_start3A_307] : memref<2560x768xf32, #tpu.memory_space<vmem_shared>> -> memref<1x768xf32, #tpu.memory_space<vmem_shared>>
      %dma_start3A_309 = arith.constant 0 : i32
      %dma_start3A_310 = tpu.memref_slice %arg3[%squeeze3A_304, %dma_start3A_309] : memref<49408x768xf32, #tpu.memory_space<hbm>> -> memref<1x768xf32, #tpu.memory_space<hbm>>
      tpu.enqueue_dma source(%dma_start3A_310 : memref<1x768xf32, #tpu.memory_space<hbm>>) target(%dma_start3A_308 : memref<1x768xf32, #tpu.memory_space<vmem_shared>>) target_semaphore(%arg9 : memref<!tpu.dma_semaphore, #tpu.memory_space<semaphore_mem>>)
      %slice3A_311 = vector.extract_strided_slice %get3A_302 {offsets = [1], sizes = [1], strides = [1]} : vector<16xi32> to vector<1xi32>
      %squeeze3A_312 = vector.extract %slice3A_311[0] : i32 from vector<1xi32>
      %add3A_313 = arith.constant 33 : i32
      %add3A_314 = arith.addi %add3A_26, %add3A_313 : i32
      %dma_start3A_315 = arith.constant 0 : i32
      %dma_start3A_316 = tpu.memref_slice %arg6[%add3A_314, %dma_start3A_315] : memref<2560x768xf32, #tpu.memory_space<vmem_shared>> -> memref<1x768xf32, #tpu.memory_space<vmem_shared>>
      %dma_start3A_317 = arith.constant 0 : i32
      %dma_start3A_318 = tpu.memref_slice %arg3[%squeeze3A_312, %dma_start3A_317] : memref<49408x768xf32, #tpu.memory_space<hbm>> -> memref<1x768xf32, #tpu.memory_space<hbm>>
      tpu.enqueue_dma source(%dma_start3A_318 : memref<1x768xf32, #tpu.memory_space<hbm>>) target(%dma_start3A_316 : memref<1x768xf32, #tpu.memory_space<vmem_shared>>) target_semaphore(%arg9 : memref<!tpu.dma_semaphore, #tpu.memory_space<semaphore_mem>>)
      %slice3A_319 = vector.extract_strided_slice %get3A_302 {offsets = [2], sizes = [1], strides = [1]} : vector<16xi32> to vector<1xi32>
      %squeeze3A_320 = vector.extract %slice3A_319[0] : i32 from vector<1xi32>
      %add3A_321 = arith.constant 34 : i32
      %add3A_322 = arith.addi %add3A_26, %add3A_321 : i32
      %dma_start3A_323 = arith.constant 0 : i32
      %dma_start3A_324 = tpu.memref_slice %arg6[%add3A_322, %dma_start3A_323] : memref<2560x768xf32, #tpu.memory_space<vmem_shared>> -> memref<1x768xf32, #tpu.memory_space<vmem_shared>>
      %dma_start3A_325 = arith.constant 0 : i32
      %dma_start3A_326 = tpu.memref_slice %arg3[%squeeze3A_320, %dma_start3A_325] : memref<49408x768xf32, #tpu.memory_space<hbm>> -> memref<1x768xf32, #tpu.memory_space<hbm>>
      tpu.enqueue_dma source(%dma_start3A_326 : memref<1x768xf32, #tpu.memory_space<hbm>>) target(%dma_start3A_324 : memref<1x768xf32, #tpu.memory_space<vmem_shared>>) target_semaphore(%arg9 : memref<!tpu.dma_semaphore, #tpu.memory_space<semaphore_mem>>)
      %slice3A_327 = vector.extract_strided_slice %get3A_302 {offsets = [3], sizes = [1], strides = [1]} : vector<16xi32> to vector<1xi32>
      %squeeze3A_328 = vector.extract %slice3A_327[0] : i32 from vector<1xi32>
      %add3A_329 = arith.constant 35 : i32
      %add3A_330 = arith.addi %add3A_26, %add3A_329 : i32
      %dma_start3A_331 = arith.constant 0 : i32
      %dma_start3A_332 = tpu.memref_slice %arg6[%add3A_330, %dma_start3A_331] : memref<2560x768xf32, #tpu.memory_space<vmem_shared>> -> memref<1x768xf32, #tpu.memory_space<vmem_shared>>
      %dma_start3A_333 = arith.constant 0 : i32
      %dma_start3A_334 = tpu.memref_slice %arg3[%squeeze3A_328, %dma_start3A_333] : memref<49408x768xf32, #tpu.memory_space<hbm>> -> memref<1x768xf32, #tpu.memory_space<hbm>>
      tpu.enqueue_dma source(%dma_start3A_334 : memref<1x768xf32, #tpu.memory_space<hbm>>) target(%dma_start3A_332 : memref<1x768xf32, #tpu.memory_space<vmem_shared>>) target_semaphore(%arg9 : memref<!tpu.dma_semaphore, #tpu.memory_space<semaphore_mem>>)
      %slice3A_335 = vector.extract_strided_slice %get3A_302 {offsets = [4], sizes = [1], strides = [1]} : vector<16xi32> to vector<1xi32>
      %squeeze3A_336 = vector.extract %slice3A_335[0] : i32 from vector<1xi32>
      %add3A_337 = arith.constant 36 : i32
      %add3A_338 = arith.addi %add3A_26, %add3A_337 : i32
      %dma_start3A_339 = arith.constant 0 : i32
      %dma_start3A_340 = tpu.memref_slice %arg6[%add3A_338, %dma_start3A_339] : memref<2560x768xf32, #tpu.memory_space<vmem_shared>> -> memref<1x768xf32, #tpu.memory_space<vmem_shared>>
      %dma_start3A_341 = arith.constant 0 : i32
      %dma_start3A_342 = tpu.memref_slice %arg3[%squeeze3A_336, %dma_start3A_341] : memref<49408x768xf32, #tpu.memory_space<hbm>> -> memref<1x768xf32, #tpu.memory_space<hbm>>
      tpu.enqueue_dma source(%dma_start3A_342 : memref<1x768xf32, #tpu.memory_space<hbm>>) target(%dma_start3A_340 : memref<1x768xf32, #tpu.memory_space<vmem_shared>>) target_semaphore(%arg9 : memref<!tpu.dma_semaphore, #tpu.memory_space<semaphore_mem>>)
      %slice3A_343 = vector.extract_strided_slice %get3A_302 {offsets = [5], sizes = [1], strides = [1]} : vector<16xi32> to vector<1xi32>
      %squeeze3A_344 = vector.extract %slice3A_343[0] : i32 from vector<1xi32>
      %add3A_345 = arith.constant 37 : i32
      %add3A_346 = arith.addi %add3A_26, %add3A_345 : i32
      %dma_start3A_347 = arith.constant 0 : i32
      %dma_start3A_348 = tpu.memref_slice %arg6[%add3A_346, %dma_start3A_347] : memref<2560x768xf32, #tpu.memory_space<vmem_shared>> -> memref<1x768xf32, #tpu.memory_space<vmem_shared>>
      %dma_start3A_349 = arith.constant 0 : i32
      %dma_start3A_350 = tpu.memref_slice %arg3[%squeeze3A_344, %dma_start3A_349] : memref<49408x768xf32, #tpu.memory_space<hbm>> -> memref<1x768xf32, #tpu.memory_space<hbm>>
      tpu.enqueue_dma source(%dma_start3A_350 : memref<1x768xf32, #tpu.memory_space<hbm>>) target(%dma_start3A_348 : memref<1x768xf32, #tpu.memory_space<vmem_shared>>) target_semaphore(%arg9 : memref<!tpu.dma_semaphore, #tpu.memory_space<semaphore_mem>>)
      %slice3A_351 = vector.extract_strided_slice %get3A_302 {offsets = [6], sizes = [1], strides = [1]} : vector<16xi32> to vector<1xi32>
      %squeeze3A_352 = vector.extract %slice3A_351[0] : i32 from vector<1xi32>
      %add3A_353 = arith.constant 38 : i32
      %add3A_354 = arith.addi %add3A_26, %add3A_353 : i32
      %dma_start3A_355 = arith.constant 0 : i32
      %dma_start3A_356 = tpu.memref_slice %arg6[%add3A_354, %dma_start3A_355] : memref<2560x768xf32, #tpu.memory_space<vmem_shared>> -> memref<1x768xf32, #tpu.memory_space<vmem_shared>>
      %dma_start3A_357 = arith.constant 0 : i32
      %dma_start3A_358 = tpu.memref_slice %arg3[%squeeze3A_352, %dma_start3A_357] : memref<49408x768xf32, #tpu.memory_space<hbm>> -> memref<1x768xf32, #tpu.memory_space<hbm>>
      tpu.enqueue_dma source(%dma_start3A_358 : memref<1x768xf32, #tpu.memory_space<hbm>>) target(%dma_start3A_356 : memref<1x768xf32, #tpu.memory_space<vmem_shared>>) target_semaphore(%arg9 : memref<!tpu.dma_semaphore, #tpu.memory_space<semaphore_mem>>)
      %slice3A_359 = vector.extract_strided_slice %get3A_302 {offsets = [7], sizes = [1], strides = [1]} : vector<16xi32> to vector<1xi32>
      %squeeze3A_360 = vector.extract %slice3A_359[0] : i32 from vector<1xi32>
      %add3A_361 = arith.constant 39 : i32
      %add3A_362 = arith.addi %add3A_26, %add3A_361 : i32
      %dma_start3A_363 = arith.constant 0 : i32
      %dma_start3A_364 = tpu.memref_slice %arg6[%add3A_362, %dma_start3A_363] : memref<2560x768xf32, #tpu.memory_space<vmem_shared>> -> memref<1x768xf32, #tpu.memory_space<vmem_shared>>
      %dma_start3A_365 = arith.constant 0 : i32
      %dma_start3A_366 = tpu.memref_slice %arg3[%squeeze3A_360, %dma_start3A_365] : memref<49408x768xf32, #tpu.memory_space<hbm>> -> memref<1x768xf32, #tpu.memory_space<hbm>>
      tpu.enqueue_dma source(%dma_start3A_366 : memref<1x768xf32, #tpu.memory_space<hbm>>) target(%dma_start3A_364 : memref<1x768xf32, #tpu.memory_space<vmem_shared>>) target_semaphore(%arg9 : memref<!tpu.dma_semaphore, #tpu.memory_space<semaphore_mem>>)
      %slice3A_367 = vector.extract_strided_slice %get3A_302 {offsets = [8], sizes = [1], strides = [1]} : vector<16xi32> to vector<1xi32>
      %squeeze3A_368 = vector.extract %slice3A_367[0] : i32 from vector<1xi32>
      %add3A_369 = arith.constant 40 : i32
      %add3A_370 = arith.addi %add3A_26, %add3A_369 : i32
      %dma_start3A_371 = arith.constant 0 : i32
      %dma_start3A_372 = tpu.memref_slice %arg6[%add3A_370, %dma_start3A_371] : memref<2560x768xf32, #tpu.memory_space<vmem_shared>> -> memref<1x768xf32, #tpu.memory_space<vmem_shared>>
      %dma_start3A_373 = arith.constant 0 : i32
      %dma_start3A_374 = tpu.memref_slice %arg3[%squeeze3A_368, %dma_start3A_373] : memref<49408x768xf32, #tpu.memory_space<hbm>> -> memref<1x768xf32, #tpu.memory_space<hbm>>
      tpu.enqueue_dma source(%dma_start3A_374 : memref<1x768xf32, #tpu.memory_space<hbm>>) target(%dma_start3A_372 : memref<1x768xf32, #tpu.memory_space<vmem_shared>>) target_semaphore(%arg9 : memref<!tpu.dma_semaphore, #tpu.memory_space<semaphore_mem>>)
      %slice3A_375 = vector.extract_strided_slice %get3A_302 {offsets = [9], sizes = [1], strides = [1]} : vector<16xi32> to vector<1xi32>
      %squeeze3A_376 = vector.extract %slice3A_375[0] : i32 from vector<1xi32>
      %add3A_377 = arith.constant 41 : i32
      %add3A_378 = arith.addi %add3A_26, %add3A_377 : i32
      %dma_start3A_379 = arith.constant 0 : i32
      %dma_start3A_380 = tpu.memref_slice %arg6[%add3A_378, %dma_start3A_379] : memref<2560x768xf32, #tpu.memory_space<vmem_shared>> -> memref<1x768xf32, #tpu.memory_space<vmem_shared>>
      %dma_start3A_381 = arith.constant 0 : i32
      %dma_start3A_382 = tpu.memref_slice %arg3[%squeeze3A_376, %dma_start3A_381] : memref<49408x768xf32, #tpu.memory_space<hbm>> -> memref<1x768xf32, #tpu.memory_space<hbm>>
      tpu.enqueue_dma source(%dma_start3A_382 : memref<1x768xf32, #tpu.memory_space<hbm>>) target(%dma_start3A_380 : memref<1x768xf32, #tpu.memory_space<vmem_shared>>) target_semaphore(%arg9 : memref<!tpu.dma_semaphore, #tpu.memory_space<semaphore_mem>>)
      %slice3A_383 = vector.extract_strided_slice %get3A_302 {offsets = [10], sizes = [1], strides = [1]} : vector<16xi32> to vector<1xi32>
      %squeeze3A_384 = vector.extract %slice3A_383[0] : i32 from vector<1xi32>
      %add3A_385 = arith.constant 42 : i32
      %add3A_386 = arith.addi %add3A_26, %add3A_385 : i32
      %dma_start3A_387 = arith.constant 0 : i32
      %dma_start3A_388 = tpu.memref_slice %arg6[%add3A_386, %dma_start3A_387] : memref<2560x768xf32, #tpu.memory_space<vmem_shared>> -> memref<1x768xf32, #tpu.memory_space<vmem_shared>>
      %dma_start3A_389 = arith.constant 0 : i32
      %dma_start3A_390 = tpu.memref_slice %arg3[%squeeze3A_384, %dma_start3A_389] : memref<49408x768xf32, #tpu.memory_space<hbm>> -> memref<1x768xf32, #tpu.memory_space<hbm>>
      tpu.enqueue_dma source(%dma_start3A_390 : memref<1x768xf32, #tpu.memory_space<hbm>>) target(%dma_start3A_388 : memref<1x768xf32, #tpu.memory_space<vmem_shared>>) target_semaphore(%arg9 : memref<!tpu.dma_semaphore, #tpu.memory_space<semaphore_mem>>)
      %slice3A_391 = vector.extract_strided_slice %get3A_302 {offsets = [11], sizes = [1], strides = [1]} : vector<16xi32> to vector<1xi32>
      %squeeze3A_392 = vector.extract %slice3A_391[0] : i32 from vector<1xi32>
      %add3A_393 = arith.constant 43 : i32
      %add3A_394 = arith.addi %add3A_26, %add3A_393 : i32
      %dma_start3A_395 = arith.constant 0 : i32
      %dma_start3A_396 = tpu.memref_slice %arg6[%add3A_394, %dma_start3A_395] : memref<2560x768xf32, #tpu.memory_space<vmem_shared>> -> memref<1x768xf32, #tpu.memory_space<vmem_shared>>
      %dma_start3A_397 = arith.constant 0 : i32
      %dma_start3A_398 = tpu.memref_slice %arg3[%squeeze3A_392, %dma_start3A_397] : memref<49408x768xf32, #tpu.memory_space<hbm>> -> memref<1x768xf32, #tpu.memory_space<hbm>>
      tpu.enqueue_dma source(%dma_start3A_398 : memref<1x768xf32, #tpu.memory_space<hbm>>) target(%dma_start3A_396 : memref<1x768xf32, #tpu.memory_space<vmem_shared>>) target_semaphore(%arg9 : memref<!tpu.dma_semaphore, #tpu.memory_space<semaphore_mem>>)
      %slice3A_399 = vector.extract_strided_slice %get3A_302 {offsets = [12], sizes = [1], strides = [1]} : vector<16xi32> to vector<1xi32>
      %squeeze3A_400 = vector.extract %slice3A_399[0] : i32 from vector<1xi32>
      %add3A_401 = arith.constant 44 : i32
      %add3A_402 = arith.addi %add3A_26, %add3A_401 : i32
      %dma_start3A_403 = arith.constant 0 : i32
      %dma_start3A_404 = tpu.memref_slice %arg6[%add3A_402, %dma_start3A_403] : memref<2560x768xf32, #tpu.memory_space<vmem_shared>> -> memref<1x768xf32, #tpu.memory_space<vmem_shared>>
      %dma_start3A_405 = arith.constant 0 : i32
      %dma_start3A_406 = tpu.memref_slice %arg3[%squeeze3A_400, %dma_start3A_405] : memref<49408x768xf32, #tpu.memory_space<hbm>> -> memref<1x768xf32, #tpu.memory_space<hbm>>
      tpu.enqueue_dma source(%dma_start3A_406 : memref<1x768xf32, #tpu.memory_space<hbm>>) target(%dma_start3A_404 : memref<1x768xf32, #tpu.memory_space<vmem_shared>>) target_semaphore(%arg9 : memref<!tpu.dma_semaphore, #tpu.memory_space<semaphore_mem>>)
      %slice3A_407 = vector.extract_strided_slice %get3A_302 {offsets = [13], sizes = [1], strides = [1]} : vector<16xi32> to vector<1xi32>
      %squeeze3A_408 = vector.extract %slice3A_407[0] : i32 from vector<1xi32>
      %add3A_409 = arith.constant 45 : i32
      %add3A_410 = arith.addi %add3A_26, %add3A_409 : i32
      %dma_start3A_411 = arith.constant 0 : i32
      %dma_start3A_412 = tpu.memref_slice %arg6[%add3A_410, %dma_start3A_411] : memref<2560x768xf32, #tpu.memory_space<vmem_shared>> -> memref<1x768xf32, #tpu.memory_space<vmem_shared>>
      %dma_start3A_413 = arith.constant 0 : i32
      %dma_start3A_414 = tpu.memref_slice %arg3[%squeeze3A_408, %dma_start3A_413] : memref<49408x768xf32, #tpu.memory_space<hbm>> -> memref<1x768xf32, #tpu.memory_space<hbm>>
      tpu.enqueue_dma source(%dma_start3A_414 : memref<1x768xf32, #tpu.memory_space<hbm>>) target(%dma_start3A_412 : memref<1x768xf32, #tpu.memory_space<vmem_shared>>) target_semaphore(%arg9 : memref<!tpu.dma_semaphore, #tpu.memory_space<semaphore_mem>>)
      %slice3A_415 = vector.extract_strided_slice %get3A_302 {offsets = [14], sizes = [1], strides = [1]} : vector<16xi32> to vector<1xi32>
      %squeeze3A_416 = vector.extract %slice3A_415[0] : i32 from vector<1xi32>
      %add3A_417 = arith.constant 46 : i32
      %add3A_418 = arith.addi %add3A_26, %add3A_417 : i32
      %dma_start3A_419 = arith.constant 0 : i32
      %dma_start3A_420 = tpu.memref_slice %arg6[%add3A_418, %dma_start3A_419] : memref<2560x768xf32, #tpu.memory_space<vmem_shared>> -> memref<1x768xf32, #tpu.memory_space<vmem_shared>>
      %dma_start3A_421 = arith.constant 0 : i32
      %dma_start3A_422 = tpu.memref_slice %arg3[%squeeze3A_416, %dma_start3A_421] : memref<49408x768xf32, #tpu.memory_space<hbm>> -> memref<1x768xf32, #tpu.memory_space<hbm>>
      tpu.enqueue_dma source(%dma_start3A_422 : memref<1x768xf32, #tpu.memory_space<hbm>>) target(%dma_start3A_420 : memref<1x768xf32, #tpu.memory_space<vmem_shared>>) target_semaphore(%arg9 : memref<!tpu.dma_semaphore, #tpu.memory_space<semaphore_mem>>)
      %slice3A_423 = vector.extract_strided_slice %get3A_302 {offsets = [15], sizes = [1], strides = [1]} : vector<16xi32> to vector<1xi32>
      %squeeze3A_424 = vector.extract %slice3A_423[0] : i32 from vector<1xi32>
      %add3A_425 = arith.constant 47 : i32
      %add3A_426 = arith.addi %add3A_26, %add3A_425 : i32
      %dma_start3A_427 = arith.constant 0 : i32
      %dma_start3A_428 = tpu.memref_slice %arg6[%add3A_426, %dma_start3A_427] : memref<2560x768xf32, #tpu.memory_space<vmem_shared>> -> memref<1x768xf32, #tpu.memory_space<vmem_shared>>
      %dma_start3A_429 = arith.constant 0 : i32
      %dma_start3A_430 = tpu.memref_slice %arg3[%squeeze3A_424, %dma_start3A_429] : memref<49408x768xf32, #tpu.memory_space<hbm>> -> memref<1x768xf32, #tpu.memory_space<hbm>>
      tpu.enqueue_dma source(%dma_start3A_430 : memref<1x768xf32, #tpu.memory_space<hbm>>) target(%dma_start3A_428 : memref<1x768xf32, #tpu.memory_space<vmem_shared>>) target_semaphore(%arg9 : memref<!tpu.dma_semaphore, #tpu.memory_space<semaphore_mem>>)
      %mul3A_431 = arith.constant 80 : i32
      %mul3A_432 = arith.muli %scan3A_22, %mul3A_431 : i32
      %add3A_433 = arith.constant 48 : i32
      %add3A_434 = arith.addi %mul3A_432, %add3A_433 : i32
      %get3A_435 = arith.index_cast %add3A_434 : i32 to index
      %get3A_436 = tpu.vector_load %arg5[%get3A_435] {strides = array<i32>} : memref<1280xi32, #tpu.memory_space<vmem>>, vector<16xi32>,
      %get3A_437 = vector.shape_cast %get3A_436 : vector<16xi32> to vector<16xi32>
      %slice3A_438 = vector.extract_strided_slice %get3A_437 {offsets = [0], sizes = [1], strides = [1]} : vector<16xi32> to vector<1xi32>
      %squeeze3A_439 = vector.extract %slice3A_438[0] : i32 from vector<1xi32>
      %add3A_440 = arith.constant 48 : i32
      %add3A_441 = arith.addi %add3A_26, %add3A_440 : i32
      %dma_start3A_442 = arith.constant 0 : i32
      %dma_start3A_443 = tpu.memref_slice %arg6[%add3A_441, %dma_start3A_442] : memref<2560x768xf32, #tpu.memory_space<vmem_shared>> -> memref<1x768xf32, #tpu.memory_space<vmem_shared>>
      %dma_start3A_444 = arith.constant 0 : i32
      %dma_start3A_445 = tpu.memref_slice %arg3[%squeeze3A_439, %dma_start3A_444] : memref<49408x768xf32, #tpu.memory_space<hbm>> -> memref<1x768xf32, #tpu.memory_space<hbm>>
      tpu.enqueue_dma source(%dma_start3A_445 : memref<1x768xf32, #tpu.memory_space<hbm>>) target(%dma_start3A_443 : memref<1x768xf32, #tpu.memory_space<vmem_shared>>) target_semaphore(%arg9 : memref<!tpu.dma_semaphore, #tpu.memory_space<semaphore_mem>>)
      %slice3A_446 = vector.extract_strided_slice %get3A_437 {offsets = [1], sizes = [1], strides = [1]} : vector<16xi32> to vector<1xi32>
      %squeeze3A_447 = vector.extract %slice3A_446[0] : i32 from vector<1xi32>
      %add3A_448 = arith.constant 49 : i32
      %add3A_449 = arith.addi %add3A_26, %add3A_448 : i32
      %dma_start3A_450 = arith.constant 0 : i32
      %dma_start3A_451 = tpu.memref_slice %arg6[%add3A_449, %dma_start3A_450] : memref<2560x768xf32, #tpu.memory_space<vmem_shared>> -> memref<1x768xf32, #tpu.memory_space<vmem_shared>>
      %dma_start3A_452 = arith.constant 0 : i32
      %dma_start3A_453 = tpu.memref_slice %arg3[%squeeze3A_447, %dma_start3A_452] : memref<49408x768xf32, #tpu.memory_space<hbm>> -> memref<1x768xf32, #tpu.memory_space<hbm>>
      tpu.enqueue_dma source(%dma_start3A_453 : memref<1x768xf32, #tpu.memory_space<hbm>>) target(%dma_start3A_451 : memref<1x768xf32, #tpu.memory_space<vmem_shared>>) target_semaphore(%arg9 : memref<!tpu.dma_semaphore, #tpu.memory_space<semaphore_mem>>)
      %slice3A_454 = vector.extract_strided_slice %get3A_437 {offsets = [2], sizes = [1], strides = [1]} : vector<16xi32> to vector<1xi32>
      %squeeze3A_455 = vector.extract %slice3A_454[0] : i32 from vector<1xi32>
      %add3A_456 = arith.constant 50 : i32
      %add3A_457 = arith.addi %add3A_26, %add3A_456 : i32
      %dma_start3A_458 = arith.constant 0 : i32
      %dma_start3A_459 = tpu.memref_slice %arg6[%add3A_457, %dma_start3A_458] : memref<2560x768xf32, #tpu.memory_space<vmem_shared>> -> memref<1x768xf32, #tpu.memory_space<vmem_shared>>
      %dma_start3A_460 = arith.constant 0 : i32
      %dma_start3A_461 = tpu.memref_slice %arg3[%squeeze3A_455, %dma_start3A_460] : memref<49408x768xf32, #tpu.memory_space<hbm>> -> memref<1x768xf32, #tpu.memory_space<hbm>>
      tpu.enqueue_dma source(%dma_start3A_461 : memref<1x768xf32, #tpu.memory_space<hbm>>) target(%dma_start3A_459 : memref<1x768xf32, #tpu.memory_space<vmem_shared>>) target_semaphore(%arg9 : memref<!tpu.dma_semaphore, #tpu.memory_space<semaphore_mem>>)
      %slice3A_462 = vector.extract_strided_slice %get3A_437 {offsets = [3], sizes = [1], strides = [1]} : vector<16xi32> to vector<1xi32>
      %squeeze3A_463 = vector.extract %slice3A_462[0] : i32 from vector<1xi32>
      %add3A_464 = arith.constant 51 : i32
      %add3A_465 = arith.addi %add3A_26, %add3A_464 : i32
      %dma_start3A_466 = arith.constant 0 : i32
      %dma_start3A_467 = tpu.memref_slice %arg6[%add3A_465, %dma_start3A_466] : memref<2560x768xf32, #tpu.memory_space<vmem_shared>> -> memref<1x768xf32, #tpu.memory_space<vmem_shared>>
      %dma_start3A_468 = arith.constant 0 : i32
      %dma_start3A_469 = tpu.memref_slice %arg3[%squeeze3A_463, %dma_start3A_468] : memref<49408x768xf32, #tpu.memory_space<hbm>> -> memref<1x768xf32, #tpu.memory_space<hbm>>
      tpu.enqueue_dma source(%dma_start3A_469 : memref<1x768xf32, #tpu.memory_space<hbm>>) target(%dma_start3A_467 : memref<1x768xf32, #tpu.memory_space<vmem_shared>>) target_semaphore(%arg9 : memref<!tpu.dma_semaphore, #tpu.memory_space<semaphore_mem>>)
      %slice3A_470 = vector.extract_strided_slice %get3A_437 {offsets = [4], sizes = [1], strides = [1]} : vector<16xi32> to vector<1xi32>
      %squeeze3A_471 = vector.extract %slice3A_470[0] : i32 from vector<1xi32>
      %add3A_472 = arith.constant 52 : i32
      %add3A_473 = arith.addi %add3A_26, %add3A_472 : i32
      %dma_start3A_474 = arith.constant 0 : i32
      %dma_start3A_475 = tpu.memref_slice %arg6[%add3A_473, %dma_start3A_474] : memref<2560x768xf32, #tpu.memory_space<vmem_shared>> -> memref<1x768xf32, #tpu.memory_space<vmem_shared>>
      %dma_start3A_476 = arith.constant 0 : i32
      %dma_start3A_477 = tpu.memref_slice %arg3[%squeeze3A_471, %dma_start3A_476] : memref<49408x768xf32, #tpu.memory_space<hbm>> -> memref<1x768xf32, #tpu.memory_space<hbm>>
      tpu.enqueue_dma source(%dma_start3A_477 : memref<1x768xf32, #tpu.memory_space<hbm>>) target(%dma_start3A_475 : memref<1x768xf32, #tpu.memory_space<vmem_shared>>) target_semaphore(%arg9 : memref<!tpu.dma_semaphore, #tpu.memory_space<semaphore_mem>>)
      %slice3A_478 = vector.extract_strided_slice %get3A_437 {offsets = [5], sizes = [1], strides = [1]} : vector<16xi32> to vector<1xi32>
      %squeeze3A_479 = vector.extract %slice3A_478[0] : i32 from vector<1xi32>
      %add3A_480 = arith.constant 53 : i32
      %add3A_481 = arith.addi %add3A_26, %add3A_480 : i32
      %dma_start3A_482 = arith.constant 0 : i32
      %dma_start3A_483 = tpu.memref_slice %arg6[%add3A_481, %dma_start3A_482] : memref<2560x768xf32, #tpu.memory_space<vmem_shared>> -> memref<1x768xf32, #tpu.memory_space<vmem_shared>>
      %dma_start3A_484 = arith.constant 0 : i32
      %dma_start3A_485 = tpu.memref_slice %arg3[%squeeze3A_479, %dma_start3A_484] : memref<49408x768xf32, #tpu.memory_space<hbm>> -> memref<1x768xf32, #tpu.memory_space<hbm>>
      tpu.enqueue_dma source(%dma_start3A_485 : memref<1x768xf32, #tpu.memory_space<hbm>>) target(%dma_start3A_483 : memref<1x768xf32, #tpu.memory_space<vmem_shared>>) target_semaphore(%arg9 : memref<!tpu.dma_semaphore, #tpu.memory_space<semaphore_mem>>)
      %slice3A_486 = vector.extract_strided_slice %get3A_437 {offsets = [6], sizes = [1], strides = [1]} : vector<16xi32> to vector<1xi32>
      %squeeze3A_487 = vector.extract %slice3A_486[0] : i32 from vector<1xi32>
      %add3A_488 = arith.constant 54 : i32
      %add3A_489 = arith.addi %add3A_26, %add3A_488 : i32
      %dma_start3A_490 = arith.constant 0 : i32
      %dma_start3A_491 = tpu.memref_slice %arg6[%add3A_489, %dma_start3A_490] : memref<2560x768xf32, #tpu.memory_space<vmem_shared>> -> memref<1x768xf32, #tpu.memory_space<vmem_shared>>
      %dma_start3A_492 = arith.constant 0 : i32
      %dma_start3A_493 = tpu.memref_slice %arg3[%squeeze3A_487, %dma_start3A_492] : memref<49408x768xf32, #tpu.memory_space<hbm>> -> memref<1x768xf32, #tpu.memory_space<hbm>>
      tpu.enqueue_dma source(%dma_start3A_493 : memref<1x768xf32, #tpu.memory_space<hbm>>) target(%dma_start3A_491 : memref<1x768xf32, #tpu.memory_space<vmem_shared>>) target_semaphore(%arg9 : memref<!tpu.dma_semaphore, #tpu.memory_space<semaphore_mem>>)
      %slice3A_494 = vector.extract_strided_slice %get3A_437 {offsets = [7], sizes = [1], strides = [1]} : vector<16xi32> to vector<1xi32>
      %squeeze3A_495 = vector.extract %slice3A_494[0] : i32 from vector<1xi32>
      %add3A_496 = arith.constant 55 : i32
      %add3A_497 = arith.addi %add3A_26, %add3A_496 : i32
      %dma_start3A_498 = arith.constant 0 : i32
      %dma_start3A_499 = tpu.memref_slice %arg6[%add3A_497, %dma_start3A_498] : memref<2560x768xf32, #tpu.memory_space<vmem_shared>> -> memref<1x768xf32, #tpu.memory_space<vmem_shared>>
      %dma_start3A_500 = arith.constant 0 : i32
      %dma_start3A_501 = tpu.memref_slice %arg3[%squeeze3A_495, %dma_start3A_500] : memref<49408x768xf32, #tpu.memory_space<hbm>> -> memref<1x768xf32, #tpu.memory_space<hbm>>
      tpu.enqueue_dma source(%dma_start3A_501 : memref<1x768xf32, #tpu.memory_space<hbm>>) target(%dma_start3A_499 : memref<1x768xf32, #tpu.memory_space<vmem_shared>>) target_semaphore(%arg9 : memref<!tpu.dma_semaphore, #tpu.memory_space<semaphore_mem>>)
      %slice3A_502 = vector.extract_strided_slice %get3A_437 {offsets = [8], sizes = [1], strides = [1]} : vector<16xi32> to vector<1xi32>
      %squeeze3A_503 = vector.extract %slice3A_502[0] : i32 from vector<1xi32>
      %add3A_504 = arith.constant 56 : i32
      %add3A_505 = arith.addi %add3A_26, %add3A_504 : i32
      %dma_start3A_506 = arith.constant 0 : i32
      %dma_start3A_507 = tpu.memref_slice %arg6[%add3A_505, %dma_start3A_506] : memref<2560x768xf32, #tpu.memory_space<vmem_shared>> -> memref<1x768xf32, #tpu.memory_space<vmem_shared>>
      %dma_start3A_508 = arith.constant 0 : i32
      %dma_start3A_509 = tpu.memref_slice %arg3[%squeeze3A_503, %dma_start3A_508] : memref<49408x768xf32, #tpu.memory_space<hbm>> -> memref<1x768xf32, #tpu.memory_space<hbm>>
      tpu.enqueue_dma source(%dma_start3A_509 : memref<1x768xf32, #tpu.memory_space<hbm>>) target(%dma_start3A_507 : memref<1x768xf32, #tpu.memory_space<vmem_shared>>) target_semaphore(%arg9 : memref<!tpu.dma_semaphore, #tpu.memory_space<semaphore_mem>>)
      %slice3A_510 = vector.extract_strided_slice %get3A_437 {offsets = [9], sizes = [1], strides = [1]} : vector<16xi32> to vector<1xi32>
      %squeeze3A_511 = vector.extract %slice3A_510[0] : i32 from vector<1xi32>
      %add3A_512 = arith.constant 57 : i32
      %add3A_513 = arith.addi %add3A_26, %add3A_512 : i32
      %dma_start3A_514 = arith.constant 0 : i32
      %dma_start3A_515 = tpu.memref_slice %arg6[%add3A_513, %dma_start3A_514] : memref<2560x768xf32, #tpu.memory_space<vmem_shared>> -> memref<1x768xf32, #tpu.memory_space<vmem_shared>>
      %dma_start3A_516 = arith.constant 0 : i32
      %dma_start3A_517 = tpu.memref_slice %arg3[%squeeze3A_511, %dma_start3A_516] : memref<49408x768xf32, #tpu.memory_space<hbm>> -> memref<1x768xf32, #tpu.memory_space<hbm>>
      tpu.enqueue_dma source(%dma_start3A_517 : memref<1x768xf32, #tpu.memory_space<hbm>>) target(%dma_start3A_515 : memref<1x768xf32, #tpu.memory_space<vmem_shared>>) target_semaphore(%arg9 : memref<!tpu.dma_semaphore, #tpu.memory_space<semaphore_mem>>)
      %slice3A_518 = vector.extract_strided_slice %get3A_437 {offsets = [10], sizes = [1], strides = [1]} : vector<16xi32> to vector<1xi32>
      %squeeze3A_519 = vector.extract %slice3A_518[0] : i32 from vector<1xi32>
      %add3A_520 = arith.constant 58 : i32
      %add3A_521 = arith.addi %add3A_26, %add3A_520 : i32
      %dma_start3A_522 = arith.constant 0 : i32
      %dma_start3A_523 = tpu.memref_slice %arg6[%add3A_521, %dma_start3A_522] : memref<2560x768xf32, #tpu.memory_space<vmem_shared>> -> memref<1x768xf32, #tpu.memory_space<vmem_shared>>
      %dma_start3A_524 = arith.constant 0 : i32
      %dma_start3A_525 = tpu.memref_slice %arg3[%squeeze3A_519, %dma_start3A_524] : memref<49408x768xf32, #tpu.memory_space<hbm>> -> memref<1x768xf32, #tpu.memory_space<hbm>>
      tpu.enqueue_dma source(%dma_start3A_525 : memref<1x768xf32, #tpu.memory_space<hbm>>) target(%dma_start3A_523 : memref<1x768xf32, #tpu.memory_space<vmem_shared>>) target_semaphore(%arg9 : memref<!tpu.dma_semaphore, #tpu.memory_space<semaphore_mem>>)
      %slice3A_526 = vector.extract_strided_slice %get3A_437 {offsets = [11], sizes = [1], strides = [1]} : vector<16xi32> to vector<1xi32>
      %squeeze3A_527 = vector.extract %slice3A_526[0] : i32 from vector<1xi32>
      %add3A_528 = arith.constant 59 : i32
      %add3A_529 = arith.addi %add3A_26, %add3A_528 : i32
      %dma_start3A_530 = arith.constant 0 : i32
      %dma_start3A_531 = tpu.memref_slice %arg6[%add3A_529, %dma_start3A_530] : memref<2560x768xf32, #tpu.memory_space<vmem_shared>> -> memref<1x768xf32, #tpu.memory_space<vmem_shared>>
      %dma_start3A_532 = arith.constant 0 : i32
      %dma_start3A_533 = tpu.memref_slice %arg3[%squeeze3A_527, %dma_start3A_532] : memref<49408x768xf32, #tpu.memory_space<hbm>> -> memref<1x768xf32, #tpu.memory_space<hbm>>
      tpu.enqueue_dma source(%dma_start3A_533 : memref<1x768xf32, #tpu.memory_space<hbm>>) target(%dma_start3A_531 : memref<1x768xf32, #tpu.memory_space<vmem_shared>>) target_semaphore(%arg9 : memref<!tpu.dma_semaphore, #tpu.memory_space<semaphore_mem>>)
      %slice3A_534 = vector.extract_strided_slice %get3A_437 {offsets = [12], sizes = [1], strides = [1]} : vector<16xi32> to vector<1xi32>
      %squeeze3A_535 = vector.extract %slice3A_534[0] : i32 from vector<1xi32>
      %add3A_536 = arith.constant 60 : i32
      %add3A_537 = arith.addi %add3A_26, %add3A_536 : i32
      %dma_start3A_538 = arith.constant 0 : i32
      %dma_start3A_539 = tpu.memref_slice %arg6[%add3A_537, %dma_start3A_538] : memref<2560x768xf32, #tpu.memory_space<vmem_shared>> -> memref<1x768xf32, #tpu.memory_space<vmem_shared>>
      %dma_start3A_540 = arith.constant 0 : i32
      %dma_start3A_541 = tpu.memref_slice %arg3[%squeeze3A_535, %dma_start3A_540] : memref<49408x768xf32, #tpu.memory_space<hbm>> -> memref<1x768xf32, #tpu.memory_space<hbm>>
      tpu.enqueue_dma source(%dma_start3A_541 : memref<1x768xf32, #tpu.memory_space<hbm>>) target(%dma_start3A_539 : memref<1x768xf32, #tpu.memory_space<vmem_shared>>) target_semaphore(%arg9 : memref<!tpu.dma_semaphore, #tpu.memory_space<semaphore_mem>>)
      %slice3A_542 = vector.extract_strided_slice %get3A_437 {offsets = [13], sizes = [1], strides = [1]} : vector<16xi32> to vector<1xi32>
      %squeeze3A_543 = vector.extract %slice3A_542[0] : i32 from vector<1xi32>
      %add3A_544 = arith.constant 61 : i32
      %add3A_545 = arith.addi %add3A_26, %add3A_544 : i32
      %dma_start3A_546 = arith.constant 0 : i32
      %dma_start3A_547 = tpu.memref_slice %arg6[%add3A_545, %dma_start3A_546] : memref<2560x768xf32, #tpu.memory_space<vmem_shared>> -> memref<1x768xf32, #tpu.memory_space<vmem_shared>>
      %dma_start3A_548 = arith.constant 0 : i32
      %dma_start3A_549 = tpu.memref_slice %arg3[%squeeze3A_543, %dma_start3A_548] : memref<49408x768xf32, #tpu.memory_space<hbm>> -> memref<1x768xf32, #tpu.memory_space<hbm>>
      tpu.enqueue_dma source(%dma_start3A_549 : memref<1x768xf32, #tpu.memory_space<hbm>>) target(%dma_start3A_547 : memref<1x768xf32, #tpu.memory_space<vmem_shared>>) target_semaphore(%arg9 : memref<!tpu.dma_semaphore, #tpu.memory_space<semaphore_mem>>)
      %slice3A_550 = vector.extract_strided_slice %get3A_437 {offsets = [14], sizes = [1], strides = [1]} : vector<16xi32> to vector<1xi32>
      %squeeze3A_551 = vector.extract %slice3A_550[0] : i32 from vector<1xi32>
      %add3A_552 = arith.constant 62 : i32
      %add3A_553 = arith.addi %add3A_26, %add3A_552 : i32
      %dma_start3A_554 = arith.constant 0 : i32
      %dma_start3A_555 = tpu.memref_slice %arg6[%add3A_553, %dma_start3A_554] : memref<2560x768xf32, #tpu.memory_space<vmem_shared>> -> memref<1x768xf32, #tpu.memory_space<vmem_shared>>
      %dma_start3A_556 = arith.constant 0 : i32
      %dma_start3A_557 = tpu.memref_slice %arg3[%squeeze3A_551, %dma_start3A_556] : memref<49408x768xf32, #tpu.memory_space<hbm>> -> memref<1x768xf32, #tpu.memory_space<hbm>>
      tpu.enqueue_dma source(%dma_start3A_557 : memref<1x768xf32, #tpu.memory_space<hbm>>) target(%dma_start3A_555 : memref<1x768xf32, #tpu.memory_space<vmem_shared>>) target_semaphore(%arg9 : memref<!tpu.dma_semaphore, #tpu.memory_space<semaphore_mem>>)
      %slice3A_558 = vector.extract_strided_slice %get3A_437 {offsets = [15], sizes = [1], strides = [1]} : vector<16xi32> to vector<1xi32>
      %squeeze3A_559 = vector.extract %slice3A_558[0] : i32 from vector<1xi32>
      %add3A_560 = arith.constant 63 : i32
      %add3A_561 = arith.addi %add3A_26, %add3A_560 : i32
      %dma_start3A_562 = arith.constant 0 : i32
      %dma_start3A_563 = tpu.memref_slice %arg6[%add3A_561, %dma_start3A_562] : memref<2560x768xf32, #tpu.memory_space<vmem_shared>> -> memref<1x768xf32, #tpu.memory_space<vmem_shared>>
      %dma_start3A_564 = arith.constant 0 : i32
      %dma_start3A_565 = tpu.memref_slice %arg3[%squeeze3A_559, %dma_start3A_564] : memref<49408x768xf32, #tpu.memory_space<hbm>> -> memref<1x768xf32, #tpu.memory_space<hbm>>
      tpu.enqueue_dma source(%dma_start3A_565 : memref<1x768xf32, #tpu.memory_space<hbm>>) target(%dma_start3A_563 : memref<1x768xf32, #tpu.memory_space<vmem_shared>>) target_semaphore(%arg9 : memref<!tpu.dma_semaphore, #tpu.memory_space<semaphore_mem>>)
      %mul3A_566 = arith.constant 80 : i32
      %mul3A_567 = arith.muli %scan3A_22, %mul3A_566 : i32
      %add3A_568 = arith.constant 64 : i32
      %add3A_569 = arith.addi %mul3A_567, %add3A_568 : i32
      %get3A_570 = arith.index_cast %add3A_569 : i32 to index
      %get3A_571 = tpu.vector_load %arg5[%get3A_570] {strides = array<i32>} : memref<1280xi32, #tpu.memory_space<vmem>>, vector<16xi32>,
      %get3A_572 = vector.shape_cast %get3A_571 : vector<16xi32> to vector<16xi32>
      %slice3A_573 = vector.extract_strided_slice %get3A_572 {offsets = [0], sizes = [1], strides = [1]} : vector<16xi32> to vector<1xi32>
      %squeeze3A_574 = vector.extract %slice3A_573[0] : i32 from vector<1xi32>
      %add3A_575 = arith.constant 64 : i32
      %add3A_576 = arith.addi %add3A_26, %add3A_575 : i32
      %dma_start3A_577 = arith.constant 0 : i32
      %dma_start3A_578 = tpu.memref_slice %arg6[%add3A_576, %dma_start3A_577] : memref<2560x768xf32, #tpu.memory_space<vmem_shared>> -> memref<1x768xf32, #tpu.memory_space<vmem_shared>>
      %dma_start3A_579 = arith.constant 0 : i32
      %dma_start3A_580 = tpu.memref_slice %arg3[%squeeze3A_574, %dma_start3A_579] : memref<49408x768xf32, #tpu.memory_space<hbm>> -> memref<1x768xf32, #tpu.memory_space<hbm>>
      tpu.enqueue_dma source(%dma_start3A_580 : memref<1x768xf32, #tpu.memory_space<hbm>>) target(%dma_start3A_578 : memref<1x768xf32, #tpu.memory_space<vmem_shared>>) target_semaphore(%arg9 : memref<!tpu.dma_semaphore, #tpu.memory_space<semaphore_mem>>)
      %slice3A_581 = vector.extract_strided_slice %get3A_572 {offsets = [1], sizes = [1], strides = [1]} : vector<16xi32> to vector<1xi32>
      %squeeze3A_582 = vector.extract %slice3A_581[0] : i32 from vector<1xi32>
      %add3A_583 = arith.constant 65 : i32
      %add3A_584 = arith.addi %add3A_26, %add3A_583 : i32
      %dma_start3A_585 = arith.constant 0 : i32
      %dma_start3A_586 = tpu.memref_slice %arg6[%add3A_584, %dma_start3A_585] : memref<2560x768xf32, #tpu.memory_space<vmem_shared>> -> memref<1x768xf32, #tpu.memory_space<vmem_shared>>
      %dma_start3A_587 = arith.constant 0 : i32
      %dma_start3A_588 = tpu.memref_slice %arg3[%squeeze3A_582, %dma_start3A_587] : memref<49408x768xf32, #tpu.memory_space<hbm>> -> memref<1x768xf32, #tpu.memory_space<hbm>>
      tpu.enqueue_dma source(%dma_start3A_588 : memref<1x768xf32, #tpu.memory_space<hbm>>) target(%dma_start3A_586 : memref<1x768xf32, #tpu.memory_space<vmem_shared>>) target_semaphore(%arg9 : memref<!tpu.dma_semaphore, #tpu.memory_space<semaphore_mem>>)
      %slice3A_589 = vector.extract_strided_slice %get3A_572 {offsets = [2], sizes = [1], strides = [1]} : vector<16xi32> to vector<1xi32>
      %squeeze3A_590 = vector.extract %slice3A_589[0] : i32 from vector<1xi32>
      %add3A_591 = arith.constant 66 : i32
      %add3A_592 = arith.addi %add3A_26, %add3A_591 : i32
      %dma_start3A_593 = arith.constant 0 : i32
      %dma_start3A_594 = tpu.memref_slice %arg6[%add3A_592, %dma_start3A_593] : memref<2560x768xf32, #tpu.memory_space<vmem_shared>> -> memref<1x768xf32, #tpu.memory_space<vmem_shared>>
      %dma_start3A_595 = arith.constant 0 : i32
      %dma_start3A_596 = tpu.memref_slice %arg3[%squeeze3A_590, %dma_start3A_595] : memref<49408x768xf32, #tpu.memory_space<hbm>> -> memref<1x768xf32, #tpu.memory_space<hbm>>
      tpu.enqueue_dma source(%dma_start3A_596 : memref<1x768xf32, #tpu.memory_space<hbm>>) target(%dma_start3A_594 : memref<1x768xf32, #tpu.memory_space<vmem_shared>>) target_semaphore(%arg9 : memref<!tpu.dma_semaphore, #tpu.memory_space<semaphore_mem>>)
      %slice3A_597 = vector.extract_strided_slice %get3A_572 {offsets = [3], sizes = [1], strides = [1]} : vector<16xi32> to vector<1xi32>
      %squeeze3A_598 = vector.extract %slice3A_597[0] : i32 from vector<1xi32>
      %add3A_599 = arith.constant 67 : i32
      %add3A_600 = arith.addi %add3A_26, %add3A_599 : i32
      %dma_start3A_601 = arith.constant 0 : i32
      %dma_start3A_602 = tpu.memref_slice %arg6[%add3A_600, %dma_start3A_601] : memref<2560x768xf32, #tpu.memory_space<vmem_shared>> -> memref<1x768xf32, #tpu.memory_space<vmem_shared>>
      %dma_start3A_603 = arith.constant 0 : i32
      %dma_start3A_604 = tpu.memref_slice %arg3[%squeeze3A_598, %dma_start3A_603] : memref<49408x768xf32, #tpu.memory_space<hbm>> -> memref<1x768xf32, #tpu.memory_space<hbm>>
      tpu.enqueue_dma source(%dma_start3A_604 : memref<1x768xf32, #tpu.memory_space<hbm>>) target(%dma_start3A_602 : memref<1x768xf32, #tpu.memory_space<vmem_shared>>) target_semaphore(%arg9 : memref<!tpu.dma_semaphore, #tpu.memory_space<semaphore_mem>>)
      %slice3A_605 = vector.extract_strided_slice %get3A_572 {offsets = [4], sizes = [1], strides = [1]} : vector<16xi32> to vector<1xi32>
      %squeeze3A_606 = vector.extract %slice3A_605[0] : i32 from vector<1xi32>
      %add3A_607 = arith.constant 68 : i32
      %add3A_608 = arith.addi %add3A_26, %add3A_607 : i32
      %dma_start3A_609 = arith.constant 0 : i32
      %dma_start3A_610 = tpu.memref_slice %arg6[%add3A_608, %dma_start3A_609] : memref<2560x768xf32, #tpu.memory_space<vmem_shared>> -> memref<1x768xf32, #tpu.memory_space<vmem_shared>>
      %dma_start3A_611 = arith.constant 0 : i32
      %dma_start3A_612 = tpu.memref_slice %arg3[%squeeze3A_606, %dma_start3A_611] : memref<49408x768xf32, #tpu.memory_space<hbm>> -> memref<1x768xf32, #tpu.memory_space<hbm>>
      tpu.enqueue_dma source(%dma_start3A_612 : memref<1x768xf32, #tpu.memory_space<hbm>>) target(%dma_start3A_610 : memref<1x768xf32, #tpu.memory_space<vmem_shared>>) target_semaphore(%arg9 : memref<!tpu.dma_semaphore, #tpu.memory_space<semaphore_mem>>)
      %slice3A_613 = vector.extract_strided_slice %get3A_572 {offsets = [5], sizes = [1], strides = [1]} : vector<16xi32> to vector<1xi32>
      %squeeze3A_614 = vector.extract %slice3A_613[0] : i32 from vector<1xi32>
      %add3A_615 = arith.constant 69 : i32
      %add3A_616 = arith.addi %add3A_26, %add3A_615 : i32
      %dma_start3A_617 = arith.constant 0 : i32
      %dma_start3A_618 = tpu.memref_slice %arg6[%add3A_616, %dma_start3A_617] : memref<2560x768xf32, #tpu.memory_space<vmem_shared>> -> memref<1x768xf32, #tpu.memory_space<vmem_shared>>
      %dma_start3A_619 = arith.constant 0 : i32
      %dma_start3A_620 = tpu.memref_slice %arg3[%squeeze3A_614, %dma_start3A_619] : memref<49408x768xf32, #tpu.memory_space<hbm>> -> memref<1x768xf32, #tpu.memory_space<hbm>>
      tpu.enqueue_dma source(%dma_start3A_620 : memref<1x768xf32, #tpu.memory_space<hbm>>) target(%dma_start3A_618 : memref<1x768xf32, #tpu.memory_space<vmem_shared>>) target_semaphore(%arg9 : memref<!tpu.dma_semaphore, #tpu.memory_space<semaphore_mem>>)
      %slice3A_621 = vector.extract_strided_slice %get3A_572 {offsets = [6], sizes = [1], strides = [1]} : vector<16xi32> to vector<1xi32>
      %squeeze3A_622 = vector.extract %slice3A_621[0] : i32 from vector<1xi32>
      %add3A_623 = arith.constant 70 : i32
      %add3A_624 = arith.addi %add3A_26, %add3A_623 : i32
      %dma_start3A_625 = arith.constant 0 : i32
      %dma_start3A_626 = tpu.memref_slice %arg6[%add3A_624, %dma_start3A_625] : memref<2560x768xf32, #tpu.memory_space<vmem_shared>> -> memref<1x768xf32, #tpu.memory_space<vmem_shared>>
      %dma_start3A_627 = arith.constant 0 : i32
      %dma_start3A_628 = tpu.memref_slice %arg3[%squeeze3A_622, %dma_start3A_627] : memref<49408x768xf32, #tpu.memory_space<hbm>> -> memref<1x768xf32, #tpu.memory_space<hbm>>
      tpu.enqueue_dma source(%dma_start3A_628 : memref<1x768xf32, #tpu.memory_space<hbm>>) target(%dma_start3A_626 : memref<1x768xf32, #tpu.memory_space<vmem_shared>>) target_semaphore(%arg9 : memref<!tpu.dma_semaphore, #tpu.memory_space<semaphore_mem>>)
      %slice3A_629 = vector.extract_strided_slice %get3A_572 {offsets = [7], sizes = [1], strides = [1]} : vector<16xi32> to vector<1xi32>
      %squeeze3A_630 = vector.extract %slice3A_629[0] : i32 from vector<1xi32>
      %add3A_631 = arith.constant 71 : i32
      %add3A_632 = arith.addi %add3A_26, %add3A_631 : i32
      %dma_start3A_633 = arith.constant 0 : i32
      %dma_start3A_634 = tpu.memref_slice %arg6[%add3A_632, %dma_start3A_633] : memref<2560x768xf32, #tpu.memory_space<vmem_shared>> -> memref<1x768xf32, #tpu.memory_space<vmem_shared>>
      %dma_start3A_635 = arith.constant 0 : i32
      %dma_start3A_636 = tpu.memref_slice %arg3[%squeeze3A_630, %dma_start3A_635] : memref<49408x768xf32, #tpu.memory_space<hbm>> -> memref<1x768xf32, #tpu.memory_space<hbm>>
      tpu.enqueue_dma source(%dma_start3A_636 : memref<1x768xf32, #tpu.memory_space<hbm>>) target(%dma_start3A_634 : memref<1x768xf32, #tpu.memory_space<vmem_shared>>) target_semaphore(%arg9 : memref<!tpu.dma_semaphore, #tpu.memory_space<semaphore_mem>>)
      %slice3A_637 = vector.extract_strided_slice %get3A_572 {offsets = [8], sizes = [1], strides = [1]} : vector<16xi32> to vector<1xi32>
      %squeeze3A_638 = vector.extract %slice3A_637[0] : i32 from vector<1xi32>
      %add3A_639 = arith.constant 72 : i32
      %add3A_640 = arith.addi %add3A_26, %add3A_639 : i32
      %dma_start3A_641 = arith.constant 0 : i32
      %dma_start3A_642 = tpu.memref_slice %arg6[%add3A_640, %dma_start3A_641] : memref<2560x768xf32, #tpu.memory_space<vmem_shared>> -> memref<1x768xf32, #tpu.memory_space<vmem_shared>>
      %dma_start3A_643 = arith.constant 0 : i32
      %dma_start3A_644 = tpu.memref_slice %arg3[%squeeze3A_638, %dma_start3A_643] : memref<49408x768xf32, #tpu.memory_space<hbm>> -> memref<1x768xf32, #tpu.memory_space<hbm>>
      tpu.enqueue_dma source(%dma_start3A_644 : memref<1x768xf32, #tpu.memory_space<hbm>>) target(%dma_start3A_642 : memref<1x768xf32, #tpu.memory_space<vmem_shared>>) target_semaphore(%arg9 : memref<!tpu.dma_semaphore, #tpu.memory_space<semaphore_mem>>)
      %slice3A_645 = vector.extract_strided_slice %get3A_572 {offsets = [9], sizes = [1], strides = [1]} : vector<16xi32> to vector<1xi32>
      %squeeze3A_646 = vector.extract %slice3A_645[0] : i32 from vector<1xi32>
      %add3A_647 = arith.constant 73 : i32
      %add3A_648 = arith.addi %add3A_26, %add3A_647 : i32
      %dma_start3A_649 = arith.constant 0 : i32
      %dma_start3A_650 = tpu.memref_slice %arg6[%add3A_648, %dma_start3A_649] : memref<2560x768xf32, #tpu.memory_space<vmem_shared>> -> memref<1x768xf32, #tpu.memory_space<vmem_shared>>
      %dma_start3A_651 = arith.constant 0 : i32
      %dma_start3A_652 = tpu.memref_slice %arg3[%squeeze3A_646, %dma_start3A_651] : memref<49408x768xf32, #tpu.memory_space<hbm>> -> memref<1x768xf32, #tpu.memory_space<hbm>>
      tpu.enqueue_dma source(%dma_start3A_652 : memref<1x768xf32, #tpu.memory_space<hbm>>) target(%dma_start3A_650 : memref<1x768xf32, #tpu.memory_space<vmem_shared>>) target_semaphore(%arg9 : memref<!tpu.dma_semaphore, #tpu.memory_space<semaphore_mem>>)
      %slice3A_653 = vector.extract_strided_slice %get3A_572 {offsets = [10], sizes = [1], strides = [1]} : vector<16xi32> to vector<1xi32>
      %squeeze3A_654 = vector.extract %slice3A_653[0] : i32 from vector<1xi32>
      %add3A_655 = arith.constant 74 : i32
      %add3A_656 = arith.addi %add3A_26, %add3A_655 : i32
      %dma_start3A_657 = arith.constant 0 : i32
      %dma_start3A_658 = tpu.memref_slice %arg6[%add3A_656, %dma_start3A_657] : memref<2560x768xf32, #tpu.memory_space<vmem_shared>> -> memref<1x768xf32, #tpu.memory_space<vmem_shared>>
      %dma_start3A_659 = arith.constant 0 : i32
      %dma_start3A_660 = tpu.memref_slice %arg3[%squeeze3A_654, %dma_start3A_659] : memref<49408x768xf32, #tpu.memory_space<hbm>> -> memref<1x768xf32, #tpu.memory_space<hbm>>
      tpu.enqueue_dma source(%dma_start3A_660 : memref<1x768xf32, #tpu.memory_space<hbm>>) target(%dma_start3A_658 : memref<1x768xf32, #tpu.memory_space<vmem_shared>>) target_semaphore(%arg9 : memref<!tpu.dma_semaphore, #tpu.memory_space<semaphore_mem>>)
      %slice3A_661 = vector.extract_strided_slice %get3A_572 {offsets = [11], sizes = [1], strides = [1]} : vector<16xi32> to vector<1xi32>
      %squeeze3A_662 = vector.extract %slice3A_661[0] : i32 from vector<1xi32>
      %add3A_663 = arith.constant 75 : i32
      %add3A_664 = arith.addi %add3A_26, %add3A_663 : i32
      %dma_start3A_665 = arith.constant 0 : i32
      %dma_start3A_666 = tpu.memref_slice %arg6[%add3A_664, %dma_start3A_665] : memref<2560x768xf32, #tpu.memory_space<vmem_shared>> -> memref<1x768xf32, #tpu.memory_space<vmem_shared>>
      %dma_start3A_667 = arith.constant 0 : i32
      %dma_start3A_668 = tpu.memref_slice %arg3[%squeeze3A_662, %dma_start3A_667] : memref<49408x768xf32, #tpu.memory_space<hbm>> -> memref<1x768xf32, #tpu.memory_space<hbm>>
      tpu.enqueue_dma source(%dma_start3A_668 : memref<1x768xf32, #tpu.memory_space<hbm>>) target(%dma_start3A_666 : memref<1x768xf32, #tpu.memory_space<vmem_shared>>) target_semaphore(%arg9 : memref<!tpu.dma_semaphore, #tpu.memory_space<semaphore_mem>>)
      %slice3A_669 = vector.extract_strided_slice %get3A_572 {offsets = [12], sizes = [1], strides = [1]} : vector<16xi32> to vector<1xi32>
      %squeeze3A_670 = vector.extract %slice3A_669[0] : i32 from vector<1xi32>
      %add3A_671 = arith.constant 76 : i32
      %add3A_672 = arith.addi %add3A_26, %add3A_671 : i32
      %dma_start3A_673 = arith.constant 0 : i32
      %dma_start3A_674 = tpu.memref_slice %arg6[%add3A_672, %dma_start3A_673] : memref<2560x768xf32, #tpu.memory_space<vmem_shared>> -> memref<1x768xf32, #tpu.memory_space<vmem_shared>>
      %dma_start3A_675 = arith.constant 0 : i32
      %dma_start3A_676 = tpu.memref_slice %arg3[%squeeze3A_670, %dma_start3A_675] : memref<49408x768xf32, #tpu.memory_space<hbm>> -> memref<1x768xf32, #tpu.memory_space<hbm>>
      tpu.enqueue_dma source(%dma_start3A_676 : memref<1x768xf32, #tpu.memory_space<hbm>>) target(%dma_start3A_674 : memref<1x768xf32, #tpu.memory_space<vmem_shared>>) target_semaphore(%arg9 : memref<!tpu.dma_semaphore, #tpu.memory_space<semaphore_mem>>)
      %slice3A_677 = vector.extract_strided_slice %get3A_572 {offsets = [13], sizes = [1], strides = [1]} : vector<16xi32> to vector<1xi32>
      %squeeze3A_678 = vector.extract %slice3A_677[0] : i32 from vector<1xi32>
      %add3A_679 = arith.constant 77 : i32
      %add3A_680 = arith.addi %add3A_26, %add3A_679 : i32
      %dma_start3A_681 = arith.constant 0 : i32
      %dma_start3A_682 = tpu.memref_slice %arg6[%add3A_680, %dma_start3A_681] : memref<2560x768xf32, #tpu.memory_space<vmem_shared>> -> memref<1x768xf32, #tpu.memory_space<vmem_shared>>
      %dma_start3A_683 = arith.constant 0 : i32
      %dma_start3A_684 = tpu.memref_slice %arg3[%squeeze3A_678, %dma_start3A_683] : memref<49408x768xf32, #tpu.memory_space<hbm>> -> memref<1x768xf32, #tpu.memory_space<hbm>>
      tpu.enqueue_dma source(%dma_start3A_684 : memref<1x768xf32, #tpu.memory_space<hbm>>) target(%dma_start3A_682 : memref<1x768xf32, #tpu.memory_space<vmem_shared>>) target_semaphore(%arg9 : memref<!tpu.dma_semaphore, #tpu.memory_space<semaphore_mem>>)
      %slice3A_685 = vector.extract_strided_slice %get3A_572 {offsets = [14], sizes = [1], strides = [1]} : vector<16xi32> to vector<1xi32>
      %squeeze3A_686 = vector.extract %slice3A_685[0] : i32 from vector<1xi32>
      %add3A_687 = arith.constant 78 : i32
      %add3A_688 = arith.addi %add3A_26, %add3A_687 : i32
      %dma_start3A_689 = arith.constant 0 : i32
      %dma_start3A_690 = tpu.memref_slice %arg6[%add3A_688, %dma_start3A_689] : memref<2560x768xf32, #tpu.memory_space<vmem_shared>> -> memref<1x768xf32, #tpu.memory_space<vmem_shared>>
      %dma_start3A_691 = arith.constant 0 : i32
      %dma_start3A_692 = tpu.memref_slice %arg3[%squeeze3A_686, %dma_start3A_691] : memref<49408x768xf32, #tpu.memory_space<hbm>> -> memref<1x768xf32, #tpu.memory_space<hbm>>
      tpu.enqueue_dma source(%dma_start3A_692 : memref<1x768xf32, #tpu.memory_space<hbm>>) target(%dma_start3A_690 : memref<1x768xf32, #tpu.memory_space<vmem_shared>>) target_semaphore(%arg9 : memref<!tpu.dma_semaphore, #tpu.memory_space<semaphore_mem>>)
      %slice3A_693 = vector.extract_strided_slice %get3A_572 {offsets = [15], sizes = [1], strides = [1]} : vector<16xi32> to vector<1xi32>
      %squeeze3A_694 = vector.extract %slice3A_693[0] : i32 from vector<1xi32>
      %add3A_695 = arith.constant 79 : i32
      %add3A_696 = arith.addi %add3A_26, %add3A_695 : i32
      %dma_start3A_697 = arith.constant 0 : i32
      %dma_start3A_698 = tpu.memref_slice %arg6[%add3A_696, %dma_start3A_697] : memref<2560x768xf32, #tpu.memory_space<vmem_shared>> -> memref<1x768xf32, #tpu.memory_space<vmem_shared>>
      %dma_start3A_699 = arith.constant 0 : i32
      %dma_start3A_700 = tpu.memref_slice %arg3[%squeeze3A_694, %dma_start3A_699] : memref<49408x768xf32, #tpu.memory_space<hbm>> -> memref<1x768xf32, #tpu.memory_space<hbm>>
      tpu.enqueue_dma source(%dma_start3A_700 : memref<1x768xf32, #tpu.memory_space<hbm>>) target(%dma_start3A_698 : memref<1x768xf32, #tpu.memory_space<vmem_shared>>) target_semaphore(%arg9 : memref<!tpu.dma_semaphore, #tpu.memory_space<semaphore_mem>>)
      %scan3A_701 = arith.constant 0 : i32
      %scan3A_702 = arith.constant 0 : i32
      %scan3A_703 = arith.constant 80 : i32
      %scan3A_704 = arith.addi %scan3A_702, %scan3A_703 : i32
      %scan3A_705 = arith.constant 1 : i32
      scf.for %scan3A_714 = %scan3A_702 to %scan3A_704 step %scan3A_705  : i32 {
        %dma_wait3A_715 = arith.constant 0 : i32
        %dma_wait3A_716 = tpu.memref_slice %arg6[%mul3A_10, %dma_wait3A_715] : memref<2560x768xf32, #tpu.memory_space<vmem_shared>> -> memref<1x768xf32, #tpu.memory_space<vmem_shared>>
        %dma_wait3A_717 = arith.constant 0 : i32
        %dma_wait3A_718 = arith.constant 0 : i32
        %dma_wait3A_719 = tpu.memref_slice %arg3[%dma_wait3A_717, %dma_wait3A_718] : memref<49408x768xf32, #tpu.memory_space<hbm>> -> memref<1x768xf32, #tpu.memory_space<hbm>>
        tpu.wait_dma2 semaphore(%arg9 : memref<!tpu.dma_semaphore, #tpu.memory_space<semaphore_mem>>) src(%dma_wait3A_719 : memref<1x768xf32, #tpu.memory_space<hbm>>) dst(%dma_wait3A_716 : memref<1x768xf32, #tpu.memory_space<vmem_shared>>)
      }
      %scan3A_706 = arith.constant 80 : i32
      %add3A_707 = arith.addi %mul3A_2, %scan3A_22 : i32
      %dma_start3A_708 = arith.constant 0 : i32
      %dma_start3A_709 = arith.constant 0 : i32
      %dma_start3A_710 = tpu.memref_slice %arg4[%add3A_707, %dma_start3A_708, %dma_start3A_709] : memref<512x80x768xf32, #tpu.memory_space<hbm>> -> memref<1x80x768xf32, #tpu.memory_space<hbm>>
      %dma_start3A_711 = tpu.memref_squeeze %dma_start3A_710 : memref<1x80x768xf32, #tpu.memory_space<hbm>> -> memref<80x768xf32, #tpu.memory_space<hbm>>
      %dma_start3A_712 = arith.constant 0 : i32
      %dma_start3A_713 = tpu.memref_slice %arg6[%add3A_26, %dma_start3A_712] : memref<2560x768xf32, #tpu.memory_space<vmem_shared>> -> memref<80x768xf32, #tpu.memory_space<vmem_shared>>
      tpu.enqueue_dma source(%dma_start3A_713 : memref<80x768xf32, #tpu.memory_space<vmem_shared>>) target(%dma_start3A_711 : memref<80x768xf32, #tpu.memory_space<hbm>>) target_semaphore(%arg8 : memref<!tpu.dma_semaphore, #tpu.memory_space<semaphore_mem>>)
    }
    %scan3A_15 = arith.constant 16 : i32
    %scan3A_16 = arith.constant 0 : i32
    %scan3A_17 = arith.constant 0 : i32
    %scan3A_18 = arith.constant 2 : i32
    %scan3A_19 = arith.addi %scan3A_17, %scan3A_18 : i32
    %scan3A_20 = arith.constant 1 : i32
    scf.for %scan3A_22 = %scan3A_17 to %scan3A_19 step %scan3A_20  : i32 {
      %dma_wait3A_23 = arith.constant 0 : i32
      %dma_wait3A_24 = arith.constant 0 : i32
      %dma_wait3A_25 = tpu.memref_slice %arg4[%mul3A_2, %dma_wait3A_23, %dma_wait3A_24] : memref<512x80x768xf32, #tpu.memory_space<hbm>> -> memref<1x80x768xf32, #tpu.memory_space<hbm>>
      %dma_wait3A_26 = tpu.memref_squeeze %dma_wait3A_25 : memref<1x80x768xf32, #tpu.memory_space<hbm>> -> memref<80x768xf32, #tpu.memory_space<hbm>>
      %dma_wait3A_27 = arith.constant 0 : i32
      %dma_wait3A_28 = tpu.memref_slice %arg6[%mul3A_10, %dma_wait3A_27] : memref<2560x768xf32, #tpu.memory_space<vmem_shared>> -> memref<80x768xf32, #tpu.memory_space<vmem_shared>>
      tpu.wait_dma2 semaphore(%arg8 : memref<!tpu.dma_semaphore, #tpu.memory_space<semaphore_mem>>) src(%dma_wait3A_28 : memref<80x768xf32, #tpu.memory_space<vmem_shared>>) dst(%dma_wait3A_26 : memref<80x768xf32, #tpu.memory_space<hbm>>)
    }
    %scan3A_21 = arith.constant 2 : i32
    return
  }
}

#map = affine_map<(d0, d1) -> (0)>
#map1 = affine_map<(d0, d1) -> (0, 0)>
#map2 = affine_map<(d0, d1) -> (0, 0, 0)>
module attributes {stable_mosaic.version = 14 : i64} {
  func.func @_gather_body(%arg0: i32, %arg1: i32, %arg2: memref<40960xi32, #tpu.memory_space<hbm>>, %arg3: memref<49408x768xf32, #tpu.memory_space<hbm>>, %arg4: memref<512x80x768xf32, #tpu.memory_space<hbm>>, %arg5: memref<1280xi32, #tpu.memory_space<vmem>>, %arg6: memref<2560x768xf32, #tpu.memory_space<vmem_shared>>, %arg7: memref<!tpu.dma_semaphore, #tpu.memory_space<semaphore_mem>>, %arg8: memref<!tpu.dma_semaphore, #tpu.memory_space<semaphore_mem>>, %arg9: memref<!tpu.dma_semaphore, #tpu.memory_space<semaphore_mem>>) attributes {dimension_semantics = [#tpu.dimension_semantics<core_parallel>, #tpu.dimension_semantics<subcore_parallel>], iteration_bounds = array<i64: 2, 16>, scalar_prefetch = 0 : i64, scratch_operands = 5 : i64, tpu.core_type = #tpu.core_type<sc_vector_subcore>, window_params = [{transform_indices = #map}, {transform_indices = #map1}, {transform_indices = #map2}]} {
    %mul3A = arith.constant 2 : i32
    %mul3A_0 = arith.muli %arg1, %mul3A : i32
    %add3A = arith.addi %mul3A_0, %arg0 : i32
    %mul3A_1 = arith.constant 16 : i32
    %mul3A_2 = arith.muli %add3A, %mul3A_1 : i32
    %mul3A_3 = arith.constant 16 : i32
    %mul3A_4 = arith.muli %add3A, %mul3A_3 : i32
    %mul3A_5 = arith.constant 80 : i32
    %mul3A_6 = arith.muli %mul3A_4, %mul3A_5 : i32
    %dma_start3A = tpu.memref_slice %arg2[%mul3A_6] : memref<40960xi32, #tpu.memory_space<hbm>> -> memref<1280xi32, #tpu.memory_space<hbm>>
    %dma_start3A_7 = tpu.memref_slice %arg2[%mul3A_6] : memref<40960xi32, #tpu.memory_space<hbm>> -> memref<1280xi32, #tpu.memory_space<hbm>>
    tpu.enqueue_dma source(%dma_start3A_7 : memref<1280xi32, #tpu.memory_space<hbm>>) target(%arg5 : memref<1280xi32, #tpu.memory_space<vmem>>) target_semaphore(%arg7 : memref<!tpu.dma_semaphore, #tpu.memory_space<semaphore_mem>>)
    %dma_wait3A = tpu.memref_slice %arg2[%mul3A_6] : memref<40960xi32, #tpu.memory_space<hbm>> -> memref<1280xi32, #tpu.memory_space<hbm>>
    %dma_wait3A_8 = tpu.memref_slice %arg2[%mul3A_6] : memref<40960xi32, #tpu.memory_space<hbm>> -> memref<1280xi32, #tpu.memory_space<hbm>>
    tpu.wait_dma2 semaphore(%arg7 : memref<!tpu.dma_semaphore, #tpu.memory_space<semaphore_mem>>) src(%dma_wait3A_8 : memref<1280xi32, #tpu.memory_space<hbm>>) dst(%arg5 : memref<1280xi32, #tpu.memory_space<vmem>>)
    %mul3A_9 = arith.constant 160 : i32
    %mul3A_10 = arith.muli %arg1, %mul3A_9 : i32
    %scan3A = arith.constant 0 : i32
    %scan3A_11 = arith.constant 0 : i32
    %scan3A_12 = arith.constant 16 : i32
    %scan3A_13 = arith.addi %scan3A_11, %scan3A_12 : i32
    %scan3A_14 = arith.constant 1 : i32
    scf.for %scan3A_22 = %scan3A_11 to %scan3A_13 step %scan3A_14  : i32 {
      %rem3A = arith.constant 2 : i32
      %rem3A_23 = arith.remsi %scan3A_22, %rem3A : i32
      %mul3A_24 = arith.constant 80 : i32
      %mul3A_25 = arith.muli %rem3A_23, %mul3A_24 : i32
      %add3A_26 = arith.addi %mul3A_10, %mul3A_25 : i32
      %ge3A = arith.constant 2 : i32
      %ge3A_27 = arith.cmpi sge, %scan3A_22, %ge3A : i32
      %convert_element_type3A = arith.extui %ge3A_27 : i1 to i32
      %cond3A = arith.constant 0 : i32
      %cond3A_28 = arith.cmpi ne, %convert_element_type3A, %cond3A : i32
      scf.if %cond3A_28 {
        %dma_wait3A_714 = arith.constant 0 : i32
        %dma_wait3A_715 = arith.constant 0 : i32
        %dma_wait3A_716 = tpu.memref_slice %arg4[%mul3A_2, %dma_wait3A_714, %dma_wait3A_715] : memref<512x80x768xf32, #tpu.memory_space<hbm>> -> memref<1x80x768xf32, #tpu.memory_space<hbm>>
        %dma_wait3A_717 = tpu.memref_squeeze %dma_wait3A_716 : memref<1x80x768xf32, #tpu.memory_space<hbm>> -> memref<80x768xf32, #tpu.memory_space<hbm>>
        %dma_wait3A_718 = arith.constant 0 : i32
        %dma_wait3A_719 = tpu.memref_slice %arg6[%mul3A_10, %dma_wait3A_718] : memref<2560x768xf32, #tpu.memory_space<vmem_shared>> -> memref<80x768xf32, #tpu.memory_space<vmem_shared>>
        tpu.wait_dma2 semaphore(%arg8 : memref<!tpu.dma_semaphore, #tpu.memory_space<semaphore_mem>>) src(%dma_wait3A_719 : memref<80x768xf32, #tpu.memory_space<vmem_shared>>) dst(%dma_wait3A_717 : memref<80x768xf32, #tpu.memory_space<hbm>>)
      } else {
      }
      %mul3A_29 = arith.constant 80 : i32
      %mul3A_30 = arith.muli %scan3A_22, %mul3A_29 : i32
      %add3A_31 = arith.constant 0 : i32
      %add3A_32 = arith.addi %mul3A_30, %add3A_31 : i32
      %get3A = arith.index_cast %add3A_32 : i32 to index
      %get3A_33 = tpu.vector_load %arg5[%get3A] {strides = array<i32>} : memref<1280xi32, #tpu.memory_space<vmem>>, vector<16xi32>,
      %get3A_34 = vector.shape_cast %get3A_33 : vector<16xi32> to vector<16xi32>
      %slice3A = vector.extract_strided_slice %get3A_34 {offsets = [0], sizes = [1], strides = [1]} : vector<16xi32> to vector<1xi32>
      %squeeze3A = vector.extract %slice3A[0] : i32 from vector<1xi32>
      %add3A_35 = arith.constant 0 : i32
      %add3A_36 = arith.addi %add3A_26, %add3A_35 : i32
      %dma_start3A_37 = arith.constant 0 : i32
      %dma_start3A_38 = tpu.memref_slice %arg6[%add3A_36, %dma_start3A_37] : memref<2560x768xf32, #tpu.memory_space<vmem_shared>> -> memref<1x768xf32, #tpu.memory_space<vmem_shared>>
      %dma_start3A_39 = arith.constant 0 : i32
      %dma_start3A_40 = tpu.memref_slice %arg3[%squeeze3A, %dma_start3A_39] : memref<49408x768xf32, #tpu.memory_space<hbm>> -> memref<1x768xf32, #tpu.memory_space<hbm>>
      tpu.enqueue_dma source(%dma_start3A_40 : memref<1x768xf32, #tpu.memory_space<hbm>>) target(%dma_start3A_38 : memref<1x768xf32, #tpu.memory_space<vmem_shared>>) target_semaphore(%arg9 : memref<!tpu.dma_semaphore, #tpu.memory_space<semaphore_mem>>)
      %slice3A_41 = vector.extract_strided_slice %get3A_34 {offsets = [1], sizes = [1], strides = [1]} : vector<16xi32> to vector<1xi32>
      %squeeze3A_42 = vector.extract %slice3A_41[0] : i32 from vector<1xi32>
      %add3A_43 = arith.constant 1 : i32
      %add3A_44 = arith.addi %add3A_26, %add3A_43 : i32
      %dma_start3A_45 = arith.constant 0 : i32
      %dma_start3A_46 = tpu.memref_slice %arg6[%add3A_44, %dma_start3A_45] : memref<2560x768xf32, #tpu.memory_space<vmem_shared>> -> memref<1x768xf32, #tpu.memory_space<vmem_shared>>
      %dma_start3A_47 = arith.constant 0 : i32
      %dma_start3A_48 = tpu.memref_slice %arg3[%squeeze3A_42, %dma_start3A_47] : memref<49408x768xf32, #tpu.memory_space<hbm>> -> memref<1x768xf32, #tpu.memory_space<hbm>>
      tpu.enqueue_dma source(%dma_start3A_48 : memref<1x768xf32, #tpu.memory_space<hbm>>) target(%dma_start3A_46 : memref<1x768xf32, #tpu.memory_space<vmem_shared>>) target_semaphore(%arg9 : memref<!tpu.dma_semaphore, #tpu.memory_space<semaphore_mem>>)
      %slice3A_49 = vector.extract_strided_slice %get3A_34 {offsets = [2], sizes = [1], strides = [1]} : vector<16xi32> to vector<1xi32>
      %squeeze3A_50 = vector.extract %slice3A_49[0] : i32 from vector<1xi32>
      %add3A_51 = arith.constant 2 : i32
      %add3A_52 = arith.addi %add3A_26, %add3A_51 : i32
      %dma_start3A_53 = arith.constant 0 : i32
      %dma_start3A_54 = tpu.memref_slice %arg6[%add3A_52, %dma_start3A_53] : memref<2560x768xf32, #tpu.memory_space<vmem_shared>> -> memref<1x768xf32, #tpu.memory_space<vmem_shared>>
      %dma_start3A_55 = arith.constant 0 : i32
      %dma_start3A_56 = tpu.memref_slice %arg3[%squeeze3A_50, %dma_start3A_55] : memref<49408x768xf32, #tpu.memory_space<hbm>> -> memref<1x768xf32, #tpu.memory_space<hbm>>
      tpu.enqueue_dma source(%dma_start3A_56 : memref<1x768xf32, #tpu.memory_space<hbm>>) target(%dma_start3A_54 : memref<1x768xf32, #tpu.memory_space<vmem_shared>>) target_semaphore(%arg9 : memref<!tpu.dma_semaphore, #tpu.memory_space<semaphore_mem>>)
      %slice3A_57 = vector.extract_strided_slice %get3A_34 {offsets = [3], sizes = [1], strides = [1]} : vector<16xi32> to vector<1xi32>
      %squeeze3A_58 = vector.extract %slice3A_57[0] : i32 from vector<1xi32>
      %add3A_59 = arith.constant 3 : i32
      %add3A_60 = arith.addi %add3A_26, %add3A_59 : i32
      %dma_start3A_61 = arith.constant 0 : i32
      %dma_start3A_62 = tpu.memref_slice %arg6[%add3A_60, %dma_start3A_61] : memref<2560x768xf32, #tpu.memory_space<vmem_shared>> -> memref<1x768xf32, #tpu.memory_space<vmem_shared>>
      %dma_start3A_63 = arith.constant 0 : i32
      %dma_start3A_64 = tpu.memref_slice %arg3[%squeeze3A_58, %dma_start3A_63] : memref<49408x768xf32, #tpu.memory_space<hbm>> -> memref<1x768xf32, #tpu.memory_space<hbm>>
      tpu.enqueue_dma source(%dma_start3A_64 : memref<1x768xf32, #tpu.memory_space<hbm>>) target(%dma_start3A_62 : memref<1x768xf32, #tpu.memory_space<vmem_shared>>) target_semaphore(%arg9 : memref<!tpu.dma_semaphore, #tpu.memory_space<semaphore_mem>>)
      %slice3A_65 = vector.extract_strided_slice %get3A_34 {offsets = [4], sizes = [1], strides = [1]} : vector<16xi32> to vector<1xi32>
      %squeeze3A_66 = vector.extract %slice3A_65[0] : i32 from vector<1xi32>
      %add3A_67 = arith.constant 4 : i32
      %add3A_68 = arith.addi %add3A_26, %add3A_67 : i32
      %dma_start3A_69 = arith.constant 0 : i32
      %dma_start3A_70 = tpu.memref_slice %arg6[%add3A_68, %dma_start3A_69] : memref<2560x768xf32, #tpu.memory_space<vmem_shared>> -> memref<1x768xf32, #tpu.memory_space<vmem_shared>>
      %dma_start3A_71 = arith.constant 0 : i32
      %dma_start3A_72 = tpu.memref_slice %arg3[%squeeze3A_66, %dma_start3A_71] : memref<49408x768xf32, #tpu.memory_space<hbm>> -> memref<1x768xf32, #tpu.memory_space<hbm>>
      tpu.enqueue_dma source(%dma_start3A_72 : memref<1x768xf32, #tpu.memory_space<hbm>>) target(%dma_start3A_70 : memref<1x768xf32, #tpu.memory_space<vmem_shared>>) target_semaphore(%arg9 : memref<!tpu.dma_semaphore, #tpu.memory_space<semaphore_mem>>)
      %slice3A_73 = vector.extract_strided_slice %get3A_34 {offsets = [5], sizes = [1], strides = [1]} : vector<16xi32> to vector<1xi32>
      %squeeze3A_74 = vector.extract %slice3A_73[0] : i32 from vector<1xi32>
      %add3A_75 = arith.constant 5 : i32
      %add3A_76 = arith.addi %add3A_26, %add3A_75 : i32
      %dma_start3A_77 = arith.constant 0 : i32
      %dma_start3A_78 = tpu.memref_slice %arg6[%add3A_76, %dma_start3A_77] : memref<2560x768xf32, #tpu.memory_space<vmem_shared>> -> memref<1x768xf32, #tpu.memory_space<vmem_shared>>
      %dma_start3A_79 = arith.constant 0 : i32
      %dma_start3A_80 = tpu.memref_slice %arg3[%squeeze3A_74, %dma_start3A_79] : memref<49408x768xf32, #tpu.memory_space<hbm>> -> memref<1x768xf32, #tpu.memory_space<hbm>>
      tpu.enqueue_dma source(%dma_start3A_80 : memref<1x768xf32, #tpu.memory_space<hbm>>) target(%dma_start3A_78 : memref<1x768xf32, #tpu.memory_space<vmem_shared>>) target_semaphore(%arg9 : memref<!tpu.dma_semaphore, #tpu.memory_space<semaphore_mem>>)
      %slice3A_81 = vector.extract_strided_slice %get3A_34 {offsets = [6], sizes = [1], strides = [1]} : vector<16xi32> to vector<1xi32>
      %squeeze3A_82 = vector.extract %slice3A_81[0] : i32 from vector<1xi32>
      %add3A_83 = arith.constant 6 : i32
      %add3A_84 = arith.addi %add3A_26, %add3A_83 : i32
      %dma_start3A_85 = arith.constant 0 : i32
      %dma_start3A_86 = tpu.memref_slice %arg6[%add3A_84, %dma_start3A_85] : memref<2560x768xf32, #tpu.memory_space<vmem_shared>> -> memref<1x768xf32, #tpu.memory_space<vmem_shared>>
      %dma_start3A_87 = arith.constant 0 : i32
      %dma_start3A_88 = tpu.memref_slice %arg3[%squeeze3A_82, %dma_start3A_87] : memref<49408x768xf32, #tpu.memory_space<hbm>> -> memref<1x768xf32, #tpu.memory_space<hbm>>
      tpu.enqueue_dma source(%dma_start3A_88 : memref<1x768xf32, #tpu.memory_space<hbm>>) target(%dma_start3A_86 : memref<1x768xf32, #tpu.memory_space<vmem_shared>>) target_semaphore(%arg9 : memref<!tpu.dma_semaphore, #tpu.memory_space<semaphore_mem>>)
      %slice3A_89 = vector.extract_strided_slice %get3A_34 {offsets = [7], sizes = [1], strides = [1]} : vector<16xi32> to vector<1xi32>
      %squeeze3A_90 = vector.extract %slice3A_89[0] : i32 from vector<1xi32>
      %add3A_91 = arith.constant 7 : i32
      %add3A_92 = arith.addi %add3A_26, %add3A_91 : i32
      %dma_start3A_93 = arith.constant 0 : i32
      %dma_start3A_94 = tpu.memref_slice %arg6[%add3A_92, %dma_start3A_93] : memref<2560x768xf32, #tpu.memory_space<vmem_shared>> -> memref<1x768xf32, #tpu.memory_space<vmem_shared>>
      %dma_start3A_95 = arith.constant 0 : i32
      %dma_start3A_96 = tpu.memref_slice %arg3[%squeeze3A_90, %dma_start3A_95] : memref<49408x768xf32, #tpu.memory_space<hbm>> -> memref<1x768xf32, #tpu.memory_space<hbm>>
      tpu.enqueue_dma source(%dma_start3A_96 : memref<1x768xf32, #tpu.memory_space<hbm>>) target(%dma_start3A_94 : memref<1x768xf32, #tpu.memory_space<vmem_shared>>) target_semaphore(%arg9 : memref<!tpu.dma_semaphore, #tpu.memory_space<semaphore_mem>>)
      %slice3A_97 = vector.extract_strided_slice %get3A_34 {offsets = [8], sizes = [1], strides = [1]} : vector<16xi32> to vector<1xi32>
      %squeeze3A_98 = vector.extract %slice3A_97[0] : i32 from vector<1xi32>
      %add3A_99 = arith.constant 8 : i32
      %add3A_100 = arith.addi %add3A_26, %add3A_99 : i32
      %dma_start3A_101 = arith.constant 0 : i32
      %dma_start3A_102 = tpu.memref_slice %arg6[%add3A_100, %dma_start3A_101] : memref<2560x768xf32, #tpu.memory_space<vmem_shared>> -> memref<1x768xf32, #tpu.memory_space<vmem_shared>>
      %dma_start3A_103 = arith.constant 0 : i32
      %dma_start3A_104 = tpu.memref_slice %arg3[%squeeze3A_98, %dma_start3A_103] : memref<49408x768xf32, #tpu.memory_space<hbm>> -> memref<1x768xf32, #tpu.memory_space<hbm>>
      tpu.enqueue_dma source(%dma_start3A_104 : memref<1x768xf32, #tpu.memory_space<hbm>>) target(%dma_start3A_102 : memref<1x768xf32, #tpu.memory_space<vmem_shared>>) target_semaphore(%arg9 : memref<!tpu.dma_semaphore, #tpu.memory_space<semaphore_mem>>)
      %slice3A_105 = vector.extract_strided_slice %get3A_34 {offsets = [9], sizes = [1], strides = [1]} : vector<16xi32> to vector<1xi32>
      %squeeze3A_106 = vector.extract %slice3A_105[0] : i32 from vector<1xi32>
      %add3A_107 = arith.constant 9 : i32
      %add3A_108 = arith.addi %add3A_26, %add3A_107 : i32
      %dma_start3A_109 = arith.constant 0 : i32
      %dma_start3A_110 = tpu.memref_slice %arg6[%add3A_108, %dma_start3A_109] : memref<2560x768xf32, #tpu.memory_space<vmem_shared>> -> memref<1x768xf32, #tpu.memory_space<vmem_shared>>
      %dma_start3A_111 = arith.constant 0 : i32
      %dma_start3A_112 = tpu.memref_slice %arg3[%squeeze3A_106, %dma_start3A_111] : memref<49408x768xf32, #tpu.memory_space<hbm>> -> memref<1x768xf32, #tpu.memory_space<hbm>>
      tpu.enqueue_dma source(%dma_start3A_112 : memref<1x768xf32, #tpu.memory_space<hbm>>) target(%dma_start3A_110 : memref<1x768xf32, #tpu.memory_space<vmem_shared>>) target_semaphore(%arg9 : memref<!tpu.dma_semaphore, #tpu.memory_space<semaphore_mem>>)
      %slice3A_113 = vector.extract_strided_slice %get3A_34 {offsets = [10], sizes = [1], strides = [1]} : vector<16xi32> to vector<1xi32>
      %squeeze3A_114 = vector.extract %slice3A_113[0] : i32 from vector<1xi32>
      %add3A_115 = arith.constant 10 : i32
      %add3A_116 = arith.addi %add3A_26, %add3A_115 : i32
      %dma_start3A_117 = arith.constant 0 : i32
      %dma_start3A_118 = tpu.memref_slice %arg6[%add3A_116, %dma_start3A_117] : memref<2560x768xf32, #tpu.memory_space<vmem_shared>> -> memref<1x768xf32, #tpu.memory_space<vmem_shared>>
      %dma_start3A_119 = arith.constant 0 : i32
      %dma_start3A_120 = tpu.memref_slice %arg3[%squeeze3A_114, %dma_start3A_119] : memref<49408x768xf32, #tpu.memory_space<hbm>> -> memref<1x768xf32, #tpu.memory_space<hbm>>
      tpu.enqueue_dma source(%dma_start3A_120 : memref<1x768xf32, #tpu.memory_space<hbm>>) target(%dma_start3A_118 : memref<1x768xf32, #tpu.memory_space<vmem_shared>>) target_semaphore(%arg9 : memref<!tpu.dma_semaphore, #tpu.memory_space<semaphore_mem>>)
      %slice3A_121 = vector.extract_strided_slice %get3A_34 {offsets = [11], sizes = [1], strides = [1]} : vector<16xi32> to vector<1xi32>
      %squeeze3A_122 = vector.extract %slice3A_121[0] : i32 from vector<1xi32>
      %add3A_123 = arith.constant 11 : i32
      %add3A_124 = arith.addi %add3A_26, %add3A_123 : i32
      %dma_start3A_125 = arith.constant 0 : i32
      %dma_start3A_126 = tpu.memref_slice %arg6[%add3A_124, %dma_start3A_125] : memref<2560x768xf32, #tpu.memory_space<vmem_shared>> -> memref<1x768xf32, #tpu.memory_space<vmem_shared>>
      %dma_start3A_127 = arith.constant 0 : i32
      %dma_start3A_128 = tpu.memref_slice %arg3[%squeeze3A_122, %dma_start3A_127] : memref<49408x768xf32, #tpu.memory_space<hbm>> -> memref<1x768xf32, #tpu.memory_space<hbm>>
      tpu.enqueue_dma source(%dma_start3A_128 : memref<1x768xf32, #tpu.memory_space<hbm>>) target(%dma_start3A_126 : memref<1x768xf32, #tpu.memory_space<vmem_shared>>) target_semaphore(%arg9 : memref<!tpu.dma_semaphore, #tpu.memory_space<semaphore_mem>>)
      %slice3A_129 = vector.extract_strided_slice %get3A_34 {offsets = [12], sizes = [1], strides = [1]} : vector<16xi32> to vector<1xi32>
      %squeeze3A_130 = vector.extract %slice3A_129[0] : i32 from vector<1xi32>
      %add3A_131 = arith.constant 12 : i32
      %add3A_132 = arith.addi %add3A_26, %add3A_131 : i32
      %dma_start3A_133 = arith.constant 0 : i32
      %dma_start3A_134 = tpu.memref_slice %arg6[%add3A_132, %dma_start3A_133] : memref<2560x768xf32, #tpu.memory_space<vmem_shared>> -> memref<1x768xf32, #tpu.memory_space<vmem_shared>>
      %dma_start3A_135 = arith.constant 0 : i32
      %dma_start3A_136 = tpu.memref_slice %arg3[%squeeze3A_130, %dma_start3A_135] : memref<49408x768xf32, #tpu.memory_space<hbm>> -> memref<1x768xf32, #tpu.memory_space<hbm>>
      tpu.enqueue_dma source(%dma_start3A_136 : memref<1x768xf32, #tpu.memory_space<hbm>>) target(%dma_start3A_134 : memref<1x768xf32, #tpu.memory_space<vmem_shared>>) target_semaphore(%arg9 : memref<!tpu.dma_semaphore, #tpu.memory_space<semaphore_mem>>)
      %slice3A_137 = vector.extract_strided_slice %get3A_34 {offsets = [13], sizes = [1], strides = [1]} : vector<16xi32> to vector<1xi32>
      %squeeze3A_138 = vector.extract %slice3A_137[0] : i32 from vector<1xi32>
      %add3A_139 = arith.constant 13 : i32
      %add3A_140 = arith.addi %add3A_26, %add3A_139 : i32
      %dma_start3A_141 = arith.constant 0 : i32
      %dma_start3A_142 = tpu.memref_slice %arg6[%add3A_140, %dma_start3A_141] : memref<2560x768xf32, #tpu.memory_space<vmem_shared>> -> memref<1x768xf32, #tpu.memory_space<vmem_shared>>
      %dma_start3A_143 = arith.constant 0 : i32
      %dma_start3A_144 = tpu.memref_slice %arg3[%squeeze3A_138, %dma_start3A_143] : memref<49408x768xf32, #tpu.memory_space<hbm>> -> memref<1x768xf32, #tpu.memory_space<hbm>>
      tpu.enqueue_dma source(%dma_start3A_144 : memref<1x768xf32, #tpu.memory_space<hbm>>) target(%dma_start3A_142 : memref<1x768xf32, #tpu.memory_space<vmem_shared>>) target_semaphore(%arg9 : memref<!tpu.dma_semaphore, #tpu.memory_space<semaphore_mem>>)
      %slice3A_145 = vector.extract_strided_slice %get3A_34 {offsets = [14], sizes = [1], strides = [1]} : vector<16xi32> to vector<1xi32>
      %squeeze3A_146 = vector.extract %slice3A_145[0] : i32 from vector<1xi32>
      %add3A_147 = arith.constant 14 : i32
      %add3A_148 = arith.addi %add3A_26, %add3A_147 : i32
      %dma_start3A_149 = arith.constant 0 : i32
      %dma_start3A_150 = tpu.memref_slice %arg6[%add3A_148, %dma_start3A_149] : memref<2560x768xf32, #tpu.memory_space<vmem_shared>> -> memref<1x768xf32, #tpu.memory_space<vmem_shared>>
      %dma_start3A_151 = arith.constant 0 : i32
      %dma_start3A_152 = tpu.memref_slice %arg3[%squeeze3A_146, %dma_start3A_151] : memref<49408x768xf32, #tpu.memory_space<hbm>> -> memref<1x768xf32, #tpu.memory_space<hbm>>
      tpu.enqueue_dma source(%dma_start3A_152 : memref<1x768xf32, #tpu.memory_space<hbm>>) target(%dma_start3A_150 : memref<1x768xf32, #tpu.memory_space<vmem_shared>>) target_semaphore(%arg9 : memref<!tpu.dma_semaphore, #tpu.memory_space<semaphore_mem>>)
      %slice3A_153 = vector.extract_strided_slice %get3A_34 {offsets = [15], sizes = [1], strides = [1]} : vector<16xi32> to vector<1xi32>
      %squeeze3A_154 = vector.extract %slice3A_153[0] : i32 from vector<1xi32>
      %add3A_155 = arith.constant 15 : i32
      %add3A_156 = arith.addi %add3A_26, %add3A_155 : i32
      %dma_start3A_157 = arith.constant 0 : i32
      %dma_start3A_158 = tpu.memref_slice %arg6[%add3A_156, %dma_start3A_157] : memref<2560x768xf32, #tpu.memory_space<vmem_shared>> -> memref<1x768xf32, #tpu.memory_space<vmem_shared>>
      %dma_start3A_159 = arith.constant 0 : i32
      %dma_start3A_160 = tpu.memref_slice %arg3[%squeeze3A_154, %dma_start3A_159] : memref<49408x768xf32, #tpu.memory_space<hbm>> -> memref<1x768xf32, #tpu.memory_space<hbm>>
      tpu.enqueue_dma source(%dma_start3A_160 : memref<1x768xf32, #tpu.memory_space<hbm>>) target(%dma_start3A_158 : memref<1x768xf32, #tpu.memory_space<vmem_shared>>) target_semaphore(%arg9 : memref<!tpu.dma_semaphore, #tpu.memory_space<semaphore_mem>>)
      %mul3A_161 = arith.constant 80 : i32
      %mul3A_162 = arith.muli %scan3A_22, %mul3A_161 : i32
      %add3A_163 = arith.constant 16 : i32
      %add3A_164 = arith.addi %mul3A_162, %add3A_163 : i32
      %get3A_165 = arith.index_cast %add3A_164 : i32 to index
      %get3A_166 = tpu.vector_load %arg5[%get3A_165] {strides = array<i32>} : memref<1280xi32, #tpu.memory_space<vmem>>, vector<16xi32>,
      %get3A_167 = vector.shape_cast %get3A_166 : vector<16xi32> to vector<16xi32>
      %slice3A_168 = vector.extract_strided_slice %get3A_167 {offsets = [0], sizes = [1], strides = [1]} : vector<16xi32> to vector<1xi32>
      %squeeze3A_169 = vector.extract %slice3A_168[0] : i32 from vector<1xi32>
      %add3A_170 = arith.constant 16 : i32
      %add3A_171 = arith.addi %add3A_26, %add3A_170 : i32
      %dma_start3A_172 = arith.constant 0 : i32
      %dma_start3A_173 = tpu.memref_slice %arg6[%add3A_171, %dma_start3A_172] : memref<2560x768xf32, #tpu.memory_space<vmem_shared>> -> memref<1x768xf32, #tpu.memory_space<vmem_shared>>
      %dma_start3A_174 = arith.constant 0 : i32
      %dma_start3A_175 = tpu.memref_slice %arg3[%squeeze3A_169, %dma_start3A_174] : memref<49408x768xf32, #tpu.memory_space<hbm>> -> memref<1x768xf32, #tpu.memory_space<hbm>>
      tpu.enqueue_dma source(%dma_start3A_175 : memref<1x768xf32, #tpu.memory_space<hbm>>) target(%dma_start3A_173 : memref<1x768xf32, #tpu.memory_space<vmem_shared>>) target_semaphore(%arg9 : memref<!tpu.dma_semaphore, #tpu.memory_space<semaphore_mem>>)
      %slice3A_176 = vector.extract_strided_slice %get3A_167 {offsets = [1], sizes = [1], strides = [1]} : vector<16xi32> to vector<1xi32>
      %squeeze3A_177 = vector.extract %slice3A_176[0] : i32 from vector<1xi32>
      %add3A_178 = arith.constant 17 : i32
      %add3A_179 = arith.addi %add3A_26, %add3A_178 : i32
      %dma_start3A_180 = arith.constant 0 : i32
      %dma_start3A_181 = tpu.memref_slice %arg6[%add3A_179, %dma_start3A_180] : memref<2560x768xf32, #tpu.memory_space<vmem_shared>> -> memref<1x768xf32, #tpu.memory_space<vmem_shared>>
      %dma_start3A_182 = arith.constant 0 : i32
      %dma_start3A_183 = tpu.memref_slice %arg3[%squeeze3A_177, %dma_start3A_182] : memref<49408x768xf32, #tpu.memory_space<hbm>> -> memref<1x768xf32, #tpu.memory_space<hbm>>
      tpu.enqueue_dma source(%dma_start3A_183 : memref<1x768xf32, #tpu.memory_space<hbm>>) target(%dma_start3A_181 : memref<1x768xf32, #tpu.memory_space<vmem_shared>>) target_semaphore(%arg9 : memref<!tpu.dma_semaphore, #tpu.memory_space<semaphore_mem>>)
      %slice3A_184 = vector.extract_strided_slice %get3A_167 {offsets = [2], sizes = [1], strides = [1]} : vector<16xi32> to vector<1xi32>
      %squeeze3A_185 = vector.extract %slice3A_184[0] : i32 from vector<1xi32>
      %add3A_186 = arith.constant 18 : i32
      %add3A_187 = arith.addi %add3A_26, %add3A_186 : i32
      %dma_start3A_188 = arith.constant 0 : i32
      %dma_start3A_189 = tpu.memref_slice %arg6[%add3A_187, %dma_start3A_188] : memref<2560x768xf32, #tpu.memory_space<vmem_shared>> -> memref<1x768xf32, #tpu.memory_space<vmem_shared>>
      %dma_start3A_190 = arith.constant 0 : i32
      %dma_start3A_191 = tpu.memref_slice %arg3[%squeeze3A_185, %dma_start3A_190] : memref<49408x768xf32, #tpu.memory_space<hbm>> -> memref<1x768xf32, #tpu.memory_space<hbm>>
      tpu.enqueue_dma source(%dma_start3A_191 : memref<1x768xf32, #tpu.memory_space<hbm>>) target(%dma_start3A_189 : memref<1x768xf32, #tpu.memory_space<vmem_shared>>) target_semaphore(%arg9 : memref<!tpu.dma_semaphore, #tpu.memory_space<semaphore_mem>>)
      %slice3A_192 = vector.extract_strided_slice %get3A_167 {offsets = [3], sizes = [1], strides = [1]} : vector<16xi32> to vector<1xi32>
      %squeeze3A_193 = vector.extract %slice3A_192[0] : i32 from vector<1xi32>
      %add3A_194 = arith.constant 19 : i32
      %add3A_195 = arith.addi %add3A_26, %add3A_194 : i32
      %dma_start3A_196 = arith.constant 0 : i32
      %dma_start3A_197 = tpu.memref_slice %arg6[%add3A_195, %dma_start3A_196] : memref<2560x768xf32, #tpu.memory_space<vmem_shared>> -> memref<1x768xf32, #tpu.memory_space<vmem_shared>>
      %dma_start3A_198 = arith.constant 0 : i32
      %dma_start3A_199 = tpu.memref_slice %arg3[%squeeze3A_193, %dma_start3A_198] : memref<49408x768xf32, #tpu.memory_space<hbm>> -> memref<1x768xf32, #tpu.memory_space<hbm>>
      tpu.enqueue_dma source(%dma_start3A_199 : memref<1x768xf32, #tpu.memory_space<hbm>>) target(%dma_start3A_197 : memref<1x768xf32, #tpu.memory_space<vmem_shared>>) target_semaphore(%arg9 : memref<!tpu.dma_semaphore, #tpu.memory_space<semaphore_mem>>)
      %slice3A_200 = vector.extract_strided_slice %get3A_167 {offsets = [4], sizes = [1], strides = [1]} : vector<16xi32> to vector<1xi32>
      %squeeze3A_201 = vector.extract %slice3A_200[0] : i32 from vector<1xi32>
      %add3A_202 = arith.constant 20 : i32
      %add3A_203 = arith.addi %add3A_26, %add3A_202 : i32
      %dma_start3A_204 = arith.constant 0 : i32
      %dma_start3A_205 = tpu.memref_slice %arg6[%add3A_203, %dma_start3A_204] : memref<2560x768xf32, #tpu.memory_space<vmem_shared>> -> memref<1x768xf32, #tpu.memory_space<vmem_shared>>
      %dma_start3A_206 = arith.constant 0 : i32
      %dma_start3A_207 = tpu.memref_slice %arg3[%squeeze3A_201, %dma_start3A_206] : memref<49408x768xf32, #tpu.memory_space<hbm>> -> memref<1x768xf32, #tpu.memory_space<hbm>>
      tpu.enqueue_dma source(%dma_start3A_207 : memref<1x768xf32, #tpu.memory_space<hbm>>) target(%dma_start3A_205 : memref<1x768xf32, #tpu.memory_space<vmem_shared>>) target_semaphore(%arg9 : memref<!tpu.dma_semaphore, #tpu.memory_space<semaphore_mem>>)
      %slice3A_208 = vector.extract_strided_slice %get3A_167 {offsets = [5], sizes = [1], strides = [1]} : vector<16xi32> to vector<1xi32>
      %squeeze3A_209 = vector.extract %slice3A_208[0] : i32 from vector<1xi32>
      %add3A_210 = arith.constant 21 : i32
      %add3A_211 = arith.addi %add3A_26, %add3A_210 : i32
      %dma_start3A_212 = arith.constant 0 : i32
      %dma_start3A_213 = tpu.memref_slice %arg6[%add3A_211, %dma_start3A_212] : memref<2560x768xf32, #tpu.memory_space<vmem_shared>> -> memref<1x768xf32, #tpu.memory_space<vmem_shared>>
      %dma_start3A_214 = arith.constant 0 : i32
      %dma_start3A_215 = tpu.memref_slice %arg3[%squeeze3A_209, %dma_start3A_214] : memref<49408x768xf32, #tpu.memory_space<hbm>> -> memref<1x768xf32, #tpu.memory_space<hbm>>
      tpu.enqueue_dma source(%dma_start3A_215 : memref<1x768xf32, #tpu.memory_space<hbm>>) target(%dma_start3A_213 : memref<1x768xf32, #tpu.memory_space<vmem_shared>>) target_semaphore(%arg9 : memref<!tpu.dma_semaphore, #tpu.memory_space<semaphore_mem>>)
      %slice3A_216 = vector.extract_strided_slice %get3A_167 {offsets = [6], sizes = [1], strides = [1]} : vector<16xi32> to vector<1xi32>
      %squeeze3A_217 = vector.extract %slice3A_216[0] : i32 from vector<1xi32>
      %add3A_218 = arith.constant 22 : i32
      %add3A_219 = arith.addi %add3A_26, %add3A_218 : i32
      %dma_start3A_220 = arith.constant 0 : i32
      %dma_start3A_221 = tpu.memref_slice %arg6[%add3A_219, %dma_start3A_220] : memref<2560x768xf32, #tpu.memory_space<vmem_shared>> -> memref<1x768xf32, #tpu.memory_space<vmem_shared>>
      %dma_start3A_222 = arith.constant 0 : i32
      %dma_start3A_223 = tpu.memref_slice %arg3[%squeeze3A_217, %dma_start3A_222] : memref<49408x768xf32, #tpu.memory_space<hbm>> -> memref<1x768xf32, #tpu.memory_space<hbm>>
      tpu.enqueue_dma source(%dma_start3A_223 : memref<1x768xf32, #tpu.memory_space<hbm>>) target(%dma_start3A_221 : memref<1x768xf32, #tpu.memory_space<vmem_shared>>) target_semaphore(%arg9 : memref<!tpu.dma_semaphore, #tpu.memory_space<semaphore_mem>>)
      %slice3A_224 = vector.extract_strided_slice %get3A_167 {offsets = [7], sizes = [1], strides = [1]} : vector<16xi32> to vector<1xi32>
      %squeeze3A_225 = vector.extract %slice3A_224[0] : i32 from vector<1xi32>
      %add3A_226 = arith.constant 23 : i32
      %add3A_227 = arith.addi %add3A_26, %add3A_226 : i32
      %dma_start3A_228 = arith.constant 0 : i32
      %dma_start3A_229 = tpu.memref_slice %arg6[%add3A_227, %dma_start3A_228] : memref<2560x768xf32, #tpu.memory_space<vmem_shared>> -> memref<1x768xf32, #tpu.memory_space<vmem_shared>>
      %dma_start3A_230 = arith.constant 0 : i32
      %dma_start3A_231 = tpu.memref_slice %arg3[%squeeze3A_225, %dma_start3A_230] : memref<49408x768xf32, #tpu.memory_space<hbm>> -> memref<1x768xf32, #tpu.memory_space<hbm>>
      tpu.enqueue_dma source(%dma_start3A_231 : memref<1x768xf32, #tpu.memory_space<hbm>>) target(%dma_start3A_229 : memref<1x768xf32, #tpu.memory_space<vmem_shared>>) target_semaphore(%arg9 : memref<!tpu.dma_semaphore, #tpu.memory_space<semaphore_mem>>)
      %slice3A_232 = vector.extract_strided_slice %get3A_167 {offsets = [8], sizes = [1], strides = [1]} : vector<16xi32> to vector<1xi32>
      %squeeze3A_233 = vector.extract %slice3A_232[0] : i32 from vector<1xi32>
      %add3A_234 = arith.constant 24 : i32
      %add3A_235 = arith.addi %add3A_26, %add3A_234 : i32
      %dma_start3A_236 = arith.constant 0 : i32
      %dma_start3A_237 = tpu.memref_slice %arg6[%add3A_235, %dma_start3A_236] : memref<2560x768xf32, #tpu.memory_space<vmem_shared>> -> memref<1x768xf32, #tpu.memory_space<vmem_shared>>
      %dma_start3A_238 = arith.constant 0 : i32
      %dma_start3A_239 = tpu.memref_slice %arg3[%squeeze3A_233, %dma_start3A_238] : memref<49408x768xf32, #tpu.memory_space<hbm>> -> memref<1x768xf32, #tpu.memory_space<hbm>>
      tpu.enqueue_dma source(%dma_start3A_239 : memref<1x768xf32, #tpu.memory_space<hbm>>) target(%dma_start3A_237 : memref<1x768xf32, #tpu.memory_space<vmem_shared>>) target_semaphore(%arg9 : memref<!tpu.dma_semaphore, #tpu.memory_space<semaphore_mem>>)
      %slice3A_240 = vector.extract_strided_slice %get3A_167 {offsets = [9], sizes = [1], strides = [1]} : vector<16xi32> to vector<1xi32>
      %squeeze3A_241 = vector.extract %slice3A_240[0] : i32 from vector<1xi32>
      %add3A_242 = arith.constant 25 : i32
      %add3A_243 = arith.addi %add3A_26, %add3A_242 : i32
      %dma_start3A_244 = arith.constant 0 : i32
      %dma_start3A_245 = tpu.memref_slice %arg6[%add3A_243, %dma_start3A_244] : memref<2560x768xf32, #tpu.memory_space<vmem_shared>> -> memref<1x768xf32, #tpu.memory_space<vmem_shared>>
      %dma_start3A_246 = arith.constant 0 : i32
      %dma_start3A_247 = tpu.memref_slice %arg3[%squeeze3A_241, %dma_start3A_246] : memref<49408x768xf32, #tpu.memory_space<hbm>> -> memref<1x768xf32, #tpu.memory_space<hbm>>
      tpu.enqueue_dma source(%dma_start3A_247 : memref<1x768xf32, #tpu.memory_space<hbm>>) target(%dma_start3A_245 : memref<1x768xf32, #tpu.memory_space<vmem_shared>>) target_semaphore(%arg9 : memref<!tpu.dma_semaphore, #tpu.memory_space<semaphore_mem>>)
      %slice3A_248 = vector.extract_strided_slice %get3A_167 {offsets = [10], sizes = [1], strides = [1]} : vector<16xi32> to vector<1xi32>
      %squeeze3A_249 = vector.extract %slice3A_248[0] : i32 from vector<1xi32>
      %add3A_250 = arith.constant 26 : i32
      %add3A_251 = arith.addi %add3A_26, %add3A_250 : i32
      %dma_start3A_252 = arith.constant 0 : i32
      %dma_start3A_253 = tpu.memref_slice %arg6[%add3A_251, %dma_start3A_252] : memref<2560x768xf32, #tpu.memory_space<vmem_shared>> -> memref<1x768xf32, #tpu.memory_space<vmem_shared>>
      %dma_start3A_254 = arith.constant 0 : i32
      %dma_start3A_255 = tpu.memref_slice %arg3[%squeeze3A_249, %dma_start3A_254] : memref<49408x768xf32, #tpu.memory_space<hbm>> -> memref<1x768xf32, #tpu.memory_space<hbm>>
      tpu.enqueue_dma source(%dma_start3A_255 : memref<1x768xf32, #tpu.memory_space<hbm>>) target(%dma_start3A_253 : memref<1x768xf32, #tpu.memory_space<vmem_shared>>) target_semaphore(%arg9 : memref<!tpu.dma_semaphore, #tpu.memory_space<semaphore_mem>>)
      %slice3A_256 = vector.extract_strided_slice %get3A_167 {offsets = [11], sizes = [1], strides = [1]} : vector<16xi32> to vector<1xi32>
      %squeeze3A_257 = vector.extract %slice3A_256[0] : i32 from vector<1xi32>
      %add3A_258 = arith.constant 27 : i32
      %add3A_259 = arith.addi %add3A_26, %add3A_258 : i32
      %dma_start3A_260 = arith.constant 0 : i32
      %dma_start3A_261 = tpu.memref_slice %arg6[%add3A_259, %dma_start3A_260] : memref<2560x768xf32, #tpu.memory_space<vmem_shared>> -> memref<1x768xf32, #tpu.memory_space<vmem_shared>>
      %dma_start3A_262 = arith.constant 0 : i32
      %dma_start3A_263 = tpu.memref_slice %arg3[%squeeze3A_257, %dma_start3A_262] : memref<49408x768xf32, #tpu.memory_space<hbm>> -> memref<1x768xf32, #tpu.memory_space<hbm>>
      tpu.enqueue_dma source(%dma_start3A_263 : memref<1x768xf32, #tpu.memory_space<hbm>>) target(%dma_start3A_261 : memref<1x768xf32, #tpu.memory_space<vmem_shared>>) target_semaphore(%arg9 : memref<!tpu.dma_semaphore, #tpu.memory_space<semaphore_mem>>)
      %slice3A_264 = vector.extract_strided_slice %get3A_167 {offsets = [12], sizes = [1], strides = [1]} : vector<16xi32> to vector<1xi32>
      %squeeze3A_265 = vector.extract %slice3A_264[0] : i32 from vector<1xi32>
      %add3A_266 = arith.constant 28 : i32
      %add3A_267 = arith.addi %add3A_26, %add3A_266 : i32
      %dma_start3A_268 = arith.constant 0 : i32
      %dma_start3A_269 = tpu.memref_slice %arg6[%add3A_267, %dma_start3A_268] : memref<2560x768xf32, #tpu.memory_space<vmem_shared>> -> memref<1x768xf32, #tpu.memory_space<vmem_shared>>
      %dma_start3A_270 = arith.constant 0 : i32
      %dma_start3A_271 = tpu.memref_slice %arg3[%squeeze3A_265, %dma_start3A_270] : memref<49408x768xf32, #tpu.memory_space<hbm>> -> memref<1x768xf32, #tpu.memory_space<hbm>>
      tpu.enqueue_dma source(%dma_start3A_271 : memref<1x768xf32, #tpu.memory_space<hbm>>) target(%dma_start3A_269 : memref<1x768xf32, #tpu.memory_space<vmem_shared>>) target_semaphore(%arg9 : memref<!tpu.dma_semaphore, #tpu.memory_space<semaphore_mem>>)
      %slice3A_272 = vector.extract_strided_slice %get3A_167 {offsets = [13], sizes = [1], strides = [1]} : vector<16xi32> to vector<1xi32>
      %squeeze3A_273 = vector.extract %slice3A_272[0] : i32 from vector<1xi32>
      %add3A_274 = arith.constant 29 : i32
      %add3A_275 = arith.addi %add3A_26, %add3A_274 : i32
      %dma_start3A_276 = arith.constant 0 : i32
      %dma_start3A_277 = tpu.memref_slice %arg6[%add3A_275, %dma_start3A_276] : memref<2560x768xf32, #tpu.memory_space<vmem_shared>> -> memref<1x768xf32, #tpu.memory_space<vmem_shared>>
      %dma_start3A_278 = arith.constant 0 : i32
      %dma_start3A_279 = tpu.memref_slice %arg3[%squeeze3A_273, %dma_start3A_278] : memref<49408x768xf32, #tpu.memory_space<hbm>> -> memref<1x768xf32, #tpu.memory_space<hbm>>
      tpu.enqueue_dma source(%dma_start3A_279 : memref<1x768xf32, #tpu.memory_space<hbm>>) target(%dma_start3A_277 : memref<1x768xf32, #tpu.memory_space<vmem_shared>>) target_semaphore(%arg9 : memref<!tpu.dma_semaphore, #tpu.memory_space<semaphore_mem>>)
      %slice3A_280 = vector.extract_strided_slice %get3A_167 {offsets = [14], sizes = [1], strides = [1]} : vector<16xi32> to vector<1xi32>
      %squeeze3A_281 = vector.extract %slice3A_280[0] : i32 from vector<1xi32>
      %add3A_282 = arith.constant 30 : i32
      %add3A_283 = arith.addi %add3A_26, %add3A_282 : i32
      %dma_start3A_284 = arith.constant 0 : i32
      %dma_start3A_285 = tpu.memref_slice %arg6[%add3A_283, %dma_start3A_284] : memref<2560x768xf32, #tpu.memory_space<vmem_shared>> -> memref<1x768xf32, #tpu.memory_space<vmem_shared>>
      %dma_start3A_286 = arith.constant 0 : i32
      %dma_start3A_287 = tpu.memref_slice %arg3[%squeeze3A_281, %dma_start3A_286] : memref<49408x768xf32, #tpu.memory_space<hbm>> -> memref<1x768xf32, #tpu.memory_space<hbm>>
      tpu.enqueue_dma source(%dma_start3A_287 : memref<1x768xf32, #tpu.memory_space<hbm>>) target(%dma_start3A_285 : memref<1x768xf32, #tpu.memory_space<vmem_shared>>) target_semaphore(%arg9 : memref<!tpu.dma_semaphore, #tpu.memory_space<semaphore_mem>>)
      %slice3A_288 = vector.extract_strided_slice %get3A_167 {offsets = [15], sizes = [1], strides = [1]} : vector<16xi32> to vector<1xi32>
      %squeeze3A_289 = vector.extract %slice3A_288[0] : i32 from vector<1xi32>
      %add3A_290 = arith.constant 31 : i32
      %add3A_291 = arith.addi %add3A_26, %add3A_290 : i32
      %dma_start3A_292 = arith.constant 0 : i32
      %dma_start3A_293 = tpu.memref_slice %arg6[%add3A_291, %dma_start3A_292] : memref<2560x768xf32, #tpu.memory_space<vmem_shared>> -> memref<1x768xf32, #tpu.memory_space<vmem_shared>>
      %dma_start3A_294 = arith.constant 0 : i32
      %dma_start3A_295 = tpu.memref_slice %arg3[%squeeze3A_289, %dma_start3A_294] : memref<49408x768xf32, #tpu.memory_space<hbm>> -> memref<1x768xf32, #tpu.memory_space<hbm>>
      tpu.enqueue_dma source(%dma_start3A_295 : memref<1x768xf32, #tpu.memory_space<hbm>>) target(%dma_start3A_293 : memref<1x768xf32, #tpu.memory_space<vmem_shared>>) target_semaphore(%arg9 : memref<!tpu.dma_semaphore, #tpu.memory_space<semaphore_mem>>)
      %mul3A_296 = arith.constant 80 : i32
      %mul3A_297 = arith.muli %scan3A_22, %mul3A_296 : i32
      %add3A_298 = arith.constant 32 : i32
      %add3A_299 = arith.addi %mul3A_297, %add3A_298 : i32
      %get3A_300 = arith.index_cast %add3A_299 : i32 to index
      %get3A_301 = tpu.vector_load %arg5[%get3A_300] {strides = array<i32>} : memref<1280xi32, #tpu.memory_space<vmem>>, vector<16xi32>,
      %get3A_302 = vector.shape_cast %get3A_301 : vector<16xi32> to vector<16xi32>
      %slice3A_303 = vector.extract_strided_slice %get3A_302 {offsets = [0], sizes = [1], strides = [1]} : vector<16xi32> to vector<1xi32>
      %squeeze3A_304 = vector.extract %slice3A_303[0] : i32 from vector<1xi32>
      %add3A_305 = arith.constant 32 : i32
      %add3A_306 = arith.addi %add3A_26, %add3A_305 : i32
      %dma_start3A_307 = arith.constant 0 : i32
      %dma_start3A_308 = tpu.memref_slice %arg6[%add3A_306, %dma_start3A_307] : memref<2560x768xf32, #tpu.memory_space<vmem_shared>> -> memref<1x768xf32, #tpu.memory_space<vmem_shared>>
      %dma_start3A_309 = arith.constant 0 : i32
      %dma_start3A_310 = tpu.memref_slice %arg3[%squeeze3A_304, %dma_start3A_309] : memref<49408x768xf32, #tpu.memory_space<hbm>> -> memref<1x768xf32, #tpu.memory_space<hbm>>
      tpu.enqueue_dma source(%dma_start3A_310 : memref<1x768xf32, #tpu.memory_space<hbm>>) target(%dma_start3A_308 : memref<1x768xf32, #tpu.memory_space<vmem_shared>>) target_semaphore(%arg9 : memref<!tpu.dma_semaphore, #tpu.memory_space<semaphore_mem>>)
      %slice3A_311 = vector.extract_strided_slice %get3A_302 {offsets = [1], sizes = [1], strides = [1]} : vector<16xi32> to vector<1xi32>
      %squeeze3A_312 = vector.extract %slice3A_311[0] : i32 from vector<1xi32>
      %add3A_313 = arith.constant 33 : i32
      %add3A_314 = arith.addi %add3A_26, %add3A_313 : i32
      %dma_start3A_315 = arith.constant 0 : i32
      %dma_start3A_316 = tpu.memref_slice %arg6[%add3A_314, %dma_start3A_315] : memref<2560x768xf32, #tpu.memory_space<vmem_shared>> -> memref<1x768xf32, #tpu.memory_space<vmem_shared>>
      %dma_start3A_317 = arith.constant 0 : i32
      %dma_start3A_318 = tpu.memref_slice %arg3[%squeeze3A_312, %dma_start3A_317] : memref<49408x768xf32, #tpu.memory_space<hbm>> -> memref<1x768xf32, #tpu.memory_space<hbm>>
      tpu.enqueue_dma source(%dma_start3A_318 : memref<1x768xf32, #tpu.memory_space<hbm>>) target(%dma_start3A_316 : memref<1x768xf32, #tpu.memory_space<vmem_shared>>) target_semaphore(%arg9 : memref<!tpu.dma_semaphore, #tpu.memory_space<semaphore_mem>>)
      %slice3A_319 = vector.extract_strided_slice %get3A_302 {offsets = [2], sizes = [1], strides = [1]} : vector<16xi32> to vector<1xi32>
      %squeeze3A_320 = vector.extract %slice3A_319[0] : i32 from vector<1xi32>
      %add3A_321 = arith.constant 34 : i32
      %add3A_322 = arith.addi %add3A_26, %add3A_321 : i32
      %dma_start3A_323 = arith.constant 0 : i32
      %dma_start3A_324 = tpu.memref_slice %arg6[%add3A_322, %dma_start3A_323] : memref<2560x768xf32, #tpu.memory_space<vmem_shared>> -> memref<1x768xf32, #tpu.memory_space<vmem_shared>>
      %dma_start3A_325 = arith.constant 0 : i32
      %dma_start3A_326 = tpu.memref_slice %arg3[%squeeze3A_320, %dma_start3A_325] : memref<49408x768xf32, #tpu.memory_space<hbm>> -> memref<1x768xf32, #tpu.memory_space<hbm>>
      tpu.enqueue_dma source(%dma_start3A_326 : memref<1x768xf32, #tpu.memory_space<hbm>>) target(%dma_start3A_324 : memref<1x768xf32, #tpu.memory_space<vmem_shared>>) target_semaphore(%arg9 : memref<!tpu.dma_semaphore, #tpu.memory_space<semaphore_mem>>)
      %slice3A_327 = vector.extract_strided_slice %get3A_302 {offsets = [3], sizes = [1], strides = [1]} : vector<16xi32> to vector<1xi32>
      %squeeze3A_328 = vector.extract %slice3A_327[0] : i32 from vector<1xi32>
      %add3A_329 = arith.constant 35 : i32
      %add3A_330 = arith.addi %add3A_26, %add3A_329 : i32
      %dma_start3A_331 = arith.constant 0 : i32
      %dma_start3A_332 = tpu.memref_slice %arg6[%add3A_330, %dma_start3A_331] : memref<2560x768xf32, #tpu.memory_space<vmem_shared>> -> memref<1x768xf32, #tpu.memory_space<vmem_shared>>
      %dma_start3A_333 = arith.constant 0 : i32
      %dma_start3A_334 = tpu.memref_slice %arg3[%squeeze3A_328, %dma_start3A_333] : memref<49408x768xf32, #tpu.memory_space<hbm>> -> memref<1x768xf32, #tpu.memory_space<hbm>>
      tpu.enqueue_dma source(%dma_start3A_334 : memref<1x768xf32, #tpu.memory_space<hbm>>) target(%dma_start3A_332 : memref<1x768xf32, #tpu.memory_space<vmem_shared>>) target_semaphore(%arg9 : memref<!tpu.dma_semaphore, #tpu.memory_space<semaphore_mem>>)
      %slice3A_335 = vector.extract_strided_slice %get3A_302 {offsets = [4], sizes = [1], strides = [1]} : vector<16xi32> to vector<1xi32>
      %squeeze3A_336 = vector.extract %slice3A_335[0] : i32 from vector<1xi32>
      %add3A_337 = arith.constant 36 : i32
      %add3A_338 = arith.addi %add3A_26, %add3A_337 : i32
      %dma_start3A_339 = arith.constant 0 : i32
      %dma_start3A_340 = tpu.memref_slice %arg6[%add3A_338, %dma_start3A_339] : memref<2560x768xf32, #tpu.memory_space<vmem_shared>> -> memref<1x768xf32, #tpu.memory_space<vmem_shared>>
      %dma_start3A_341 = arith.constant 0 : i32
      %dma_start3A_342 = tpu.memref_slice %arg3[%squeeze3A_336, %dma_start3A_341] : memref<49408x768xf32, #tpu.memory_space<hbm>> -> memref<1x768xf32, #tpu.memory_space<hbm>>
      tpu.enqueue_dma source(%dma_start3A_342 : memref<1x768xf32, #tpu.memory_space<hbm>>) target(%dma_start3A_340 : memref<1x768xf32, #tpu.memory_space<vmem_shared>>) target_semaphore(%arg9 : memref<!tpu.dma_semaphore, #tpu.memory_space<semaphore_mem>>)
      %slice3A_343 = vector.extract_strided_slice %get3A_302 {offsets = [5], sizes = [1], strides = [1]} : vector<16xi32> to vector<1xi32>
      %squeeze3A_344 = vector.extract %slice3A_343[0] : i32 from vector<1xi32>
      %add3A_345 = arith.constant 37 : i32
      %add3A_346 = arith.addi %add3A_26, %add3A_345 : i32
      %dma_start3A_347 = arith.constant 0 : i32
      %dma_start3A_348 = tpu.memref_slice %arg6[%add3A_346, %dma_start3A_347] : memref<2560x768xf32, #tpu.memory_space<vmem_shared>> -> memref<1x768xf32, #tpu.memory_space<vmem_shared>>
      %dma_start3A_349 = arith.constant 0 : i32
      %dma_start3A_350 = tpu.memref_slice %arg3[%squeeze3A_344, %dma_start3A_349] : memref<49408x768xf32, #tpu.memory_space<hbm>> -> memref<1x768xf32, #tpu.memory_space<hbm>>
      tpu.enqueue_dma source(%dma_start3A_350 : memref<1x768xf32, #tpu.memory_space<hbm>>) target(%dma_start3A_348 : memref<1x768xf32, #tpu.memory_space<vmem_shared>>) target_semaphore(%arg9 : memref<!tpu.dma_semaphore, #tpu.memory_space<semaphore_mem>>)
      %slice3A_351 = vector.extract_strided_slice %get3A_302 {offsets = [6], sizes = [1], strides = [1]} : vector<16xi32> to vector<1xi32>
      %squeeze3A_352 = vector.extract %slice3A_351[0] : i32 from vector<1xi32>
      %add3A_353 = arith.constant 38 : i32
      %add3A_354 = arith.addi %add3A_26, %add3A_353 : i32
      %dma_start3A_355 = arith.constant 0 : i32
      %dma_start3A_356 = tpu.memref_slice %arg6[%add3A_354, %dma_start3A_355] : memref<2560x768xf32, #tpu.memory_space<vmem_shared>> -> memref<1x768xf32, #tpu.memory_space<vmem_shared>>
      %dma_start3A_357 = arith.constant 0 : i32
      %dma_start3A_358 = tpu.memref_slice %arg3[%squeeze3A_352, %dma_start3A_357] : memref<49408x768xf32, #tpu.memory_space<hbm>> -> memref<1x768xf32, #tpu.memory_space<hbm>>
      tpu.enqueue_dma source(%dma_start3A_358 : memref<1x768xf32, #tpu.memory_space<hbm>>) target(%dma_start3A_356 : memref<1x768xf32, #tpu.memory_space<vmem_shared>>) target_semaphore(%arg9 : memref<!tpu.dma_semaphore, #tpu.memory_space<semaphore_mem>>)
      %slice3A_359 = vector.extract_strided_slice %get3A_302 {offsets = [7], sizes = [1], strides = [1]} : vector<16xi32> to vector<1xi32>
      %squeeze3A_360 = vector.extract %slice3A_359[0] : i32 from vector<1xi32>
      %add3A_361 = arith.constant 39 : i32
      %add3A_362 = arith.addi %add3A_26, %add3A_361 : i32
      %dma_start3A_363 = arith.constant 0 : i32
      %dma_start3A_364 = tpu.memref_slice %arg6[%add3A_362, %dma_start3A_363] : memref<2560x768xf32, #tpu.memory_space<vmem_shared>> -> memref<1x768xf32, #tpu.memory_space<vmem_shared>>
      %dma_start3A_365 = arith.constant 0 : i32
      %dma_start3A_366 = tpu.memref_slice %arg3[%squeeze3A_360, %dma_start3A_365] : memref<49408x768xf32, #tpu.memory_space<hbm>> -> memref<1x768xf32, #tpu.memory_space<hbm>>
      tpu.enqueue_dma source(%dma_start3A_366 : memref<1x768xf32, #tpu.memory_space<hbm>>) target(%dma_start3A_364 : memref<1x768xf32, #tpu.memory_space<vmem_shared>>) target_semaphore(%arg9 : memref<!tpu.dma_semaphore, #tpu.memory_space<semaphore_mem>>)
      %slice3A_367 = vector.extract_strided_slice %get3A_302 {offsets = [8], sizes = [1], strides = [1]} : vector<16xi32> to vector<1xi32>
      %squeeze3A_368 = vector.extract %slice3A_367[0] : i32 from vector<1xi32>
      %add3A_369 = arith.constant 40 : i32
      %add3A_370 = arith.addi %add3A_26, %add3A_369 : i32
      %dma_start3A_371 = arith.constant 0 : i32
      %dma_start3A_372 = tpu.memref_slice %arg6[%add3A_370, %dma_start3A_371] : memref<2560x768xf32, #tpu.memory_space<vmem_shared>> -> memref<1x768xf32, #tpu.memory_space<vmem_shared>>
      %dma_start3A_373 = arith.constant 0 : i32
      %dma_start3A_374 = tpu.memref_slice %arg3[%squeeze3A_368, %dma_start3A_373] : memref<49408x768xf32, #tpu.memory_space<hbm>> -> memref<1x768xf32, #tpu.memory_space<hbm>>
      tpu.enqueue_dma source(%dma_start3A_374 : memref<1x768xf32, #tpu.memory_space<hbm>>) target(%dma_start3A_372 : memref<1x768xf32, #tpu.memory_space<vmem_shared>>) target_semaphore(%arg9 : memref<!tpu.dma_semaphore, #tpu.memory_space<semaphore_mem>>)
      %slice3A_375 = vector.extract_strided_slice %get3A_302 {offsets = [9], sizes = [1], strides = [1]} : vector<16xi32> to vector<1xi32>
      %squeeze3A_376 = vector.extract %slice3A_375[0] : i32 from vector<1xi32>
      %add3A_377 = arith.constant 41 : i32
      %add3A_378 = arith.addi %add3A_26, %add3A_377 : i32
      %dma_start3A_379 = arith.constant 0 : i32
      %dma_start3A_380 = tpu.memref_slice %arg6[%add3A_378, %dma_start3A_379] : memref<2560x768xf32, #tpu.memory_space<vmem_shared>> -> memref<1x768xf32, #tpu.memory_space<vmem_shared>>
      %dma_start3A_381 = arith.constant 0 : i32
      %dma_start3A_382 = tpu.memref_slice %arg3[%squeeze3A_376, %dma_start3A_381] : memref<49408x768xf32, #tpu.memory_space<hbm>> -> memref<1x768xf32, #tpu.memory_space<hbm>>
      tpu.enqueue_dma source(%dma_start3A_382 : memref<1x768xf32, #tpu.memory_space<hbm>>) target(%dma_start3A_380 : memref<1x768xf32, #tpu.memory_space<vmem_shared>>) target_semaphore(%arg9 : memref<!tpu.dma_semaphore, #tpu.memory_space<semaphore_mem>>)
      %slice3A_383 = vector.extract_strided_slice %get3A_302 {offsets = [10], sizes = [1], strides = [1]} : vector<16xi32> to vector<1xi32>
      %squeeze3A_384 = vector.extract %slice3A_383[0] : i32 from vector<1xi32>
      %add3A_385 = arith.constant 42 : i32
      %add3A_386 = arith.addi %add3A_26, %add3A_385 : i32
      %dma_start3A_387 = arith.constant 0 : i32
      %dma_start3A_388 = tpu.memref_slice %arg6[%add3A_386, %dma_start3A_387] : memref<2560x768xf32, #tpu.memory_space<vmem_shared>> -> memref<1x768xf32, #tpu.memory_space<vmem_shared>>
      %dma_start3A_389 = arith.constant 0 : i32
      %dma_start3A_390 = tpu.memref_slice %arg3[%squeeze3A_384, %dma_start3A_389] : memref<49408x768xf32, #tpu.memory_space<hbm>> -> memref<1x768xf32, #tpu.memory_space<hbm>>
      tpu.enqueue_dma source(%dma_start3A_390 : memref<1x768xf32, #tpu.memory_space<hbm>>) target(%dma_start3A_388 : memref<1x768xf32, #tpu.memory_space<vmem_shared>>) target_semaphore(%arg9 : memref<!tpu.dma_semaphore, #tpu.memory_space<semaphore_mem>>)
      %slice3A_391 = vector.extract_strided_slice %get3A_302 {offsets = [11], sizes = [1], strides = [1]} : vector<16xi32> to vector<1xi32>
      %squeeze3A_392 = vector.extract %slice3A_391[0] : i32 from vector<1xi32>
      %add3A_393 = arith.constant 43 : i32
      %add3A_394 = arith.addi %add3A_26, %add3A_393 : i32
      %dma_start3A_395 = arith.constant 0 : i32
      %dma_start3A_396 = tpu.memref_slice %arg6[%add3A_394, %dma_start3A_395] : memref<2560x768xf32, #tpu.memory_space<vmem_shared>> -> memref<1x768xf32, #tpu.memory_space<vmem_shared>>
      %dma_start3A_397 = arith.constant 0 : i32
      %dma_start3A_398 = tpu.memref_slice %arg3[%squeeze3A_392, %dma_start3A_397] : memref<49408x768xf32, #tpu.memory_space<hbm>> -> memref<1x768xf32, #tpu.memory_space<hbm>>
      tpu.enqueue_dma source(%dma_start3A_398 : memref<1x768xf32, #tpu.memory_space<hbm>>) target(%dma_start3A_396 : memref<1x768xf32, #tpu.memory_space<vmem_shared>>) target_semaphore(%arg9 : memref<!tpu.dma_semaphore, #tpu.memory_space<semaphore_mem>>)
      %slice3A_399 = vector.extract_strided_slice %get3A_302 {offsets = [12], sizes = [1], strides = [1]} : vector<16xi32> to vector<1xi32>
      %squeeze3A_400 = vector.extract %slice3A_399[0] : i32 from vector<1xi32>
      %add3A_401 = arith.constant 44 : i32
      %add3A_402 = arith.addi %add3A_26, %add3A_401 : i32
      %dma_start3A_403 = arith.constant 0 : i32
      %dma_start3A_404 = tpu.memref_slice %arg6[%add3A_402, %dma_start3A_403] : memref<2560x768xf32, #tpu.memory_space<vmem_shared>> -> memref<1x768xf32, #tpu.memory_space<vmem_shared>>
      %dma_start3A_405 = arith.constant 0 : i32
      %dma_start3A_406 = tpu.memref_slice %arg3[%squeeze3A_400, %dma_start3A_405] : memref<49408x768xf32, #tpu.memory_space<hbm>> -> memref<1x768xf32, #tpu.memory_space<hbm>>
      tpu.enqueue_dma source(%dma_start3A_406 : memref<1x768xf32, #tpu.memory_space<hbm>>) target(%dma_start3A_404 : memref<1x768xf32, #tpu.memory_space<vmem_shared>>) target_semaphore(%arg9 : memref<!tpu.dma_semaphore, #tpu.memory_space<semaphore_mem>>)
      %slice3A_407 = vector.extract_strided_slice %get3A_302 {offsets = [13], sizes = [1], strides = [1]} : vector<16xi32> to vector<1xi32>
      %squeeze3A_408 = vector.extract %slice3A_407[0] : i32 from vector<1xi32>
      %add3A_409 = arith.constant 45 : i32
      %add3A_410 = arith.addi %add3A_26, %add3A_409 : i32
      %dma_start3A_411 = arith.constant 0 : i32
      %dma_start3A_412 = tpu.memref_slice %arg6[%add3A_410, %dma_start3A_411] : memref<2560x768xf32, #tpu.memory_space<vmem_shared>> -> memref<1x768xf32, #tpu.memory_space<vmem_shared>>
      %dma_start3A_413 = arith.constant 0 : i32
      %dma_start3A_414 = tpu.memref_slice %arg3[%squeeze3A_408, %dma_start3A_413] : memref<49408x768xf32, #tpu.memory_space<hbm>> -> memref<1x768xf32, #tpu.memory_space<hbm>>
      tpu.enqueue_dma source(%dma_start3A_414 : memref<1x768xf32, #tpu.memory_space<hbm>>) target(%dma_start3A_412 : memref<1x768xf32, #tpu.memory_space<vmem_shared>>) target_semaphore(%arg9 : memref<!tpu.dma_semaphore, #tpu.memory_space<semaphore_mem>>)
      %slice3A_415 = vector.extract_strided_slice %get3A_302 {offsets = [14], sizes = [1], strides = [1]} : vector<16xi32> to vector<1xi32>
      %squeeze3A_416 = vector.extract %slice3A_415[0] : i32 from vector<1xi32>
      %add3A_417 = arith.constant 46 : i32
      %add3A_418 = arith.addi %add3A_26, %add3A_417 : i32
      %dma_start3A_419 = arith.constant 0 : i32
      %dma_start3A_420 = tpu.memref_slice %arg6[%add3A_418, %dma_start3A_419] : memref<2560x768xf32, #tpu.memory_space<vmem_shared>> -> memref<1x768xf32, #tpu.memory_space<vmem_shared>>
      %dma_start3A_421 = arith.constant 0 : i32
      %dma_start3A_422 = tpu.memref_slice %arg3[%squeeze3A_416, %dma_start3A_421] : memref<49408x768xf32, #tpu.memory_space<hbm>> -> memref<1x768xf32, #tpu.memory_space<hbm>>
      tpu.enqueue_dma source(%dma_start3A_422 : memref<1x768xf32, #tpu.memory_space<hbm>>) target(%dma_start3A_420 : memref<1x768xf32, #tpu.memory_space<vmem_shared>>) target_semaphore(%arg9 : memref<!tpu.dma_semaphore, #tpu.memory_space<semaphore_mem>>)
      %slice3A_423 = vector.extract_strided_slice %get3A_302 {offsets = [15], sizes = [1], strides = [1]} : vector<16xi32> to vector<1xi32>
      %squeeze3A_424 = vector.extract %slice3A_423[0] : i32 from vector<1xi32>
      %add3A_425 = arith.constant 47 : i32
      %add3A_426 = arith.addi %add3A_26, %add3A_425 : i32
      %dma_start3A_427 = arith.constant 0 : i32
      %dma_start3A_428 = tpu.memref_slice %arg6[%add3A_426, %dma_start3A_427] : memref<2560x768xf32, #tpu.memory_space<vmem_shared>> -> memref<1x768xf32, #tpu.memory_space<vmem_shared>>
      %dma_start3A_429 = arith.constant 0 : i32
      %dma_start3A_430 = tpu.memref_slice %arg3[%squeeze3A_424, %dma_start3A_429] : memref<49408x768xf32, #tpu.memory_space<hbm>> -> memref<1x768xf32, #tpu.memory_space<hbm>>
      tpu.enqueue_dma source(%dma_start3A_430 : memref<1x768xf32, #tpu.memory_space<hbm>>) target(%dma_start3A_428 : memref<1x768xf32, #tpu.memory_space<vmem_shared>>) target_semaphore(%arg9 : memref<!tpu.dma_semaphore, #tpu.memory_space<semaphore_mem>>)
      %mul3A_431 = arith.constant 80 : i32
      %mul3A_432 = arith.muli %scan3A_22, %mul3A_431 : i32
      %add3A_433 = arith.constant 48 : i32
      %add3A_434 = arith.addi %mul3A_432, %add3A_433 : i32
      %get3A_435 = arith.index_cast %add3A_434 : i32 to index
      %get3A_436 = tpu.vector_load %arg5[%get3A_435] {strides = array<i32>} : memref<1280xi32, #tpu.memory_space<vmem>>, vector<16xi32>,
      %get3A_437 = vector.shape_cast %get3A_436 : vector<16xi32> to vector<16xi32>
      %slice3A_438 = vector.extract_strided_slice %get3A_437 {offsets = [0], sizes = [1], strides = [1]} : vector<16xi32> to vector<1xi32>
      %squeeze3A_439 = vector.extract %slice3A_438[0] : i32 from vector<1xi32>
      %add3A_440 = arith.constant 48 : i32
      %add3A_441 = arith.addi %add3A_26, %add3A_440 : i32
      %dma_start3A_442 = arith.constant 0 : i32
      %dma_start3A_443 = tpu.memref_slice %arg6[%add3A_441, %dma_start3A_442] : memref<2560x768xf32, #tpu.memory_space<vmem_shared>> -> memref<1x768xf32, #tpu.memory_space<vmem_shared>>
      %dma_start3A_444 = arith.constant 0 : i32
      %dma_start3A_445 = tpu.memref_slice %arg3[%squeeze3A_439, %dma_start3A_444] : memref<49408x768xf32, #tpu.memory_space<hbm>> -> memref<1x768xf32, #tpu.memory_space<hbm>>
      tpu.enqueue_dma source(%dma_start3A_445 : memref<1x768xf32, #tpu.memory_space<hbm>>) target(%dma_start3A_443 : memref<1x768xf32, #tpu.memory_space<vmem_shared>>) target_semaphore(%arg9 : memref<!tpu.dma_semaphore, #tpu.memory_space<semaphore_mem>>)
      %slice3A_446 = vector.extract_strided_slice %get3A_437 {offsets = [1], sizes = [1], strides = [1]} : vector<16xi32> to vector<1xi32>
      %squeeze3A_447 = vector.extract %slice3A_446[0] : i32 from vector<1xi32>
      %add3A_448 = arith.constant 49 : i32
      %add3A_449 = arith.addi %add3A_26, %add3A_448 : i32
      %dma_start3A_450 = arith.constant 0 : i32
      %dma_start3A_451 = tpu.memref_slice %arg6[%add3A_449, %dma_start3A_450] : memref<2560x768xf32, #tpu.memory_space<vmem_shared>> -> memref<1x768xf32, #tpu.memory_space<vmem_shared>>
      %dma_start3A_452 = arith.constant 0 : i32
      %dma_start3A_453 = tpu.memref_slice %arg3[%squeeze3A_447, %dma_start3A_452] : memref<49408x768xf32, #tpu.memory_space<hbm>> -> memref<1x768xf32, #tpu.memory_space<hbm>>
      tpu.enqueue_dma source(%dma_start3A_453 : memref<1x768xf32, #tpu.memory_space<hbm>>) target(%dma_start3A_451 : memref<1x768xf32, #tpu.memory_space<vmem_shared>>) target_semaphore(%arg9 : memref<!tpu.dma_semaphore, #tpu.memory_space<semaphore_mem>>)
      %slice3A_454 = vector.extract_strided_slice %get3A_437 {offsets = [2], sizes = [1], strides = [1]} : vector<16xi32> to vector<1xi32>
      %squeeze3A_455 = vector.extract %slice3A_454[0] : i32 from vector<1xi32>
      %add3A_456 = arith.constant 50 : i32
      %add3A_457 = arith.addi %add3A_26, %add3A_456 : i32
      %dma_start3A_458 = arith.constant 0 : i32
      %dma_start3A_459 = tpu.memref_slice %arg6[%add3A_457, %dma_start3A_458] : memref<2560x768xf32, #tpu.memory_space<vmem_shared>> -> memref<1x768xf32, #tpu.memory_space<vmem_shared>>
      %dma_start3A_460 = arith.constant 0 : i32
      %dma_start3A_461 = tpu.memref_slice %arg3[%squeeze3A_455, %dma_start3A_460] : memref<49408x768xf32, #tpu.memory_space<hbm>> -> memref<1x768xf32, #tpu.memory_space<hbm>>
      tpu.enqueue_dma source(%dma_start3A_461 : memref<1x768xf32, #tpu.memory_space<hbm>>) target(%dma_start3A_459 : memref<1x768xf32, #tpu.memory_space<vmem_shared>>) target_semaphore(%arg9 : memref<!tpu.dma_semaphore, #tpu.memory_space<semaphore_mem>>)
      %slice3A_462 = vector.extract_strided_slice %get3A_437 {offsets = [3], sizes = [1], strides = [1]} : vector<16xi32> to vector<1xi32>
      %squeeze3A_463 = vector.extract %slice3A_462[0] : i32 from vector<1xi32>
      %add3A_464 = arith.constant 51 : i32
      %add3A_465 = arith.addi %add3A_26, %add3A_464 : i32
      %dma_start3A_466 = arith.constant 0 : i32
      %dma_start3A_467 = tpu.memref_slice %arg6[%add3A_465, %dma_start3A_466] : memref<2560x768xf32, #tpu.memory_space<vmem_shared>> -> memref<1x768xf32, #tpu.memory_space<vmem_shared>>
      %dma_start3A_468 = arith.constant 0 : i32
      %dma_start3A_469 = tpu.memref_slice %arg3[%squeeze3A_463, %dma_start3A_468] : memref<49408x768xf32, #tpu.memory_space<hbm>> -> memref<1x768xf32, #tpu.memory_space<hbm>>
      tpu.enqueue_dma source(%dma_start3A_469 : memref<1x768xf32, #tpu.memory_space<hbm>>) target(%dma_start3A_467 : memref<1x768xf32, #tpu.memory_space<vmem_shared>>) target_semaphore(%arg9 : memref<!tpu.dma_semaphore, #tpu.memory_space<semaphore_mem>>)
      %slice3A_470 = vector.extract_strided_slice %get3A_437 {offsets = [4], sizes = [1], strides = [1]} : vector<16xi32> to vector<1xi32>
      %squeeze3A_471 = vector.extract %slice3A_470[0] : i32 from vector<1xi32>
      %add3A_472 = arith.constant 52 : i32
      %add3A_473 = arith.addi %add3A_26, %add3A_472 : i32
      %dma_start3A_474 = arith.constant 0 : i32
      %dma_start3A_475 = tpu.memref_slice %arg6[%add3A_473, %dma_start3A_474] : memref<2560x768xf32, #tpu.memory_space<vmem_shared>> -> memref<1x768xf32, #tpu.memory_space<vmem_shared>>
      %dma_start3A_476 = arith.constant 0 : i32
      %dma_start3A_477 = tpu.memref_slice %arg3[%squeeze3A_471, %dma_start3A_476] : memref<49408x768xf32, #tpu.memory_space<hbm>> -> memref<1x768xf32, #tpu.memory_space<hbm>>
      tpu.enqueue_dma source(%dma_start3A_477 : memref<1x768xf32, #tpu.memory_space<hbm>>) target(%dma_start3A_475 : memref<1x768xf32, #tpu.memory_space<vmem_shared>>) target_semaphore(%arg9 : memref<!tpu.dma_semaphore, #tpu.memory_space<semaphore_mem>>)
      %slice3A_478 = vector.extract_strided_slice %get3A_437 {offsets = [5], sizes = [1], strides = [1]} : vector<16xi32> to vector<1xi32>
      %squeeze3A_479 = vector.extract %slice3A_478[0] : i32 from vector<1xi32>
      %add3A_480 = arith.constant 53 : i32
      %add3A_481 = arith.addi %add3A_26, %add3A_480 : i32
      %dma_start3A_482 = arith.constant 0 : i32
      %dma_start3A_483 = tpu.memref_slice %arg6[%add3A_481, %dma_start3A_482] : memref<2560x768xf32, #tpu.memory_space<vmem_shared>> -> memref<1x768xf32, #tpu.memory_space<vmem_shared>>
      %dma_start3A_484 = arith.constant 0 : i32
      %dma_start3A_485 = tpu.memref_slice %arg3[%squeeze3A_479, %dma_start3A_484] : memref<49408x768xf32, #tpu.memory_space<hbm>> -> memref<1x768xf32, #tpu.memory_space<hbm>>
      tpu.enqueue_dma source(%dma_start3A_485 : memref<1x768xf32, #tpu.memory_space<hbm>>) target(%dma_start3A_483 : memref<1x768xf32, #tpu.memory_space<vmem_shared>>) target_semaphore(%arg9 : memref<!tpu.dma_semaphore, #tpu.memory_space<semaphore_mem>>)
      %slice3A_486 = vector.extract_strided_slice %get3A_437 {offsets = [6], sizes = [1], strides = [1]} : vector<16xi32> to vector<1xi32>
      %squeeze3A_487 = vector.extract %slice3A_486[0] : i32 from vector<1xi32>
      %add3A_488 = arith.constant 54 : i32
      %add3A_489 = arith.addi %add3A_26, %add3A_488 : i32
      %dma_start3A_490 = arith.constant 0 : i32
      %dma_start3A_491 = tpu.memref_slice %arg6[%add3A_489, %dma_start3A_490] : memref<2560x768xf32, #tpu.memory_space<vmem_shared>> -> memref<1x768xf32, #tpu.memory_space<vmem_shared>>
      %dma_start3A_492 = arith.constant 0 : i32
      %dma_start3A_493 = tpu.memref_slice %arg3[%squeeze3A_487, %dma_start3A_492] : memref<49408x768xf32, #tpu.memory_space<hbm>> -> memref<1x768xf32, #tpu.memory_space<hbm>>
      tpu.enqueue_dma source(%dma_start3A_493 : memref<1x768xf32, #tpu.memory_space<hbm>>) target(%dma_start3A_491 : memref<1x768xf32, #tpu.memory_space<vmem_shared>>) target_semaphore(%arg9 : memref<!tpu.dma_semaphore, #tpu.memory_space<semaphore_mem>>)
      %slice3A_494 = vector.extract_strided_slice %get3A_437 {offsets = [7], sizes = [1], strides = [1]} : vector<16xi32> to vector<1xi32>
      %squeeze3A_495 = vector.extract %slice3A_494[0] : i32 from vector<1xi32>
      %add3A_496 = arith.constant 55 : i32
      %add3A_497 = arith.addi %add3A_26, %add3A_496 : i32
      %dma_start3A_498 = arith.constant 0 : i32
      %dma_start3A_499 = tpu.memref_slice %arg6[%add3A_497, %dma_start3A_498] : memref<2560x768xf32, #tpu.memory_space<vmem_shared>> -> memref<1x768xf32, #tpu.memory_space<vmem_shared>>
      %dma_start3A_500 = arith.constant 0 : i32
      %dma_start3A_501 = tpu.memref_slice %arg3[%squeeze3A_495, %dma_start3A_500] : memref<49408x768xf32, #tpu.memory_space<hbm>> -> memref<1x768xf32, #tpu.memory_space<hbm>>
      tpu.enqueue_dma source(%dma_start3A_501 : memref<1x768xf32, #tpu.memory_space<hbm>>) target(%dma_start3A_499 : memref<1x768xf32, #tpu.memory_space<vmem_shared>>) target_semaphore(%arg9 : memref<!tpu.dma_semaphore, #tpu.memory_space<semaphore_mem>>)
      %slice3A_502 = vector.extract_strided_slice %get3A_437 {offsets = [8], sizes = [1], strides = [1]} : vector<16xi32> to vector<1xi32>
      %squeeze3A_503 = vector.extract %slice3A_502[0] : i32 from vector<1xi32>
      %add3A_504 = arith.constant 56 : i32
      %add3A_505 = arith.addi %add3A_26, %add3A_504 : i32
      %dma_start3A_506 = arith.constant 0 : i32
      %dma_start3A_507 = tpu.memref_slice %arg6[%add3A_505, %dma_start3A_506] : memref<2560x768xf32, #tpu.memory_space<vmem_shared>> -> memref<1x768xf32, #tpu.memory_space<vmem_shared>>
      %dma_start3A_508 = arith.constant 0 : i32
      %dma_start3A_509 = tpu.memref_slice %arg3[%squeeze3A_503, %dma_start3A_508] : memref<49408x768xf32, #tpu.memory_space<hbm>> -> memref<1x768xf32, #tpu.memory_space<hbm>>
      tpu.enqueue_dma source(%dma_start3A_509 : memref<1x768xf32, #tpu.memory_space<hbm>>) target(%dma_start3A_507 : memref<1x768xf32, #tpu.memory_space<vmem_shared>>) target_semaphore(%arg9 : memref<!tpu.dma_semaphore, #tpu.memory_space<semaphore_mem>>)
      %slice3A_510 = vector.extract_strided_slice %get3A_437 {offsets = [9], sizes = [1], strides = [1]} : vector<16xi32> to vector<1xi32>
      %squeeze3A_511 = vector.extract %slice3A_510[0] : i32 from vector<1xi32>
      %add3A_512 = arith.constant 57 : i32
      %add3A_513 = arith.addi %add3A_26, %add3A_512 : i32
      %dma_start3A_514 = arith.constant 0 : i32
      %dma_start3A_515 = tpu.memref_slice %arg6[%add3A_513, %dma_start3A_514] : memref<2560x768xf32, #tpu.memory_space<vmem_shared>> -> memref<1x768xf32, #tpu.memory_space<vmem_shared>>
      %dma_start3A_516 = arith.constant 0 : i32
      %dma_start3A_517 = tpu.memref_slice %arg3[%squeeze3A_511, %dma_start3A_516] : memref<49408x768xf32, #tpu.memory_space<hbm>> -> memref<1x768xf32, #tpu.memory_space<hbm>>
      tpu.enqueue_dma source(%dma_start3A_517 : memref<1x768xf32, #tpu.memory_space<hbm>>) target(%dma_start3A_515 : memref<1x768xf32, #tpu.memory_space<vmem_shared>>) target_semaphore(%arg9 : memref<!tpu.dma_semaphore, #tpu.memory_space<semaphore_mem>>)
      %slice3A_518 = vector.extract_strided_slice %get3A_437 {offsets = [10], sizes = [1], strides = [1]} : vector<16xi32> to vector<1xi32>
      %squeeze3A_519 = vector.extract %slice3A_518[0] : i32 from vector<1xi32>
      %add3A_520 = arith.constant 58 : i32
      %add3A_521 = arith.addi %add3A_26, %add3A_520 : i32
      %dma_start3A_522 = arith.constant 0 : i32
      %dma_start3A_523 = tpu.memref_slice %arg6[%add3A_521, %dma_start3A_522] : memref<2560x768xf32, #tpu.memory_space<vmem_shared>> -> memref<1x768xf32, #tpu.memory_space<vmem_shared>>
      %dma_start3A_524 = arith.constant 0 : i32
      %dma_start3A_525 = tpu.memref_slice %arg3[%squeeze3A_519, %dma_start3A_524] : memref<49408x768xf32, #tpu.memory_space<hbm>> -> memref<1x768xf32, #tpu.memory_space<hbm>>
      tpu.enqueue_dma source(%dma_start3A_525 : memref<1x768xf32, #tpu.memory_space<hbm>>) target(%dma_start3A_523 : memref<1x768xf32, #tpu.memory_space<vmem_shared>>) target_semaphore(%arg9 : memref<!tpu.dma_semaphore, #tpu.memory_space<semaphore_mem>>)
      %slice3A_526 = vector.extract_strided_slice %get3A_437 {offsets = [11], sizes = [1], strides = [1]} : vector<16xi32> to vector<1xi32>
      %squeeze3A_527 = vector.extract %slice3A_526[0] : i32 from vector<1xi32>
      %add3A_528 = arith.constant 59 : i32
      %add3A_529 = arith.addi %add3A_26, %add3A_528 : i32
      %dma_start3A_530 = arith.constant 0 : i32
      %dma_start3A_531 = tpu.memref_slice %arg6[%add3A_529, %dma_start3A_530] : memref<2560x768xf32, #tpu.memory_space<vmem_shared>> -> memref<1x768xf32, #tpu.memory_space<vmem_shared>>
      %dma_start3A_532 = arith.constant 0 : i32
      %dma_start3A_533 = tpu.memref_slice %arg3[%squeeze3A_527, %dma_start3A_532] : memref<49408x768xf32, #tpu.memory_space<hbm>> -> memref<1x768xf32, #tpu.memory_space<hbm>>
      tpu.enqueue_dma source(%dma_start3A_533 : memref<1x768xf32, #tpu.memory_space<hbm>>) target(%dma_start3A_531 : memref<1x768xf32, #tpu.memory_space<vmem_shared>>) target_semaphore(%arg9 : memref<!tpu.dma_semaphore, #tpu.memory_space<semaphore_mem>>)
      %slice3A_534 = vector.extract_strided_slice %get3A_437 {offsets = [12], sizes = [1], strides = [1]} : vector<16xi32> to vector<1xi32>
      %squeeze3A_535 = vector.extract %slice3A_534[0] : i32 from vector<1xi32>
      %add3A_536 = arith.constant 60 : i32
      %add3A_537 = arith.addi %add3A_26, %add3A_536 : i32
      %dma_start3A_538 = arith.constant 0 : i32
      %dma_start3A_539 = tpu.memref_slice %arg6[%add3A_537, %dma_start3A_538] : memref<2560x768xf32, #tpu.memory_space<vmem_shared>> -> memref<1x768xf32, #tpu.memory_space<vmem_shared>>
      %dma_start3A_540 = arith.constant 0 : i32
      %dma_start3A_541 = tpu.memref_slice %arg3[%squeeze3A_535, %dma_start3A_540] : memref<49408x768xf32, #tpu.memory_space<hbm>> -> memref<1x768xf32, #tpu.memory_space<hbm>>
      tpu.enqueue_dma source(%dma_start3A_541 : memref<1x768xf32, #tpu.memory_space<hbm>>) target(%dma_start3A_539 : memref<1x768xf32, #tpu.memory_space<vmem_shared>>) target_semaphore(%arg9 : memref<!tpu.dma_semaphore, #tpu.memory_space<semaphore_mem>>)
      %slice3A_542 = vector.extract_strided_slice %get3A_437 {offsets = [13], sizes = [1], strides = [1]} : vector<16xi32> to vector<1xi32>
      %squeeze3A_543 = vector.extract %slice3A_542[0] : i32 from vector<1xi32>
      %add3A_544 = arith.constant 61 : i32
      %add3A_545 = arith.addi %add3A_26, %add3A_544 : i32
      %dma_start3A_546 = arith.constant 0 : i32
      %dma_start3A_547 = tpu.memref_slice %arg6[%add3A_545, %dma_start3A_546] : memref<2560x768xf32, #tpu.memory_space<vmem_shared>> -> memref<1x768xf32, #tpu.memory_space<vmem_shared>>
      %dma_start3A_548 = arith.constant 0 : i32
      %dma_start3A_549 = tpu.memref_slice %arg3[%squeeze3A_543, %dma_start3A_548] : memref<49408x768xf32, #tpu.memory_space<hbm>> -> memref<1x768xf32, #tpu.memory_space<hbm>>
      tpu.enqueue_dma source(%dma_start3A_549 : memref<1x768xf32, #tpu.memory_space<hbm>>) target(%dma_start3A_547 : memref<1x768xf32, #tpu.memory_space<vmem_shared>>) target_semaphore(%arg9 : memref<!tpu.dma_semaphore, #tpu.memory_space<semaphore_mem>>)
      %slice3A_550 = vector.extract_strided_slice %get3A_437 {offsets = [14], sizes = [1], strides = [1]} : vector<16xi32> to vector<1xi32>
      %squeeze3A_551 = vector.extract %slice3A_550[0] : i32 from vector<1xi32>
      %add3A_552 = arith.constant 62 : i32
      %add3A_553 = arith.addi %add3A_26, %add3A_552 : i32
      %dma_start3A_554 = arith.constant 0 : i32
      %dma_start3A_555 = tpu.memref_slice %arg6[%add3A_553, %dma_start3A_554] : memref<2560x768xf32, #tpu.memory_space<vmem_shared>> -> memref<1x768xf32, #tpu.memory_space<vmem_shared>>
      %dma_start3A_556 = arith.constant 0 : i32
      %dma_start3A_557 = tpu.memref_slice %arg3[%squeeze3A_551, %dma_start3A_556] : memref<49408x768xf32, #tpu.memory_space<hbm>> -> memref<1x768xf32, #tpu.memory_space<hbm>>
      tpu.enqueue_dma source(%dma_start3A_557 : memref<1x768xf32, #tpu.memory_space<hbm>>) target(%dma_start3A_555 : memref<1x768xf32, #tpu.memory_space<vmem_shared>>) target_semaphore(%arg9 : memref<!tpu.dma_semaphore, #tpu.memory_space<semaphore_mem>>)
      %slice3A_558 = vector.extract_strided_slice %get3A_437 {offsets = [15], sizes = [1], strides = [1]} : vector<16xi32> to vector<1xi32>
      %squeeze3A_559 = vector.extract %slice3A_558[0] : i32 from vector<1xi32>
      %add3A_560 = arith.constant 63 : i32
      %add3A_561 = arith.addi %add3A_26, %add3A_560 : i32
      %dma_start3A_562 = arith.constant 0 : i32
      %dma_start3A_563 = tpu.memref_slice %arg6[%add3A_561, %dma_start3A_562] : memref<2560x768xf32, #tpu.memory_space<vmem_shared>> -> memref<1x768xf32, #tpu.memory_space<vmem_shared>>
      %dma_start3A_564 = arith.constant 0 : i32
      %dma_start3A_565 = tpu.memref_slice %arg3[%squeeze3A_559, %dma_start3A_564] : memref<49408x768xf32, #tpu.memory_space<hbm>> -> memref<1x768xf32, #tpu.memory_space<hbm>>
      tpu.enqueue_dma source(%dma_start3A_565 : memref<1x768xf32, #tpu.memory_space<hbm>>) target(%dma_start3A_563 : memref<1x768xf32, #tpu.memory_space<vmem_shared>>) target_semaphore(%arg9 : memref<!tpu.dma_semaphore, #tpu.memory_space<semaphore_mem>>)
      %mul3A_566 = arith.constant 80 : i32
      %mul3A_567 = arith.muli %scan3A_22, %mul3A_566 : i32
      %add3A_568 = arith.constant 64 : i32
      %add3A_569 = arith.addi %mul3A_567, %add3A_568 : i32
      %get3A_570 = arith.index_cast %add3A_569 : i32 to index
      %get3A_571 = tpu.vector_load %arg5[%get3A_570] {strides = array<i32>} : memref<1280xi32, #tpu.memory_space<vmem>>, vector<16xi32>,
      %get3A_572 = vector.shape_cast %get3A_571 : vector<16xi32> to vector<16xi32>
      %slice3A_573 = vector.extract_strided_slice %get3A_572 {offsets = [0], sizes = [1], strides = [1]} : vector<16xi32> to vector<1xi32>
      %squeeze3A_574 = vector.extract %slice3A_573[0] : i32 from vector<1xi32>
      %add3A_575 = arith.constant 64 : i32
      %add3A_576 = arith.addi %add3A_26, %add3A_575 : i32
      %dma_start3A_577 = arith.constant 0 : i32
      %dma_start3A_578 = tpu.memref_slice %arg6[%add3A_576, %dma_start3A_577] : memref<2560x768xf32, #tpu.memory_space<vmem_shared>> -> memref<1x768xf32, #tpu.memory_space<vmem_shared>>
      %dma_start3A_579 = arith.constant 0 : i32
      %dma_start3A_580 = tpu.memref_slice %arg3[%squeeze3A_574, %dma_start3A_579] : memref<49408x768xf32, #tpu.memory_space<hbm>> -> memref<1x768xf32, #tpu.memory_space<hbm>>
      tpu.enqueue_dma source(%dma_start3A_580 : memref<1x768xf32, #tpu.memory_space<hbm>>) target(%dma_start3A_578 : memref<1x768xf32, #tpu.memory_space<vmem_shared>>) target_semaphore(%arg9 : memref<!tpu.dma_semaphore, #tpu.memory_space<semaphore_mem>>)
      %slice3A_581 = vector.extract_strided_slice %get3A_572 {offsets = [1], sizes = [1], strides = [1]} : vector<16xi32> to vector<1xi32>
      %squeeze3A_582 = vector.extract %slice3A_581[0] : i32 from vector<1xi32>
      %add3A_583 = arith.constant 65 : i32
      %add3A_584 = arith.addi %add3A_26, %add3A_583 : i32
      %dma_start3A_585 = arith.constant 0 : i32
      %dma_start3A_586 = tpu.memref_slice %arg6[%add3A_584, %dma_start3A_585] : memref<2560x768xf32, #tpu.memory_space<vmem_shared>> -> memref<1x768xf32, #tpu.memory_space<vmem_shared>>
      %dma_start3A_587 = arith.constant 0 : i32
      %dma_start3A_588 = tpu.memref_slice %arg3[%squeeze3A_582, %dma_start3A_587] : memref<49408x768xf32, #tpu.memory_space<hbm>> -> memref<1x768xf32, #tpu.memory_space<hbm>>
      tpu.enqueue_dma source(%dma_start3A_588 : memref<1x768xf32, #tpu.memory_space<hbm>>) target(%dma_start3A_586 : memref<1x768xf32, #tpu.memory_space<vmem_shared>>) target_semaphore(%arg9 : memref<!tpu.dma_semaphore, #tpu.memory_space<semaphore_mem>>)
      %slice3A_589 = vector.extract_strided_slice %get3A_572 {offsets = [2], sizes = [1], strides = [1]} : vector<16xi32> to vector<1xi32>
      %squeeze3A_590 = vector.extract %slice3A_589[0] : i32 from vector<1xi32>
      %add3A_591 = arith.constant 66 : i32
      %add3A_592 = arith.addi %add3A_26, %add3A_591 : i32
      %dma_start3A_593 = arith.constant 0 : i32
      %dma_start3A_594 = tpu.memref_slice %arg6[%add3A_592, %dma_start3A_593] : memref<2560x768xf32, #tpu.memory_space<vmem_shared>> -> memref<1x768xf32, #tpu.memory_space<vmem_shared>>
      %dma_start3A_595 = arith.constant 0 : i32
      %dma_start3A_596 = tpu.memref_slice %arg3[%squeeze3A_590, %dma_start3A_595] : memref<49408x768xf32, #tpu.memory_space<hbm>> -> memref<1x768xf32, #tpu.memory_space<hbm>>
      tpu.enqueue_dma source(%dma_start3A_596 : memref<1x768xf32, #tpu.memory_space<hbm>>) target(%dma_start3A_594 : memref<1x768xf32, #tpu.memory_space<vmem_shared>>) target_semaphore(%arg9 : memref<!tpu.dma_semaphore, #tpu.memory_space<semaphore_mem>>)
      %slice3A_597 = vector.extract_strided_slice %get3A_572 {offsets = [3], sizes = [1], strides = [1]} : vector<16xi32> to vector<1xi32>
      %squeeze3A_598 = vector.extract %slice3A_597[0] : i32 from vector<1xi32>
      %add3A_599 = arith.constant 67 : i32
      %add3A_600 = arith.addi %add3A_26, %add3A_599 : i32
      %dma_start3A_601 = arith.constant 0 : i32
      %dma_start3A_602 = tpu.memref_slice %arg6[%add3A_600, %dma_start3A_601] : memref<2560x768xf32, #tpu.memory_space<vmem_shared>> -> memref<1x768xf32, #tpu.memory_space<vmem_shared>>
      %dma_start3A_603 = arith.constant 0 : i32
      %dma_start3A_604 = tpu.memref_slice %arg3[%squeeze3A_598, %dma_start3A_603] : memref<49408x768xf32, #tpu.memory_space<hbm>> -> memref<1x768xf32, #tpu.memory_space<hbm>>
      tpu.enqueue_dma source(%dma_start3A_604 : memref<1x768xf32, #tpu.memory_space<hbm>>) target(%dma_start3A_602 : memref<1x768xf32, #tpu.memory_space<vmem_shared>>) target_semaphore(%arg9 : memref<!tpu.dma_semaphore, #tpu.memory_space<semaphore_mem>>)
      %slice3A_605 = vector.extract_strided_slice %get3A_572 {offsets = [4], sizes = [1], strides = [1]} : vector<16xi32> to vector<1xi32>
      %squeeze3A_606 = vector.extract %slice3A_605[0] : i32 from vector<1xi32>
      %add3A_607 = arith.constant 68 : i32
      %add3A_608 = arith.addi %add3A_26, %add3A_607 : i32
      %dma_start3A_609 = arith.constant 0 : i32
      %dma_start3A_610 = tpu.memref_slice %arg6[%add3A_608, %dma_start3A_609] : memref<2560x768xf32, #tpu.memory_space<vmem_shared>> -> memref<1x768xf32, #tpu.memory_space<vmem_shared>>
      %dma_start3A_611 = arith.constant 0 : i32
      %dma_start3A_612 = tpu.memref_slice %arg3[%squeeze3A_606, %dma_start3A_611] : memref<49408x768xf32, #tpu.memory_space<hbm>> -> memref<1x768xf32, #tpu.memory_space<hbm>>
      tpu.enqueue_dma source(%dma_start3A_612 : memref<1x768xf32, #tpu.memory_space<hbm>>) target(%dma_start3A_610 : memref<1x768xf32, #tpu.memory_space<vmem_shared>>) target_semaphore(%arg9 : memref<!tpu.dma_semaphore, #tpu.memory_space<semaphore_mem>>)
      %slice3A_613 = vector.extract_strided_slice %get3A_572 {offsets = [5], sizes = [1], strides = [1]} : vector<16xi32> to vector<1xi32>
      %squeeze3A_614 = vector.extract %slice3A_613[0] : i32 from vector<1xi32>
      %add3A_615 = arith.constant 69 : i32
      %add3A_616 = arith.addi %add3A_26, %add3A_615 : i32
      %dma_start3A_617 = arith.constant 0 : i32
      %dma_start3A_618 = tpu.memref_slice %arg6[%add3A_616, %dma_start3A_617] : memref<2560x768xf32, #tpu.memory_space<vmem_shared>> -> memref<1x768xf32, #tpu.memory_space<vmem_shared>>
      %dma_start3A_619 = arith.constant 0 : i32
      %dma_start3A_620 = tpu.memref_slice %arg3[%squeeze3A_614, %dma_start3A_619] : memref<49408x768xf32, #tpu.memory_space<hbm>> -> memref<1x768xf32, #tpu.memory_space<hbm>>
      tpu.enqueue_dma source(%dma_start3A_620 : memref<1x768xf32, #tpu.memory_space<hbm>>) target(%dma_start3A_618 : memref<1x768xf32, #tpu.memory_space<vmem_shared>>) target_semaphore(%arg9 : memref<!tpu.dma_semaphore, #tpu.memory_space<semaphore_mem>>)
      %slice3A_621 = vector.extract_strided_slice %get3A_572 {offsets = [6], sizes = [1], strides = [1]} : vector<16xi32> to vector<1xi32>
      %squeeze3A_622 = vector.extract %slice3A_621[0] : i32 from vector<1xi32>
      %add3A_623 = arith.constant 70 : i32
      %add3A_624 = arith.addi %add3A_26, %add3A_623 : i32
      %dma_start3A_625 = arith.constant 0 : i32
      %dma_start3A_626 = tpu.memref_slice %arg6[%add3A_624, %dma_start3A_625] : memref<2560x768xf32, #tpu.memory_space<vmem_shared>> -> memref<1x768xf32, #tpu.memory_space<vmem_shared>>
      %dma_start3A_627 = arith.constant 0 : i32
      %dma_start3A_628 = tpu.memref_slice %arg3[%squeeze3A_622, %dma_start3A_627] : memref<49408x768xf32, #tpu.memory_space<hbm>> -> memref<1x768xf32, #tpu.memory_space<hbm>>
      tpu.enqueue_dma source(%dma_start3A_628 : memref<1x768xf32, #tpu.memory_space<hbm>>) target(%dma_start3A_626 : memref<1x768xf32, #tpu.memory_space<vmem_shared>>) target_semaphore(%arg9 : memref<!tpu.dma_semaphore, #tpu.memory_space<semaphore_mem>>)
      %slice3A_629 = vector.extract_strided_slice %get3A_572 {offsets = [7], sizes = [1], strides = [1]} : vector<16xi32> to vector<1xi32>
      %squeeze3A_630 = vector.extract %slice3A_629[0] : i32 from vector<1xi32>
      %add3A_631 = arith.constant 71 : i32
      %add3A_632 = arith.addi %add3A_26, %add3A_631 : i32
      %dma_start3A_633 = arith.constant 0 : i32
      %dma_start3A_634 = tpu.memref_slice %arg6[%add3A_632, %dma_start3A_633] : memref<2560x768xf32, #tpu.memory_space<vmem_shared>> -> memref<1x768xf32, #tpu.memory_space<vmem_shared>>
      %dma_start3A_635 = arith.constant 0 : i32
      %dma_start3A_636 = tpu.memref_slice %arg3[%squeeze3A_630, %dma_start3A_635] : memref<49408x768xf32, #tpu.memory_space<hbm>> -> memref<1x768xf32, #tpu.memory_space<hbm>>
      tpu.enqueue_dma source(%dma_start3A_636 : memref<1x768xf32, #tpu.memory_space<hbm>>) target(%dma_start3A_634 : memref<1x768xf32, #tpu.memory_space<vmem_shared>>) target_semaphore(%arg9 : memref<!tpu.dma_semaphore, #tpu.memory_space<semaphore_mem>>)
      %slice3A_637 = vector.extract_strided_slice %get3A_572 {offsets = [8], sizes = [1], strides = [1]} : vector<16xi32> to vector<1xi32>
      %squeeze3A_638 = vector.extract %slice3A_637[0] : i32 from vector<1xi32>
      %add3A_639 = arith.constant 72 : i32
      %add3A_640 = arith.addi %add3A_26, %add3A_639 : i32
      %dma_start3A_641 = arith.constant 0 : i32
      %dma_start3A_642 = tpu.memref_slice %arg6[%add3A_640, %dma_start3A_641] : memref<2560x768xf32, #tpu.memory_space<vmem_shared>> -> memref<1x768xf32, #tpu.memory_space<vmem_shared>>
      %dma_start3A_643 = arith.constant 0 : i32
      %dma_start3A_644 = tpu.memref_slice %arg3[%squeeze3A_638, %dma_start3A_643] : memref<49408x768xf32, #tpu.memory_space<hbm>> -> memref<1x768xf32, #tpu.memory_space<hbm>>
      tpu.enqueue_dma source(%dma_start3A_644 : memref<1x768xf32, #tpu.memory_space<hbm>>) target(%dma_start3A_642 : memref<1x768xf32, #tpu.memory_space<vmem_shared>>) target_semaphore(%arg9 : memref<!tpu.dma_semaphore, #tpu.memory_space<semaphore_mem>>)
      %slice3A_645 = vector.extract_strided_slice %get3A_572 {offsets = [9], sizes = [1], strides = [1]} : vector<16xi32> to vector<1xi32>
      %squeeze3A_646 = vector.extract %slice3A_645[0] : i32 from vector<1xi32>
      %add3A_647 = arith.constant 73 : i32
      %add3A_648 = arith.addi %add3A_26, %add3A_647 : i32
      %dma_start3A_649 = arith.constant 0 : i32
      %dma_start3A_650 = tpu.memref_slice %arg6[%add3A_648, %dma_start3A_649] : memref<2560x768xf32, #tpu.memory_space<vmem_shared>> -> memref<1x768xf32, #tpu.memory_space<vmem_shared>>
      %dma_start3A_651 = arith.constant 0 : i32
      %dma_start3A_652 = tpu.memref_slice %arg3[%squeeze3A_646, %dma_start3A_651] : memref<49408x768xf32, #tpu.memory_space<hbm>> -> memref<1x768xf32, #tpu.memory_space<hbm>>
      tpu.enqueue_dma source(%dma_start3A_652 : memref<1x768xf32, #tpu.memory_space<hbm>>) target(%dma_start3A_650 : memref<1x768xf32, #tpu.memory_space<vmem_shared>>) target_semaphore(%arg9 : memref<!tpu.dma_semaphore, #tpu.memory_space<semaphore_mem>>)
      %slice3A_653 = vector.extract_strided_slice %get3A_572 {offsets = [10], sizes = [1], strides = [1]} : vector<16xi32> to vector<1xi32>
      %squeeze3A_654 = vector.extract %slice3A_653[0] : i32 from vector<1xi32>
      %add3A_655 = arith.constant 74 : i32
      %add3A_656 = arith.addi %add3A_26, %add3A_655 : i32
      %dma_start3A_657 = arith.constant 0 : i32
      %dma_start3A_658 = tpu.memref_slice %arg6[%add3A_656, %dma_start3A_657] : memref<2560x768xf32, #tpu.memory_space<vmem_shared>> -> memref<1x768xf32, #tpu.memory_space<vmem_shared>>
      %dma_start3A_659 = arith.constant 0 : i32
      %dma_start3A_660 = tpu.memref_slice %arg3[%squeeze3A_654, %dma_start3A_659] : memref<49408x768xf32, #tpu.memory_space<hbm>> -> memref<1x768xf32, #tpu.memory_space<hbm>>
      tpu.enqueue_dma source(%dma_start3A_660 : memref<1x768xf32, #tpu.memory_space<hbm>>) target(%dma_start3A_658 : memref<1x768xf32, #tpu.memory_space<vmem_shared>>) target_semaphore(%arg9 : memref<!tpu.dma_semaphore, #tpu.memory_space<semaphore_mem>>)
      %slice3A_661 = vector.extract_strided_slice %get3A_572 {offsets = [11], sizes = [1], strides = [1]} : vector<16xi32> to vector<1xi32>
      %squeeze3A_662 = vector.extract %slice3A_661[0] : i32 from vector<1xi32>
      %add3A_663 = arith.constant 75 : i32
      %add3A_664 = arith.addi %add3A_26, %add3A_663 : i32
      %dma_start3A_665 = arith.constant 0 : i32
      %dma_start3A_666 = tpu.memref_slice %arg6[%add3A_664, %dma_start3A_665] : memref<2560x768xf32, #tpu.memory_space<vmem_shared>> -> memref<1x768xf32, #tpu.memory_space<vmem_shared>>
      %dma_start3A_667 = arith.constant 0 : i32
      %dma_start3A_668 = tpu.memref_slice %arg3[%squeeze3A_662, %dma_start3A_667] : memref<49408x768xf32, #tpu.memory_space<hbm>> -> memref<1x768xf32, #tpu.memory_space<hbm>>
      tpu.enqueue_dma source(%dma_start3A_668 : memref<1x768xf32, #tpu.memory_space<hbm>>) target(%dma_start3A_666 : memref<1x768xf32, #tpu.memory_space<vmem_shared>>) target_semaphore(%arg9 : memref<!tpu.dma_semaphore, #tpu.memory_space<semaphore_mem>>)
      %slice3A_669 = vector.extract_strided_slice %get3A_572 {offsets = [12], sizes = [1], strides = [1]} : vector<16xi32> to vector<1xi32>
      %squeeze3A_670 = vector.extract %slice3A_669[0] : i32 from vector<1xi32>
      %add3A_671 = arith.constant 76 : i32
      %add3A_672 = arith.addi %add3A_26, %add3A_671 : i32
      %dma_start3A_673 = arith.constant 0 : i32
      %dma_start3A_674 = tpu.memref_slice %arg6[%add3A_672, %dma_start3A_673] : memref<2560x768xf32, #tpu.memory_space<vmem_shared>> -> memref<1x768xf32, #tpu.memory_space<vmem_shared>>
      %dma_start3A_675 = arith.constant 0 : i32
      %dma_start3A_676 = tpu.memref_slice %arg3[%squeeze3A_670, %dma_start3A_675] : memref<49408x768xf32, #tpu.memory_space<hbm>> -> memref<1x768xf32, #tpu.memory_space<hbm>>
      tpu.enqueue_dma source(%dma_start3A_676 : memref<1x768xf32, #tpu.memory_space<hbm>>) target(%dma_start3A_674 : memref<1x768xf32, #tpu.memory_space<vmem_shared>>) target_semaphore(%arg9 : memref<!tpu.dma_semaphore, #tpu.memory_space<semaphore_mem>>)
      %slice3A_677 = vector.extract_strided_slice %get3A_572 {offsets = [13], sizes = [1], strides = [1]} : vector<16xi32> to vector<1xi32>
      %squeeze3A_678 = vector.extract %slice3A_677[0] : i32 from vector<1xi32>
      %add3A_679 = arith.constant 77 : i32
      %add3A_680 = arith.addi %add3A_26, %add3A_679 : i32
      %dma_start3A_681 = arith.constant 0 : i32
      %dma_start3A_682 = tpu.memref_slice %arg6[%add3A_680, %dma_start3A_681] : memref<2560x768xf32, #tpu.memory_space<vmem_shared>> -> memref<1x768xf32, #tpu.memory_space<vmem_shared>>
      %dma_start3A_683 = arith.constant 0 : i32
      %dma_start3A_684 = tpu.memref_slice %arg3[%squeeze3A_678, %dma_start3A_683] : memref<49408x768xf32, #tpu.memory_space<hbm>> -> memref<1x768xf32, #tpu.memory_space<hbm>>
      tpu.enqueue_dma source(%dma_start3A_684 : memref<1x768xf32, #tpu.memory_space<hbm>>) target(%dma_start3A_682 : memref<1x768xf32, #tpu.memory_space<vmem_shared>>) target_semaphore(%arg9 : memref<!tpu.dma_semaphore, #tpu.memory_space<semaphore_mem>>)
      %slice3A_685 = vector.extract_strided_slice %get3A_572 {offsets = [14], sizes = [1], strides = [1]} : vector<16xi32> to vector<1xi32>
      %squeeze3A_686 = vector.extract %slice3A_685[0] : i32 from vector<1xi32>
      %add3A_687 = arith.constant 78 : i32
      %add3A_688 = arith.addi %add3A_26, %add3A_687 : i32
      %dma_start3A_689 = arith.constant 0 : i32
      %dma_start3A_690 = tpu.memref_slice %arg6[%add3A_688, %dma_start3A_689] : memref<2560x768xf32, #tpu.memory_space<vmem_shared>> -> memref<1x768xf32, #tpu.memory_space<vmem_shared>>
      %dma_start3A_691 = arith.constant 0 : i32
      %dma_start3A_692 = tpu.memref_slice %arg3[%squeeze3A_686, %dma_start3A_691] : memref<49408x768xf32, #tpu.memory_space<hbm>> -> memref<1x768xf32, #tpu.memory_space<hbm>>
      tpu.enqueue_dma source(%dma_start3A_692 : memref<1x768xf32, #tpu.memory_space<hbm>>) target(%dma_start3A_690 : memref<1x768xf32, #tpu.memory_space<vmem_shared>>) target_semaphore(%arg9 : memref<!tpu.dma_semaphore, #tpu.memory_space<semaphore_mem>>)
      %slice3A_693 = vector.extract_strided_slice %get3A_572 {offsets = [15], sizes = [1], strides = [1]} : vector<16xi32> to vector<1xi32>
      %squeeze3A_694 = vector.extract %slice3A_693[0] : i32 from vector<1xi32>
      %add3A_695 = arith.constant 79 : i32
      %add3A_696 = arith.addi %add3A_26, %add3A_695 : i32
      %dma_start3A_697 = arith.constant 0 : i32
      %dma_start3A_698 = tpu.memref_slice %arg6[%add3A_696, %dma_start3A_697] : memref<2560x768xf32, #tpu.memory_space<vmem_shared>> -> memref<1x768xf32, #tpu.memory_space<vmem_shared>>
      %dma_start3A_699 = arith.constant 0 : i32
      %dma_start3A_700 = tpu.memref_slice %arg3[%squeeze3A_694, %dma_start3A_699] : memref<49408x768xf32, #tpu.memory_space<hbm>> -> memref<1x768xf32, #tpu.memory_space<hbm>>
      tpu.enqueue_dma source(%dma_start3A_700 : memref<1x768xf32, #tpu.memory_space<hbm>>) target(%dma_start3A_698 : memref<1x768xf32, #tpu.memory_space<vmem_shared>>) target_semaphore(%arg9 : memref<!tpu.dma_semaphore, #tpu.memory_space<semaphore_mem>>)
      %scan3A_701 = arith.constant 0 : i32
      %scan3A_702 = arith.constant 0 : i32
      %scan3A_703 = arith.constant 80 : i32
      %scan3A_704 = arith.addi %scan3A_702, %scan3A_703 : i32
      %scan3A_705 = arith.constant 1 : i32
      scf.for %scan3A_714 = %scan3A_702 to %scan3A_704 step %scan3A_705  : i32 {
        %dma_wait3A_715 = arith.constant 0 : i32
        %dma_wait3A_716 = tpu.memref_slice %arg6[%mul3A_10, %dma_wait3A_715] : memref<2560x768xf32, #tpu.memory_space<vmem_shared>> -> memref<1x768xf32, #tpu.memory_space<vmem_shared>>
        %dma_wait3A_717 = arith.constant 0 : i32
        %dma_wait3A_718 = arith.constant 0 : i32
        %dma_wait3A_719 = tpu.memref_slice %arg3[%dma_wait3A_717, %dma_wait3A_718] : memref<49408x768xf32, #tpu.memory_space<hbm>> -> memref<1x768xf32, #tpu.memory_space<hbm>>
        tpu.wait_dma2 semaphore(%arg9 : memref<!tpu.dma_semaphore, #tpu.memory_space<semaphore_mem>>) src(%dma_wait3A_719 : memref<1x768xf32, #tpu.memory_space<hbm>>) dst(%dma_wait3A_716 : memref<1x768xf32, #tpu.memory_space<vmem_shared>>)
      }
      %scan3A_706 = arith.constant 80 : i32
      %add3A_707 = arith.addi %mul3A_2, %scan3A_22 : i32
      %dma_start3A_708 = arith.constant 0 : i32
      %dma_start3A_709 = arith.constant 0 : i32
      %dma_start3A_710 = tpu.memref_slice %arg4[%add3A_707, %dma_start3A_708, %dma_start3A_709] : memref<512x80x768xf32, #tpu.memory_space<hbm>> -> memref<1x80x768xf32, #tpu.memory_space<hbm>>
      %dma_start3A_711 = tpu.memref_squeeze %dma_start3A_710 : memref<1x80x768xf32, #tpu.memory_space<hbm>> -> memref<80x768xf32, #tpu.memory_space<hbm>>
      %dma_start3A_712 = arith.constant 0 : i32
      %dma_start3A_713 = tpu.memref_slice %arg6[%add3A_26, %dma_start3A_712] : memref<2560x768xf32, #tpu.memory_space<vmem_shared>> -> memref<80x768xf32, #tpu.memory_space<vmem_shared>>
      tpu.enqueue_dma source(%dma_start3A_713 : memref<80x768xf32, #tpu.memory_space<vmem_shared>>) target(%dma_start3A_711 : memref<80x768xf32, #tpu.memory_space<hbm>>) target_semaphore(%arg8 : memref<!tpu.dma_semaphore, #tpu.memory_space<semaphore_mem>>)
    }
    %scan3A_15 = arith.constant 16 : i32
    %scan3A_16 = arith.constant 0 : i32
    %scan3A_17 = arith.constant 0 : i32
    %scan3A_18 = arith.constant 2 : i32
    %scan3A_19 = arith.addi %scan3A_17, %scan3A_18 : i32
    %scan3A_20 = arith.constant 1 : i32
    scf.for %scan3A_22 = %scan3A_17 to %scan3A_19 step %scan3A_20  : i32 {
      %dma_wait3A_23 = arith.constant 0 : i32
      %dma_wait3A_24 = arith.constant 0 : i32
      %dma_wait3A_25 = tpu.memref_slice %arg4[%mul3A_2, %dma_wait3A_23, %dma_wait3A_24] : memref<512x80x768xf32, #tpu.memory_space<hbm>> -> memref<1x80x768xf32, #tpu.memory_space<hbm>>
      %dma_wait3A_26 = tpu.memref_squeeze %dma_wait3A_25 : memref<1x80x768xf32, #tpu.memory_space<hbm>> -> memref<80x768xf32, #tpu.memory_space<hbm>>
      %dma_wait3A_27 = arith.constant 0 : i32
      %dma_wait3A_28 = tpu.memref_slice %arg6[%mul3A_10, %dma_wait3A_27] : memref<2560x768xf32, #tpu.memory_space<vmem_shared>> -> memref<80x768xf32, #tpu.memory_space<vmem_shared>>
      tpu.wait_dma2 semaphore(%arg8 : memref<!tpu.dma_semaphore, #tpu.memory_space<semaphore_mem>>) src(%dma_wait3A_28 : memref<80x768xf32, #tpu.memory_space<vmem_shared>>) dst(%dma_wait3A_26 : memref<80x768xf32, #tpu.memory_space<hbm>>)
    }
    %scan3A_21 = arith.constant 2 : i32
    return
  }
}

module attributes {stable_mosaic.version = 14 : i64} {
  func.func @_add_body(%arg0: i32, %arg1: memref<8x80x768xf32, #tpu.memory_space<vmem>>, %arg2: memref<1x77x768xf32, #tpu.memory_space<vmem>>, %arg3: memref<8x77x768xf32, #tpu.memory_space<vmem>>) attributes {dimension_semantics = [#tpu.dimension_semantics<arbitrary>], iteration_bounds = array<i64: 64>, scalar_prefetch = 0 : i64, scratch_operands = 0 : i64, tpu.core_type = #tpu.core_type<tc>, window_params = [{transform_indices = @transform_0, window_bounds = array<i64: 8, 80, 768>}, {pipeline_mode = #tpu.pipeline_mode<synchronous>, transform_indices = @transform_1, window_bounds = array<i64: 1, 77, 768>}, {transform_indices = @transform_2, window_bounds = array<i64: 8, 77, 768>}]} {
    %get3A = arith.constant 0 : index
    %get3A_0 = arith.constant 0 : index
    %get3A_1 = arith.constant 0 : index
    %get3A_2 = vector.load %arg1[%get3A, %get3A_0, %get3A_1] : memref<8x80x768xf32, #tpu.memory_space<vmem>>, vector<8x77x768xf32>
    %get3A_3 = arith.constant 0 : index
    %get3A_4 = arith.constant 0 : index
    %get3A_5 = arith.constant 0 : index
    %get3A_6 = vector.load %arg2[%get3A_3, %get3A_4, %get3A_5] : memref<1x77x768xf32, #tpu.memory_space<vmem>>, vector<1x77x768xf32>
    %add3A = vector.broadcast %get3A_6 : vector<1x77x768xf32> to vector<8x77x768xf32>
    %add3A_7 = arith.addf %get3A_2, %add3A : vector<8x77x768xf32>
    %swap3A = arith.constant 0 : index
    %swap3A_8 = arith.constant 0 : index
    %swap3A_9 = arith.constant 0 : index
    %swap3A_10 = vector.load %arg3[%swap3A, %swap3A_8, %swap3A_9] : memref<8x77x768xf32, #tpu.memory_space<vmem>>, vector<8x77x768xf32>
    tpu.vector_store %arg3[%swap3A, %swap3A_8, %swap3A_9], %add3A_7 {strides = array<i32>} : memref<8x77x768xf32, #tpu.memory_space<vmem>>, vector<8x77x768xf32>,
    return
  }
  func.func @transform_0(%arg0: i32) -> (i32, i32, i32) {
    %c0_i32 = arith.constant 0 : i32
    %c0_i32_0 = arith.constant 0 : i32
    %c0_i32_1 = arith.constant 0 : i32
    return %arg0, %c0_i32, %c0_i32_0 : i32, i32, i32
  }
  func.func @transform_1(%arg0: i32) -> (i32, i32, i32) {
    %c0_i32 = arith.constant 0 : i32
    %c0_i32_0 = arith.constant 0 : i32
    %c0_i32_1 = arith.constant 0 : i32
    %c0_i32_2 = arith.constant 0 : i32
    return %c0_i32, %c0_i32_0, %c0_i32_1 : i32, i32, i32
  }
  func.func @transform_2(%arg0: i32) -> (i32, i32, i32) {
    %c0_i32 = arith.constant 0 : i32
    %c0_i32_0 = arith.constant 0 : i32
    %c0_i32_1 = arith.constant 0 : i32
    return %arg0, %c0_i32, %c0_i32_0 : i32, i32, i32
  }
}

module attributes {stable_mosaic.version = 14 : i64} {
  func.func @_add_body2(%arg0: i32, %arg1: memref<1x77x128xf32, #tpu.memory_space<vmem>>, %arg2: memref<8x80x768xf32, #tpu.memory_space<vmem>>, %arg3: memref<1x77x768xf32, #tpu.memory_space<vmem>>, %arg4: memref<8x77x768xf32, #tpu.memory_space<vmem>>) attributes {dimension_semantics = [#tpu.dimension_semantics<arbitrary>], iteration_bounds = array<i64: 64>, scalar_prefetch = 0 : i64, scratch_operands = 0 : i64, tpu.core_type = #tpu.core_type<tc>, window_params = [{transform_indices = @transform_0, window_bounds = array<i64: 1, 77, 128>}, {transform_indices = @transform_1, window_bounds = array<i64: 8, 80, 768>}, {pipeline_mode = #tpu.pipeline_mode<synchronous>, transform_indices = @transform_2, window_bounds = array<i64: 1, 77, 768>}, {transform_indices = @transform_3, window_bounds = array<i64: 8, 77, 768>}]} {
    %get3A = arith.constant 0 : index
    %get3A_0 = arith.constant 0 : index
    %get3A_1 = arith.constant 0 : index
    %get3A_2 = vector.load %arg2[%get3A, %get3A_0, %get3A_1] : memref<8x80x768xf32, #tpu.memory_space<vmem>>, vector<8x77x768xf32>
    %get3A_3 = arith.constant 0 : index
    %get3A_4 = arith.constant 0 : index
    %get3A_5 = arith.constant 0 : index
    %get3A_6 = vector.load %arg3[%get3A_3, %get3A_4, %get3A_5] : memref<1x77x768xf32, #tpu.memory_space<vmem>>, vector<1x77x768xf32>
    %add3A = vector.broadcast %get3A_6 : vector<1x77x768xf32> to vector<8x77x768xf32>
    %add3A_7 = arith.addf %get3A_2, %add3A : vector<8x77x768xf32>
    %swap3A = arith.constant 0 : index
    %swap3A_8 = arith.constant 0 : index
    %swap3A_9 = arith.constant 0 : index
    %swap3A_10 = vector.load %arg4[%swap3A, %swap3A_8, %swap3A_9] : memref<8x77x768xf32, #tpu.memory_space<vmem>>, vector<8x77x768xf32>
    tpu.vector_store %arg4[%swap3A, %swap3A_8, %swap3A_9], %add3A_7 {strides = array<i32>} : memref<8x77x768xf32, #tpu.memory_space<vmem>>, vector<8x77x768xf32>,
    return
  }
  func.func @transform_0(%arg0: i32) -> (i32, i32, i32) {
    %c0_i32 = arith.constant 0 : i32
    %c0_i32_0 = arith.constant 0 : i32
    %c0_i32_1 = arith.constant 0 : i32
    %c0_i32_2 = arith.constant 0 : i32
    return %c0_i32, %c0_i32_0, %c0_i32_1 : i32, i32, i32
  }
  func.func @transform_1(%arg0: i32) -> (i32, i32, i32) {
    %c0_i32 = arith.constant 0 : i32
    %c0_i32_0 = arith.constant 0 : i32
    %c0_i32_1 = arith.constant 0 : i32
    return %arg0, %c0_i32, %c0_i32_0 : i32, i32, i32
  }
  func.func @transform_2(%arg0: i32) -> (i32, i32, i32) {
    %c0_i32 = arith.constant 0 : i32
    %c0_i32_0 = arith.constant 0 : i32
    %c0_i32_1 = arith.constant 0 : i32
    %c0_i32_2 = arith.constant 0 : i32
    return %c0_i32, %c0_i32_0, %c0_i32_1 : i32, i32, i32
  }
  func.func @transform_3(%arg0: i32) -> (i32, i32, i32) {
    %add3A = arith.constant 64 : i32
    %add3A_0 = arith.addi %arg0, %add3A : i32
    %c0_i32 = arith.constant 0 : i32
    %c0_i32_1 = arith.constant 0 : i32
    %c0_i32_2 = arith.constant 0 : i32
    return %add3A_0, %c0_i32, %c0_i32_1 : i32, i32, i32
  }
}

</mosaic_0001>

<sc_bundles>
// kernel: kernel.6.cloned.1.call-start
scs
__scs_entry_jumppad:
0x0: {  	(pc) =	sbr.rel $0x88, $3  }
0x1: {  	(tag) =	ssettag $0x0;
	lr =	simm.s32 $0x1  }
0x2: {  	[smem:$0x3F9E] =	sst lr;
	_ =	strace $0xD0000000  }
0x3: {  	_ = 	snop  }
0x4: {  	_ = 	snop  }
0x5: {  	_ = 	snop  }
0x6: {  	_ = 	snop  }
0x7: {  	_ = 	snop  }
__scs_overlays_trampoline_lowered:
0x8: {  	[smem:$0x3FAD] =	sst s0  }
0x9: {  	[smem:$0x3FAE] =	sst s1  }
0xa: {  	[smem:$0x3FAF] =	sst s2  }
0xb: {  	[smem:$0x3FB0] =	sst s3  }
0xc: {  	[smem:$0x3FB1] =	sst s4  }
0xd: {  	[smem:$0x3FB2] =	sst s5  }
0xe: {  	[smem:$0x3FB3] =	sst s6  }
0xf: {  	[smem:$0x3FB4] =	sst s7  }
0x10: {  	[smem:$0x3FB5] =	sst s8  }
0x11: {  	[smem:$0x3FB6] =	sst s9;
	s0 =	simm.s32 @!p0 $0x0  }
0x12: {  	s1 =	sld [smem:$0x3F9C];
	s0 =	simm.s32 @p0 $0x1  }
0x13: {  	[smem:$0x3FB7] =	sst s0;
	s0 =	simm.s32 @!p1 $0x0  }
0x14: {  	s2 =	sld [smem:$0x3F9B];
	s0 =	simm.s32 @p1 $0x1  }
0x15: {  	[smem:$0x3FB8] =	sst s0;
	s0 =	simm.s32 @!p2 $0x0  }
0x16: {  	s3 =	sld [smem:$0x3FDB];
	s0 =	simm.s32 @p2 $0x1  }
0x17: {  	s4 =	simm.s32 $0x1BF5;
	[smem:$0x3FBA] =	sst s0  }
0x18: {  	s0 =	sld [smem:$0x3F9D];
	_ =	swait.ge [sflag:s4], $0x0  }
0x19: {  	s7 =	sld [smem:$0x3F9E]  }
0x1a: {  	s8 =	sadd.s32 $0xFFFFE003, lr  }
0x1b: {  	s9 =	sadd.s32 $0xFFFFFEF7, lr;
	s5 =	simm.s32 $0xFFFFFFFF;
	p2 =	slt.u32 s8, $0xFFFFF086  }
0x1c: {  	p1 =	slt.u32 s9, $0xF7A;
	s5 =	simm.s32 @!p2 $0x0  }
0x1d: {  	s5 =	simm.s32 @p1 $0x1;
	p0 =	seq.s32 s7, s2  }
0x1e: {  	s7 =	smul.u32 @!p0 $0xF7A, s2;
	p2 =	seq.s32 @!p0 s5, $0x0  }
0x1f: {  	s9 =	smul.u32 $0xF7A, s1;
	s8 =	simm.s32 @!p0 $0x1BF5;
	p2 =	por !p2, p0  }
0x20: {  	[sflag:s8] =	ssyncset.s32 @!p0 $0xFFFFF086;
	s6 =	sadd.s32 @!p0 s3, s7;
	s7 =	simm.s32 @!p0 $0x108  }
0x21: {  	s3 =	sadd.s32 s3, s9;
	s6 =	sadd.s32 @!p0 $0x88, s6;
	s7 =	simm.s32 @p2 $0x1082  }
0x22: {  	[simem:s7], [sflag:s8] =	dma.local @!p0 [hbm:s6], $0xF7A  }
0x23: {  	s9 =	sor.u32 $0xD0000000, s2;
	s6 =	simm.s32 $0x108;
	_ =	swait.ge @!p0 [sflag:s8], $0x0  }
0x24: {  	s3 =	sadd.s32 $0x88, s3;
	s6 =	simm.s32 @!p1 $0x1082;
	[sflag:s4] =	ssyncset.s32 $0xFFFFF086  }
0x25: {  	[simem:s6], [sflag:s4] =	dma.local [hbm:s3], $0xF7A  }
0x26: {  	[smem:$0x3F9E] =	sst s1;
	(tag) =	ssettag s2;
	_ =	strace s9  }
0x27: {  	s1 =	sld [smem:$0x3FAE]  }
0x28: {  	s2 =	sld [smem:$0x3FAF]  }
0x29: {  	s4 =	sld [smem:$0x3FB1]  }
0x2a: {  	p0 =	seq.s32 s5, $0x0;
	s5 =	sld [smem:$0x3FB2]  }
0x2b: {  	s6 =	sld [smem:$0x3FB3]  }
0x2c: {  	s7 =	sld [smem:$0x3FB4]  }
0x2d: {  	s3 =	simm.s32 $0x108;
	s8 =	sld [smem:$0x3FB5]  }
0x2e: {  	s3 =	simm.s32 @!p0 $0x1082;
	s9 =	sld [smem:$0x3FB6]  }
0x2f: {  	lr =	sadd.s32 s0, s3;
	s0 =	sld [smem:$0x3FAD]  }
0x30: {  	s3 =	sld [smem:$0x3FB0]  }
0x31: {  	[smem:$0x3FB9] =	sst s10  }
0x32: {  	s10 =	sld [smem:$0x3FB7];
	_ =	sdelay $0x3  }
0x33: {  	p0 =	seq.s32 s10, $0x1;
	s10 =	sld [smem:$0x3FB9];
	_ =	sdelay $0x3  }
0x34: {  	[smem:$0x3FB9] =	sst s10  }
0x35: {  	s10 =	sld [smem:$0x3FB8];
	_ =	sdelay $0x3  }
0x36: {  	p1 =	seq.s32 s10, $0x1;
	s10 =	sld [smem:$0x3FB9];
	_ =	sdelay $0x3  }
0x37: {  	[smem:$0x3FB9] =	sst s10  }
0x38: {  	s10 =	sld [smem:$0x3FBA]  }
0x39: {  	_ = 	snop;
	(pc) =	sbr.ind lr, $3  }
0x3a: {  	_ = 	snop  }
0x3b: {  	_ = 	snop  }
0x3c: {  	p2 =	seq.s32 s10, $0x1;
	s10 =	sld [smem:$0x3FB9]  }
0x3d: {  	_ =	shalt  }
0x3e: {  	_ =	shalt  }
0x3f: {  	_ =	shalt  }
0x40: {  	_ =	shalt  }
0x41: {  	_ =	shalt  }
0x42: {  	_ =	shalt  }
0x43: {  	_ =	shalt  }
0x44: {  	_ =	shalt  }
0x45: {  	_ =	shalt  }
0x46: {  	_ =	shalt  }
0x47: {  	_ =	shalt  }
0x48: {  	_ =	shalt  }
0x49: {  	_ =	shalt  }
0x4a: {  	_ =	shalt  }
0x4b: {  	_ =	shalt  }
0x4c: {  	_ =	shalt  }
0x4d: {  	_ =	shalt  }
0x4e: {  	_ =	shalt  }
0x4f: {  	_ =	shalt  }
0x50: {  	_ =	shalt  }
0x51: {  	_ =	shalt  }
0x52: {  	_ =	shalt  }
0x53: {  	_ =	shalt  }
0x54: {  	_ =	shalt  }
0x55: {  	_ =	shalt  }
0x56: {  	_ =	shalt  }
0x57: {  	_ =	shalt  }
0x58: {  	_ =	shalt  }
0x59: {  	_ =	shalt  }
0x5a: {  	_ =	shalt  }
0x5b: {  	_ =	shalt  }
0x5c: {  	_ =	shalt  }
0x5d: {  	_ =	shalt  }
0x5e: {  	_ =	shalt  }
0x5f: {  	_ =	shalt  }
0x60: {  	_ =	shalt  }
0x61: {  	_ =	shalt  }
0x62: {  	_ =	shalt  }
0x63: {  	_ =	shalt  }
0x64: {  	_ =	shalt  }
0x65: {  	_ =	shalt  }
0x66: {  	_ =	shalt  }
0x67: {  	_ =	shalt  }
0x68: {  	_ =	shalt  }
0x69: {  	_ =	shalt  }
0x6a: {  	_ =	shalt  }
0x6b: {  	_ =	shalt  }
0x6c: {  	_ =	shalt  }
0x6d: {  	_ =	shalt  }
0x6e: {  	_ =	shalt  }
0x6f: {  	_ =	shalt  }
0x70: {  	_ =	shalt  }
0x71: {  	_ =	shalt  }
0x72: {  	_ =	shalt  }
0x73: {  	_ =	shalt  }
0x74: {  	_ =	shalt  }
0x75: {  	_ =	shalt  }
0x76: {  	_ =	shalt  }
0x77: {  	_ =	shalt  }
0x78: {  	_ =	shalt  }
0x79: {  	_ =	shalt  }
0x7a: {  	_ =	shalt  }
0x7b: {  	_ =	shalt  }
0x7c: {  	_ =	shalt  }
0x7d: {  	_ =	shalt  }
0x7e: {  	_ =	shalt  }
0x7f: {  	_ =	shalt  }
0x80: {  	_ =	shalt  }
0x81: {  	_ =	shalt  }
0x82: {  	_ =	shalt  }
0x83: {  	_ =	shalt  }
0x84: {  	_ =	shalt  }
0x85: {  	_ =	shalt  }
0x86: {  	_ =	shalt  }
0x87: {  	_ =	shalt  }
.Lfunc_end0:
.L_simem_size_0:
called_computation_lowered:
.L_overlay_start_0:
0x88: {  	s2 =	sld [smem:$0x3FD9]  }
0x89: {  	s3 =	sld [smem:$0x3FFE];
	_ =	sdelay $0x1  }
0x8a: {  	s1 =	srdreg.scid  }
0x8b: {  	s0 =	sand.u32 $0x1, s1  }
0x8c: {  	s17 =	sshll.u32 s0, $0xA;
	s2 =	sadd.s32 s3, s2  }
0x8d: {  	s2 =	sadd.s32 s2, s17  }
0x8e: {  	[smem:$0x3FC5] =	sst s2  }
0x8f: {  	_ = 	snop  }
0x90: {  	s2 =	sld [smem:$0x3FC8];
	(tm) =	ssettm $0x1  }
0x91: {  	s18 =	sld [smem:$0x3FFB];
	_ =	sdelay $0x3  }
0x92: {  	_ =	strace s18  }
0x93: {  	s3 =	sld [smem:$0x3FFC];
	_ =	sdelay $0x3  }
0x94: {  	_ =	strace s3  }
0x95: {  	s3 =	sld [smem:$0x3FFD];
	_ =	sdelay $0x3  }
0x96: {  	_ =	strace s3  }
0x97: {  	_ =	strace $0x8FFFFFFF  }
0x98: {  	s19 =	sld [smem:$0x3FDB];
	_ =	sdelay $0x1  }
0x99: {  	s4 =	simm.s32 $_scs_section_size  }
0x9a: {  	s5 =	simm.s32 $_size__tile_overlayer_lowered;
	s6 =	simm.s32 $_tile_overlayer_lowered  }
0x9b: {  	s22 =	simm.s32 $0x1BFF;
	s21 =	sshll.u32 s6, $0x1;
	s3 =	sadd.s32 s4, s19  }
0x9c: {  	s7 =	simm.s32 $0x0;
	s20 =	sshll.u32 s5, $0x1;
	s5 =	sadd.s32 s21, s3  }
0x9d: {  	[timem:s7], [sflag:s22] =	dma.local [hbm:s5], s20  }
0x9e: {  	_ =	swait.ge [sflag:s22], s20  }
0x9f: {  	s4 =	ssub.s32 $0x0, s20;
	[sflag:s22] =	ssyncset.done $0x0  }
0xa0: {  	[sflag:s22] =	ssyncadd.s32 s4;
	_ =	sdelay $0x1  }
0xa1: {  	s23 =	simm.s32 $0x1B8B  }
0xa2: {  	_ =	swait.ge [sflag:s23], $0x1  }
0xa3: {  	[sflag:s23] =	ssyncset.done $0x0  }
0xa4: {  	s25 =	simm.s32 $0x1B8E;
	s24 =	sld [smem:$0x3FFE];
	[sflag:s23] =	ssyncadd.s32 $0xFFFFFFFF  }
0xa5: {  	s26 =	simm.s32 $execute0_lowered;
	[smem:$0x3FD2] =	sst s25  }
0xa6: {  	s5 =	sshll.u32 s26, $0x1;
	_ =	strace $0x80000046;
	[dreg:$0x1] =	wrdreg $0xFFFFFFFF  }
0xa7: {  	s28 =	simm.s32 $_size_execute0_lowered;
	s3 =	sadd.s32 s3, s5;
	[dreg:$0x0] =	wrdreg $0x0  }
0xa8: {  	s5 =	sshll.u32 s28, $0x1;
	[dreg:$0x2] =	wrdreg s3  }
0xa9: {  	[dreg:$0x3] =	wrdreg s5  }
0xaa: {  	[dreg:$0x4] =	wrdreg $0xC0  }
0xab: {  	_ =	task [dreg:s7], $0x5FFFF  }
0xac: {  	[dreg:$0x1] =	wrdreg $0xFFFFFFFF  }
0xad: {  	[dreg:$0x0] =	wrdreg $0x60  }
0xae: {  	[dreg:$0x2] =	wrdreg s24  }
0xaf: {  	[dreg:$0x3] =	wrdreg s2  }
0xb0: {  	[dreg:$0x4] =	wrdreg $0x5000  }
0xb1: {  	[dreg:$0x5] =	wrdreg $0x9  }
0xb2: {  	_ =	task.clear_ibuf [dreg:s7], $0x6FFFF;
	_ =	strace $0x90000046  }
0xb3: {  	s29 =	simm.s32 $0x9;
	_ =	strace $0x80000048  }
0xb4: {  	_ =	swait.ge [sflag:s29], $0x1  }
0xb5: {  	[sflag:s29] =	ssyncadd.s32 $0xFFFFFFFF  }
0xb6: {  	_ =	strace $0x90000048  }
0xb7: {  	_ =	sfence  }
0xb8: {  	s30 =	sld [smem:$0x0];
	_ =	sdelay $0x2  }
0xb9: {  	s31 =	sshll.u32 s1, $0xD;
	s1 =	sshrl.u32 s1, $0x2  }
0xba: {  	s3 =	sand.u32 $0x4000, s31;
	s1 =	sadd.s32 s1, s30  }
0xbb: {  	s0 =	sor.u32 s3, s0;
	s1 =	sshll.u32 s1, $0x11  }
0xbc: {  	s0 =	sor.u32 s1, s0  }
0xbd: {  	s0 =	sadd.s32 $0x8F2B, s0  }
0xbe: {  	[sflag:s0] =	ssyncadd.remote.s32 $0x1  }
0xbf: {  	_ =	sfence.sel $0xFFFF  }
0xc0: {  	[dreg:$0x0] =	wrdreg $0xFFFFFFFF;
	(pc) =	sbr.abs _section_cstart, $3  }
0xc1: {  	[dreg:$0x1] =	wrdreg $0xFFFFFFFF  }
0xc2: {  	_ =	task.clear_ibuf [dreg:s7], $0x2FFFF;
	_ =	strace $0x9FFFFFFF  }
0xc3: {  	(tm) =	ssettm $0x7FFFFFFF  }
tec
execute0_lowered:
.L_overlay_start_1:
0x0: {  	(tag) =	ssettag $0x1  }
0x1: {  	s5 =	rddreg [dreg:$0x0]  }
0x2: {  	s2 =	rddreg [dreg:$0x1];
	s1 =	srdreg.scid  }
0x3: {  	s0 =	stileid.u32;
	s3 =	rddreg [dreg:$0x2]  }
0x4: {  	s4 =	simm.s32 $0x0;
	s11 =	simm.s32 $0x1;
	s13 =	simm.s32 $0x80  }
0x5: {  	s14 =	simm.s32 $0x3;
	s15 =	simm.s32 $0x2;
	s16 =	simm.s32 $0x0  }
0x6: {  	s6 =	sand.u32 $0x1, s1;
	s7 =	sshll.u32 s0, $0x1;
	s1 =	rddreg [dreg:$0x3]  }
0x7: {  	[smem:$0x7FF] =	sst s4;
	s7 =	sor.u32 s6, s7;
	s6 =	ssub.s32 $0x2, s6  }
0x8: {  	s10 =	sshll.u32 s0, $0x6;
	s8 =	smul.u32 $0xA0, s7;
	s9 =	sshrl.u32 s6, $0x1  }
0x9: {  	_ =	strace $0x80000047;
	s12 =	sor.u32 $0x1C03, s10;
	s9 =	ssub.s32 s6, s9  }
0xa: {  	s6 =	sshll.u32 s7, $0x4;
	s8 =	sadd.s32 s8, s5;
	s5 =	sadd.s32 $0x2200, s5  }
0xb: {  	s9 =	smax.u32 s9, $0x1;
	s7 =	sadd.s32 $0xE00, s8;
	s8 =	smul.u32 $0xA0, s0  }
.LBB2_1:
0xc: {  	[tilespmem:s4], [sflag:$0x1] =	stream.linear.gather [hbm4b:s7+s4], $0x500, $0x38;
	[tilespmem:$0x1E500] =	vst v63  }
0xd: {  	_ =	swait.ge [sflag:s11], $0x500  }
0xe: {  	[sflag:s11] =	ssyncset.done $0x0  }
0xf: {  	s17 =	simm.s32 $0x0;
	[sflag:s11] =	ssyncadd.s32 $0xFFFFFB00  }
.LBB2_2:
0x10: {  	p0 =	slt.u32 s17, $0x2  }
0x11: {  	s18 =	simm.s32 @!p0 $0x2  }
0x12: {  	s19 =	smul.u32 $0x140, s17;
	_ =	swait.ge @!p0 [sflag:s18], $0x1E00  }
0x13: {  	[sflag:s18] =	ssyncset.done @!p0 $0x0  }
0x14: {  	s20 =	sshra.s32 s19, $0x2;
	[sflag:s18] =	ssyncadd.s32 @!p0 $0xFFFFE200  }
0x15: {  	v0 =	vld [tilespmem:s20+$0x0];
	_ =	sdelay $0x4  }
0x16: {  	(v2sf) =	vpush v0, $0x0;
	_ =	sdelay $0xc  }
0x17: {  	s22 =	sand.u32 $0x1, s17  }
0x18: {  	p0 =	seq.s32 s22, $0x1;
	s18 =	simm.s32 $0x50  }
0x19: {  	s18 =	simm.s32 @!p0 $0x0;
	s21 =	spop (v2sf)  }
0x1a: {  	s19 =	sadd.s32 s8, s18;
	s23 =	sshrl.u32 s21, $0x3  }
0x1b: {  	s22 =	sshrl.u32 s19, $0x3;
	s18 =	smul.u32 $0x1800, s23  }
0x1c: {  	s23 =	sshll.u32 s21, $0x7;
	s21 =	smul.u32 $0x6000, s22  }
0x1d: {  	s24 =	sand.u32 $0x380, s23  }
0x1e: {  	s18 =	sor.u32 s24, s18;
	s25 =	sshrl.u32 s21, $0x2  }
0x1f: {  	s18 =	sshrl.u32 s18, $0x3;
	s22 =	sadd.s32 s25, s3  }
0x20: {  	s26 =	sadd.s32 s2, s18;
	s18 =	sshrl.u32 s22, $0x3  }
0x21: {  	[spmem:s18@s13], [sflag:s12] =	dma.strided [hbm:s26@s13], $0x60, s11, $0x10   }
0x22: {  	(v2sf) =	vpush v0, $0x1;
	_ =	sdelay $0xe  }
0x23: {  	s23 =	spop (v2sf)  }
0x24: {  	s24 =	sshrl.u32 s23, $0x3  }
0x25: {  	s23 =	sshll.u32 s23, $0x7;
	s24 =	smul.u32 $0x1800, s24  }
0x26: {  	s23 =	sand.u32 $0x380, s23  }
0x27: {  	s23 =	sor.u32 s23, s24  }
0x28: {  	s28 =	sadd.s32 $0x80, s22;
	s23 =	sshrl.u32 s23, $0x3  }
0x29: {  	s24 =	sshrl.u32 s28, $0x3;
	s23 =	sadd.s32 s2, s23  }
0x2a: {  	[spmem:s24@s13], [sflag:s12] =	dma.strided [hbm:s23@s13], $0x60, s11, $0x10   }
0x2b: {  	(v2sf) =	vpush v0, $0x2;
	_ =	sdelay $0xe  }
0x2c: {  	s23 =	spop (v2sf)  }
0x2d: {  	s29 =	sshrl.u32 s23, $0x3  }
0x2e: {  	s23 =	sshll.u32 s23, $0x7;
	s24 =	smul.u32 $0x1800, s29  }
0x2f: {  	s23 =	sand.u32 $0x380, s23  }
0x30: {  	s23 =	sor.u32 s23, s24  }
0x31: {  	s30 =	sadd.s32 $0x100, s22;
	s23 =	sshrl.u32 s23, $0x3  }
0x32: {  	s24 =	sshrl.u32 s30, $0x3;
	s23 =	sadd.s32 s2, s23  }
0x33: {  	[spmem:s24@s13], [sflag:s12] =	dma.strided [hbm:s23@s13], $0x60, s11, $0x10   }
0x34: {  	(v2sf) =	vpush v0, $0x3;
	_ =	sdelay $0xe  }
0x35: {  	s23 =	spop (v2sf)  }
0x36: {  	s31 =	sshrl.u32 s23, $0x3  }
0x37: {  	s23 =	sshll.u32 s23, $0x7;
	s24 =	smul.u32 $0x1800, s31  }
0x38: {  	s23 =	sand.u32 $0x380, s23  }
0x39: {  	s23 =	sor.u32 s23, s24  }
0x3a: {  	s25 =	sadd.s32 $0x180, s22;
	s23 =	sshrl.u32 s23, $0x3  }
0x3b: {  	s24 =	sshrl.u32 s25, $0x3;
	s23 =	sadd.s32 s2, s23  }
0x3c: {  	[spmem:s24@s13], [sflag:s12] =	dma.strided [hbm:s23@s13], $0x60, s11, $0x10   }
0x3d: {  	(v2sf) =	vpush v0, $0x4;
	_ =	sdelay $0xe  }
0x3e: {  	s23 =	spop (v2sf)  }
0x3f: {  	s26 =	sshrl.u32 s23, $0x3  }
0x40: {  	s23 =	sshll.u32 s23, $0x7;
	s24 =	smul.u32 $0x1800, s26  }
0x41: {  	s23 =	sand.u32 $0x380, s23  }
0x42: {  	s23 =	sor.u32 s23, s24  }
0x43: {  	s28 =	sadd.s32 $0x200, s22;
	s23 =	sshrl.u32 s23, $0x3  }
0x44: {  	s24 =	sshrl.u32 s28, $0x3;
	s23 =	sadd.s32 s2, s23  }
0x45: {  	[spmem:s24@s13], [sflag:s12] =	dma.strided [hbm:s23@s13], $0x60, s11, $0x10   }
0x46: {  	(v2sf) =	vpush v0, $0x5;
	_ =	sdelay $0xe  }
0x47: {  	s23 =	spop (v2sf)  }
0x48: {  	s29 =	sshrl.u32 s23, $0x3  }
0x49: {  	s23 =	sshll.u32 s23, $0x7;
	s24 =	smul.u32 $0x1800, s29  }
0x4a: {  	s23 =	sand.u32 $0x380, s23  }
0x4b: {  	s23 =	sor.u32 s23, s24  }
0x4c: {  	s30 =	sadd.s32 $0x280, s22;
	s23 =	sshrl.u32 s23, $0x3  }
0x4d: {  	s24 =	sshrl.u32 s30, $0x3;
	s23 =	sadd.s32 s2, s23  }
0x4e: {  	[spmem:s24@s13], [sflag:s12] =	dma.strided [hbm:s23@s13], $0x60, s11, $0x10   }
0x4f: {  	(v2sf) =	vpush v0, $0x6;
	_ =	sdelay $0xe  }
0x50: {  	s23 =	spop (v2sf)  }
0x51: {  	s31 =	sshrl.u32 s23, $0x3  }
0x52: {  	s23 =	sshll.u32 s23, $0x7;
	s24 =	smul.u32 $0x1800, s31  }
0x53: {  	s23 =	sand.u32 $0x380, s23  }
0x54: {  	s23 =	sor.u32 s23, s24  }
0x55: {  	s25 =	sadd.s32 $0x300, s22;
	s23 =	sshrl.u32 s23, $0x3  }
0x56: {  	s24 =	sshrl.u32 s25, $0x3;
	s23 =	sadd.s32 s2, s23  }
0x57: {  	[spmem:s24@s13], [sflag:s12] =	dma.strided [hbm:s23@s13], $0x60, s11, $0x10   }
0x58: {  	(v2sf) =	vpush v0, $0x7;
	_ =	sdelay $0xe  }
0x59: {  	s23 =	spop (v2sf)  }
0x5a: {  	s26 =	sshrl.u32 s23, $0x3  }
0x5b: {  	s23 =	sshll.u32 s23, $0x7;
	s24 =	smul.u32 $0x1800, s26  }
0x5c: {  	s23 =	sand.u32 $0x380, s23  }
0x5d: {  	s23 =	sor.u32 s23, s24  }
0x5e: {  	s28 =	sadd.s32 $0x380, s22;
	s23 =	sshrl.u32 s23, $0x3  }
0x5f: {  	s24 =	sshrl.u32 s28, $0x3;
	s23 =	sadd.s32 s2, s23  }
0x60: {  	[spmem:s24@s13], [sflag:s12] =	dma.strided [hbm:s23@s13], $0x60, s11, $0x10   }
0x61: {  	(v2sf) =	vpush v0, $0x8;
	_ =	sdelay $0xe  }
0x62: {  	s23 =	spop (v2sf)  }
0x63: {  	s29 =	sshrl.u32 s23, $0x3  }
0x64: {  	s23 =	sshll.u32 s23, $0x7;
	s24 =	smul.u32 $0x1800, s29  }
0x65: {  	s23 =	sand.u32 $0x380, s23  }
0x66: {  	s23 =	sor.u32 s23, s24  }
0x67: {  	s30 =	sadd.s32 $0x1800, s22;
	s23 =	sshrl.u32 s23, $0x3  }
0x68: {  	s24 =	sshrl.u32 s30, $0x3;
	s23 =	sadd.s32 s2, s23  }
0x69: {  	[spmem:s24@s13], [sflag:s12] =	dma.strided [hbm:s23@s13], $0x60, s11, $0x10   }
0x6a: {  	(v2sf) =	vpush v0, $0x9;
	_ =	sdelay $0xe  }
0x6b: {  	s23 =	spop (v2sf)  }
0x6c: {  	s31 =	sshrl.u32 s23, $0x3  }
0x6d: {  	s23 =	sshll.u32 s23, $0x7;
	s24 =	smul.u32 $0x1800, s31  }
0x6e: {  	s23 =	sand.u32 $0x380, s23  }
0x6f: {  	s23 =	sor.u32 s23, s24  }
0x70: {  	s25 =	sadd.s32 $0x1880, s22;
	s23 =	sshrl.u32 s23, $0x3  }
0x71: {  	s24 =	sshrl.u32 s25, $0x3;
	s23 =	sadd.s32 s2, s23  }
0x72: {  	[spmem:s24@s13], [sflag:s12] =	dma.strided [hbm:s23@s13], $0x60, s11, $0x10   }
0x73: {  	(v2sf) =	vpush v0, $0xA;
	_ =	sdelay $0xe  }
0x74: {  	s23 =	spop (v2sf)  }
0x75: {  	s26 =	sshrl.u32 s23, $0x3  }
0x76: {  	s23 =	sshll.u32 s23, $0x7;
	s24 =	smul.u32 $0x1800, s26  }
0x77: {  	s23 =	sand.u32 $0x380, s23  }
0x78: {  	s23 =	sor.u32 s23, s24  }
0x79: {  	s28 =	sadd.s32 $0x1900, s22;
	s23 =	sshrl.u32 s23, $0x3  }
0x7a: {  	s24 =	sshrl.u32 s28, $0x3;
	s23 =	sadd.s32 s2, s23  }
0x7b: {  	[spmem:s24@s13], [sflag:s12] =	dma.strided [hbm:s23@s13], $0x60, s11, $0x10   }
0x7c: {  	(v2sf) =	vpush v0, $0xB;
	_ =	sdelay $0xe  }
0x7d: {  	s23 =	spop (v2sf)  }
0x7e: {  	s29 =	sshrl.u32 s23, $0x3  }
0x7f: {  	s23 =	sshll.u32 s23, $0x7;
	s24 =	smul.u32 $0x1800, s29  }
0x80: {  	s23 =	sand.u32 $0x380, s23  }
0x81: {  	s23 =	sor.u32 s23, s24  }
0x82: {  	s30 =	sadd.s32 $0x1980, s22;
	s23 =	sshrl.u32 s23, $0x3  }
0x83: {  	s24 =	sshrl.u32 s30, $0x3;
	s23 =	sadd.s32 s2, s23  }
0x84: {  	[spmem:s24@s13], [sflag:s12] =	dma.strided [hbm:s23@s13], $0x60, s11, $0x10   }
0x85: {  	(v2sf) =	vpush v0, $0xC;
	_ =	sdelay $0xe  }
0x86: {  	s23 =	spop (v2sf)  }
0x87: {  	s31 =	sshrl.u32 s23, $0x3  }
0x88: {  	s23 =	sshll.u32 s23, $0x7;
	s24 =	smul.u32 $0x1800, s31  }
0x89: {  	s23 =	sand.u32 $0x380, s23  }
0x8a: {  	s23 =	sor.u32 s23, s24  }
0x8b: {  	s25 =	sadd.s32 $0x1A00, s22;
	s23 =	sshrl.u32 s23, $0x3  }
0x8c: {  	s24 =	sshrl.u32 s25, $0x3;
	s23 =	sadd.s32 s2, s23  }
0x8d: {  	[spmem:s24@s13], [sflag:s12] =	dma.strided [hbm:s23@s13], $0x60, s11, $0x10   }
0x8e: {  	(v2sf) =	vpush v0, $0xD;
	_ =	sdelay $0xe  }
0x8f: {  	s23 =	spop (v2sf)  }
0x90: {  	s26 =	sshrl.u32 s23, $0x3  }
0x91: {  	s23 =	sshll.u32 s23, $0x7;
	s24 =	smul.u32 $0x1800, s26  }
0x92: {  	s23 =	sand.u32 $0x380, s23  }
0x93: {  	s23 =	sor.u32 s23, s24  }
0x94: {  	s28 =	sadd.s32 $0x1A80, s22;
	s23 =	sshrl.u32 s23, $0x3  }
0x95: {  	s24 =	sshrl.u32 s28, $0x3;
	s23 =	sadd.s32 s2, s23  }
0x96: {  	[spmem:s24@s13], [sflag:s12] =	dma.strided [hbm:s23@s13], $0x60, s11, $0x10   }
0x97: {  	(v2sf) =	vpush v0, $0xE;
	_ =	sdelay $0xe  }
0x98: {  	s23 =	spop (v2sf)  }
0x99: {  	s29 =	sshrl.u32 s23, $0x3  }
0x9a: {  	s23 =	sshll.u32 s23, $0x7;
	s24 =	smul.u32 $0x1800, s29  }
0x9b: {  	s23 =	sand.u32 $0x380, s23  }
0x9c: {  	s23 =	sor.u32 s23, s24  }
0x9d: {  	s30 =	sadd.s32 $0x1B00, s22;
	s23 =	sshrl.u32 s23, $0x3  }
0x9e: {  	s24 =	sshrl.u32 s30, $0x3;
	s23 =	sadd.s32 s2, s23  }
0x9f: {  	[spmem:s24@s13], [sflag:s12] =	dma.strided [hbm:s23@s13], $0x60, s11, $0x10   }
0xa0: {  	(v2sf) =	vpush v0, $0xF;
	_ =	sdelay $0xe  }
0xa1: {  	s23 =	spop (v2sf)  }
0xa2: {  	s31 =	sshrl.u32 s23, $0x3  }
0xa3: {  	s23 =	sshll.u32 s23, $0x7;
	s24 =	smul.u32 $0x1800, s31  }
0xa4: {  	s23 =	sand.u32 $0x380, s23  }
0xa5: {  	s23 =	sor.u32 s23, s24  }
0xa6: {  	s22 =	sadd.s32 $0x1B80, s22;
	s23 =	sshrl.u32 s23, $0x3  }
0xa7: {  	s22 =	sshrl.u32 s22, $0x3;
	s23 =	sadd.s32 s2, s23  }
0xa8: {  	[spmem:s22@s13], [sflag:s12] =	dma.strided [hbm:s23@s13], $0x60, s11, $0x10   }
0xa9: {  	v60 =	vld [tilespmem:s20+$0x10];
	_ =	sdelay $0x4  }
0xaa: {  	(v2sf) =	vpush v60, $0x0;
	_ =	sdelay $0xe  }
0xab: {  	s22 =	spop (v2sf)  }
0xac: {  	s24 =	sshrl.u32 s22, $0x3  }
0xad: {  	s22 =	sshll.u32 s22, $0x7;
	s23 =	smul.u32 $0x1800, s24  }
0xae: {  	s25 =	sadd.s32 $0xC000, s21;
	s22 =	sand.u32 $0x380, s22  }
0xaf: {  	s26 =	sshrl.u32 s25, $0x2;
	s22 =	sor.u32 s22, s23  }
0xb0: {  	s28 =	sshrl.u32 s22, $0x3;
	s22 =	sadd.s32 s26, s3  }
0xb1: {  	s29 =	sadd.s32 s2, s28;
	s30 =	sshrl.u32 s22, $0x3  }
0xb2: {  	[spmem:s30@s13], [sflag:s12] =	dma.strided [hbm:s29@s13], $0x60, s11, $0x10   }
0xb3: {  	(v2sf) =	vpush v60, $0x1;
	_ =	sdelay $0xe  }
0xb4: {  	s23 =	spop (v2sf)  }
0xb5: {  	s31 =	sshrl.u32 s23, $0x3  }
0xb6: {  	s23 =	sshll.u32 s23, $0x7;
	s24 =	smul.u32 $0x1800, s31  }
0xb7: {  	s23 =	sand.u32 $0x380, s23  }
0xb8: {  	s23 =	sor.u32 s23, s24  }
0xb9: {  	s25 =	sadd.s32 $0x80, s22;
	s23 =	sshrl.u32 s23, $0x3  }
0xba: {  	s24 =	sshrl.u32 s25, $0x3;
	s23 =	sadd.s32 s2, s23  }
0xbb: {  	[spmem:s24@s13], [sflag:s12] =	dma.strided [hbm:s23@s13], $0x60, s11, $0x10   }
0xbc: {  	(v2sf) =	vpush v60, $0x2;
	_ =	sdelay $0xe  }
0xbd: {  	s23 =	spop (v2sf)  }
0xbe: {  	s26 =	sshrl.u32 s23, $0x3  }
0xbf: {  	s23 =	sshll.u32 s23, $0x7;
	s24 =	smul.u32 $0x1800, s26  }
0xc0: {  	s23 =	sand.u32 $0x380, s23  }
0xc1: {  	s23 =	sor.u32 s23, s24  }
0xc2: {  	s28 =	sadd.s32 $0x100, s22;
	s23 =	sshrl.u32 s23, $0x3  }
0xc3: {  	s24 =	sshrl.u32 s28, $0x3;
	s23 =	sadd.s32 s2, s23  }
0xc4: {  	[spmem:s24@s13], [sflag:s12] =	dma.strided [hbm:s23@s13], $0x60, s11, $0x10   }
0xc5: {  	(v2sf) =	vpush v60, $0x3;
	_ =	sdelay $0xe  }
0xc6: {  	s23 =	spop (v2sf)  }
0xc7: {  	s29 =	sshrl.u32 s23, $0x3  }
0xc8: {  	s23 =	sshll.u32 s23, $0x7;
	s24 =	smul.u32 $0x1800, s29  }
0xc9: {  	s23 =	sand.u32 $0x380, s23  }
0xca: {  	s23 =	sor.u32 s23, s24  }
0xcb: {  	s30 =	sadd.s32 $0x180, s22;
	s23 =	sshrl.u32 s23, $0x3  }
0xcc: {  	s24 =	sshrl.u32 s30, $0x3;
	s23 =	sadd.s32 s2, s23  }
0xcd: {  	[spmem:s24@s13], [sflag:s12] =	dma.strided [hbm:s23@s13], $0x60, s11, $0x10   }
0xce: {  	(v2sf) =	vpush v60, $0x4;
	_ =	sdelay $0xe  }
0xcf: {  	s23 =	spop (v2sf)  }
0xd0: {  	s31 =	sshrl.u32 s23, $0x3  }
0xd1: {  	s23 =	sshll.u32 s23, $0x7;
	s24 =	smul.u32 $0x1800, s31  }
0xd2: {  	s23 =	sand.u32 $0x380, s23  }
0xd3: {  	s23 =	sor.u32 s23, s24  }
0xd4: {  	s25 =	sadd.s32 $0x200, s22;
	s23 =	sshrl.u32 s23, $0x3  }
0xd5: {  	s24 =	sshrl.u32 s25, $0x3;
	s23 =	sadd.s32 s2, s23  }
0xd6: {  	[spmem:s24@s13], [sflag:s12] =	dma.strided [hbm:s23@s13], $0x60, s11, $0x10   }
0xd7: {  	(v2sf) =	vpush v60, $0x5;
	_ =	sdelay $0xe  }
0xd8: {  	s23 =	spop (v2sf)  }
0xd9: {  	s26 =	sshrl.u32 s23, $0x3  }
0xda: {  	s23 =	sshll.u32 s23, $0x7;
	s24 =	smul.u32 $0x1800, s26  }
0xdb: {  	s23 =	sand.u32 $0x380, s23  }
0xdc: {  	s23 =	sor.u32 s23, s24  }
0xdd: {  	s28 =	sadd.s32 $0x280, s22;
	s23 =	sshrl.u32 s23, $0x3  }
0xde: {  	s24 =	sshrl.u32 s28, $0x3;
	s23 =	sadd.s32 s2, s23  }
0xdf: {  	[spmem:s24@s13], [sflag:s12] =	dma.strided [hbm:s23@s13], $0x60, s11, $0x10   }
0xe0: {  	(v2sf) =	vpush v60, $0x6;
	_ =	sdelay $0xe  }
0xe1: {  	s23 =	spop (v2sf)  }
0xe2: {  	s29 =	sshrl.u32 s23, $0x3  }
0xe3: {  	s23 =	sshll.u32 s23, $0x7;
	s24 =	smul.u32 $0x1800, s29  }
0xe4: {  	s23 =	sand.u32 $0x380, s23  }
0xe5: {  	s23 =	sor.u32 s23, s24  }
0xe6: {  	s30 =	sadd.s32 $0x300, s22;
	s23 =	sshrl.u32 s23, $0x3  }
0xe7: {  	s24 =	sshrl.u32 s30, $0x3;
	s23 =	sadd.s32 s2, s23  }
0xe8: {  	[spmem:s24@s13], [sflag:s12] =	dma.strided [hbm:s23@s13], $0x60, s11, $0x10   }
0xe9: {  	(v2sf) =	vpush v60, $0x7;
	_ =	sdelay $0xe  }
0xea: {  	s23 =	spop (v2sf)  }
0xeb: {  	s31 =	sshrl.u32 s23, $0x3  }
0xec: {  	s23 =	sshll.u32 s23, $0x7;
	s24 =	smul.u32 $0x1800, s31  }
0xed: {  	s23 =	sand.u32 $0x380, s23  }
0xee: {  	s23 =	sor.u32 s23, s24  }
0xef: {  	s22 =	sadd.s32 $0x380, s22;
	s23 =	sshrl.u32 s23, $0x3  }
0xf0: {  	s22 =	sshrl.u32 s22, $0x3;
	s23 =	sadd.s32 s2, s23  }
0xf1: {  	[spmem:s22@s13], [sflag:s12] =	dma.strided [hbm:s23@s13], $0x60, s11, $0x10   }
0xf2: {  	(v2sf) =	vpush v60, $0x8;
	_ =	sdelay $0xe  }
0xf3: {  	s22 =	spop (v2sf)  }
0xf4: {  	s25 =	sadd.s32 $0x18, s19;
	s24 =	sshrl.u32 s22, $0x3  }
0xf5: {  	s23 =	smul.u32 $0x1800, s24;
	s24 =	sshrl.u32 s25, $0x3  }
0xf6: {  	s22 =	sshll.u32 s22, $0x7;
	s24 =	smul.u32 $0x6000, s24  }
0xf7: {  	s22 =	sand.u32 $0x380, s22  }
0xf8: {  	s22 =	sor.u32 s22, s23;
	s26 =	sshrl.u32 s24, $0x2  }
0xf9: {  	s28 =	sshrl.u32 s22, $0x3;
	s22 =	sadd.s32 s26, s3  }
0xfa: {  	s29 =	sadd.s32 s2, s28;
	s30 =	sshrl.u32 s22, $0x3  }
0xfb: {  	[spmem:s30@s13], [sflag:s12] =	dma.strided [hbm:s29@s13], $0x60, s11, $0x10   }
0xfc: {  	(v2sf) =	vpush v60, $0x9;
	_ =	sdelay $0xe  }
0xfd: {  	s23 =	spop (v2sf)  }
0xfe: {  	s31 =	sshrl.u32 s23, $0x3  }
0xff: {  	s23 =	sshll.u32 s23, $0x7;
	s24 =	smul.u32 $0x1800, s31  }
0x100: {  	s23 =	sand.u32 $0x380, s23  }
0x101: {  	s23 =	sor.u32 s23, s24  }
0x102: {  	s25 =	sadd.s32 $0x80, s22;
	s23 =	sshrl.u32 s23, $0x3  }
0x103: {  	s24 =	sshrl.u32 s25, $0x3;
	s23 =	sadd.s32 s2, s23  }
0x104: {  	[spmem:s24@s13], [sflag:s12] =	dma.strided [hbm:s23@s13], $0x60, s11, $0x10   }
0x105: {  	(v2sf) =	vpush v60, $0xA;
	_ =	sdelay $0xe  }
0x106: {  	s23 =	spop (v2sf)  }
0x107: {  	s26 =	sshrl.u32 s23, $0x3  }
0x108: {  	s23 =	sshll.u32 s23, $0x7;
	s24 =	smul.u32 $0x1800, s26  }
0x109: {  	s23 =	sand.u32 $0x380, s23  }
0x10a: {  	s23 =	sor.u32 s23, s24  }
0x10b: {  	s28 =	sadd.s32 $0x100, s22;
	s23 =	sshrl.u32 s23, $0x3  }
0x10c: {  	s24 =	sshrl.u32 s28, $0x3;
	s23 =	sadd.s32 s2, s23  }
0x10d: {  	[spmem:s24@s13], [sflag:s12] =	dma.strided [hbm:s23@s13], $0x60, s11, $0x10   }
0x10e: {  	(v2sf) =	vpush v60, $0xB;
	_ =	sdelay $0xe  }
0x10f: {  	s23 =	spop (v2sf)  }
0x110: {  	s29 =	sshrl.u32 s23, $0x3  }
0x111: {  	s23 =	sshll.u32 s23, $0x7;
	s24 =	smul.u32 $0x1800, s29  }
0x112: {  	s23 =	sand.u32 $0x380, s23  }
0x113: {  	s23 =	sor.u32 s23, s24  }
0x114: {  	s30 =	sadd.s32 $0x180, s22;
	s23 =	sshrl.u32 s23, $0x3  }
0x115: {  	s24 =	sshrl.u32 s30, $0x3;
	s23 =	sadd.s32 s2, s23  }
0x116: {  	[spmem:s24@s13], [sflag:s12] =	dma.strided [hbm:s23@s13], $0x60, s11, $0x10   }
0x117: {  	(v2sf) =	vpush v60, $0xC;
	_ =	sdelay $0xe  }
0x118: {  	s23 =	spop (v2sf)  }
0x119: {  	s31 =	sshrl.u32 s23, $0x3  }
0x11a: {  	s23 =	sshll.u32 s23, $0x7;
	s24 =	smul.u32 $0x1800, s31  }
0x11b: {  	s23 =	sand.u32 $0x380, s23  }
0x11c: {  	s23 =	sor.u32 s23, s24  }
0x11d: {  	s25 =	sadd.s32 $0x200, s22;
	s23 =	sshrl.u32 s23, $0x3  }
0x11e: {  	s24 =	sshrl.u32 s25, $0x3;
	s23 =	sadd.s32 s2, s23  }
0x11f: {  	[spmem:s24@s13], [sflag:s12] =	dma.strided [hbm:s23@s13], $0x60, s11, $0x10   }
0x120: {  	(v2sf) =	vpush v60, $0xD;
	_ =	sdelay $0xe  }
0x121: {  	s23 =	spop (v2sf)  }
0x122: {  	s26 =	sshrl.u32 s23, $0x3  }
0x123: {  	s23 =	sshll.u32 s23, $0x7;
	s24 =	smul.u32 $0x1800, s26  }
0x124: {  	s23 =	sand.u32 $0x380, s23  }
0x125: {  	s23 =	sor.u32 s23, s24  }
0x126: {  	s28 =	sadd.s32 $0x280, s22;
	s23 =	sshrl.u32 s23, $0x3  }
0x127: {  	s24 =	sshrl.u32 s28, $0x3;
	s23 =	sadd.s32 s2, s23  }
0x128: {  	[spmem:s24@s13], [sflag:s12] =	dma.strided [hbm:s23@s13], $0x60, s11, $0x10   }
0x129: {  	(v2sf) =	vpush v60, $0xE;
	_ =	sdelay $0xe  }
0x12a: {  	s23 =	spop (v2sf)  }
0x12b: {  	s29 =	sshrl.u32 s23, $0x3  }
0x12c: {  	s23 =	sshll.u32 s23, $0x7;
	s24 =	smul.u32 $0x1800, s29  }
0x12d: {  	s23 =	sand.u32 $0x380, s23  }
0x12e: {  	s23 =	sor.u32 s23, s24  }
0x12f: {  	s30 =	sadd.s32 $0x300, s22;
	s23 =	sshrl.u32 s23, $0x3  }
0x130: {  	s24 =	sshrl.u32 s30, $0x3;
	s23 =	sadd.s32 s2, s23  }
0x131: {  	[spmem:s24@s13], [sflag:s12] =	dma.strided [hbm:s23@s13], $0x60, s11, $0x10   }
0x132: {  	(v2sf) =	vpush v60, $0xF;
	_ =	sdelay $0xe  }
0x133: {  	s23 =	spop (v2sf)  }
0x134: {  	s31 =	sshrl.u32 s23, $0x3  }
0x135: {  	s23 =	sshll.u32 s23, $0x7;
	s24 =	smul.u32 $0x1800, s31  }
0x136: {  	s23 =	sand.u32 $0x380, s23  }
0x137: {  	s23 =	sor.u32 s23, s24  }
0x138: {  	s22 =	sadd.s32 $0x380, s22;
	s23 =	sshrl.u32 s23, $0x3  }
0x139: {  	s22 =	sshrl.u32 s22, $0x3;
	s23 =	sadd.s32 s2, s23  }
0x13a: {  	[spmem:s22@s13], [sflag:s12] =	dma.strided [hbm:s23@s13], $0x60, s11, $0x10   }
0x13b: {  	v61 =	vld [tilespmem:s20+$0x20];
	_ =	sdelay $0x4  }
0x13c: {  	(v2sf) =	vpush v61, $0x0;
	_ =	sdelay $0xe  }
0x13d: {  	s22 =	spop (v2sf)  }
0x13e: {  	s24 =	sshrl.u32 s22, $0x3  }
0x13f: {  	s22 =	sshll.u32 s22, $0x7;
	s23 =	smul.u32 $0x1800, s24  }
0x140: {  	s25 =	sadd.s32 $0x18000, s21;
	s22 =	sand.u32 $0x380, s22  }
0x141: {  	s26 =	sshrl.u32 s25, $0x2;
	s22 =	sor.u32 s22, s23  }
0x142: {  	s28 =	sshrl.u32 s22, $0x3;
	s22 =	sadd.s32 s26, s3  }
0x143: {  	s29 =	sadd.s32 s2, s28;
	s30 =	sshrl.u32 s22, $0x3  }
0x144: {  	[spmem:s30@s13], [sflag:s12] =	dma.strided [hbm:s29@s13], $0x60, s11, $0x10   }
0x145: {  	(v2sf) =	vpush v61, $0x1;
	_ =	sdelay $0xe  }
0x146: {  	s23 =	spop (v2sf)  }
0x147: {  	s31 =	sshrl.u32 s23, $0x3  }
0x148: {  	s23 =	sshll.u32 s23, $0x7;
	s24 =	smul.u32 $0x1800, s31  }
0x149: {  	s23 =	sand.u32 $0x380, s23  }
0x14a: {  	s23 =	sor.u32 s23, s24  }
0x14b: {  	s25 =	sadd.s32 $0x80, s22;
	s23 =	sshrl.u32 s23, $0x3  }
0x14c: {  	s24 =	sshrl.u32 s25, $0x3;
	s23 =	sadd.s32 s2, s23  }
0x14d: {  	[spmem:s24@s13], [sflag:s12] =	dma.strided [hbm:s23@s13], $0x60, s11, $0x10   }
0x14e: {  	(v2sf) =	vpush v61, $0x2;
	_ =	sdelay $0xe  }
0x14f: {  	s23 =	spop (v2sf)  }
0x150: {  	s26 =	sshrl.u32 s23, $0x3  }
0x151: {  	s23 =	sshll.u32 s23, $0x7;
	s24 =	smul.u32 $0x1800, s26  }
0x152: {  	s23 =	sand.u32 $0x380, s23  }
0x153: {  	s23 =	sor.u32 s23, s24  }
0x154: {  	s28 =	sadd.s32 $0x100, s22;
	s23 =	sshrl.u32 s23, $0x3  }
0x155: {  	s24 =	sshrl.u32 s28, $0x3;
	s23 =	sadd.s32 s2, s23  }
0x156: {  	[spmem:s24@s13], [sflag:s12] =	dma.strided [hbm:s23@s13], $0x60, s11, $0x10   }
0x157: {  	(v2sf) =	vpush v61, $0x3;
	_ =	sdelay $0xe  }
0x158: {  	s23 =	spop (v2sf)  }
0x159: {  	s29 =	sshrl.u32 s23, $0x3  }
0x15a: {  	s23 =	sshll.u32 s23, $0x7;
	s24 =	smul.u32 $0x1800, s29  }
0x15b: {  	s23 =	sand.u32 $0x380, s23  }
0x15c: {  	s23 =	sor.u32 s23, s24  }
0x15d: {  	s30 =	sadd.s32 $0x180, s22;
	s23 =	sshrl.u32 s23, $0x3  }
0x15e: {  	s24 =	sshrl.u32 s30, $0x3;
	s23 =	sadd.s32 s2, s23  }
0x15f: {  	[spmem:s24@s13], [sflag:s12] =	dma.strided [hbm:s23@s13], $0x60, s11, $0x10   }
0x160: {  	(v2sf) =	vpush v61, $0x4;
	_ =	sdelay $0xe  }
0x161: {  	s23 =	spop (v2sf)  }
0x162: {  	s31 =	sshrl.u32 s23, $0x3  }
0x163: {  	s23 =	sshll.u32 s23, $0x7;
	s24 =	smul.u32 $0x1800, s31  }
0x164: {  	s23 =	sand.u32 $0x380, s23  }
0x165: {  	s23 =	sor.u32 s23, s24  }
0x166: {  	s25 =	sadd.s32 $0x200, s22;
	s23 =	sshrl.u32 s23, $0x3  }
0x167: {  	s24 =	sshrl.u32 s25, $0x3;
	s23 =	sadd.s32 s2, s23  }
0x168: {  	[spmem:s24@s13], [sflag:s12] =	dma.strided [hbm:s23@s13], $0x60, s11, $0x10   }
0x169: {  	(v2sf) =	vpush v61, $0x5;
	_ =	sdelay $0xe  }
0x16a: {  	s23 =	spop (v2sf)  }
0x16b: {  	s26 =	sshrl.u32 s23, $0x3  }
0x16c: {  	s23 =	sshll.u32 s23, $0x7;
	s24 =	smul.u32 $0x1800, s26  }
0x16d: {  	s23 =	sand.u32 $0x380, s23  }
0x16e: {  	s23 =	sor.u32 s23, s24  }
0x16f: {  	s28 =	sadd.s32 $0x280, s22;
	s23 =	sshrl.u32 s23, $0x3  }
0x170: {  	s24 =	sshrl.u32 s28, $0x3;
	s23 =	sadd.s32 s2, s23  }
0x171: {  	[spmem:s24@s13], [sflag:s12] =	dma.strided [hbm:s23@s13], $0x60, s11, $0x10   }
0x172: {  	(v2sf) =	vpush v61, $0x6;
	_ =	sdelay $0xe  }
0x173: {  	s23 =	spop (v2sf)  }
0x174: {  	s29 =	sshrl.u32 s23, $0x3  }
0x175: {  	s23 =	sshll.u32 s23, $0x7;
	s24 =	smul.u32 $0x1800, s29  }
0x176: {  	s23 =	sand.u32 $0x380, s23  }
0x177: {  	s23 =	sor.u32 s23, s24  }
0x178: {  	s30 =	sadd.s32 $0x300, s22;
	s23 =	sshrl.u32 s23, $0x3  }
0x179: {  	s24 =	sshrl.u32 s30, $0x3;
	s23 =	sadd.s32 s2, s23  }
0x17a: {  	[spmem:s24@s13], [sflag:s12] =	dma.strided [hbm:s23@s13], $0x60, s11, $0x10   }
0x17b: {  	(v2sf) =	vpush v61, $0x7;
	_ =	sdelay $0xe  }
0x17c: {  	s23 =	spop (v2sf)  }
0x17d: {  	s31 =	sshrl.u32 s23, $0x3  }
0x17e: {  	s23 =	sshll.u32 s23, $0x7;
	s24 =	smul.u32 $0x1800, s31  }
0x17f: {  	s23 =	sand.u32 $0x380, s23  }
0x180: {  	s23 =	sor.u32 s23, s24  }
0x181: {  	s22 =	sadd.s32 $0x380, s22;
	s23 =	sshrl.u32 s23, $0x3  }
0x182: {  	s22 =	sshrl.u32 s22, $0x3;
	s23 =	sadd.s32 s2, s23  }
0x183: {  	[spmem:s22@s13], [sflag:s12] =	dma.strided [hbm:s23@s13], $0x60, s11, $0x10   }
0x184: {  	(v2sf) =	vpush v61, $0x8;
	_ =	sdelay $0xe  }
0x185: {  	s22 =	spop (v2sf)  }
0x186: {  	s25 =	sadd.s32 $0x28, s19;
	s24 =	sshrl.u32 s22, $0x3  }
0x187: {  	s23 =	smul.u32 $0x1800, s24;
	s24 =	sshrl.u32 s25, $0x3  }
0x188: {  	s22 =	sshll.u32 s22, $0x7;
	s24 =	smul.u32 $0x6000, s24  }
0x189: {  	s22 =	sand.u32 $0x380, s22  }
0x18a: {  	s22 =	sor.u32 s22, s23;
	s26 =	sshrl.u32 s24, $0x2  }
0x18b: {  	s28 =	sshrl.u32 s22, $0x3;
	s22 =	sadd.s32 s26, s3  }
0x18c: {  	s29 =	sadd.s32 s2, s28;
	s30 =	sshrl.u32 s22, $0x3  }
0x18d: {  	[spmem:s30@s13], [sflag:s12] =	dma.strided [hbm:s29@s13], $0x60, s11, $0x10   }
0x18e: {  	(v2sf) =	vpush v61, $0x9;
	_ =	sdelay $0xe  }
0x18f: {  	s23 =	spop (v2sf)  }
0x190: {  	s31 =	sshrl.u32 s23, $0x3  }
0x191: {  	s23 =	sshll.u32 s23, $0x7;
	s24 =	smul.u32 $0x1800, s31  }
0x192: {  	s23 =	sand.u32 $0x380, s23  }
0x193: {  	s23 =	sor.u32 s23, s24  }
0x194: {  	s25 =	sadd.s32 $0x80, s22;
	s23 =	sshrl.u32 s23, $0x3  }
0x195: {  	s24 =	sshrl.u32 s25, $0x3;
	s23 =	sadd.s32 s2, s23  }
0x196: {  	[spmem:s24@s13], [sflag:s12] =	dma.strided [hbm:s23@s13], $0x60, s11, $0x10   }
0x197: {  	(v2sf) =	vpush v61, $0xA;
	_ =	sdelay $0xe  }
0x198: {  	s23 =	spop (v2sf)  }
0x199: {  	s26 =	sshrl.u32 s23, $0x3  }
0x19a: {  	s23 =	sshll.u32 s23, $0x7;
	s24 =	smul.u32 $0x1800, s26  }
0x19b: {  	s23 =	sand.u32 $0x380, s23  }
0x19c: {  	s23 =	sor.u32 s23, s24  }
0x19d: {  	s28 =	sadd.s32 $0x100, s22;
	s23 =	sshrl.u32 s23, $0x3  }
0x19e: {  	s24 =	sshrl.u32 s28, $0x3;
	s23 =	sadd.s32 s2, s23  }
0x19f: {  	[spmem:s24@s13], [sflag:s12] =	dma.strided [hbm:s23@s13], $0x60, s11, $0x10   }
0x1a0: {  	(v2sf) =	vpush v61, $0xB;
	_ =	sdelay $0xe  }
0x1a1: {  	s23 =	spop (v2sf)  }
0x1a2: {  	s29 =	sshrl.u32 s23, $0x3  }
0x1a3: {  	s23 =	sshll.u32 s23, $0x7;
	s24 =	smul.u32 $0x1800, s29  }
0x1a4: {  	s23 =	sand.u32 $0x380, s23  }
0x1a5: {  	s23 =	sor.u32 s23, s24  }
0x1a6: {  	s30 =	sadd.s32 $0x180, s22;
	s23 =	sshrl.u32 s23, $0x3  }
0x1a7: {  	s24 =	sshrl.u32 s30, $0x3;
	s23 =	sadd.s32 s2, s23  }
0x1a8: {  	[spmem:s24@s13], [sflag:s12] =	dma.strided [hbm:s23@s13], $0x60, s11, $0x10   }
0x1a9: {  	(v2sf) =	vpush v61, $0xC;
	_ =	sdelay $0xe  }
0x1aa: {  	s23 =	spop (v2sf)  }
0x1ab: {  	s31 =	sshrl.u32 s23, $0x3  }
0x1ac: {  	s23 =	sshll.u32 s23, $0x7;
	s24 =	smul.u32 $0x1800, s31  }
0x1ad: {  	s23 =	sand.u32 $0x380, s23  }
0x1ae: {  	s23 =	sor.u32 s23, s24  }
0x1af: {  	s25 =	sadd.s32 $0x200, s22;
	s23 =	sshrl.u32 s23, $0x3  }
0x1b0: {  	s24 =	sshrl.u32 s25, $0x3;
	s23 =	sadd.s32 s2, s23  }
0x1b1: {  	[spmem:s24@s13], [sflag:s12] =	dma.strided [hbm:s23@s13], $0x60, s11, $0x10   }
0x1b2: {  	(v2sf) =	vpush v61, $0xD;
	_ =	sdelay $0xe  }
0x1b3: {  	s23 =	spop (v2sf)  }
0x1b4: {  	s26 =	sshrl.u32 s23, $0x3  }
0x1b5: {  	s23 =	sshll.u32 s23, $0x7;
	s24 =	smul.u32 $0x1800, s26  }
0x1b6: {  	s23 =	sand.u32 $0x380, s23  }
0x1b7: {  	s23 =	sor.u32 s23, s24  }
0x1b8: {  	s28 =	sadd.s32 $0x280, s22;
	s23 =	sshrl.u32 s23, $0x3  }
0x1b9: {  	s24 =	sshrl.u32 s28, $0x3;
	s23 =	sadd.s32 s2, s23  }
0x1ba: {  	[spmem:s24@s13], [sflag:s12] =	dma.strided [hbm:s23@s13], $0x60, s11, $0x10   }
0x1bb: {  	(v2sf) =	vpush v61, $0xE;
	_ =	sdelay $0xe  }
0x1bc: {  	s23 =	spop (v2sf)  }
0x1bd: {  	s29 =	sshrl.u32 s23, $0x3  }
0x1be: {  	s23 =	sshll.u32 s23, $0x7;
	s24 =	smul.u32 $0x1800, s29  }
0x1bf: {  	s23 =	sand.u32 $0x380, s23  }
0x1c0: {  	s23 =	sor.u32 s23, s24  }
0x1c1: {  	s30 =	sadd.s32 $0x300, s22;
	s23 =	sshrl.u32 s23, $0x3  }
0x1c2: {  	s24 =	sshrl.u32 s30, $0x3;
	s23 =	sadd.s32 s2, s23  }
0x1c3: {  	[spmem:s24@s13], [sflag:s12] =	dma.strided [hbm:s23@s13], $0x60, s11, $0x10   }
0x1c4: {  	(v2sf) =	vpush v61, $0xF;
	_ =	sdelay $0xe  }
0x1c5: {  	s23 =	spop (v2sf)  }
0x1c6: {  	s31 =	sshrl.u32 s23, $0x3  }
0x1c7: {  	s23 =	sshll.u32 s23, $0x7;
	s24 =	smul.u32 $0x1800, s31  }
0x1c8: {  	s23 =	sand.u32 $0x380, s23  }
0x1c9: {  	s23 =	sor.u32 s23, s24  }
0x1ca: {  	s22 =	sadd.s32 $0x380, s22;
	s23 =	sshrl.u32 s23, $0x3  }
0x1cb: {  	s22 =	sshrl.u32 s22, $0x3;
	s23 =	sadd.s32 s2, s23  }
0x1cc: {  	[spmem:s22@s13], [sflag:s12] =	dma.strided [hbm:s23@s13], $0x60, s11, $0x10   }
0x1cd: {  	v62 =	vld [tilespmem:s20+$0x30];
	_ =	sdelay $0x4  }
0x1ce: {  	(v2sf) =	vpush v62, $0x0;
	_ =	sdelay $0xe  }
0x1cf: {  	s22 =	spop (v2sf)  }
0x1d0: {  	s24 =	sshrl.u32 s22, $0x3  }
0x1d1: {  	s22 =	sshll.u32 s22, $0x7;
	s23 =	smul.u32 $0x1800, s24  }
0x1d2: {  	s25 =	sadd.s32 $0x24000, s21;
	s22 =	sand.u32 $0x380, s22  }
0x1d3: {  	s26 =	sshrl.u32 s25, $0x2;
	s22 =	sor.u32 s22, s23  }
0x1d4: {  	s28 =	sshrl.u32 s22, $0x3;
	s22 =	sadd.s32 s26, s3  }
0x1d5: {  	s29 =	sadd.s32 s2, s28;
	s30 =	sshrl.u32 s22, $0x3  }
0x1d6: {  	[spmem:s30@s13], [sflag:s12] =	dma.strided [hbm:s29@s13], $0x60, s11, $0x10   }
0x1d7: {  	(v2sf) =	vpush v62, $0x1;
	_ =	sdelay $0xe  }
0x1d8: {  	s23 =	spop (v2sf)  }
0x1d9: {  	s31 =	sshrl.u32 s23, $0x3  }
0x1da: {  	s23 =	sshll.u32 s23, $0x7;
	s24 =	smul.u32 $0x1800, s31  }
0x1db: {  	s23 =	sand.u32 $0x380, s23  }
0x1dc: {  	s23 =	sor.u32 s23, s24  }
0x1dd: {  	s25 =	sadd.s32 $0x80, s22;
	s23 =	sshrl.u32 s23, $0x3  }
0x1de: {  	s24 =	sshrl.u32 s25, $0x3;
	s23 =	sadd.s32 s2, s23  }
0x1df: {  	[spmem:s24@s13], [sflag:s12] =	dma.strided [hbm:s23@s13], $0x60, s11, $0x10   }
0x1e0: {  	(v2sf) =	vpush v62, $0x2;
	_ =	sdelay $0xe  }
0x1e1: {  	s23 =	spop (v2sf)  }
0x1e2: {  	s26 =	sshrl.u32 s23, $0x3  }
0x1e3: {  	s23 =	sshll.u32 s23, $0x7;
	s24 =	smul.u32 $0x1800, s26  }
0x1e4: {  	s23 =	sand.u32 $0x380, s23  }
0x1e5: {  	s23 =	sor.u32 s23, s24  }
0x1e6: {  	s28 =	sadd.s32 $0x100, s22;
	s23 =	sshrl.u32 s23, $0x3  }
0x1e7: {  	s24 =	sshrl.u32 s28, $0x3;
	s23 =	sadd.s32 s2, s23  }
0x1e8: {  	[spmem:s24@s13], [sflag:s12] =	dma.strided [hbm:s23@s13], $0x60, s11, $0x10   }
0x1e9: {  	(v2sf) =	vpush v62, $0x3;
	_ =	sdelay $0xe  }
0x1ea: {  	s23 =	spop (v2sf)  }
0x1eb: {  	s29 =	sshrl.u32 s23, $0x3  }
0x1ec: {  	s23 =	sshll.u32 s23, $0x7;
	s24 =	smul.u32 $0x1800, s29  }
0x1ed: {  	s23 =	sand.u32 $0x380, s23  }
0x1ee: {  	s23 =	sor.u32 s23, s24  }
0x1ef: {  	s30 =	sadd.s32 $0x180, s22;
	s23 =	sshrl.u32 s23, $0x3  }
0x1f0: {  	s24 =	sshrl.u32 s30, $0x3;
	s23 =	sadd.s32 s2, s23  }
0x1f1: {  	[spmem:s24@s13], [sflag:s12] =	dma.strided [hbm:s23@s13], $0x60, s11, $0x10   }
0x1f2: {  	(v2sf) =	vpush v62, $0x4;
	_ =	sdelay $0xe  }
0x1f3: {  	s23 =	spop (v2sf)  }
0x1f4: {  	s31 =	sshrl.u32 s23, $0x3  }
0x1f5: {  	s23 =	sshll.u32 s23, $0x7;
	s24 =	smul.u32 $0x1800, s31  }
0x1f6: {  	s23 =	sand.u32 $0x380, s23  }
0x1f7: {  	s23 =	sor.u32 s23, s24  }
0x1f8: {  	s25 =	sadd.s32 $0x200, s22;
	s23 =	sshrl.u32 s23, $0x3  }
0x1f9: {  	s24 =	sshrl.u32 s25, $0x3;
	s23 =	sadd.s32 s2, s23  }
0x1fa: {  	[spmem:s24@s13], [sflag:s12] =	dma.strided [hbm:s23@s13], $0x60, s11, $0x10   }
0x1fb: {  	(v2sf) =	vpush v62, $0x5;
	_ =	sdelay $0xe  }
0x1fc: {  	s23 =	spop (v2sf)  }
0x1fd: {  	s26 =	sshrl.u32 s23, $0x3  }
0x1fe: {  	s23 =	sshll.u32 s23, $0x7;
	s24 =	smul.u32 $0x1800, s26  }
0x1ff: {  	s23 =	sand.u32 $0x380, s23  }
0x200: {  	s23 =	sor.u32 s23, s24  }
0x201: {  	s28 =	sadd.s32 $0x280, s22;
	s23 =	sshrl.u32 s23, $0x3  }
0x202: {  	s24 =	sshrl.u32 s28, $0x3;
	s23 =	sadd.s32 s2, s23  }
0x203: {  	[spmem:s24@s13], [sflag:s12] =	dma.strided [hbm:s23@s13], $0x60, s11, $0x10   }
0x204: {  	(v2sf) =	vpush v62, $0x6;
	_ =	sdelay $0xe  }
0x205: {  	s23 =	spop (v2sf)  }
0x206: {  	s29 =	sshrl.u32 s23, $0x3  }
0x207: {  	s23 =	sshll.u32 s23, $0x7;
	s24 =	smul.u32 $0x1800, s29  }
0x208: {  	s23 =	sand.u32 $0x380, s23  }
0x209: {  	s23 =	sor.u32 s23, s24  }
0x20a: {  	s30 =	sadd.s32 $0x300, s22;
	s23 =	sshrl.u32 s23, $0x3  }
0x20b: {  	s24 =	sshrl.u32 s30, $0x3;
	s23 =	sadd.s32 s2, s23  }
0x20c: {  	[spmem:s24@s13], [sflag:s12] =	dma.strided [hbm:s23@s13], $0x60, s11, $0x10   }
0x20d: {  	(v2sf) =	vpush v62, $0x7;
	_ =	sdelay $0xe  }
0x20e: {  	s23 =	spop (v2sf)  }
0x20f: {  	s31 =	sshrl.u32 s23, $0x3  }
0x210: {  	s23 =	sshll.u32 s23, $0x7;
	s24 =	smul.u32 $0x1800, s31  }
0x211: {  	s23 =	sand.u32 $0x380, s23  }
0x212: {  	s23 =	sor.u32 s23, s24  }
0x213: {  	s22 =	sadd.s32 $0x380, s22;
	s23 =	sshrl.u32 s23, $0x3  }
0x214: {  	s22 =	sshrl.u32 s22, $0x3;
	s23 =	sadd.s32 s2, s23  }
0x215: {  	[spmem:s22@s13], [sflag:s12] =	dma.strided [hbm:s23@s13], $0x60, s11, $0x10   }
0x216: {  	(v2sf) =	vpush v62, $0x8;
	_ =	sdelay $0xe  }
0x217: {  	s22 =	spop (v2sf)  }
0x218: {  	s25 =	sadd.s32 $0x38, s19;
	s24 =	sshrl.u32 s22, $0x3  }
0x219: {  	s23 =	smul.u32 $0x1800, s24;
	s24 =	sshrl.u32 s25, $0x3  }
0x21a: {  	s22 =	sshll.u32 s22, $0x7;
	s24 =	smul.u32 $0x6000, s24  }
0x21b: {  	s22 =	sand.u32 $0x380, s22  }
0x21c: {  	s22 =	sor.u32 s22, s23;
	s26 =	sshrl.u32 s24, $0x2  }
0x21d: {  	s28 =	sshrl.u32 s22, $0x3;
	s22 =	sadd.s32 s26, s3  }
0x21e: {  	s29 =	sadd.s32 s2, s28;
	s30 =	sshrl.u32 s22, $0x3  }
0x21f: {  	[spmem:s30@s13], [sflag:s12] =	dma.strided [hbm:s29@s13], $0x60, s11, $0x10   }
0x220: {  	(v2sf) =	vpush v62, $0x9;
	_ =	sdelay $0xe  }
0x221: {  	s23 =	spop (v2sf)  }
0x222: {  	s31 =	sshrl.u32 s23, $0x3  }
0x223: {  	s23 =	sshll.u32 s23, $0x7;
	s24 =	smul.u32 $0x1800, s31  }
0x224: {  	s23 =	sand.u32 $0x380, s23  }
0x225: {  	s23 =	sor.u32 s23, s24  }
0x226: {  	s25 =	sadd.s32 $0x80, s22;
	s23 =	sshrl.u32 s23, $0x3  }
0x227: {  	s24 =	sshrl.u32 s25, $0x3;
	s23 =	sadd.s32 s2, s23  }
0x228: {  	[spmem:s24@s13], [sflag:s12] =	dma.strided [hbm:s23@s13], $0x60, s11, $0x10   }
0x229: {  	(v2sf) =	vpush v62, $0xA;
	_ =	sdelay $0xe  }
0x22a: {  	s23 =	spop (v2sf)  }
0x22b: {  	s26 =	sshrl.u32 s23, $0x3  }
0x22c: {  	s23 =	sshll.u32 s23, $0x7;
	s24 =	smul.u32 $0x1800, s26  }
0x22d: {  	s23 =	sand.u32 $0x380, s23  }
0x22e: {  	s23 =	sor.u32 s23, s24  }
0x22f: {  	s28 =	sadd.s32 $0x100, s22;
	s23 =	sshrl.u32 s23, $0x3  }
0x230: {  	s24 =	sshrl.u32 s28, $0x3;
	s23 =	sadd.s32 s2, s23  }
0x231: {  	[spmem:s24@s13], [sflag:s12] =	dma.strided [hbm:s23@s13], $0x60, s11, $0x10   }
0x232: {  	(v2sf) =	vpush v62, $0xB;
	_ =	sdelay $0xe  }
0x233: {  	s23 =	spop (v2sf)  }
0x234: {  	s29 =	sshrl.u32 s23, $0x3  }
0x235: {  	s23 =	sshll.u32 s23, $0x7;
	s24 =	smul.u32 $0x1800, s29  }
0x236: {  	s23 =	sand.u32 $0x380, s23  }
0x237: {  	s23 =	sor.u32 s23, s24  }
0x238: {  	s30 =	sadd.s32 $0x180, s22;
	s23 =	sshrl.u32 s23, $0x3  }
0x239: {  	s24 =	sshrl.u32 s30, $0x3;
	s23 =	sadd.s32 s2, s23  }
0x23a: {  	[spmem:s24@s13], [sflag:s12] =	dma.strided [hbm:s23@s13], $0x60, s11, $0x10   }
0x23b: {  	(v2sf) =	vpush v62, $0xC;
	_ =	sdelay $0xe  }
0x23c: {  	s23 =	spop (v2sf)  }
0x23d: {  	s31 =	sshrl.u32 s23, $0x3  }
0x23e: {  	s23 =	sshll.u32 s23, $0x7;
	s24 =	smul.u32 $0x1800, s31  }
0x23f: {  	s23 =	sand.u32 $0x380, s23  }
0x240: {  	s23 =	sor.u32 s23, s24  }
0x241: {  	s25 =	sadd.s32 $0x200, s22;
	s23 =	sshrl.u32 s23, $0x3  }
0x242: {  	s24 =	sshrl.u32 s25, $0x3;
	s23 =	sadd.s32 s2, s23  }
0x243: {  	[spmem:s24@s13], [sflag:s12] =	dma.strided [hbm:s23@s13], $0x60, s11, $0x10   }
0x244: {  	(v2sf) =	vpush v62, $0xD;
	_ =	sdelay $0xe  }
0x245: {  	s23 =	spop (v2sf)  }
0x246: {  	s26 =	sshrl.u32 s23, $0x3  }
0x247: {  	s23 =	sshll.u32 s23, $0x7;
	s24 =	smul.u32 $0x1800, s26  }
0x248: {  	s23 =	sand.u32 $0x380, s23  }
0x249: {  	s23 =	sor.u32 s23, s24  }
0x24a: {  	s28 =	sadd.s32 $0x280, s22;
	s23 =	sshrl.u32 s23, $0x3  }
0x24b: {  	s24 =	sshrl.u32 s28, $0x3;
	s23 =	sadd.s32 s2, s23  }
0x24c: {  	[spmem:s24@s13], [sflag:s12] =	dma.strided [hbm:s23@s13], $0x60, s11, $0x10   }
0x24d: {  	(v2sf) =	vpush v62, $0xE;
	_ =	sdelay $0xe  }
0x24e: {  	s23 =	spop (v2sf)  }
0x24f: {  	s29 =	sshrl.u32 s23, $0x3  }
0x250: {  	s23 =	sshll.u32 s23, $0x7;
	s24 =	smul.u32 $0x1800, s29  }
0x251: {  	s23 =	sand.u32 $0x380, s23  }
0x252: {  	s23 =	sor.u32 s23, s24  }
0x253: {  	s30 =	sadd.s32 $0x300, s22;
	s23 =	sshrl.u32 s23, $0x3  }
0x254: {  	s24 =	sshrl.u32 s30, $0x3;
	s23 =	sadd.s32 s2, s23  }
0x255: {  	[spmem:s24@s13], [sflag:s12] =	dma.strided [hbm:s23@s13], $0x60, s11, $0x10   }
0x256: {  	(v2sf) =	vpush v62, $0xF;
	_ =	sdelay $0xe  }
0x257: {  	s23 =	spop (v2sf)  }
0x258: {  	s31 =	sshrl.u32 s23, $0x3  }
0x259: {  	s23 =	sshll.u32 s23, $0x7;
	s24 =	smul.u32 $0x1800, s31  }
0x25a: {  	s23 =	sand.u32 $0x380, s23  }
0x25b: {  	s23 =	sor.u32 s23, s24  }
0x25c: {  	s22 =	sadd.s32 $0x380, s22;
	s23 =	sshrl.u32 s23, $0x3  }
0x25d: {  	s22 =	sshrl.u32 s22, $0x3;
	s23 =	sadd.s32 s2, s23  }
0x25e: {  	[spmem:s22@s13], [sflag:s12] =	dma.strided [hbm:s23@s13], $0x60, s11, $0x10   }
0x25f: {  	v63 =	vld [tilespmem:s20+$0x40];
	_ =	sdelay $0x4  }
0x260: {  	(v2sf) =	vpush v63, $0x0;
	_ =	sdelay $0xe  }
0x261: {  	s24 =	spop (v2sf)  }
0x262: {  	s25 =	sshrl.u32 s24, $0x3  }
0x263: {  	s20 =	sshll.u32 s24, $0x7;
	s22 =	smul.u32 $0x1800, s25  }
0x264: {  	s21 =	sadd.s32 $0x30000, s21;
	s20 =	sand.u32 $0x380, s20  }
0x265: {  	s21 =	sshrl.u32 s21, $0x2;
	s20 =	sor.u32 s20, s22  }
0x266: {  	s22 =	sshrl.u32 s20, $0x3;
	s20 =	sadd.s32 s21, s3  }
0x267: {  	s26 =	sadd.s32 s2, s22;
	s28 =	sshrl.u32 s20, $0x3  }
0x268: {  	[spmem:s28@s13], [sflag:s12] =	dma.strided [hbm:s26@s13], $0x60, s11, $0x10   }
0x269: {  	(v2sf) =	vpush v63, $0x1;
	_ =	sdelay $0xe  }
0x26a: {  	s21 =	spop (v2sf)  }
0x26b: {  	s29 =	sshrl.u32 s21, $0x3  }
0x26c: {  	s21 =	sshll.u32 s21, $0x7;
	s22 =	smul.u32 $0x1800, s29  }
0x26d: {  	s21 =	sand.u32 $0x380, s21  }
0x26e: {  	s21 =	sor.u32 s21, s22  }
0x26f: {  	s30 =	sadd.s32 $0x80, s20;
	s21 =	sshrl.u32 s21, $0x3  }
0x270: {  	s22 =	sshrl.u32 s30, $0x3;
	s21 =	sadd.s32 s2, s21  }
0x271: {  	[spmem:s22@s13], [sflag:s12] =	dma.strided [hbm:s21@s13], $0x60, s11, $0x10   }
0x272: {  	(v2sf) =	vpush v63, $0x2;
	_ =	sdelay $0xe  }
0x273: {  	s21 =	spop (v2sf)  }
0x274: {  	s31 =	sshrl.u32 s21, $0x3  }
0x275: {  	s21 =	sshll.u32 s21, $0x7;
	s22 =	smul.u32 $0x1800, s31  }
0x276: {  	s21 =	sand.u32 $0x380, s21  }
0x277: {  	s21 =	sor.u32 s21, s22  }
0x278: {  	s23 =	sadd.s32 $0x100, s20;
	s21 =	sshrl.u32 s21, $0x3  }
0x279: {  	s22 =	sshrl.u32 s23, $0x3;
	s21 =	sadd.s32 s2, s21  }
0x27a: {  	[spmem:s22@s13], [sflag:s12] =	dma.strided [hbm:s21@s13], $0x60, s11, $0x10   }
0x27b: {  	(v2sf) =	vpush v63, $0x3;
	_ =	sdelay $0xe  }
0x27c: {  	s21 =	spop (v2sf)  }
0x27d: {  	s24 =	sshrl.u32 s21, $0x3  }
0x27e: {  	s21 =	sshll.u32 s21, $0x7;
	s22 =	smul.u32 $0x1800, s24  }
0x27f: {  	s21 =	sand.u32 $0x380, s21  }
0x280: {  	s21 =	sor.u32 s21, s22  }
0x281: {  	s25 =	sadd.s32 $0x180, s20;
	s21 =	sshrl.u32 s21, $0x3  }
0x282: {  	s22 =	sshrl.u32 s25, $0x3;
	s21 =	sadd.s32 s2, s21  }
0x283: {  	[spmem:s22@s13], [sflag:s12] =	dma.strided [hbm:s21@s13], $0x60, s11, $0x10   }
0x284: {  	(v2sf) =	vpush v63, $0x4;
	_ =	sdelay $0xe  }
0x285: {  	s21 =	spop (v2sf)  }
0x286: {  	s26 =	sshrl.u32 s21, $0x3  }
0x287: {  	s21 =	sshll.u32 s21, $0x7;
	s22 =	smul.u32 $0x1800, s26  }
0x288: {  	s21 =	sand.u32 $0x380, s21  }
0x289: {  	s21 =	sor.u32 s21, s22  }
0x28a: {  	s28 =	sadd.s32 $0x200, s20;
	s21 =	sshrl.u32 s21, $0x3  }
0x28b: {  	s22 =	sshrl.u32 s28, $0x3;
	s21 =	sadd.s32 s2, s21  }
0x28c: {  	[spmem:s22@s13], [sflag:s12] =	dma.strided [hbm:s21@s13], $0x60, s11, $0x10   }
0x28d: {  	(v2sf) =	vpush v63, $0x5;
	_ =	sdelay $0xe  }
0x28e: {  	s21 =	spop (v2sf)  }
0x28f: {  	s29 =	sshrl.u32 s21, $0x3  }
0x290: {  	s21 =	sshll.u32 s21, $0x7;
	s22 =	smul.u32 $0x1800, s29  }
0x291: {  	s21 =	sand.u32 $0x380, s21  }
0x292: {  	s21 =	sor.u32 s21, s22  }
0x293: {  	s30 =	sadd.s32 $0x280, s20;
	s21 =	sshrl.u32 s21, $0x3  }
0x294: {  	s22 =	sshrl.u32 s30, $0x3;
	s21 =	sadd.s32 s2, s21  }
0x295: {  	[spmem:s22@s13], [sflag:s12] =	dma.strided [hbm:s21@s13], $0x60, s11, $0x10   }
0x296: {  	(v2sf) =	vpush v63, $0x6;
	_ =	sdelay $0xe  }
0x297: {  	s21 =	spop (v2sf)  }
0x298: {  	s31 =	sshrl.u32 s21, $0x3  }
0x299: {  	s21 =	sshll.u32 s21, $0x7;
	s22 =	smul.u32 $0x1800, s31  }
0x29a: {  	s21 =	sand.u32 $0x380, s21  }
0x29b: {  	s21 =	sor.u32 s21, s22  }
0x29c: {  	s23 =	sadd.s32 $0x300, s20;
	s21 =	sshrl.u32 s21, $0x3  }
0x29d: {  	s22 =	sshrl.u32 s23, $0x3;
	s21 =	sadd.s32 s2, s21  }
0x29e: {  	[spmem:s22@s13], [sflag:s12] =	dma.strided [hbm:s21@s13], $0x60, s11, $0x10   }
0x29f: {  	(v2sf) =	vpush v63, $0x7;
	_ =	sdelay $0xe  }
0x2a0: {  	s21 =	spop (v2sf)  }
0x2a1: {  	s24 =	sshrl.u32 s21, $0x3  }
0x2a2: {  	s21 =	sshll.u32 s21, $0x7;
	s22 =	smul.u32 $0x1800, s24  }
0x2a3: {  	s21 =	sand.u32 $0x380, s21  }
0x2a4: {  	s21 =	sor.u32 s21, s22  }
0x2a5: {  	s20 =	sadd.s32 $0x380, s20;
	s21 =	sshrl.u32 s21, $0x3  }
0x2a6: {  	s20 =	sshrl.u32 s20, $0x3;
	s21 =	sadd.s32 s2, s21  }
0x2a7: {  	[spmem:s20@s13], [sflag:s12] =	dma.strided [hbm:s21@s13], $0x60, s11, $0x10   }
0x2a8: {  	(v2sf) =	vpush v63, $0x8;
	_ =	sdelay $0xd  }
0x2a9: {  	s19 =	sadd.s32 $0x48, s19  }
0x2aa: {  	s19 =	sshrl.u32 s19, $0x3;
	s20 =	spop (v2sf)  }
0x2ab: {  	s19 =	smul.u32 $0x6000, s19;
	s25 =	sshrl.u32 s20, $0x3  }
0x2ac: {  	s20 =	sshll.u32 s20, $0x7;
	s21 =	smul.u32 $0x1800, s25  }
0x2ad: {  	s20 =	sand.u32 $0x380, s20  }
0x2ae: {  	s19 =	sshrl.u32 s19, $0x2;
	s20 =	sor.u32 s20, s21  }
0x2af: {  	s19 =	sadd.s32 s19, s3;
	s20 =	sshrl.u32 s20, $0x3  }
0x2b0: {  	s26 =	sshrl.u32 s19, $0x3;
	s20 =	sadd.s32 s2, s20  }
0x2b1: {  	[spmem:s26@s13], [sflag:s12] =	dma.strided [hbm:s20@s13], $0x60, s11, $0x10   }
0x2b2: {  	(v2sf) =	vpush v63, $0x9;
	_ =	sdelay $0xe  }
0x2b3: {  	s20 =	spop (v2sf)  }
0x2b4: {  	s28 =	sshrl.u32 s20, $0x3  }
0x2b5: {  	s20 =	sshll.u32 s20, $0x7;
	s21 =	smul.u32 $0x1800, s28  }
0x2b6: {  	s20 =	sand.u32 $0x380, s20  }
0x2b7: {  	s20 =	sor.u32 s20, s21  }
0x2b8: {  	s29 =	sadd.s32 $0x80, s19;
	s20 =	sshrl.u32 s20, $0x3  }
0x2b9: {  	s21 =	sshrl.u32 s29, $0x3;
	s20 =	sadd.s32 s2, s20  }
0x2ba: {  	[spmem:s21@s13], [sflag:s12] =	dma.strided [hbm:s20@s13], $0x60, s11, $0x10   }
0x2bb: {  	(v2sf) =	vpush v63, $0xA;
	_ =	sdelay $0xe  }
0x2bc: {  	s20 =	spop (v2sf)  }
0x2bd: {  	s30 =	sshrl.u32 s20, $0x3  }
0x2be: {  	s20 =	sshll.u32 s20, $0x7;
	s21 =	smul.u32 $0x1800, s30  }
0x2bf: {  	s20 =	sand.u32 $0x380, s20  }
0x2c0: {  	s20 =	sor.u32 s20, s21  }
0x2c1: {  	s31 =	sadd.s32 $0x100, s19;
	s20 =	sshrl.u32 s20, $0x3  }
0x2c2: {  	s21 =	sshrl.u32 s31, $0x3;
	s20 =	sadd.s32 s2, s20  }
0x2c3: {  	[spmem:s21@s13], [sflag:s12] =	dma.strided [hbm:s20@s13], $0x60, s11, $0x10   }
0x2c4: {  	(v2sf) =	vpush v63, $0xB;
	_ =	sdelay $0xe  }
0x2c5: {  	s20 =	spop (v2sf)  }
0x2c6: {  	s22 =	sshrl.u32 s20, $0x3  }
0x2c7: {  	s20 =	sshll.u32 s20, $0x7;
	s21 =	smul.u32 $0x1800, s22  }
0x2c8: {  	s20 =	sand.u32 $0x380, s20  }
0x2c9: {  	s20 =	sor.u32 s20, s21  }
0x2ca: {  	s23 =	sadd.s32 $0x180, s19;
	s20 =	sshrl.u32 s20, $0x3  }
0x2cb: {  	s21 =	sshrl.u32 s23, $0x3;
	s20 =	sadd.s32 s2, s20  }
0x2cc: {  	[spmem:s21@s13], [sflag:s12] =	dma.strided [hbm:s20@s13], $0x60, s11, $0x10   }
0x2cd: {  	(v2sf) =	vpush v63, $0xC;
	_ =	sdelay $0xe  }
0x2ce: {  	s20 =	spop (v2sf)  }
0x2cf: {  	s24 =	sshrl.u32 s20, $0x3  }
0x2d0: {  	s20 =	sshll.u32 s20, $0x7;
	s21 =	smul.u32 $0x1800, s24  }
0x2d1: {  	s20 =	sand.u32 $0x380, s20  }
0x2d2: {  	s20 =	sor.u32 s20, s21  }
0x2d3: {  	s25 =	sadd.s32 $0x200, s19;
	s20 =	sshrl.u32 s20, $0x3  }
0x2d4: {  	s21 =	sshrl.u32 s25, $0x3;
	s20 =	sadd.s32 s2, s20  }
0x2d5: {  	[spmem:s21@s13], [sflag:s12] =	dma.strided [hbm:s20@s13], $0x60, s11, $0x10   }
0x2d6: {  	(v2sf) =	vpush v63, $0xD;
	_ =	sdelay $0xe  }
0x2d7: {  	s20 =	spop (v2sf)  }
0x2d8: {  	s26 =	sshrl.u32 s20, $0x3  }
0x2d9: {  	s20 =	sshll.u32 s20, $0x7;
	s21 =	smul.u32 $0x1800, s26  }
0x2da: {  	s20 =	sand.u32 $0x380, s20  }
0x2db: {  	s20 =	sor.u32 s20, s21  }
0x2dc: {  	s28 =	sadd.s32 $0x280, s19;
	s20 =	sshrl.u32 s20, $0x3  }
0x2dd: {  	s21 =	sshrl.u32 s28, $0x3;
	s20 =	sadd.s32 s2, s20  }
0x2de: {  	[spmem:s21@s13], [sflag:s12] =	dma.strided [hbm:s20@s13], $0x60, s11, $0x10   }
0x2df: {  	(v2sf) =	vpush v63, $0xE;
	_ =	sdelay $0xe  }
0x2e0: {  	s20 =	spop (v2sf)  }
0x2e1: {  	s29 =	sshrl.u32 s20, $0x3  }
0x2e2: {  	s20 =	sshll.u32 s20, $0x7;
	s21 =	smul.u32 $0x1800, s29  }
0x2e3: {  	s20 =	sand.u32 $0x380, s20  }
0x2e4: {  	s20 =	sor.u32 s20, s21  }
0x2e5: {  	s30 =	sadd.s32 $0x300, s19;
	s20 =	sshrl.u32 s20, $0x3  }
0x2e6: {  	s21 =	sshrl.u32 s30, $0x3;
	s20 =	sadd.s32 s2, s20  }
0x2e7: {  	[spmem:s21@s13], [sflag:s12] =	dma.strided [hbm:s20@s13], $0x60, s11, $0x10   }
0x2e8: {  	(v2sf) =	vpush v63, $0xF;
	_ =	sdelay $0xe  }
0x2e9: {  	s20 =	spop (v2sf)  }
0x2ea: {  	s31 =	sshrl.u32 s20, $0x3  }
0x2eb: {  	s20 =	sshll.u32 s20, $0x7;
	s21 =	smul.u32 $0x1800, s31  }
0x2ec: {  	s20 =	sand.u32 $0x380, s20  }
0x2ed: {  	s20 =	sor.u32 s20, s21  }
0x2ee: {  	s19 =	sadd.s32 $0x380, s19;
	s20 =	sshrl.u32 s20, $0x3  }
0x2ef: {  	s19 =	sshrl.u32 s19, $0x3;
	s20 =	sadd.s32 s2, s20  }
0x2f0: {  	[spmem:s19@s13], [sflag:s12] =	dma.strided [hbm:s20@s13], $0x60, s11, $0x10   }
0x2f1: {  	_ =	swait.ge [sflag:s14], $0x60  }
0x2f2: {  	s19 =	simm.s32 $0x4F;
	[sflag:s14] =	ssyncset.done $0x0  }
.LBB2_3:
0x2f3: {  	p0 =	sne.s32 s19, $0x1;
	s19 =	sadd.s32 $0xFFFFFFFF, s19;
	[sflag:s14] =	ssyncadd.s32 $0xFFFFFFA0  }
.Ltmp0:
0x2f4: {  	(pc) =	sbr.rel @p0 .LBB2_3-.Ltmp0, $3  }
0x2f5: {  	_ =	sdelay $0x1  }
0x2f6: {  	_ =	swait.ge [sflag:s14], $0x60  }
0x2f7: {  	[sflag:s14] =	ssyncset.done $0x0  }
0x2f8: {  	s19 =	sadd.s32 s6, s17;
	s17 =	sadd.s32 $0x1, s17  }
0x2f9: {  	p0 =	sne.s32 s17, $0x10  }
.Ltmp1:
0x2fa: {  	_ = 	snop;
	(pc) =	sbr.rel @p0 .LBB2_2-.Ltmp1, $3  }
0x2fb: {  	s19 =	smul.u32 $0x1E00, s19;
	_ =	sdelay $0x1  }
0x2fc: {  	[sflag:s14] =	ssyncadd.s32 $0xFFFFFFA0;
	s20 =	sor.u32 $0x1C02, s10;
	s19 =	sadd.s32 s5, s19  }
0x2fd: {  	[hbm:s19], [sflag:s20] =	dma.local [spmem:s18], $0x1E00  }
0x2fe: {  	s16 =	sadd.s32 $0x1, s16  }
0x2ff: {  	_ =	swait.ge [sflag:s15], $0x1E00;
	p0 =	sne.s32 s16, s9  }
.Ltmp2:
0x300: {  	[sflag:s15] =	ssyncset.done $0x0;
	(pc) =	sbr.rel @p0 .LBB2_1-.Ltmp2, $4  }
0x301: {  	[sflag:s15] =	ssyncadd.s32 $0xFFFFE200  }
0x302: {  	_ =	swait.ge [sflag:s15], $0x1E00  }
0x303: {  	[sflag:s15] =	ssyncset.done $0x0  }
0x304: {  	[sflag:s15] =	ssyncadd.s32 $0xFFFFE200  }
0x305: {  	_ =	sfence.sel $0x180000  }
0x306: {  	[bflag:$0x0] =	sbarrier.arrive $0xFFFF  }
0x307: {  	p0 =	sne.s32 s0, $0x0;
	_ =	strace $0x90000047  }
0x308: {  	s0 =	sadd.s32 @!p0 $0x100000, s1;
	[bflag:$0x2] =	sbarrier.arrive $0xFFFF  }
0x309: {  	[sflag:s0] =	ssyncadd.tile.s32 @!p0 $0x1;
	_ =	shalt  }
.Lfunc_end2:
_tile_overlayer_lowered:
.L_overlay_start_2:
0x30a: {  	(tag) =	ssettag $0x2  }
0x30b: {  	s0 =	rddreg [dreg:$0x0];
	s2 =	stileid.u32  }
0x30c: {  	s1 =	rddreg [dreg:$0x1];
	p0 =	sne.s32 s2, $0x0  }
0x30d: {  	s3 =	rddreg [dreg:$0x2];
	[bflag:$0x3] =	sbarrier.arrive $0xFFFF;
	s2 =	simm.s32 @!p0 $0x1C04  }
0x30e: {  	[timem:s3], [sflag:s2] =	dma.local @!p0 [hbm:s0], s1  }
0x30f: {  	s0 =	simm.s32 @!p0 $0x4  }
0x310: {  	_ =	swait.ge @!p0 [sflag:s0], s1  }
0x311: {  	s1 =	ssub.s32 @!p0 $0x0, s1;
	[sflag:s0] =	ssyncset.done @!p0 $0x0  }
0x312: {  	[sflag:s0] =	ssyncadd.s32 @!p0 s1  }
0x313: {  	[bflag:$0x3] =	sbarrier.arrive $0xFFFF  }
0x314: {  	_ =	shalt  }

// kernel: kernel.9.cloned.1.call-start
scs
__scs_entry_jumppad:
0x0: {  	(pc) =	sbr.rel $0x88, $3  }
0x1: {  	(tag) =	ssettag $0x0;
	lr =	simm.s32 $0x1  }
0x2: {  	[smem:$0x3F9E] =	sst lr;
	_ =	strace $0xD0000000  }
0x3: {  	_ = 	snop  }
0x4: {  	_ = 	snop  }
0x5: {  	_ = 	snop  }
0x6: {  	_ = 	snop  }
0x7: {  	_ = 	snop  }
__scs_overlays_trampoline_lowered:
0x8: {  	[smem:$0x3FAD] =	sst s0  }
0x9: {  	[smem:$0x3FAE] =	sst s1  }
0xa: {  	[smem:$0x3FAF] =	sst s2  }
0xb: {  	[smem:$0x3FB0] =	sst s3  }
0xc: {  	[smem:$0x3FB1] =	sst s4  }
0xd: {  	[smem:$0x3FB2] =	sst s5  }
0xe: {  	[smem:$0x3FB3] =	sst s6  }
0xf: {  	[smem:$0x3FB4] =	sst s7  }
0x10: {  	[smem:$0x3FB5] =	sst s8  }
0x11: {  	[smem:$0x3FB6] =	sst s9;
	s0 =	simm.s32 @!p0 $0x0  }
0x12: {  	s1 =	sld [smem:$0x3F9C];
	s0 =	simm.s32 @p0 $0x1  }
0x13: {  	[smem:$0x3FB7] =	sst s0;
	s0 =	simm.s32 @!p1 $0x0  }
0x14: {  	s2 =	sld [smem:$0x3F9B];
	s0 =	simm.s32 @p1 $0x1  }
0x15: {  	[smem:$0x3FB8] =	sst s0;
	s0 =	simm.s32 @!p2 $0x0  }
0x16: {  	s3 =	sld [smem:$0x3FDB];
	s0 =	simm.s32 @p2 $0x1  }
0x17: {  	s4 =	simm.s32 $0x1BF5;
	[smem:$0x3FBA] =	sst s0  }
0x18: {  	s0 =	sld [smem:$0x3F9D];
	_ =	swait.ge [sflag:s4], $0x0  }
0x19: {  	s7 =	sld [smem:$0x3F9E]  }
0x1a: {  	s8 =	sadd.s32 $0xFFFFE003, lr  }
0x1b: {  	s9 =	sadd.s32 $0xFFFFFEF7, lr;
	s5 =	simm.s32 $0xFFFFFFFF;
	p2 =	slt.u32 s8, $0xFFFFF086  }
0x1c: {  	p1 =	slt.u32 s9, $0xF7A;
	s5 =	simm.s32 @!p2 $0x0  }
0x1d: {  	s5 =	simm.s32 @p1 $0x1;
	p0 =	seq.s32 s7, s2  }
0x1e: {  	s7 =	smul.u32 @!p0 $0xF7A, s2;
	p2 =	seq.s32 @!p0 s5, $0x0  }
0x1f: {  	s9 =	smul.u32 $0xF7A, s1;
	s8 =	simm.s32 @!p0 $0x1BF5;
	p2 =	por !p2, p0  }
0x20: {  	[sflag:s8] =	ssyncset.s32 @!p0 $0xFFFFF086;
	s6 =	sadd.s32 @!p0 s3, s7;
	s7 =	simm.s32 @!p0 $0x108  }
0x21: {  	s3 =	sadd.s32 s3, s9;
	s6 =	sadd.s32 @!p0 $0x88, s6;
	s7 =	simm.s32 @p2 $0x1082  }
0x22: {  	[simem:s7], [sflag:s8] =	dma.local @!p0 [hbm:s6], $0xF7A  }
0x23: {  	s9 =	sor.u32 $0xD0000000, s2;
	s6 =	simm.s32 $0x108;
	_ =	swait.ge @!p0 [sflag:s8], $0x0  }
0x24: {  	s3 =	sadd.s32 $0x88, s3;
	s6 =	simm.s32 @!p1 $0x1082;
	[sflag:s4] =	ssyncset.s32 $0xFFFFF086  }
0x25: {  	[simem:s6], [sflag:s4] =	dma.local [hbm:s3], $0xF7A  }
0x26: {  	[smem:$0x3F9E] =	sst s1;
	(tag) =	ssettag s2;
	_ =	strace s9  }
0x27: {  	s1 =	sld [smem:$0x3FAE]  }
0x28: {  	s2 =	sld [smem:$0x3FAF]  }
0x29: {  	s4 =	sld [smem:$0x3FB1]  }
0x2a: {  	p0 =	seq.s32 s5, $0x0;
	s5 =	sld [smem:$0x3FB2]  }
0x2b: {  	s6 =	sld [smem:$0x3FB3]  }
0x2c: {  	s7 =	sld [smem:$0x3FB4]  }
0x2d: {  	s3 =	simm.s32 $0x108;
	s8 =	sld [smem:$0x3FB5]  }
0x2e: {  	s3 =	simm.s32 @!p0 $0x1082;
	s9 =	sld [smem:$0x3FB6]  }
0x2f: {  	lr =	sadd.s32 s0, s3;
	s0 =	sld [smem:$0x3FAD]  }
0x30: {  	s3 =	sld [smem:$0x3FB0]  }
0x31: {  	[smem:$0x3FB9] =	sst s10  }
0x32: {  	s10 =	sld [smem:$0x3FB7];
	_ =	sdelay $0x3  }
0x33: {  	p0 =	seq.s32 s10, $0x1;
	s10 =	sld [smem:$0x3FB9];
	_ =	sdelay $0x3  }
0x34: {  	[smem:$0x3FB9] =	sst s10  }
0x35: {  	s10 =	sld [smem:$0x3FB8];
	_ =	sdelay $0x3  }
0x36: {  	p1 =	seq.s32 s10, $0x1;
	s10 =	sld [smem:$0x3FB9];
	_ =	sdelay $0x3  }
0x37: {  	[smem:$0x3FB9] =	sst s10  }
0x38: {  	s10 =	sld [smem:$0x3FBA]  }
0x39: {  	_ = 	snop;
	(pc) =	sbr.ind lr, $3  }
0x3a: {  	_ = 	snop  }
0x3b: {  	_ = 	snop  }
0x3c: {  	p2 =	seq.s32 s10, $0x1;
	s10 =	sld [smem:$0x3FB9]  }
0x3d: {  	_ =	shalt  }
0x3e: {  	_ =	shalt  }
0x3f: {  	_ =	shalt  }
0x40: {  	_ =	shalt  }
0x41: {  	_ =	shalt  }
0x42: {  	_ =	shalt  }
0x43: {  	_ =	shalt  }
0x44: {  	_ =	shalt  }
0x45: {  	_ =	shalt  }
0x46: {  	_ =	shalt  }
0x47: {  	_ =	shalt  }
0x48: {  	_ =	shalt  }
0x49: {  	_ =	shalt  }
0x4a: {  	_ =	shalt  }
0x4b: {  	_ =	shalt  }
0x4c: {  	_ =	shalt  }
0x4d: {  	_ =	shalt  }
0x4e: {  	_ =	shalt  }
0x4f: {  	_ =	shalt  }
0x50: {  	_ =	shalt  }
0x51: {  	_ =	shalt  }
0x52: {  	_ =	shalt  }
0x53: {  	_ =	shalt  }
0x54: {  	_ =	shalt  }
0x55: {  	_ =	shalt  }
0x56: {  	_ =	shalt  }
0x57: {  	_ =	shalt  }
0x58: {  	_ =	shalt  }
0x59: {  	_ =	shalt  }
0x5a: {  	_ =	shalt  }
0x5b: {  	_ =	shalt  }
0x5c: {  	_ =	shalt  }
0x5d: {  	_ =	shalt  }
0x5e: {  	_ =	shalt  }
0x5f: {  	_ =	shalt  }
0x60: {  	_ =	shalt  }
0x61: {  	_ =	shalt  }
0x62: {  	_ =	shalt  }
0x63: {  	_ =	shalt  }
0x64: {  	_ =	shalt  }
0x65: {  	_ =	shalt  }
0x66: {  	_ =	shalt  }
0x67: {  	_ =	shalt  }
0x68: {  	_ =	shalt  }
0x69: {  	_ =	shalt  }
0x6a: {  	_ =	shalt  }
0x6b: {  	_ =	shalt  }
0x6c: {  	_ =	shalt  }
0x6d: {  	_ =	shalt  }
0x6e: {  	_ =	shalt  }
0x6f: {  	_ =	shalt  }
0x70: {  	_ =	shalt  }
0x71: {  	_ =	shalt  }
0x72: {  	_ =	shalt  }
0x73: {  	_ =	shalt  }
0x74: {  	_ =	shalt  }
0x75: {  	_ =	shalt  }
0x76: {  	_ =	shalt  }
0x77: {  	_ =	shalt  }
0x78: {  	_ =	shalt  }
0x79: {  	_ =	shalt  }
0x7a: {  	_ =	shalt  }
0x7b: {  	_ =	shalt  }
0x7c: {  	_ =	shalt  }
0x7d: {  	_ =	shalt  }
0x7e: {  	_ =	shalt  }
0x7f: {  	_ =	shalt  }
0x80: {  	_ =	shalt  }
0x81: {  	_ =	shalt  }
0x82: {  	_ =	shalt  }
0x83: {  	_ =	shalt  }
0x84: {  	_ =	shalt  }
0x85: {  	_ =	shalt  }
0x86: {  	_ =	shalt  }
0x87: {  	_ =	shalt  }
.Lfunc_end0:
.L_simem_size_0:
called_computation.1_lowered:
.L_overlay_start_0:
0x88: {  	s2 =	sld [smem:$0x3FD9]  }
0x89: {  	s3 =	sld [smem:$0x3FFE];
	_ =	sdelay $0x1  }
0x8a: {  	s1 =	srdreg.scid  }
0x8b: {  	s0 =	sand.u32 $0x1, s1  }
0x8c: {  	s17 =	sshll.u32 s0, $0xA;
	s2 =	sadd.s32 s3, s2  }
0x8d: {  	s2 =	sadd.s32 s2, s17  }
0x8e: {  	[smem:$0x3FC5] =	sst s2  }
0x8f: {  	_ = 	snop  }
0x90: {  	s18 =	sld [smem:$0x3FC8]  }
0x91: {  	s4 =	sld [smem:$0x3FD0];
	(tm) =	ssettm $0x1  }
0x92: {  	s19 =	sld [smem:$0x3FFB];
	_ =	sdelay $0x3  }
0x93: {  	_ =	strace s19  }
0x94: {  	s2 =	sld [smem:$0x3FFC];
	_ =	sdelay $0x3  }
0x95: {  	_ =	strace s2  }
0x96: {  	s2 =	sld [smem:$0x3FFD];
	_ =	sdelay $0x3  }
0x97: {  	_ =	strace s2  }
0x98: {  	_ =	strace $0x8FFFFFFF  }
0x99: {  	s20 =	sld [smem:$0x3FDB];
	_ =	sdelay $0x1  }
0x9a: {  	s5 =	simm.s32 $_scs_section_size  }
0x9b: {  	s6 =	simm.s32 $_size__tile_overlayer_lowered;
	s7 =	simm.s32 $_tile_overlayer_lowered  }
0x9c: {  	s8 =	simm.s32 $0x1BFF;
	s21 =	sshll.u32 s7, $0x1;
	s5 =	sadd.s32 s5, s20  }
0x9d: {  	s22 =	simm.s32 $0x0;
	s6 =	sshll.u32 s6, $0x1;
	s7 =	sadd.s32 s21, s5  }
0x9e: {  	[timem:s22], [sflag:s8] =	dma.local [hbm:s7], s6  }
0x9f: {  	_ =	swait.ge [sflag:s8], s6  }
0xa0: {  	s6 =	ssub.s32 $0x0, s6;
	[sflag:s8] =	ssyncset.done $0x0  }
0xa1: {  	[sflag:s8] =	ssyncadd.s32 s6;
	_ =	sdelay $0x1  }
0xa2: {  	s23 =	simm.s32 $0x1B8B  }
0xa3: {  	_ =	swait.ge [sflag:s23], $0x1  }
0xa4: {  	[sflag:s23] =	ssyncset.done $0x0  }
0xa5: {  	[sflag:s23] =	ssyncadd.s32 $0xFFFFFFFF  }
0xa6: {  	s6 =	sld [smem:$0x0]  }
0xa7: {  	s7 =	sand.u32 $0xFFFFFFFE, s1  }
0xa8: {  	p0 =	sne.s32 s1, s7  }
0xa9: {  	s7 =	sshll.u32 @p0 s7, $0xE  }
0xaa: {  	s7 =	sadd.s32 @p0 $0x11B8D, s7;
	s8 =	sshll.u32 @p0 s6, $0x11  }
0xab: {  	s7 =	sor.u32 @p0 s8, s7  }
0xac: {  	[sflag:s7] =	ssyncadd.remote.s32 @p0 $0x1;
	_ =	sdelay $0x1  }
0xad: {  	s7 =	simm.s32 @p0 $0x1B8D  }
0xae: {  	_ =	swait.eq @p0 [sflag:s7], $0x1  }
0xaf: {  	[sflag:s7] =	ssyncadd.s32 @p0 $0xFFFFFFFF  }
0xb0: {  	s8 =	sshll.u32 @!p0 s1, $0xE  }
0xb1: {  	s8 =	sor.u32 @!p0 $0x4000, s8;
	s7 =	simm.s32 @!p0 $0x1B8D  }
0xb2: {  	s6 =	sshll.u32 @!p0 s6, $0x11;
	s8 =	sadd.s32 @!p0 $0x11B8D, s8;
	_ =	swait.eq @!p0 [sflag:s7], $0x1  }
0xb3: {  	s6 =	sor.u32 @!p0 s6, s8;
	[sflag:s7] =	ssyncadd.s32 @!p0 $0xFFFFFFFF  }
0xb4: {  	s25 =	simm.s32 $0x1B8E;
	s24 =	sld [smem:$0x3FFE];
	[sflag:s6] =	ssyncadd.remote.s32 @!p0 $0x1  }
0xb5: {  	s26 =	simm.s32 $execute0_lowered;
	[smem:$0x3FD2] =	sst s25  }
0xb6: {  	s7 =	sshll.u32 s26, $0x1;
	_ =	strace $0x80000049;
	[dreg:$0x1] =	wrdreg $0xFFFFFFFF  }
0xb7: {  	s28 =	simm.s32 $_size_execute0_lowered;
	s5 =	sadd.s32 s5, s7;
	[dreg:$0x0] =	wrdreg $0x0  }
0xb8: {  	s7 =	sshll.u32 s28, $0x1;
	[dreg:$0x2] =	wrdreg s5  }
0xb9: {  	[dreg:$0x3] =	wrdreg s7  }
0xba: {  	[dreg:$0x4] =	wrdreg $0xC0  }
0xbb: {  	_ =	task [dreg:s22], $0x5FFFF  }
0xbc: {  	[dreg:$0x1] =	wrdreg $0xFFFFFFFF  }
0xbd: {  	[dreg:$0x0] =	wrdreg $0x60  }
0xbe: {  	[dreg:$0x2] =	wrdreg s24  }
0xbf: {  	[dreg:$0x3] =	wrdreg s18  }
0xc0: {  	[dreg:$0x4] =	wrdreg s4  }
0xc1: {  	[dreg:$0x5] =	wrdreg $0x5000  }
0xc2: {  	[dreg:$0x6] =	wrdreg $0xA  }
0xc3: {  	_ =	task.clear_ibuf [dreg:s22], $0x7FFFF;
	_ =	strace $0x90000049  }
0xc4: {  	s29 =	simm.s32 $0xA;
	_ =	strace $0x8000004B  }
0xc5: {  	_ =	swait.ge [sflag:s29], $0x1  }
0xc6: {  	[sflag:s29] =	ssyncadd.s32 $0xFFFFFFFF  }
0xc7: {  	_ =	strace $0x9000004B  }
0xc8: {  	_ =	sfence  }
0xc9: {  	s30 =	sld [smem:$0x0];
	_ =	sdelay $0x2  }
0xca: {  	s31 =	sshll.u32 s1, $0xD;
	s1 =	sshrl.u32 s1, $0x2  }
0xcb: {  	s4 =	sand.u32 $0x4000, s31;
	s1 =	sadd.s32 s1, s30  }
0xcc: {  	s0 =	sor.u32 s4, s0;
	s1 =	sshll.u32 s1, $0x11  }
0xcd: {  	s0 =	sor.u32 s1, s0  }
0xce: {  	s0 =	sadd.s32 $0x8F2B, s0  }
0xcf: {  	[sflag:s0] =	ssyncadd.remote.s32 $0x1  }
0xd0: {  	_ =	sfence.sel $0xFFFF  }
0xd1: {  	[dreg:$0x0] =	wrdreg $0xFFFFFFFF;
	(pc) =	sbr.abs _section_cstart, $3  }
0xd2: {  	[dreg:$0x1] =	wrdreg $0xFFFFFFFF  }
0xd3: {  	_ =	task.clear_ibuf [dreg:s22], $0x2FFFF;
	_ =	strace $0x9FFFFFFF  }
0xd4: {  	(tm) =	ssettm $0x7FFFFFFF  }
0xd5: {  	_ =	shalt  }
tec
execute0_lowered:
.L_overlay_start_1:
0x0: {  	(tag) =	ssettag $0x1  }
0x1: {  	s6 =	rddreg [dreg:$0x0]  }
0x2: {  	s1 =	rddreg [dreg:$0x1];
	s2 =	srdreg.scid  }
0x3: {  	s0 =	stileid.u32;
	s3 =	rddreg [dreg:$0x2]  }
0x4: {  	s4 =	rddreg [dreg:$0x3];
	s5 =	simm.s32 $0x0;
	s11 =	simm.s32 $0x1  }
0x5: {  	s13 =	simm.s32 $0x80;
	s7 =	sand.u32 $0x1, s2;
	s30 =	sshll.u32 s0, $0x1  }
0x6: {  	s14 =	simm.s32 $0x3;
	s15 =	simm.s32 $0x2;
	s8 =	sor.u32 s7, s30  }
0x7: {  	s2 =	rddreg [dreg:$0x4];
	s7 =	ssub.s32 $0x2, s7;
	s9 =	smul.u32 $0xA0, s8  }
0x8: {  	s16 =	simm.s32 $0x0;
	[smem:$0x7FF] =	sst s5;
	s31 =	sshrl.u32 s7, $0x1  }
0x9: {  	_ =	strace $0x8000004A;
	s10 =	ssub.s32 s7, s31;
	s9 =	sadd.s32 s9, s6  }
0xa: {  	s7 =	sadd.s32 $0x3C2200, s9;
	s9 =	smax.u32 s10, $0x1;
	s10 =	sshll.u32 s0, $0x6  }
0xb: {  	s6 =	sshll.u32 s8, $0x4;
	s8 =	smul.u32 $0xA0, s0;
	s12 =	sor.u32 $0x1C03, s10  }
.LBB2_1:
0xc: {  	[tilespmem:s5], [sflag:$0x1] =	stream.linear.gather [hbm4b:s7+s5], $0x500, $0x38;
	[tilespmem:$0x1E500] =	vst v63  }
0xd: {  	_ =	swait.ge [sflag:s11], $0x500  }
0xe: {  	[sflag:s11] =	ssyncset.done $0x0  }
0xf: {  	s17 =	simm.s32 $0x0;
	[sflag:s11] =	ssyncadd.s32 $0xFFFFFB00  }
.LBB2_2:
0x10: {  	p0 =	slt.u32 s17, $0x2  }
0x11: {  	s18 =	simm.s32 @!p0 $0x2  }
0x12: {  	s19 =	smul.u32 $0x140, s17;
	_ =	swait.ge @!p0 [sflag:s18], $0x1E00  }
0x13: {  	[sflag:s18] =	ssyncset.done @!p0 $0x0  }
0x14: {  	s20 =	sshra.s32 s19, $0x2;
	[sflag:s18] =	ssyncadd.s32 @!p0 $0xFFFFE200  }
0x15: {  	v0 =	vld [tilespmem:s20+$0x0];
	_ =	sdelay $0x4  }
0x16: {  	(v2sf) =	vpush v0, $0x0;
	_ =	sdelay $0xc  }
0x17: {  	s22 =	sand.u32 $0x1, s17  }
0x18: {  	p0 =	seq.s32 s22, $0x1;
	s18 =	simm.s32 $0x50  }
0x19: {  	s18 =	simm.s32 @!p0 $0x0;
	s21 =	spop (v2sf)  }
0x1a: {  	s19 =	sadd.s32 s8, s18;
	s23 =	sshrl.u32 s21, $0x3  }
0x1b: {  	s22 =	sshrl.u32 s19, $0x3;
	s18 =	smul.u32 $0x1800, s23  }
0x1c: {  	s23 =	sshll.u32 s21, $0x7;
	s21 =	smul.u32 $0x6000, s22  }
0x1d: {  	s24 =	sand.u32 $0x380, s23  }
0x1e: {  	s18 =	sor.u32 s24, s18;
	s25 =	sshrl.u32 s21, $0x2  }
0x1f: {  	s18 =	sshrl.u32 s18, $0x3;
	s22 =	sadd.s32 s25, s4  }
0x20: {  	s26 =	sadd.s32 s1, s18;
	s18 =	sshrl.u32 s22, $0x3  }
0x21: {  	[spmem:s18@s13], [sflag:s12] =	dma.strided [hbm:s26@s13], $0x60, s11, $0x10   }
0x22: {  	(v2sf) =	vpush v0, $0x1;
	_ =	sdelay $0xe  }
0x23: {  	s23 =	spop (v2sf)  }
0x24: {  	s24 =	sshrl.u32 s23, $0x3  }
0x25: {  	s23 =	sshll.u32 s23, $0x7;
	s24 =	smul.u32 $0x1800, s24  }
0x26: {  	s23 =	sand.u32 $0x380, s23  }
0x27: {  	s23 =	sor.u32 s23, s24  }
0x28: {  	s28 =	sadd.s32 $0x80, s22;
	s23 =	sshrl.u32 s23, $0x3  }
0x29: {  	s24 =	sshrl.u32 s28, $0x3;
	s23 =	sadd.s32 s1, s23  }
0x2a: {  	[spmem:s24@s13], [sflag:s12] =	dma.strided [hbm:s23@s13], $0x60, s11, $0x10   }
0x2b: {  	(v2sf) =	vpush v0, $0x2;
	_ =	sdelay $0xe  }
0x2c: {  	s23 =	spop (v2sf)  }
0x2d: {  	s29 =	sshrl.u32 s23, $0x3  }
0x2e: {  	s23 =	sshll.u32 s23, $0x7;
	s24 =	smul.u32 $0x1800, s29  }
0x2f: {  	s23 =	sand.u32 $0x380, s23  }
0x30: {  	s23 =	sor.u32 s23, s24  }
0x31: {  	s30 =	sadd.s32 $0x100, s22;
	s23 =	sshrl.u32 s23, $0x3  }
0x32: {  	s24 =	sshrl.u32 s30, $0x3;
	s23 =	sadd.s32 s1, s23  }
0x33: {  	[spmem:s24@s13], [sflag:s12] =	dma.strided [hbm:s23@s13], $0x60, s11, $0x10   }
0x34: {  	(v2sf) =	vpush v0, $0x3;
	_ =	sdelay $0xe  }
0x35: {  	s23 =	spop (v2sf)  }
0x36: {  	s31 =	sshrl.u32 s23, $0x3  }
0x37: {  	s23 =	sshll.u32 s23, $0x7;
	s24 =	smul.u32 $0x1800, s31  }
0x38: {  	s23 =	sand.u32 $0x380, s23  }
0x39: {  	s23 =	sor.u32 s23, s24  }
0x3a: {  	s25 =	sadd.s32 $0x180, s22;
	s23 =	sshrl.u32 s23, $0x3  }
0x3b: {  	s24 =	sshrl.u32 s25, $0x3;
	s23 =	sadd.s32 s1, s23  }
0x3c: {  	[spmem:s24@s13], [sflag:s12] =	dma.strided [hbm:s23@s13], $0x60, s11, $0x10   }
0x3d: {  	(v2sf) =	vpush v0, $0x4;
	_ =	sdelay $0xe  }
0x3e: {  	s23 =	spop (v2sf)  }
0x3f: {  	s26 =	sshrl.u32 s23, $0x3  }
0x40: {  	s23 =	sshll.u32 s23, $0x7;
	s24 =	smul.u32 $0x1800, s26  }
0x41: {  	s23 =	sand.u32 $0x380, s23  }
0x42: {  	s23 =	sor.u32 s23, s24  }
0x43: {  	s28 =	sadd.s32 $0x200, s22;
	s23 =	sshrl.u32 s23, $0x3  }
0x44: {  	s24 =	sshrl.u32 s28, $0x3;
	s23 =	sadd.s32 s1, s23  }
0x45: {  	[spmem:s24@s13], [sflag:s12] =	dma.strided [hbm:s23@s13], $0x60, s11, $0x10   }
0x46: {  	(v2sf) =	vpush v0, $0x5;
	_ =	sdelay $0xe  }
0x47: {  	s23 =	spop (v2sf)  }
0x48: {  	s29 =	sshrl.u32 s23, $0x3  }
0x49: {  	s23 =	sshll.u32 s23, $0x7;
	s24 =	smul.u32 $0x1800, s29  }
0x4a: {  	s23 =	sand.u32 $0x380, s23  }
0x4b: {  	s23 =	sor.u32 s23, s24  }
0x4c: {  	s30 =	sadd.s32 $0x280, s22;
	s23 =	sshrl.u32 s23, $0x3  }
0x4d: {  	s24 =	sshrl.u32 s30, $0x3;
	s23 =	sadd.s32 s1, s23  }
0x4e: {  	[spmem:s24@s13], [sflag:s12] =	dma.strided [hbm:s23@s13], $0x60, s11, $0x10   }
0x4f: {  	(v2sf) =	vpush v0, $0x6;
	_ =	sdelay $0xe  }
0x50: {  	s23 =	spop (v2sf)  }
0x51: {  	s31 =	sshrl.u32 s23, $0x3  }
0x52: {  	s23 =	sshll.u32 s23, $0x7;
	s24 =	smul.u32 $0x1800, s31  }
0x53: {  	s23 =	sand.u32 $0x380, s23  }
0x54: {  	s23 =	sor.u32 s23, s24  }
0x55: {  	s25 =	sadd.s32 $0x300, s22;
	s23 =	sshrl.u32 s23, $0x3  }
0x56: {  	s24 =	sshrl.u32 s25, $0x3;
	s23 =	sadd.s32 s1, s23  }
0x57: {  	[spmem:s24@s13], [sflag:s12] =	dma.strided [hbm:s23@s13], $0x60, s11, $0x10   }
0x58: {  	(v2sf) =	vpush v0, $0x7;
	_ =	sdelay $0xe  }
0x59: {  	s23 =	spop (v2sf)  }
0x5a: {  	s26 =	sshrl.u32 s23, $0x3  }
0x5b: {  	s23 =	sshll.u32 s23, $0x7;
	s24 =	smul.u32 $0x1800, s26  }
0x5c: {  	s23 =	sand.u32 $0x380, s23  }
0x5d: {  	s23 =	sor.u32 s23, s24  }
0x5e: {  	s28 =	sadd.s32 $0x380, s22;
	s23 =	sshrl.u32 s23, $0x3  }
0x5f: {  	s24 =	sshrl.u32 s28, $0x3;
	s23 =	sadd.s32 s1, s23  }
0x60: {  	[spmem:s24@s13], [sflag:s12] =	dma.strided [hbm:s23@s13], $0x60, s11, $0x10   }
0x61: {  	(v2sf) =	vpush v0, $0x8;
	_ =	sdelay $0xe  }
0x62: {  	s23 =	spop (v2sf)  }
0x63: {  	s29 =	sshrl.u32 s23, $0x3  }
0x64: {  	s23 =	sshll.u32 s23, $0x7;
	s24 =	smul.u32 $0x1800, s29  }
0x65: {  	s23 =	sand.u32 $0x380, s23  }
0x66: {  	s23 =	sor.u32 s23, s24  }
0x67: {  	s30 =	sadd.s32 $0x1800, s22;
	s23 =	sshrl.u32 s23, $0x3  }
0x68: {  	s24 =	sshrl.u32 s30, $0x3;
	s23 =	sadd.s32 s1, s23  }
0x69: {  	[spmem:s24@s13], [sflag:s12] =	dma.strided [hbm:s23@s13], $0x60, s11, $0x10   }
0x6a: {  	(v2sf) =	vpush v0, $0x9;
	_ =	sdelay $0xe  }
0x6b: {  	s23 =	spop (v2sf)  }
0x6c: {  	s31 =	sshrl.u32 s23, $0x3  }
0x6d: {  	s23 =	sshll.u32 s23, $0x7;
	s24 =	smul.u32 $0x1800, s31  }
0x6e: {  	s23 =	sand.u32 $0x380, s23  }
0x6f: {  	s23 =	sor.u32 s23, s24  }
0x70: {  	s25 =	sadd.s32 $0x1880, s22;
	s23 =	sshrl.u32 s23, $0x3  }
0x71: {  	s24 =	sshrl.u32 s25, $0x3;
	s23 =	sadd.s32 s1, s23  }
0x72: {  	[spmem:s24@s13], [sflag:s12] =	dma.strided [hbm:s23@s13], $0x60, s11, $0x10   }
0x73: {  	(v2sf) =	vpush v0, $0xA;
	_ =	sdelay $0xe  }
0x74: {  	s23 =	spop (v2sf)  }
0x75: {  	s26 =	sshrl.u32 s23, $0x3  }
0x76: {  	s23 =	sshll.u32 s23, $0x7;
	s24 =	smul.u32 $0x1800, s26  }
0x77: {  	s23 =	sand.u32 $0x380, s23  }
0x78: {  	s23 =	sor.u32 s23, s24  }
0x79: {  	s28 =	sadd.s32 $0x1900, s22;
	s23 =	sshrl.u32 s23, $0x3  }
0x7a: {  	s24 =	sshrl.u32 s28, $0x3;
	s23 =	sadd.s32 s1, s23  }
0x7b: {  	[spmem:s24@s13], [sflag:s12] =	dma.strided [hbm:s23@s13], $0x60, s11, $0x10   }
0x7c: {  	(v2sf) =	vpush v0, $0xB;
	_ =	sdelay $0xe  }
0x7d: {  	s23 =	spop (v2sf)  }
0x7e: {  	s29 =	sshrl.u32 s23, $0x3  }
0x7f: {  	s23 =	sshll.u32 s23, $0x7;
	s24 =	smul.u32 $0x1800, s29  }
0x80: {  	s23 =	sand.u32 $0x380, s23  }
0x81: {  	s23 =	sor.u32 s23, s24  }
0x82: {  	s30 =	sadd.s32 $0x1980, s22;
	s23 =	sshrl.u32 s23, $0x3  }
0x83: {  	s24 =	sshrl.u32 s30, $0x3;
	s23 =	sadd.s32 s1, s23  }
0x84: {  	[spmem:s24@s13], [sflag:s12] =	dma.strided [hbm:s23@s13], $0x60, s11, $0x10   }
0x85: {  	(v2sf) =	vpush v0, $0xC;
	_ =	sdelay $0xe  }
0x86: {  	s23 =	spop (v2sf)  }
0x87: {  	s31 =	sshrl.u32 s23, $0x3  }
0x88: {  	s23 =	sshll.u32 s23, $0x7;
	s24 =	smul.u32 $0x1800, s31  }
0x89: {  	s23 =	sand.u32 $0x380, s23  }
0x8a: {  	s23 =	sor.u32 s23, s24  }
0x8b: {  	s25 =	sadd.s32 $0x1A00, s22;
	s23 =	sshrl.u32 s23, $0x3  }
0x8c: {  	s24 =	sshrl.u32 s25, $0x3;
	s23 =	sadd.s32 s1, s23  }
0x8d: {  	[spmem:s24@s13], [sflag:s12] =	dma.strided [hbm:s23@s13], $0x60, s11, $0x10   }
0x8e: {  	(v2sf) =	vpush v0, $0xD;
	_ =	sdelay $0xe  }
0x8f: {  	s23 =	spop (v2sf)  }
0x90: {  	s26 =	sshrl.u32 s23, $0x3  }
0x91: {  	s23 =	sshll.u32 s23, $0x7;
	s24 =	smul.u32 $0x1800, s26  }
0x92: {  	s23 =	sand.u32 $0x380, s23  }
0x93: {  	s23 =	sor.u32 s23, s24  }
0x94: {  	s28 =	sadd.s32 $0x1A80, s22;
	s23 =	sshrl.u32 s23, $0x3  }
0x95: {  	s24 =	sshrl.u32 s28, $0x3;
	s23 =	sadd.s32 s1, s23  }
0x96: {  	[spmem:s24@s13], [sflag:s12] =	dma.strided [hbm:s23@s13], $0x60, s11, $0x10   }
0x97: {  	(v2sf) =	vpush v0, $0xE;
	_ =	sdelay $0xe  }
0x98: {  	s23 =	spop (v2sf)  }
0x99: {  	s29 =	sshrl.u32 s23, $0x3  }
0x9a: {  	s23 =	sshll.u32 s23, $0x7;
	s24 =	smul.u32 $0x1800, s29  }
0x9b: {  	s23 =	sand.u32 $0x380, s23  }
0x9c: {  	s23 =	sor.u32 s23, s24  }
0x9d: {  	s30 =	sadd.s32 $0x1B00, s22;
	s23 =	sshrl.u32 s23, $0x3  }
0x9e: {  	s24 =	sshrl.u32 s30, $0x3;
	s23 =	sadd.s32 s1, s23  }
0x9f: {  	[spmem:s24@s13], [sflag:s12] =	dma.strided [hbm:s23@s13], $0x60, s11, $0x10   }
0xa0: {  	(v2sf) =	vpush v0, $0xF;
	_ =	sdelay $0xe  }
0xa1: {  	s23 =	spop (v2sf)  }
0xa2: {  	s31 =	sshrl.u32 s23, $0x3  }
0xa3: {  	s23 =	sshll.u32 s23, $0x7;
	s24 =	smul.u32 $0x1800, s31  }
0xa4: {  	s23 =	sand.u32 $0x380, s23  }
0xa5: {  	s23 =	sor.u32 s23, s24  }
0xa6: {  	s22 =	sadd.s32 $0x1B80, s22;
	s23 =	sshrl.u32 s23, $0x3  }
0xa7: {  	s22 =	sshrl.u32 s22, $0x3;
	s23 =	sadd.s32 s1, s23  }
0xa8: {  	[spmem:s22@s13], [sflag:s12] =	dma.strided [hbm:s23@s13], $0x60, s11, $0x10   }
0xa9: {  	v60 =	vld [tilespmem:s20+$0x10];
	_ =	sdelay $0x4  }
0xaa: {  	(v2sf) =	vpush v60, $0x0;
	_ =	sdelay $0xe  }
0xab: {  	s22 =	spop (v2sf)  }
0xac: {  	s24 =	sshrl.u32 s22, $0x3  }
0xad: {  	s22 =	sshll.u32 s22, $0x7;
	s23 =	smul.u32 $0x1800, s24  }
0xae: {  	s25 =	sadd.s32 $0xC000, s21;
	s22 =	sand.u32 $0x380, s22  }
0xaf: {  	s26 =	sshrl.u32 s25, $0x2;
	s22 =	sor.u32 s22, s23  }
0xb0: {  	s28 =	sshrl.u32 s22, $0x3;
	s22 =	sadd.s32 s26, s4  }
0xb1: {  	s29 =	sadd.s32 s1, s28;
	s30 =	sshrl.u32 s22, $0x3  }
0xb2: {  	[spmem:s30@s13], [sflag:s12] =	dma.strided [hbm:s29@s13], $0x60, s11, $0x10   }
0xb3: {  	(v2sf) =	vpush v60, $0x1;
	_ =	sdelay $0xe  }
0xb4: {  	s23 =	spop (v2sf)  }
0xb5: {  	s31 =	sshrl.u32 s23, $0x3  }
0xb6: {  	s23 =	sshll.u32 s23, $0x7;
	s24 =	smul.u32 $0x1800, s31  }
0xb7: {  	s23 =	sand.u32 $0x380, s23  }
0xb8: {  	s23 =	sor.u32 s23, s24  }
0xb9: {  	s25 =	sadd.s32 $0x80, s22;
	s23 =	sshrl.u32 s23, $0x3  }
0xba: {  	s24 =	sshrl.u32 s25, $0x3;
	s23 =	sadd.s32 s1, s23  }
0xbb: {  	[spmem:s24@s13], [sflag:s12] =	dma.strided [hbm:s23@s13], $0x60, s11, $0x10   }
0xbc: {  	(v2sf) =	vpush v60, $0x2;
	_ =	sdelay $0xe  }
0xbd: {  	s23 =	spop (v2sf)  }
0xbe: {  	s26 =	sshrl.u32 s23, $0x3  }
0xbf: {  	s23 =	sshll.u32 s23, $0x7;
	s24 =	smul.u32 $0x1800, s26  }
0xc0: {  	s23 =	sand.u32 $0x380, s23  }
0xc1: {  	s23 =	sor.u32 s23, s24  }
0xc2: {  	s28 =	sadd.s32 $0x100, s22;
	s23 =	sshrl.u32 s23, $0x3  }
0xc3: {  	s24 =	sshrl.u32 s28, $0x3;
	s23 =	sadd.s32 s1, s23  }
0xc4: {  	[spmem:s24@s13], [sflag:s12] =	dma.strided [hbm:s23@s13], $0x60, s11, $0x10   }
0xc5: {  	(v2sf) =	vpush v60, $0x3;
	_ =	sdelay $0xe  }
0xc6: {  	s23 =	spop (v2sf)  }
0xc7: {  	s29 =	sshrl.u32 s23, $0x3  }
0xc8: {  	s23 =	sshll.u32 s23, $0x7;
	s24 =	smul.u32 $0x1800, s29  }
0xc9: {  	s23 =	sand.u32 $0x380, s23  }
0xca: {  	s23 =	sor.u32 s23, s24  }
0xcb: {  	s30 =	sadd.s32 $0x180, s22;
	s23 =	sshrl.u32 s23, $0x3  }
0xcc: {  	s24 =	sshrl.u32 s30, $0x3;
	s23 =	sadd.s32 s1, s23  }
0xcd: {  	[spmem:s24@s13], [sflag:s12] =	dma.strided [hbm:s23@s13], $0x60, s11, $0x10   }
0xce: {  	(v2sf) =	vpush v60, $0x4;
	_ =	sdelay $0xe  }
0xcf: {  	s23 =	spop (v2sf)  }
0xd0: {  	s31 =	sshrl.u32 s23, $0x3  }
0xd1: {  	s23 =	sshll.u32 s23, $0x7;
	s24 =	smul.u32 $0x1800, s31  }
0xd2: {  	s23 =	sand.u32 $0x380, s23  }
0xd3: {  	s23 =	sor.u32 s23, s24  }
0xd4: {  	s25 =	sadd.s32 $0x200, s22;
	s23 =	sshrl.u32 s23, $0x3  }
0xd5: {  	s24 =	sshrl.u32 s25, $0x3;
	s23 =	sadd.s32 s1, s23  }
0xd6: {  	[spmem:s24@s13], [sflag:s12] =	dma.strided [hbm:s23@s13], $0x60, s11, $0x10   }
0xd7: {  	(v2sf) =	vpush v60, $0x5;
	_ =	sdelay $0xe  }
0xd8: {  	s23 =	spop (v2sf)  }
0xd9: {  	s26 =	sshrl.u32 s23, $0x3  }
0xda: {  	s23 =	sshll.u32 s23, $0x7;
	s24 =	smul.u32 $0x1800, s26  }
0xdb: {  	s23 =	sand.u32 $0x380, s23  }
0xdc: {  	s23 =	sor.u32 s23, s24  }
0xdd: {  	s28 =	sadd.s32 $0x280, s22;
	s23 =	sshrl.u32 s23, $0x3  }
0xde: {  	s24 =	sshrl.u32 s28, $0x3;
	s23 =	sadd.s32 s1, s23  }
0xdf: {  	[spmem:s24@s13], [sflag:s12] =	dma.strided [hbm:s23@s13], $0x60, s11, $0x10   }
0xe0: {  	(v2sf) =	vpush v60, $0x6;
	_ =	sdelay $0xe  }
0xe1: {  	s23 =	spop (v2sf)  }
0xe2: {  	s29 =	sshrl.u32 s23, $0x3  }
0xe3: {  	s23 =	sshll.u32 s23, $0x7;
	s24 =	smul.u32 $0x1800, s29  }
0xe4: {  	s23 =	sand.u32 $0x380, s23  }
0xe5: {  	s23 =	sor.u32 s23, s24  }
0xe6: {  	s30 =	sadd.s32 $0x300, s22;
	s23 =	sshrl.u32 s23, $0x3  }
0xe7: {  	s24 =	sshrl.u32 s30, $0x3;
	s23 =	sadd.s32 s1, s23  }
0xe8: {  	[spmem:s24@s13], [sflag:s12] =	dma.strided [hbm:s23@s13], $0x60, s11, $0x10   }
0xe9: {  	(v2sf) =	vpush v60, $0x7;
	_ =	sdelay $0xe  }
0xea: {  	s23 =	spop (v2sf)  }
0xeb: {  	s31 =	sshrl.u32 s23, $0x3  }
0xec: {  	s23 =	sshll.u32 s23, $0x7;
	s24 =	smul.u32 $0x1800, s31  }
0xed: {  	s23 =	sand.u32 $0x380, s23  }
0xee: {  	s23 =	sor.u32 s23, s24  }
0xef: {  	s22 =	sadd.s32 $0x380, s22;
	s23 =	sshrl.u32 s23, $0x3  }
0xf0: {  	s22 =	sshrl.u32 s22, $0x3;
	s23 =	sadd.s32 s1, s23  }
0xf1: {  	[spmem:s22@s13], [sflag:s12] =	dma.strided [hbm:s23@s13], $0x60, s11, $0x10   }
0xf2: {  	(v2sf) =	vpush v60, $0x8;
	_ =	sdelay $0xe  }
0xf3: {  	s22 =	spop (v2sf)  }
0xf4: {  	s25 =	sadd.s32 $0x18, s19;
	s24 =	sshrl.u32 s22, $0x3  }
0xf5: {  	s23 =	smul.u32 $0x1800, s24;
	s24 =	sshrl.u32 s25, $0x3  }
0xf6: {  	s22 =	sshll.u32 s22, $0x7;
	s24 =	smul.u32 $0x6000, s24  }
0xf7: {  	s22 =	sand.u32 $0x380, s22  }
0xf8: {  	s22 =	sor.u32 s22, s23;
	s26 =	sshrl.u32 s24, $0x2  }
0xf9: {  	s28 =	sshrl.u32 s22, $0x3;
	s22 =	sadd.s32 s26, s4  }
0xfa: {  	s29 =	sadd.s32 s1, s28;
	s30 =	sshrl.u32 s22, $0x3  }
0xfb: {  	[spmem:s30@s13], [sflag:s12] =	dma.strided [hbm:s29@s13], $0x60, s11, $0x10   }
0xfc: {  	(v2sf) =	vpush v60, $0x9;
	_ =	sdelay $0xe  }
0xfd: {  	s23 =	spop (v2sf)  }
0xfe: {  	s31 =	sshrl.u32 s23, $0x3  }
0xff: {  	s23 =	sshll.u32 s23, $0x7;
	s24 =	smul.u32 $0x1800, s31  }
0x100: {  	s23 =	sand.u32 $0x380, s23  }
0x101: {  	s23 =	sor.u32 s23, s24  }
0x102: {  	s25 =	sadd.s32 $0x80, s22;
	s23 =	sshrl.u32 s23, $0x3  }
0x103: {  	s24 =	sshrl.u32 s25, $0x3;
	s23 =	sadd.s32 s1, s23  }
0x104: {  	[spmem:s24@s13], [sflag:s12] =	dma.strided [hbm:s23@s13], $0x60, s11, $0x10   }
0x105: {  	(v2sf) =	vpush v60, $0xA;
	_ =	sdelay $0xe  }
0x106: {  	s23 =	spop (v2sf)  }
0x107: {  	s26 =	sshrl.u32 s23, $0x3  }
0x108: {  	s23 =	sshll.u32 s23, $0x7;
	s24 =	smul.u32 $0x1800, s26  }
0x109: {  	s23 =	sand.u32 $0x380, s23  }
0x10a: {  	s23 =	sor.u32 s23, s24  }
0x10b: {  	s28 =	sadd.s32 $0x100, s22;
	s23 =	sshrl.u32 s23, $0x3  }
0x10c: {  	s24 =	sshrl.u32 s28, $0x3;
	s23 =	sadd.s32 s1, s23  }
0x10d: {  	[spmem:s24@s13], [sflag:s12] =	dma.strided [hbm:s23@s13], $0x60, s11, $0x10   }
0x10e: {  	(v2sf) =	vpush v60, $0xB;
	_ =	sdelay $0xe  }
0x10f: {  	s23 =	spop (v2sf)  }
0x110: {  	s29 =	sshrl.u32 s23, $0x3  }
0x111: {  	s23 =	sshll.u32 s23, $0x7;
	s24 =	smul.u32 $0x1800, s29  }
0x112: {  	s23 =	sand.u32 $0x380, s23  }
0x113: {  	s23 =	sor.u32 s23, s24  }
0x114: {  	s30 =	sadd.s32 $0x180, s22;
	s23 =	sshrl.u32 s23, $0x3  }
0x115: {  	s24 =	sshrl.u32 s30, $0x3;
	s23 =	sadd.s32 s1, s23  }
0x116: {  	[spmem:s24@s13], [sflag:s12] =	dma.strided [hbm:s23@s13], $0x60, s11, $0x10   }
0x117: {  	(v2sf) =	vpush v60, $0xC;
	_ =	sdelay $0xe  }
0x118: {  	s23 =	spop (v2sf)  }
0x119: {  	s31 =	sshrl.u32 s23, $0x3  }
0x11a: {  	s23 =	sshll.u32 s23, $0x7;
	s24 =	smul.u32 $0x1800, s31  }
0x11b: {  	s23 =	sand.u32 $0x380, s23  }
0x11c: {  	s23 =	sor.u32 s23, s24  }
0x11d: {  	s25 =	sadd.s32 $0x200, s22;
	s23 =	sshrl.u32 s23, $0x3  }
0x11e: {  	s24 =	sshrl.u32 s25, $0x3;
	s23 =	sadd.s32 s1, s23  }
0x11f: {  	[spmem:s24@s13], [sflag:s12] =	dma.strided [hbm:s23@s13], $0x60, s11, $0x10   }
0x120: {  	(v2sf) =	vpush v60, $0xD;
	_ =	sdelay $0xe  }
0x121: {  	s23 =	spop (v2sf)  }
0x122: {  	s26 =	sshrl.u32 s23, $0x3  }
0x123: {  	s23 =	sshll.u32 s23, $0x7;
	s24 =	smul.u32 $0x1800, s26  }
0x124: {  	s23 =	sand.u32 $0x380, s23  }
0x125: {  	s23 =	sor.u32 s23, s24  }
0x126: {  	s28 =	sadd.s32 $0x280, s22;
	s23 =	sshrl.u32 s23, $0x3  }
0x127: {  	s24 =	sshrl.u32 s28, $0x3;
	s23 =	sadd.s32 s1, s23  }
0x128: {  	[spmem:s24@s13], [sflag:s12] =	dma.strided [hbm:s23@s13], $0x60, s11, $0x10   }
0x129: {  	(v2sf) =	vpush v60, $0xE;
	_ =	sdelay $0xe  }
0x12a: {  	s23 =	spop (v2sf)  }
0x12b: {  	s29 =	sshrl.u32 s23, $0x3  }
0x12c: {  	s23 =	sshll.u32 s23, $0x7;
	s24 =	smul.u32 $0x1800, s29  }
0x12d: {  	s23 =	sand.u32 $0x380, s23  }
0x12e: {  	s23 =	sor.u32 s23, s24  }
0x12f: {  	s30 =	sadd.s32 $0x300, s22;
	s23 =	sshrl.u32 s23, $0x3  }
0x130: {  	s24 =	sshrl.u32 s30, $0x3;
	s23 =	sadd.s32 s1, s23  }
0x131: {  	[spmem:s24@s13], [sflag:s12] =	dma.strided [hbm:s23@s13], $0x60, s11, $0x10   }
0x132: {  	(v2sf) =	vpush v60, $0xF;
	_ =	sdelay $0xe  }
0x133: {  	s23 =	spop (v2sf)  }
0x134: {  	s31 =	sshrl.u32 s23, $0x3  }
0x135: {  	s23 =	sshll.u32 s23, $0x7;
	s24 =	smul.u32 $0x1800, s31  }
0x136: {  	s23 =	sand.u32 $0x380, s23  }
0x137: {  	s23 =	sor.u32 s23, s24  }
0x138: {  	s22 =	sadd.s32 $0x380, s22;
	s23 =	sshrl.u32 s23, $0x3  }
0x139: {  	s22 =	sshrl.u32 s22, $0x3;
	s23 =	sadd.s32 s1, s23  }
0x13a: {  	[spmem:s22@s13], [sflag:s12] =	dma.strided [hbm:s23@s13], $0x60, s11, $0x10   }
0x13b: {  	v61 =	vld [tilespmem:s20+$0x20];
	_ =	sdelay $0x4  }
0x13c: {  	(v2sf) =	vpush v61, $0x0;
	_ =	sdelay $0xe  }
0x13d: {  	s22 =	spop (v2sf)  }
0x13e: {  	s24 =	sshrl.u32 s22, $0x3  }
0x13f: {  	s22 =	sshll.u32 s22, $0x7;
	s23 =	smul.u32 $0x1800, s24  }
0x140: {  	s25 =	sadd.s32 $0x18000, s21;
	s22 =	sand.u32 $0x380, s22  }
0x141: {  	s26 =	sshrl.u32 s25, $0x2;
	s22 =	sor.u32 s22, s23  }
0x142: {  	s28 =	sshrl.u32 s22, $0x3;
	s22 =	sadd.s32 s26, s4  }
0x143: {  	s29 =	sadd.s32 s1, s28;
	s30 =	sshrl.u32 s22, $0x3  }
0x144: {  	[spmem:s30@s13], [sflag:s12] =	dma.strided [hbm:s29@s13], $0x60, s11, $0x10   }
0x145: {  	(v2sf) =	vpush v61, $0x1;
	_ =	sdelay $0xe  }
0x146: {  	s23 =	spop (v2sf)  }
0x147: {  	s31 =	sshrl.u32 s23, $0x3  }
0x148: {  	s23 =	sshll.u32 s23, $0x7;
	s24 =	smul.u32 $0x1800, s31  }
0x149: {  	s23 =	sand.u32 $0x380, s23  }
0x14a: {  	s23 =	sor.u32 s23, s24  }
0x14b: {  	s25 =	sadd.s32 $0x80, s22;
	s23 =	sshrl.u32 s23, $0x3  }
0x14c: {  	s24 =	sshrl.u32 s25, $0x3;
	s23 =	sadd.s32 s1, s23  }
0x14d: {  	[spmem:s24@s13], [sflag:s12] =	dma.strided [hbm:s23@s13], $0x60, s11, $0x10   }
0x14e: {  	(v2sf) =	vpush v61, $0x2;
	_ =	sdelay $0xe  }
0x14f: {  	s23 =	spop (v2sf)  }
0x150: {  	s26 =	sshrl.u32 s23, $0x3  }
0x151: {  	s23 =	sshll.u32 s23, $0x7;
	s24 =	smul.u32 $0x1800, s26  }
0x152: {  	s23 =	sand.u32 $0x380, s23  }
0x153: {  	s23 =	sor.u32 s23, s24  }
0x154: {  	s28 =	sadd.s32 $0x100, s22;
	s23 =	sshrl.u32 s23, $0x3  }
0x155: {  	s24 =	sshrl.u32 s28, $0x3;
	s23 =	sadd.s32 s1, s23  }
0x156: {  	[spmem:s24@s13], [sflag:s12] =	dma.strided [hbm:s23@s13], $0x60, s11, $0x10   }
0x157: {  	(v2sf) =	vpush v61, $0x3;
	_ =	sdelay $0xe  }
0x158: {  	s23 =	spop (v2sf)  }
0x159: {  	s29 =	sshrl.u32 s23, $0x3  }
0x15a: {  	s23 =	sshll.u32 s23, $0x7;
	s24 =	smul.u32 $0x1800, s29  }
0x15b: {  	s23 =	sand.u32 $0x380, s23  }
0x15c: {  	s23 =	sor.u32 s23, s24  }
0x15d: {  	s30 =	sadd.s32 $0x180, s22;
	s23 =	sshrl.u32 s23, $0x3  }
0x15e: {  	s24 =	sshrl.u32 s30, $0x3;
	s23 =	sadd.s32 s1, s23  }
0x15f: {  	[spmem:s24@s13], [sflag:s12] =	dma.strided [hbm:s23@s13], $0x60, s11, $0x10   }
0x160: {  	(v2sf) =	vpush v61, $0x4;
	_ =	sdelay $0xe  }
0x161: {  	s23 =	spop (v2sf)  }
0x162: {  	s31 =	sshrl.u32 s23, $0x3  }
0x163: {  	s23 =	sshll.u32 s23, $0x7;
	s24 =	smul.u32 $0x1800, s31  }
0x164: {  	s23 =	sand.u32 $0x380, s23  }
0x165: {  	s23 =	sor.u32 s23, s24  }
0x166: {  	s25 =	sadd.s32 $0x200, s22;
	s23 =	sshrl.u32 s23, $0x3  }
0x167: {  	s24 =	sshrl.u32 s25, $0x3;
	s23 =	sadd.s32 s1, s23  }
0x168: {  	[spmem:s24@s13], [sflag:s12] =	dma.strided [hbm:s23@s13], $0x60, s11, $0x10   }
0x169: {  	(v2sf) =	vpush v61, $0x5;
	_ =	sdelay $0xe  }
0x16a: {  	s23 =	spop (v2sf)  }
0x16b: {  	s26 =	sshrl.u32 s23, $0x3  }
0x16c: {  	s23 =	sshll.u32 s23, $0x7;
	s24 =	smul.u32 $0x1800, s26  }
0x16d: {  	s23 =	sand.u32 $0x380, s23  }
0x16e: {  	s23 =	sor.u32 s23, s24  }
0x16f: {  	s28 =	sadd.s32 $0x280, s22;
	s23 =	sshrl.u32 s23, $0x3  }
0x170: {  	s24 =	sshrl.u32 s28, $0x3;
	s23 =	sadd.s32 s1, s23  }
0x171: {  	[spmem:s24@s13], [sflag:s12] =	dma.strided [hbm:s23@s13], $0x60, s11, $0x10   }
0x172: {  	(v2sf) =	vpush v61, $0x6;
	_ =	sdelay $0xe  }
0x173: {  	s23 =	spop (v2sf)  }
0x174: {  	s29 =	sshrl.u32 s23, $0x3  }
0x175: {  	s23 =	sshll.u32 s23, $0x7;
	s24 =	smul.u32 $0x1800, s29  }
0x176: {  	s23 =	sand.u32 $0x380, s23  }
0x177: {  	s23 =	sor.u32 s23, s24  }
0x178: {  	s30 =	sadd.s32 $0x300, s22;
	s23 =	sshrl.u32 s23, $0x3  }
0x179: {  	s24 =	sshrl.u32 s30, $0x3;
	s23 =	sadd.s32 s1, s23  }
0x17a: {  	[spmem:s24@s13], [sflag:s12] =	dma.strided [hbm:s23@s13], $0x60, s11, $0x10   }
0x17b: {  	(v2sf) =	vpush v61, $0x7;
	_ =	sdelay $0xe  }
0x17c: {  	s23 =	spop (v2sf)  }
0x17d: {  	s31 =	sshrl.u32 s23, $0x3  }
0x17e: {  	s23 =	sshll.u32 s23, $0x7;
	s24 =	smul.u32 $0x1800, s31  }
0x17f: {  	s23 =	sand.u32 $0x380, s23  }
0x180: {  	s23 =	sor.u32 s23, s24  }
0x181: {  	s22 =	sadd.s32 $0x380, s22;
	s23 =	sshrl.u32 s23, $0x3  }
0x182: {  	s22 =	sshrl.u32 s22, $0x3;
	s23 =	sadd.s32 s1, s23  }
0x183: {  	[spmem:s22@s13], [sflag:s12] =	dma.strided [hbm:s23@s13], $0x60, s11, $0x10   }
0x184: {  	(v2sf) =	vpush v61, $0x8;
	_ =	sdelay $0xe  }
0x185: {  	s22 =	spop (v2sf)  }
0x186: {  	s25 =	sadd.s32 $0x28, s19;
	s24 =	sshrl.u32 s22, $0x3  }
0x187: {  	s23 =	smul.u32 $0x1800, s24;
	s24 =	sshrl.u32 s25, $0x3  }
0x188: {  	s22 =	sshll.u32 s22, $0x7;
	s24 =	smul.u32 $0x6000, s24  }
0x189: {  	s22 =	sand.u32 $0x380, s22  }
0x18a: {  	s22 =	sor.u32 s22, s23;
	s26 =	sshrl.u32 s24, $0x2  }
0x18b: {  	s28 =	sshrl.u32 s22, $0x3;
	s22 =	sadd.s32 s26, s4  }
0x18c: {  	s29 =	sadd.s32 s1, s28;
	s30 =	sshrl.u32 s22, $0x3  }
0x18d: {  	[spmem:s30@s13], [sflag:s12] =	dma.strided [hbm:s29@s13], $0x60, s11, $0x10   }
0x18e: {  	(v2sf) =	vpush v61, $0x9;
	_ =	sdelay $0xe  }
0x18f: {  	s23 =	spop (v2sf)  }
0x190: {  	s31 =	sshrl.u32 s23, $0x3  }
0x191: {  	s23 =	sshll.u32 s23, $0x7;
	s24 =	smul.u32 $0x1800, s31  }
0x192: {  	s23 =	sand.u32 $0x380, s23  }
0x193: {  	s23 =	sor.u32 s23, s24  }
0x194: {  	s25 =	sadd.s32 $0x80, s22;
	s23 =	sshrl.u32 s23, $0x3  }
0x195: {  	s24 =	sshrl.u32 s25, $0x3;
	s23 =	sadd.s32 s1, s23  }
0x196: {  	[spmem:s24@s13], [sflag:s12] =	dma.strided [hbm:s23@s13], $0x60, s11, $0x10   }
0x197: {  	(v2sf) =	vpush v61, $0xA;
	_ =	sdelay $0xe  }
0x198: {  	s23 =	spop (v2sf)  }
0x199: {  	s26 =	sshrl.u32 s23, $0x3  }
0x19a: {  	s23 =	sshll.u32 s23, $0x7;
	s24 =	smul.u32 $0x1800, s26  }
0x19b: {  	s23 =	sand.u32 $0x380, s23  }
0x19c: {  	s23 =	sor.u32 s23, s24  }
0x19d: {  	s28 =	sadd.s32 $0x100, s22;
	s23 =	sshrl.u32 s23, $0x3  }
0x19e: {  	s24 =	sshrl.u32 s28, $0x3;
	s23 =	sadd.s32 s1, s23  }
0x19f: {  	[spmem:s24@s13], [sflag:s12] =	dma.strided [hbm:s23@s13], $0x60, s11, $0x10   }
0x1a0: {  	(v2sf) =	vpush v61, $0xB;
	_ =	sdelay $0xe  }
0x1a1: {  	s23 =	spop (v2sf)  }
0x1a2: {  	s29 =	sshrl.u32 s23, $0x3  }
0x1a3: {  	s23 =	sshll.u32 s23, $0x7;
	s24 =	smul.u32 $0x1800, s29  }
0x1a4: {  	s23 =	sand.u32 $0x380, s23  }
0x1a5: {  	s23 =	sor.u32 s23, s24  }
0x1a6: {  	s30 =	sadd.s32 $0x180, s22;
	s23 =	sshrl.u32 s23, $0x3  }
0x1a7: {  	s24 =	sshrl.u32 s30, $0x3;
	s23 =	sadd.s32 s1, s23  }
0x1a8: {  	[spmem:s24@s13], [sflag:s12] =	dma.strided [hbm:s23@s13], $0x60, s11, $0x10   }
0x1a9: {  	(v2sf) =	vpush v61, $0xC;
	_ =	sdelay $0xe  }
0x1aa: {  	s23 =	spop (v2sf)  }
0x1ab: {  	s31 =	sshrl.u32 s23, $0x3  }
0x1ac: {  	s23 =	sshll.u32 s23, $0x7;
	s24 =	smul.u32 $0x1800, s31  }
0x1ad: {  	s23 =	sand.u32 $0x380, s23  }
0x1ae: {  	s23 =	sor.u32 s23, s24  }
0x1af: {  	s25 =	sadd.s32 $0x200, s22;
	s23 =	sshrl.u32 s23, $0x3  }
0x1b0: {  	s24 =	sshrl.u32 s25, $0x3;
	s23 =	sadd.s32 s1, s23  }
0x1b1: {  	[spmem:s24@s13], [sflag:s12] =	dma.strided [hbm:s23@s13], $0x60, s11, $0x10   }
0x1b2: {  	(v2sf) =	vpush v61, $0xD;
	_ =	sdelay $0xe  }
0x1b3: {  	s23 =	spop (v2sf)  }
0x1b4: {  	s26 =	sshrl.u32 s23, $0x3  }
0x1b5: {  	s23 =	sshll.u32 s23, $0x7;
	s24 =	smul.u32 $0x1800, s26  }
0x1b6: {  	s23 =	sand.u32 $0x380, s23  }
0x1b7: {  	s23 =	sor.u32 s23, s24  }
0x1b8: {  	s28 =	sadd.s32 $0x280, s22;
	s23 =	sshrl.u32 s23, $0x3  }
0x1b9: {  	s24 =	sshrl.u32 s28, $0x3;
	s23 =	sadd.s32 s1, s23  }
0x1ba: {  	[spmem:s24@s13], [sflag:s12] =	dma.strided [hbm:s23@s13], $0x60, s11, $0x10   }
0x1bb: {  	(v2sf) =	vpush v61, $0xE;
	_ =	sdelay $0xe  }
0x1bc: {  	s23 =	spop (v2sf)  }
0x1bd: {  	s29 =	sshrl.u32 s23, $0x3  }
0x1be: {  	s23 =	sshll.u32 s23, $0x7;
	s24 =	smul.u32 $0x1800, s29  }
0x1bf: {  	s23 =	sand.u32 $0x380, s23  }
0x1c0: {  	s23 =	sor.u32 s23, s24  }
0x1c1: {  	s30 =	sadd.s32 $0x300, s22;
	s23 =	sshrl.u32 s23, $0x3  }
0x1c2: {  	s24 =	sshrl.u32 s30, $0x3;
	s23 =	sadd.s32 s1, s23  }
0x1c3: {  	[spmem:s24@s13], [sflag:s12] =	dma.strided [hbm:s23@s13], $0x60, s11, $0x10   }
0x1c4: {  	(v2sf) =	vpush v61, $0xF;
	_ =	sdelay $0xe  }
0x1c5: {  	s23 =	spop (v2sf)  }
0x1c6: {  	s31 =	sshrl.u32 s23, $0x3  }
0x1c7: {  	s23 =	sshll.u32 s23, $0x7;
	s24 =	smul.u32 $0x1800, s31  }
0x1c8: {  	s23 =	sand.u32 $0x380, s23  }
0x1c9: {  	s23 =	sor.u32 s23, s24  }
0x1ca: {  	s22 =	sadd.s32 $0x380, s22;
	s23 =	sshrl.u32 s23, $0x3  }
0x1cb: {  	s22 =	sshrl.u32 s22, $0x3;
	s23 =	sadd.s32 s1, s23  }
0x1cc: {  	[spmem:s22@s13], [sflag:s12] =	dma.strided [hbm:s23@s13], $0x60, s11, $0x10   }
0x1cd: {  	v62 =	vld [tilespmem:s20+$0x30];
	_ =	sdelay $0x4  }
0x1ce: {  	(v2sf) =	vpush v62, $0x0;
	_ =	sdelay $0xe  }
0x1cf: {  	s22 =	spop (v2sf)  }
0x1d0: {  	s24 =	sshrl.u32 s22, $0x3  }
0x1d1: {  	s22 =	sshll.u32 s22, $0x7;
	s23 =	smul.u32 $0x1800, s24  }
0x1d2: {  	s25 =	sadd.s32 $0x24000, s21;
	s22 =	sand.u32 $0x380, s22  }
0x1d3: {  	s26 =	sshrl.u32 s25, $0x2;
	s22 =	sor.u32 s22, s23  }
0x1d4: {  	s28 =	sshrl.u32 s22, $0x3;
	s22 =	sadd.s32 s26, s4  }
0x1d5: {  	s29 =	sadd.s32 s1, s28;
	s30 =	sshrl.u32 s22, $0x3  }
0x1d6: {  	[spmem:s30@s13], [sflag:s12] =	dma.strided [hbm:s29@s13], $0x60, s11, $0x10   }
0x1d7: {  	(v2sf) =	vpush v62, $0x1;
	_ =	sdelay $0xe  }
0x1d8: {  	s23 =	spop (v2sf)  }
0x1d9: {  	s31 =	sshrl.u32 s23, $0x3  }
0x1da: {  	s23 =	sshll.u32 s23, $0x7;
	s24 =	smul.u32 $0x1800, s31  }
0x1db: {  	s23 =	sand.u32 $0x380, s23  }
0x1dc: {  	s23 =	sor.u32 s23, s24  }
0x1dd: {  	s25 =	sadd.s32 $0x80, s22;
	s23 =	sshrl.u32 s23, $0x3  }
0x1de: {  	s24 =	sshrl.u32 s25, $0x3;
	s23 =	sadd.s32 s1, s23  }
0x1df: {  	[spmem:s24@s13], [sflag:s12] =	dma.strided [hbm:s23@s13], $0x60, s11, $0x10   }
0x1e0: {  	(v2sf) =	vpush v62, $0x2;
	_ =	sdelay $0xe  }
0x1e1: {  	s23 =	spop (v2sf)  }
0x1e2: {  	s26 =	sshrl.u32 s23, $0x3  }
0x1e3: {  	s23 =	sshll.u32 s23, $0x7;
	s24 =	smul.u32 $0x1800, s26  }
0x1e4: {  	s23 =	sand.u32 $0x380, s23  }
0x1e5: {  	s23 =	sor.u32 s23, s24  }
0x1e6: {  	s28 =	sadd.s32 $0x100, s22;
	s23 =	sshrl.u32 s23, $0x3  }
0x1e7: {  	s24 =	sshrl.u32 s28, $0x3;
	s23 =	sadd.s32 s1, s23  }
0x1e8: {  	[spmem:s24@s13], [sflag:s12] =	dma.strided [hbm:s23@s13], $0x60, s11, $0x10   }
0x1e9: {  	(v2sf) =	vpush v62, $0x3;
	_ =	sdelay $0xe  }
0x1ea: {  	s23 =	spop (v2sf)  }
0x1eb: {  	s29 =	sshrl.u32 s23, $0x3  }
0x1ec: {  	s23 =	sshll.u32 s23, $0x7;
	s24 =	smul.u32 $0x1800, s29  }
0x1ed: {  	s23 =	sand.u32 $0x380, s23  }
0x1ee: {  	s23 =	sor.u32 s23, s24  }
0x1ef: {  	s30 =	sadd.s32 $0x180, s22;
	s23 =	sshrl.u32 s23, $0x3  }
0x1f0: {  	s24 =	sshrl.u32 s30, $0x3;
	s23 =	sadd.s32 s1, s23  }
0x1f1: {  	[spmem:s24@s13], [sflag:s12] =	dma.strided [hbm:s23@s13], $0x60, s11, $0x10   }
0x1f2: {  	(v2sf) =	vpush v62, $0x4;
	_ =	sdelay $0xe  }
0x1f3: {  	s23 =	spop (v2sf)  }
0x1f4: {  	s31 =	sshrl.u32 s23, $0x3  }
0x1f5: {  	s23 =	sshll.u32 s23, $0x7;
	s24 =	smul.u32 $0x1800, s31  }
0x1f6: {  	s23 =	sand.u32 $0x380, s23  }
0x1f7: {  	s23 =	sor.u32 s23, s24  }
0x1f8: {  	s25 =	sadd.s32 $0x200, s22;
	s23 =	sshrl.u32 s23, $0x3  }
0x1f9: {  	s24 =	sshrl.u32 s25, $0x3;
	s23 =	sadd.s32 s1, s23  }
0x1fa: {  	[spmem:s24@s13], [sflag:s12] =	dma.strided [hbm:s23@s13], $0x60, s11, $0x10   }
0x1fb: {  	(v2sf) =	vpush v62, $0x5;
	_ =	sdelay $0xe  }
0x1fc: {  	s23 =	spop (v2sf)  }
0x1fd: {  	s26 =	sshrl.u32 s23, $0x3  }
0x1fe: {  	s23 =	sshll.u32 s23, $0x7;
	s24 =	smul.u32 $0x1800, s26  }
0x1ff: {  	s23 =	sand.u32 $0x380, s23  }
0x200: {  	s23 =	sor.u32 s23, s24  }
0x201: {  	s28 =	sadd.s32 $0x280, s22;
	s23 =	sshrl.u32 s23, $0x3  }
0x202: {  	s24 =	sshrl.u32 s28, $0x3;
	s23 =	sadd.s32 s1, s23  }
0x203: {  	[spmem:s24@s13], [sflag:s12] =	dma.strided [hbm:s23@s13], $0x60, s11, $0x10   }
0x204: {  	(v2sf) =	vpush v62, $0x6;
	_ =	sdelay $0xe  }
0x205: {  	s23 =	spop (v2sf)  }
0x206: {  	s29 =	sshrl.u32 s23, $0x3  }
0x207: {  	s23 =	sshll.u32 s23, $0x7;
	s24 =	smul.u32 $0x1800, s29  }
0x208: {  	s23 =	sand.u32 $0x380, s23  }
0x209: {  	s23 =	sor.u32 s23, s24  }
0x20a: {  	s30 =	sadd.s32 $0x300, s22;
	s23 =	sshrl.u32 s23, $0x3  }
0x20b: {  	s24 =	sshrl.u32 s30, $0x3;
	s23 =	sadd.s32 s1, s23  }
0x20c: {  	[spmem:s24@s13], [sflag:s12] =	dma.strided [hbm:s23@s13], $0x60, s11, $0x10   }
0x20d: {  	(v2sf) =	vpush v62, $0x7;
	_ =	sdelay $0xe  }
0x20e: {  	s23 =	spop (v2sf)  }
0x20f: {  	s31 =	sshrl.u32 s23, $0x3  }
0x210: {  	s23 =	sshll.u32 s23, $0x7;
	s24 =	smul.u32 $0x1800, s31  }
0x211: {  	s23 =	sand.u32 $0x380, s23  }
0x212: {  	s23 =	sor.u32 s23, s24  }
0x213: {  	s22 =	sadd.s32 $0x380, s22;
	s23 =	sshrl.u32 s23, $0x3  }
0x214: {  	s22 =	sshrl.u32 s22, $0x3;
	s23 =	sadd.s32 s1, s23  }
0x215: {  	[spmem:s22@s13], [sflag:s12] =	dma.strided [hbm:s23@s13], $0x60, s11, $0x10   }
0x216: {  	(v2sf) =	vpush v62, $0x8;
	_ =	sdelay $0xe  }
0x217: {  	s22 =	spop (v2sf)  }
0x218: {  	s25 =	sadd.s32 $0x38, s19;
	s24 =	sshrl.u32 s22, $0x3  }
0x219: {  	s23 =	smul.u32 $0x1800, s24;
	s24 =	sshrl.u32 s25, $0x3  }
0x21a: {  	s22 =	sshll.u32 s22, $0x7;
	s24 =	smul.u32 $0x6000, s24  }
0x21b: {  	s22 =	sand.u32 $0x380, s22  }
0x21c: {  	s22 =	sor.u32 s22, s23;
	s26 =	sshrl.u32 s24, $0x2  }
0x21d: {  	s28 =	sshrl.u32 s22, $0x3;
	s22 =	sadd.s32 s26, s4  }
0x21e: {  	s29 =	sadd.s32 s1, s28;
	s30 =	sshrl.u32 s22, $0x3  }
0x21f: {  	[spmem:s30@s13], [sflag:s12] =	dma.strided [hbm:s29@s13], $0x60, s11, $0x10   }
0x220: {  	(v2sf) =	vpush v62, $0x9;
	_ =	sdelay $0xe  }
0x221: {  	s23 =	spop (v2sf)  }
0x222: {  	s31 =	sshrl.u32 s23, $0x3  }
0x223: {  	s23 =	sshll.u32 s23, $0x7;
	s24 =	smul.u32 $0x1800, s31  }
0x224: {  	s23 =	sand.u32 $0x380, s23  }
0x225: {  	s23 =	sor.u32 s23, s24  }
0x226: {  	s25 =	sadd.s32 $0x80, s22;
	s23 =	sshrl.u32 s23, $0x3  }
0x227: {  	s24 =	sshrl.u32 s25, $0x3;
	s23 =	sadd.s32 s1, s23  }
0x228: {  	[spmem:s24@s13], [sflag:s12] =	dma.strided [hbm:s23@s13], $0x60, s11, $0x10   }
0x229: {  	(v2sf) =	vpush v62, $0xA;
	_ =	sdelay $0xe  }
0x22a: {  	s23 =	spop (v2sf)  }
0x22b: {  	s26 =	sshrl.u32 s23, $0x3  }
0x22c: {  	s23 =	sshll.u32 s23, $0x7;
	s24 =	smul.u32 $0x1800, s26  }
0x22d: {  	s23 =	sand.u32 $0x380, s23  }
0x22e: {  	s23 =	sor.u32 s23, s24  }
0x22f: {  	s28 =	sadd.s32 $0x100, s22;
	s23 =	sshrl.u32 s23, $0x3  }
0x230: {  	s24 =	sshrl.u32 s28, $0x3;
	s23 =	sadd.s32 s1, s23  }
0x231: {  	[spmem:s24@s13], [sflag:s12] =	dma.strided [hbm:s23@s13], $0x60, s11, $0x10   }
0x232: {  	(v2sf) =	vpush v62, $0xB;
	_ =	sdelay $0xe  }
0x233: {  	s23 =	spop (v2sf)  }
0x234: {  	s29 =	sshrl.u32 s23, $0x3  }
0x235: {  	s23 =	sshll.u32 s23, $0x7;
	s24 =	smul.u32 $0x1800, s29  }
0x236: {  	s23 =	sand.u32 $0x380, s23  }
0x237: {  	s23 =	sor.u32 s23, s24  }
0x238: {  	s30 =	sadd.s32 $0x180, s22;
	s23 =	sshrl.u32 s23, $0x3  }
0x239: {  	s24 =	sshrl.u32 s30, $0x3;
	s23 =	sadd.s32 s1, s23  }
0x23a: {  	[spmem:s24@s13], [sflag:s12] =	dma.strided [hbm:s23@s13], $0x60, s11, $0x10   }
0x23b: {  	(v2sf) =	vpush v62, $0xC;
	_ =	sdelay $0xe  }
0x23c: {  	s23 =	spop (v2sf)  }
0x23d: {  	s31 =	sshrl.u32 s23, $0x3  }
0x23e: {  	s23 =	sshll.u32 s23, $0x7;
	s24 =	smul.u32 $0x1800, s31  }
0x23f: {  	s23 =	sand.u32 $0x380, s23  }
0x240: {  	s23 =	sor.u32 s23, s24  }
0x241: {  	s25 =	sadd.s32 $0x200, s22;
	s23 =	sshrl.u32 s23, $0x3  }
0x242: {  	s24 =	sshrl.u32 s25, $0x3;
	s23 =	sadd.s32 s1, s23  }
0x243: {  	[spmem:s24@s13], [sflag:s12] =	dma.strided [hbm:s23@s13], $0x60, s11, $0x10   }
0x244: {  	(v2sf) =	vpush v62, $0xD;
	_ =	sdelay $0xe  }
0x245: {  	s23 =	spop (v2sf)  }
0x246: {  	s26 =	sshrl.u32 s23, $0x3  }
0x247: {  	s23 =	sshll.u32 s23, $0x7;
	s24 =	smul.u32 $0x1800, s26  }
0x248: {  	s23 =	sand.u32 $0x380, s23  }
0x249: {  	s23 =	sor.u32 s23, s24  }
0x24a: {  	s28 =	sadd.s32 $0x280, s22;
	s23 =	sshrl.u32 s23, $0x3  }
0x24b: {  	s24 =	sshrl.u32 s28, $0x3;
	s23 =	sadd.s32 s1, s23  }
0x24c: {  	[spmem:s24@s13], [sflag:s12] =	dma.strided [hbm:s23@s13], $0x60, s11, $0x10   }
0x24d: {  	(v2sf) =	vpush v62, $0xE;
	_ =	sdelay $0xe  }
0x24e: {  	s23 =	spop (v2sf)  }
0x24f: {  	s29 =	sshrl.u32 s23, $0x3  }
0x250: {  	s23 =	sshll.u32 s23, $0x7;
	s24 =	smul.u32 $0x1800, s29  }
0x251: {  	s23 =	sand.u32 $0x380, s23  }
0x252: {  	s23 =	sor.u32 s23, s24  }
0x253: {  	s30 =	sadd.s32 $0x300, s22;
	s23 =	sshrl.u32 s23, $0x3  }
0x254: {  	s24 =	sshrl.u32 s30, $0x3;
	s23 =	sadd.s32 s1, s23  }
0x255: {  	[spmem:s24@s13], [sflag:s12] =	dma.strided [hbm:s23@s13], $0x60, s11, $0x10   }
0x256: {  	(v2sf) =	vpush v62, $0xF;
	_ =	sdelay $0xe  }
0x257: {  	s23 =	spop (v2sf)  }
0x258: {  	s31 =	sshrl.u32 s23, $0x3  }
0x259: {  	s23 =	sshll.u32 s23, $0x7;
	s24 =	smul.u32 $0x1800, s31  }
0x25a: {  	s23 =	sand.u32 $0x380, s23  }
0x25b: {  	s23 =	sor.u32 s23, s24  }
0x25c: {  	s22 =	sadd.s32 $0x380, s22;
	s23 =	sshrl.u32 s23, $0x3  }
0x25d: {  	s22 =	sshrl.u32 s22, $0x3;
	s23 =	sadd.s32 s1, s23  }
0x25e: {  	[spmem:s22@s13], [sflag:s12] =	dma.strided [hbm:s23@s13], $0x60, s11, $0x10   }
0x25f: {  	v63 =	vld [tilespmem:s20+$0x40];
	_ =	sdelay $0x4  }
0x260: {  	(v2sf) =	vpush v63, $0x0;
	_ =	sdelay $0xe  }
0x261: {  	s24 =	spop (v2sf)  }
0x262: {  	s25 =	sshrl.u32 s24, $0x3  }
0x263: {  	s20 =	sshll.u32 s24, $0x7;
	s22 =	smul.u32 $0x1800, s25  }
0x264: {  	s21 =	sadd.s32 $0x30000, s21;
	s20 =	sand.u32 $0x380, s20  }
0x265: {  	s21 =	sshrl.u32 s21, $0x2;
	s20 =	sor.u32 s20, s22  }
0x266: {  	s22 =	sshrl.u32 s20, $0x3;
	s20 =	sadd.s32 s21, s4  }
0x267: {  	s26 =	sadd.s32 s1, s22;
	s28 =	sshrl.u32 s20, $0x3  }
0x268: {  	[spmem:s28@s13], [sflag:s12] =	dma.strided [hbm:s26@s13], $0x60, s11, $0x10   }
0x269: {  	(v2sf) =	vpush v63, $0x1;
	_ =	sdelay $0xe  }
0x26a: {  	s21 =	spop (v2sf)  }
0x26b: {  	s29 =	sshrl.u32 s21, $0x3  }
0x26c: {  	s21 =	sshll.u32 s21, $0x7;
	s22 =	smul.u32 $0x1800, s29  }
0x26d: {  	s21 =	sand.u32 $0x380, s21  }
0x26e: {  	s21 =	sor.u32 s21, s22  }
0x26f: {  	s30 =	sadd.s32 $0x80, s20;
	s21 =	sshrl.u32 s21, $0x3  }
0x270: {  	s22 =	sshrl.u32 s30, $0x3;
	s21 =	sadd.s32 s1, s21  }
0x271: {  	[spmem:s22@s13], [sflag:s12] =	dma.strided [hbm:s21@s13], $0x60, s11, $0x10   }
0x272: {  	(v2sf) =	vpush v63, $0x2;
	_ =	sdelay $0xe  }
0x273: {  	s21 =	spop (v2sf)  }
0x274: {  	s31 =	sshrl.u32 s21, $0x3  }
0x275: {  	s21 =	sshll.u32 s21, $0x7;
	s22 =	smul.u32 $0x1800, s31  }
0x276: {  	s21 =	sand.u32 $0x380, s21  }
0x277: {  	s21 =	sor.u32 s21, s22  }
0x278: {  	s23 =	sadd.s32 $0x100, s20;
	s21 =	sshrl.u32 s21, $0x3  }
0x279: {  	s22 =	sshrl.u32 s23, $0x3;
	s21 =	sadd.s32 s1, s21  }
0x27a: {  	[spmem:s22@s13], [sflag:s12] =	dma.strided [hbm:s21@s13], $0x60, s11, $0x10   }
0x27b: {  	(v2sf) =	vpush v63, $0x3;
	_ =	sdelay $0xe  }
0x27c: {  	s21 =	spop (v2sf)  }
0x27d: {  	s24 =	sshrl.u32 s21, $0x3  }
0x27e: {  	s21 =	sshll.u32 s21, $0x7;
	s22 =	smul.u32 $0x1800, s24  }
0x27f: {  	s21 =	sand.u32 $0x380, s21  }
0x280: {  	s21 =	sor.u32 s21, s22  }
0x281: {  	s25 =	sadd.s32 $0x180, s20;
	s21 =	sshrl.u32 s21, $0x3  }
0x282: {  	s22 =	sshrl.u32 s25, $0x3;
	s21 =	sadd.s32 s1, s21  }
0x283: {  	[spmem:s22@s13], [sflag:s12] =	dma.strided [hbm:s21@s13], $0x60, s11, $0x10   }
0x284: {  	(v2sf) =	vpush v63, $0x4;
	_ =	sdelay $0xe  }
0x285: {  	s21 =	spop (v2sf)  }
0x286: {  	s26 =	sshrl.u32 s21, $0x3  }
0x287: {  	s21 =	sshll.u32 s21, $0x7;
	s22 =	smul.u32 $0x1800, s26  }
0x288: {  	s21 =	sand.u32 $0x380, s21  }
0x289: {  	s21 =	sor.u32 s21, s22  }
0x28a: {  	s28 =	sadd.s32 $0x200, s20;
	s21 =	sshrl.u32 s21, $0x3  }
0x28b: {  	s22 =	sshrl.u32 s28, $0x3;
	s21 =	sadd.s32 s1, s21  }
0x28c: {  	[spmem:s22@s13], [sflag:s12] =	dma.strided [hbm:s21@s13], $0x60, s11, $0x10   }
0x28d: {  	(v2sf) =	vpush v63, $0x5;
	_ =	sdelay $0xe  }
0x28e: {  	s21 =	spop (v2sf)  }
0x28f: {  	s29 =	sshrl.u32 s21, $0x3  }
0x290: {  	s21 =	sshll.u32 s21, $0x7;
	s22 =	smul.u32 $0x1800, s29  }
0x291: {  	s21 =	sand.u32 $0x380, s21  }
0x292: {  	s21 =	sor.u32 s21, s22  }
0x293: {  	s30 =	sadd.s32 $0x280, s20;
	s21 =	sshrl.u32 s21, $0x3  }
0x294: {  	s22 =	sshrl.u32 s30, $0x3;
	s21 =	sadd.s32 s1, s21  }
0x295: {  	[spmem:s22@s13], [sflag:s12] =	dma.strided [hbm:s21@s13], $0x60, s11, $0x10   }
0x296: {  	(v2sf) =	vpush v63, $0x6;
	_ =	sdelay $0xe  }
0x297: {  	s21 =	spop (v2sf)  }
0x298: {  	s31 =	sshrl.u32 s21, $0x3  }
0x299: {  	s21 =	sshll.u32 s21, $0x7;
	s22 =	smul.u32 $0x1800, s31  }
0x29a: {  	s21 =	sand.u32 $0x380, s21  }
0x29b: {  	s21 =	sor.u32 s21, s22  }
0x29c: {  	s23 =	sadd.s32 $0x300, s20;
	s21 =	sshrl.u32 s21, $0x3  }
0x29d: {  	s22 =	sshrl.u32 s23, $0x3;
	s21 =	sadd.s32 s1, s21  }
0x29e: {  	[spmem:s22@s13], [sflag:s12] =	dma.strided [hbm:s21@s13], $0x60, s11, $0x10   }
0x29f: {  	(v2sf) =	vpush v63, $0x7;
	_ =	sdelay $0xe  }
0x2a0: {  	s21 =	spop (v2sf)  }
0x2a1: {  	s24 =	sshrl.u32 s21, $0x3  }
0x2a2: {  	s21 =	sshll.u32 s21, $0x7;
	s22 =	smul.u32 $0x1800, s24  }
0x2a3: {  	s21 =	sand.u32 $0x380, s21  }
0x2a4: {  	s21 =	sor.u32 s21, s22  }
0x2a5: {  	s20 =	sadd.s32 $0x380, s20;
	s21 =	sshrl.u32 s21, $0x3  }
0x2a6: {  	s20 =	sshrl.u32 s20, $0x3;
	s21 =	sadd.s32 s1, s21  }
0x2a7: {  	[spmem:s20@s13], [sflag:s12] =	dma.strided [hbm:s21@s13], $0x60, s11, $0x10   }
0x2a8: {  	(v2sf) =	vpush v63, $0x8;
	_ =	sdelay $0xd  }
0x2a9: {  	s19 =	sadd.s32 $0x48, s19  }
0x2aa: {  	s19 =	sshrl.u32 s19, $0x3;
	s20 =	spop (v2sf)  }
0x2ab: {  	s19 =	smul.u32 $0x6000, s19;
	s25 =	sshrl.u32 s20, $0x3  }
0x2ac: {  	s20 =	sshll.u32 s20, $0x7;
	s21 =	smul.u32 $0x1800, s25  }
0x2ad: {  	s20 =	sand.u32 $0x380, s20  }
0x2ae: {  	s19 =	sshrl.u32 s19, $0x2;
	s20 =	sor.u32 s20, s21  }
0x2af: {  	s19 =	sadd.s32 s19, s4;
	s20 =	sshrl.u32 s20, $0x3  }
0x2b0: {  	s26 =	sshrl.u32 s19, $0x3;
	s20 =	sadd.s32 s1, s20  }
0x2b1: {  	[spmem:s26@s13], [sflag:s12] =	dma.strided [hbm:s20@s13], $0x60, s11, $0x10   }
0x2b2: {  	(v2sf) =	vpush v63, $0x9;
	_ =	sdelay $0xe  }
0x2b3: {  	s20 =	spop (v2sf)  }
0x2b4: {  	s28 =	sshrl.u32 s20, $0x3  }
0x2b5: {  	s20 =	sshll.u32 s20, $0x7;
	s21 =	smul.u32 $0x1800, s28  }
0x2b6: {  	s20 =	sand.u32 $0x380, s20  }
0x2b7: {  	s20 =	sor.u32 s20, s21  }
0x2b8: {  	s29 =	sadd.s32 $0x80, s19;
	s20 =	sshrl.u32 s20, $0x3  }
0x2b9: {  	s21 =	sshrl.u32 s29, $0x3;
	s20 =	sadd.s32 s1, s20  }
0x2ba: {  	[spmem:s21@s13], [sflag:s12] =	dma.strided [hbm:s20@s13], $0x60, s11, $0x10   }
0x2bb: {  	(v2sf) =	vpush v63, $0xA;
	_ =	sdelay $0xe  }
0x2bc: {  	s20 =	spop (v2sf)  }
0x2bd: {  	s30 =	sshrl.u32 s20, $0x3  }
0x2be: {  	s20 =	sshll.u32 s20, $0x7;
	s21 =	smul.u32 $0x1800, s30  }
0x2bf: {  	s20 =	sand.u32 $0x380, s20  }
0x2c0: {  	s20 =	sor.u32 s20, s21  }
0x2c1: {  	s31 =	sadd.s32 $0x100, s19;
	s20 =	sshrl.u32 s20, $0x3  }
0x2c2: {  	s21 =	sshrl.u32 s31, $0x3;
	s20 =	sadd.s32 s1, s20  }
0x2c3: {  	[spmem:s21@s13], [sflag:s12] =	dma.strided [hbm:s20@s13], $0x60, s11, $0x10   }
0x2c4: {  	(v2sf) =	vpush v63, $0xB;
	_ =	sdelay $0xe  }
0x2c5: {  	s20 =	spop (v2sf)  }
0x2c6: {  	s22 =	sshrl.u32 s20, $0x3  }
0x2c7: {  	s20 =	sshll.u32 s20, $0x7;
	s21 =	smul.u32 $0x1800, s22  }
0x2c8: {  	s20 =	sand.u32 $0x380, s20  }
0x2c9: {  	s20 =	sor.u32 s20, s21  }
0x2ca: {  	s23 =	sadd.s32 $0x180, s19;
	s20 =	sshrl.u32 s20, $0x3  }
0x2cb: {  	s21 =	sshrl.u32 s23, $0x3;
	s20 =	sadd.s32 s1, s20  }
0x2cc: {  	[spmem:s21@s13], [sflag:s12] =	dma.strided [hbm:s20@s13], $0x60, s11, $0x10   }
0x2cd: {  	(v2sf) =	vpush v63, $0xC;
	_ =	sdelay $0xe  }
0x2ce: {  	s20 =	spop (v2sf)  }
0x2cf: {  	s24 =	sshrl.u32 s20, $0x3  }
0x2d0: {  	s20 =	sshll.u32 s20, $0x7;
	s21 =	smul.u32 $0x1800, s24  }
0x2d1: {  	s20 =	sand.u32 $0x380, s20  }
0x2d2: {  	s20 =	sor.u32 s20, s21  }
0x2d3: {  	s25 =	sadd.s32 $0x200, s19;
	s20 =	sshrl.u32 s20, $0x3  }
0x2d4: {  	s21 =	sshrl.u32 s25, $0x3;
	s20 =	sadd.s32 s1, s20  }
0x2d5: {  	[spmem:s21@s13], [sflag:s12] =	dma.strided [hbm:s20@s13], $0x60, s11, $0x10   }
0x2d6: {  	(v2sf) =	vpush v63, $0xD;
	_ =	sdelay $0xe  }
0x2d7: {  	s20 =	spop (v2sf)  }
0x2d8: {  	s26 =	sshrl.u32 s20, $0x3  }
0x2d9: {  	s20 =	sshll.u32 s20, $0x7;
	s21 =	smul.u32 $0x1800, s26  }
0x2da: {  	s20 =	sand.u32 $0x380, s20  }
0x2db: {  	s20 =	sor.u32 s20, s21  }
0x2dc: {  	s28 =	sadd.s32 $0x280, s19;
	s20 =	sshrl.u32 s20, $0x3  }
0x2dd: {  	s21 =	sshrl.u32 s28, $0x3;
	s20 =	sadd.s32 s1, s20  }
0x2de: {  	[spmem:s21@s13], [sflag:s12] =	dma.strided [hbm:s20@s13], $0x60, s11, $0x10   }
0x2df: {  	(v2sf) =	vpush v63, $0xE;
	_ =	sdelay $0xe  }
0x2e0: {  	s20 =	spop (v2sf)  }
0x2e1: {  	s29 =	sshrl.u32 s20, $0x3  }
0x2e2: {  	s20 =	sshll.u32 s20, $0x7;
	s21 =	smul.u32 $0x1800, s29  }
0x2e3: {  	s20 =	sand.u32 $0x380, s20  }
0x2e4: {  	s20 =	sor.u32 s20, s21  }
0x2e5: {  	s30 =	sadd.s32 $0x300, s19;
	s20 =	sshrl.u32 s20, $0x3  }
0x2e6: {  	s21 =	sshrl.u32 s30, $0x3;
	s20 =	sadd.s32 s1, s20  }
0x2e7: {  	[spmem:s21@s13], [sflag:s12] =	dma.strided [hbm:s20@s13], $0x60, s11, $0x10   }
0x2e8: {  	(v2sf) =	vpush v63, $0xF;
	_ =	sdelay $0xe  }
0x2e9: {  	s20 =	spop (v2sf)  }
0x2ea: {  	s31 =	sshrl.u32 s20, $0x3  }
0x2eb: {  	s20 =	sshll.u32 s20, $0x7;
	s21 =	smul.u32 $0x1800, s31  }
0x2ec: {  	s20 =	sand.u32 $0x380, s20  }
0x2ed: {  	s20 =	sor.u32 s20, s21  }
0x2ee: {  	s19 =	sadd.s32 $0x380, s19;
	s20 =	sshrl.u32 s20, $0x3  }
0x2ef: {  	s19 =	sshrl.u32 s19, $0x3;
	s20 =	sadd.s32 s1, s20  }
0x2f0: {  	[spmem:s19@s13], [sflag:s12] =	dma.strided [hbm:s20@s13], $0x60, s11, $0x10   }
0x2f1: {  	_ =	swait.ge [sflag:s14], $0x60  }
0x2f2: {  	s19 =	simm.s32 $0x4F;
	[sflag:s14] =	ssyncset.done $0x0  }
.LBB2_3:
0x2f3: {  	p0 =	sne.s32 s19, $0x1;
	s19 =	sadd.s32 $0xFFFFFFFF, s19;
	[sflag:s14] =	ssyncadd.s32 $0xFFFFFFA0  }
.Ltmp0:
0x2f4: {  	(pc) =	sbr.rel @p0 .LBB2_3-.Ltmp0, $3  }
0x2f5: {  	_ =	sdelay $0x1  }
0x2f6: {  	_ =	swait.ge [sflag:s14], $0x60  }
0x2f7: {  	[sflag:s14] =	ssyncset.done $0x0  }
0x2f8: {  	s19 =	sadd.s32 s6, s17;
	s17 =	sadd.s32 $0x1, s17  }
0x2f9: {  	p0 =	sne.s32 s17, $0x10  }
.Ltmp1:
0x2fa: {  	_ = 	snop;
	(pc) =	sbr.rel @p0 .LBB2_2-.Ltmp1, $3  }
0x2fb: {  	s19 =	smul.u32 $0x1E00, s19;
	_ =	sdelay $0x1  }
0x2fc: {  	[sflag:s14] =	ssyncadd.s32 $0xFFFFFFA0;
	s20 =	sor.u32 $0x1C02, s10;
	s19 =	sadd.s32 s3, s19  }
0x2fd: {  	[hbm:s19], [sflag:s20] =	dma.local [spmem:s18], $0x1E00  }
0x2fe: {  	s16 =	sadd.s32 $0x1, s16  }
0x2ff: {  	_ =	swait.ge [sflag:s15], $0x1E00;
	p0 =	sne.s32 s16, s9  }
.Ltmp2:
0x300: {  	[sflag:s15] =	ssyncset.done $0x0;
	(pc) =	sbr.rel @p0 .LBB2_1-.Ltmp2, $4  }
0x301: {  	[sflag:s15] =	ssyncadd.s32 $0xFFFFE200  }
0x302: {  	_ =	swait.ge [sflag:s15], $0x1E00  }
0x303: {  	[sflag:s15] =	ssyncset.done $0x0  }
0x304: {  	[sflag:s15] =	ssyncadd.s32 $0xFFFFE200  }
0x305: {  	_ =	sfence.sel $0x180000  }
0x306: {  	[bflag:$0x0] =	sbarrier.arrive $0xFFFF  }
0x307: {  	p0 =	sne.s32 s0, $0x0;
	_ =	strace $0x9000004A  }
0x308: {  	s0 =	sadd.s32 @!p0 $0x100000, s2;
	[bflag:$0x2] =	sbarrier.arrive $0xFFFF  }
0x309: {  	[sflag:s0] =	ssyncadd.tile.s32 @!p0 $0x1;
	_ =	shalt  }
.Lfunc_end2:
_tile_overlayer_lowered:
.L_overlay_start_2:
0x30a: {  	(tag) =	ssettag $0x2  }
0x30b: {  	s0 =	rddreg [dreg:$0x0];
	s2 =	stileid.u32  }
0x30c: {  	s1 =	rddreg [dreg:$0x1];
	p0 =	sne.s32 s2, $0x0  }
0x30d: {  	s3 =	rddreg [dreg:$0x2];
	[bflag:$0x3] =	sbarrier.arrive $0xFFFF;
	s2 =	simm.s32 @!p0 $0x1C04  }
0x30e: {  	[timem:s3], [sflag:s2] =	dma.local @!p0 [hbm:s0], s1  }
0x30f: {  	s0 =	simm.s32 @!p0 $0x4  }
0x310: {  	_ =	swait.ge @!p0 [sflag:s0], s1  }
0x311: {  	s1 =	ssub.s32 @!p0 $0x0, s1;
	[sflag:s0] =	ssyncset.done @!p0 $0x0  }
0x312: {  	[sflag:s0] =	ssyncadd.s32 @!p0 s1  }
0x313: {  	[bflag:$0x3] =	sbarrier.arrive $0xFFFF  }
0x314: {  	_ =	shalt  }

</sc_bundles>
